<compile_context>
chip_gen: v7x
topology: tpu7x:2x2x1
jax: 0.10.2.dev20260603
libtpu: 0.0.44.dev20260713+nightly
codegen_flags: <defaults>
</compile_context>

<pallas_src>
import jax
import jax.numpy as jnp
from jax import lax
from jax.experimental import pallas as pl
from jax.experimental.pallas import tpu as pltpu
from jax.experimental.pallas import tpu_sc as plsc

N = 10000
E = 160000
F = 128
R = 8
B = 4

NC = 2
NS = 16
L = 16
F2 = F // NC

C = 128
CPS = 80
E_PAD = NS * CPS * C
NCHUNK = E_PAD // C
N_PAD = 10240
ROWS_PER_SUB = N_PAD // NS

BN = 1000


def _xw_body(x_ref, w_ref, a_ref, out_ref):
    xb = x_ref[...]
    xv = [jnp.dot(xb, w_ref[b], preferred_element_type=jnp.float32)
          for b in range(B)]
    for r in range(R):
        acc = xv[0] * a_ref[r, 0]
        for b in range(1, B):
            acc = acc + xv[b] * a_ref[r, b]
        out_ref[:, r, :] = acc


def _xw_table(x, weight, w_comp):
    return pl.pallas_call(
        _xw_body,
        grid=(N // BN,),
        in_specs=[
            pl.BlockSpec((BN, F), lambda i: (i, 0)),
            pl.BlockSpec((B, F, F), lambda i: (0, 0, 0)),
            pl.BlockSpec(memory_space=pltpu.SMEM),
        ],
        out_specs=pl.BlockSpec((BN, R, F), lambda i: (i, 0, 0)),
        out_shape=jax.ShapeDtypeStruct((N, R, F), jnp.float32),
    )(x, weight, w_comp)


def _sc_edge_body(xw_hbm, src_hbm, et_hbm, dst_hbm, norm_hbm, out_hbm,
                  srcb, etb, dstb, normb, gidxb, rows0, rows1, rows2, rows3,
                  acc, sem0, sem1, sem2, sem3):
    cid = lax.axis_index("c")
    sid = lax.axis_index("s")

    def _zrow(i, carry):
        for j in range(F2 // L):
            rows0[i, pl.ds(j * L, L)] = jnp.zeros((L,), jnp.float32)
        return carry
    lax.fori_loop(0, C, _zrow, 0)
    for t in range(ROWS_PER_SUB // C):
        pltpu.sync_copy(rows0, acc.at[pl.ds(sid * ROWS_PER_SUB + t * C, C)])

    mbase = sid * CPS
    pltpu.sync_copy(src_hbm.at[pl.ds(mbase, CPS)], srcb)
    pltpu.sync_copy(et_hbm.at[pl.ds(mbase, CPS)], etb)
    pltpu.sync_copy(dst_hbm.at[pl.ds(mbase, CPS)], dstb)
    pltpu.sync_copy(norm_hbm.at[pl.ds(mbase, CPS)], normb)
    def _gidx(q, carry):
        for g in range(C // L):
            sl = pl.ds(g * L, L)
            gidxb[q, sl] = (srcb[q, sl] * R + etb[q, sl]) * 2 + cid
        return carry
    lax.fori_loop(0, CPS, _gidx, 0)
    plsc.subcore_barrier()

    bufs = (rows0, rows1, rows2, rows3)
    sems = (sem0, sem1, sem2, sem3)

    def _issue(q, k):
        pltpu.async_copy(xw_hbm.at[gidxb.at[q]], bufs[k], sems[k])

    def _drain(q, k):
        pltpu.make_async_copy(xw_hbm.at[gidxb.at[q]], bufs[k], sems[k]).wait()

    def _process(q, k):
        rows = bufs[k]

        def _scale(g, c2):
            nv16 = normb[q, pl.ds(g * L, L)]
            for kk in range(L):
                nv = nv16[kk]
                r = g * L + kk
                for j in range(F2 // L):
                    sl = pl.ds(j * L, L)
                    rows[r, sl] = rows[r, sl] * nv
            return c2
        lax.fori_loop(0, C // L, _scale, 0)
        pltpu.sync_copy(rows, acc.at[dstb.at[q]], add=True)

    NBUF = 4
    for b in range(NBUF - 1):
        _issue(b, b)

    def _quad(g, carry):
        for b in range(NBUF):
            q = g * NBUF + b

            @pl.when(q + NBUF - 1 < CPS)
            def _():
                _issue(q + NBUF - 1, (b + NBUF - 1) % NBUF)
            _drain(q, b)
            _process(q, b)
        return carry

    lax.fori_loop(0, CPS // NBUF, _quad, 0)
    plsc.subcore_barrier()

    for t in range(ROWS_PER_SUB // C):
        sl = pl.ds(sid * ROWS_PER_SUB + t * C, C)
        pltpu.sync_copy(acc.at[sl], rows0)
        pltpu.sync_copy(rows0, out_hbm.at[sl, pl.ds(cid * F2, F2)])


def _sc_edge(xw_flat, src2, et2, dst2, norm2):
    mesh = plsc.VectorSubcoreMesh(core_axis_name="c", subcore_axis_name="s",
                                  num_cores=NC, num_subcores=NS)
    fn = pl.kernel(
        _sc_edge_body,
        out_type=jax.ShapeDtypeStruct((N_PAD, F), jnp.float32),
        mesh=mesh,
        compiler_params=pltpu.CompilerParams(use_tc_tiling_on_sc=False),
        scratch_types=[
            pltpu.VMEM((CPS, C), jnp.int32),
            pltpu.VMEM((CPS, C), jnp.int32),
            pltpu.VMEM((CPS, C), jnp.int32),
            pltpu.VMEM((CPS, C), jnp.float32),
            pltpu.VMEM((CPS, C), jnp.int32),
            pltpu.VMEM((C, F2), jnp.float32),
            pltpu.VMEM((C, F2), jnp.float32),
            pltpu.VMEM((C, F2), jnp.float32),
            pltpu.VMEM((C, F2), jnp.float32),
            pltpu.VMEM_SHARED((N_PAD, F2), jnp.float32),
            pltpu.SemaphoreType.DMA,
            pltpu.SemaphoreType.DMA,
            pltpu.SemaphoreType.DMA,
            pltpu.SemaphoreType.DMA,
        ],
    )
    return fn(xw_flat, src2, et2, dst2, norm2)


def _self_body(x_ref, lw_ref, b_ref, out_ref):
    d = jnp.dot(x_ref[...], lw_ref[...], preferred_element_type=jnp.float32)
    out_ref[...] = d + b_ref[...]


def _selfloop(x, loop_weight, h_bias):
    return pl.pallas_call(
        _self_body,
        grid=(N // BN,),
        in_specs=[
            pl.BlockSpec((BN, F), lambda i: (i, 0)),
            pl.BlockSpec((F, F), lambda i: (0, 0)),
            pl.BlockSpec((1, F), lambda i: (0, 0)),
        ],
        out_specs=pl.BlockSpec((BN, F), lambda i: (i, 0)),
        out_shape=jax.ShapeDtypeStruct((N, F), jnp.float32),
    )(x, loop_weight, h_bias.reshape(1, F))


def _add_body(s_ref, p_ref, out_ref):
    out_ref[...] = s_ref[...] + p_ref[...]


def _combine(selfloop, partials):
    return pl.pallas_call(
        _add_body,
        grid=(N // BN,),
        in_specs=[
            pl.BlockSpec((BN, F), lambda i: (i, 0)),
            pl.BlockSpec((BN, F), lambda i: (i, 0)),
        ],
        out_specs=pl.BlockSpec((BN, F), lambda i: (i, 0)),
        out_shape=jax.ShapeDtypeStruct((N, F), jnp.float32),
    )(selfloop, partials)


def kernel(x, edge_index, etype, norm, weight, w_comp, loop_weight, h_bias):
    src = edge_index[0].astype(jnp.int32)
    dst = edge_index[1].astype(jnp.int32)
    et = etype.astype(jnp.int32)
    normf = norm.reshape(E)
    pad = E_PAD - E
    src2 = jnp.pad(src, (0, pad)).reshape(NCHUNK, C)
    dst2 = jnp.pad(dst, (0, pad)).reshape(NCHUNK, C)
    et2 = jnp.pad(et, (0, pad)).reshape(NCHUNK, C)
    norm2 = jnp.pad(normf, (0, pad)).reshape(NCHUNK, C)
    xw = _xw_table(x, weight, w_comp)
    xw_flat = xw.reshape(NC * N * R, F2)
    partials = _sc_edge(xw_flat, src2, et2, dst2, norm2)
    sl = _selfloop(x, loop_weight, h_bias)
    return _combine(sl, partials)

# --- scband reference (transcript-rebuilt; emitter-appended) ---
"""Pipeline reference for scband-rel-graph-conv-82291573391467 (READ-ONLY COPY).

The authoritative reference and input builder live on the scoring server;
editing this copy changes nothing except your own understanding.
"""

import jax, jax.numpy as jnp
import numpy as np

N = 10000
E = 160000
IN_FEAT = 128
OUT_FEAT = 128
NUM_RELS = 8
NUM_BASES = 4


def _xavier(key, shape):
    fan_in, fan_out = shape[-2], shape[-1]
    limit = np.sqrt(6.0 / (fan_in + fan_out))
    return jax.random.uniform(key, shape, jnp.float32, -limit, limit)


def setup_inputs(seed: int = 0) -> dict:
    key = jax.random.key(seed)
    ks = jax.random.split(key, 8)
    x = jax.random.normal(ks[0], (N, IN_FEAT), dtype=jnp.float32)
    edge_index = jax.random.randint(ks[1], (2, E), 0, N, dtype=jnp.int32).astype(jnp.int64)
    etype = jax.random.randint(ks[2], (E,), 0, NUM_RELS, dtype=jnp.int32).astype(jnp.int64)
    norm = jax.random.uniform(ks[3], (E, 1), dtype=jnp.float32)
    weight = _xavier(ks[4], (NUM_BASES, IN_FEAT, OUT_FEAT))
    w_comp = _xavier(ks[5], (NUM_RELS, NUM_BASES))
    loop_weight = _xavier(ks[6], (IN_FEAT, OUT_FEAT))
    h_bias = jnp.zeros((OUT_FEAT,), dtype=jnp.float32)
    return {
        "x": x,
        "edge_index": edge_index,
        "etype": etype,
        "norm": norm,
        "weight": weight,
        "w_comp": w_comp,
        "loop_weight": loop_weight,
        "h_bias": h_bias,
    }


def reference(x, edge_index, etype, norm, weight, w_comp, loop_weight, h_bias):
    # Basis decomposition: W_r = sum_b a_{rb} V_b  (num_bases < num_rels -> use w_comp)
    W = jnp.matmul(w_comp, weight.reshape((NUM_BASES, IN_FEAT * OUT_FEAT)))
    W = W.reshape((NUM_RELS, IN_FEAT, OUT_FEAT))
    src = edge_index[0]
    dst = edge_index[1]
    # msg_e = x[src_e] @ W[etype_e]; computed as per-node-per-relation transform then gather
    # (mathematically identical to bmm_maybe_select, avoids materializing E copies of W)
    xW = jnp.einsum("ni,rio->nro", x, W)  # [N, R, OUT]
    msg = xW[src, etype]  # [E, OUT] gather
    msg = msg * norm
    # sum aggregation over destination nodes (scatter-add)
    h = jax.ops.segment_sum(msg, dst, num_segments=N)
    # self-loop + bias
    h = h + jnp.matmul(x, loop_weight)
    h = h + h_bias
    return h

if __name__ == "__main__":
    import jax
    _d = setup_inputs()
    print(jax.jit(kernel)(*tuple(_d.values())))

</pallas_src>

<mosaic_0001>
#map = affine_map<(d0, d1) -> (0, 0)>
module attributes {stable_mosaic.version = 14 : i64} {
  func.func @_sc_edge_body(%arg0: i32, %arg1: i32, %arg2: memref<160000x64xf32, #tpu.memory_space<hbm>>, %arg3: memref<1280x128xi32, #tpu.memory_space<hbm>>, %arg4: memref<1280x128xi32, #tpu.memory_space<hbm>>, %arg5: memref<1280x128xi32, #tpu.memory_space<hbm>>, %arg6: memref<1280x128xf32, #tpu.memory_space<hbm>>, %arg7: memref<10240x128xf32, #tpu.memory_space<hbm>>, %arg8: memref<80x128xi32, #tpu.memory_space<vmem>>, %arg9: memref<80x128xi32, #tpu.memory_space<vmem>>, %arg10: memref<80x128xi32, #tpu.memory_space<vmem>>, %arg11: memref<80x128xf32, #tpu.memory_space<vmem>>, %arg12: memref<80x128xi32, #tpu.memory_space<vmem>>, %arg13: memref<128x64xf32, #tpu.memory_space<vmem>>, %arg14: memref<128x64xf32, #tpu.memory_space<vmem>>, %arg15: memref<128x64xf32, #tpu.memory_space<vmem>>, %arg16: memref<128x64xf32, #tpu.memory_space<vmem>>, %arg17: memref<10240x64xf32, #tpu.memory_space<vmem_shared>>, %arg18: memref<!tpu.dma_semaphore, #tpu.memory_space<semaphore_mem>>, %arg19: memref<!tpu.dma_semaphore, #tpu.memory_space<semaphore_mem>>, %arg20: memref<!tpu.dma_semaphore, #tpu.memory_space<semaphore_mem>>, %arg21: memref<!tpu.dma_semaphore, #tpu.memory_space<semaphore_mem>>) attributes {dimension_semantics = [#tpu.dimension_semantics<core_parallel>, #tpu.dimension_semantics<subcore_parallel>], iteration_bounds = array<i64: 2, 16>, scalar_prefetch = 0 : i64, scratch_operands = 14 : i64, tpu.core_type = #tpu.core_type<sc_vector_subcore>, window_params = [{transform_indices = #map}, {transform_indices = #map}, {transform_indices = #map}, {transform_indices = #map}, {transform_indices = #map}, {transform_indices = #map}]} {
    %scan3A = arith.constant 0 : i32
    %scan3A_0 = arith.constant 0 : i32
    %scan3A_1 = arith.constant 128 : i32
    %scan3A_2 = arith.addi %scan3A_0, %scan3A_1 : i32
    %scan3A_3 = arith.constant 1 : i32
    scf.for %scan3A_88 = %scan3A_0 to %scan3A_2 step %scan3A_3  : i32 {
      %broadcast_in_dim3A = arith.constant 0.000000e+00 : f32
      %broadcast_in_dim3A_89 = vector.broadcast %broadcast_in_dim3A : f32 to vector<16xf32>
      %swap3A = arith.index_cast %scan3A_88 : i32 to index
      %swap3A_90 = arith.constant 0 : index
      %swap3A_91 = tpu.vector_load %arg13[%swap3A, %swap3A_90] {strides = array<i32>} : memref<128x64xf32, #tpu.memory_space<vmem>>, vector<1x16xf32>,
      %swap3A_92 = vector.shape_cast %swap3A_91 : vector<1x16xf32> to vector<16xf32>
      %swap3A_93 = vector.shape_cast %broadcast_in_dim3A_89 : vector<16xf32> to vector<1x16xf32>
      tpu.vector_store %arg13[%swap3A, %swap3A_90], %swap3A_93 {strides = array<i32>} : memref<128x64xf32, #tpu.memory_space<vmem>>, vector<1x16xf32>,
      %broadcast_in_dim3A_94 = arith.constant 0.000000e+00 : f32
      %broadcast_in_dim3A_95 = vector.broadcast %broadcast_in_dim3A_94 : f32 to vector<16xf32>
      %swap3A_96 = arith.index_cast %scan3A_88 : i32 to index
      %swap3A_97 = arith.constant 16 : index
      %swap3A_98 = tpu.vector_load %arg13[%swap3A_96, %swap3A_97] {strides = array<i32>} : memref<128x64xf32, #tpu.memory_space<vmem>>, vector<1x16xf32>,
      %swap3A_99 = vector.shape_cast %swap3A_98 : vector<1x16xf32> to vector<16xf32>
      %swap3A_100 = vector.shape_cast %broadcast_in_dim3A_95 : vector<16xf32> to vector<1x16xf32>
      tpu.vector_store %arg13[%swap3A_96, %swap3A_97], %swap3A_100 {strides = array<i32>} : memref<128x64xf32, #tpu.memory_space<vmem>>, vector<1x16xf32>,
      %broadcast_in_dim3A_101 = arith.constant 0.000000e+00 : f32
      %broadcast_in_dim3A_102 = vector.broadcast %broadcast_in_dim3A_101 : f32 to vector<16xf32>
      %swap3A_103 = arith.index_cast %scan3A_88 : i32 to index
      %swap3A_104 = arith.constant 32 : index
      %swap3A_105 = tpu.vector_load %arg13[%swap3A_103, %swap3A_104] {strides = array<i32>} : memref<128x64xf32, #tpu.memory_space<vmem>>, vector<1x16xf32>,
      %swap3A_106 = vector.shape_cast %swap3A_105 : vector<1x16xf32> to vector<16xf32>
      %swap3A_107 = vector.shape_cast %broadcast_in_dim3A_102 : vector<16xf32> to vector<1x16xf32>
      tpu.vector_store %arg13[%swap3A_103, %swap3A_104], %swap3A_107 {strides = array<i32>} : memref<128x64xf32, #tpu.memory_space<vmem>>, vector<1x16xf32>,
      %broadcast_in_dim3A_108 = arith.constant 0.000000e+00 : f32
      %broadcast_in_dim3A_109 = vector.broadcast %broadcast_in_dim3A_108 : f32 to vector<16xf32>
      %swap3A_110 = arith.index_cast %scan3A_88 : i32 to index
      %swap3A_111 = arith.constant 48 : index
      %swap3A_112 = tpu.vector_load %arg13[%swap3A_110, %swap3A_111] {strides = array<i32>} : memref<128x64xf32, #tpu.memory_space<vmem>>, vector<1x16xf32>,
      %swap3A_113 = vector.shape_cast %swap3A_112 : vector<1x16xf32> to vector<16xf32>
      %swap3A_114 = vector.shape_cast %broadcast_in_dim3A_109 : vector<16xf32> to vector<1x16xf32>
      tpu.vector_store %arg13[%swap3A_110, %swap3A_111], %swap3A_114 {strides = array<i32>} : memref<128x64xf32, #tpu.memory_space<vmem>>, vector<1x16xf32>,
    }
    %scan3A_4 = arith.constant 128 : i32
    %mul3A = arith.constant 640 : i32
    %mul3A_5 = arith.muli %arg1, %mul3A : i32
    %add3A = arith.constant 0 : i32
    %add3A_6 = arith.addi %mul3A_5, %add3A : i32
    "tpu.region"() ({
      %run_scoped3A = tpu.sem_alloc : memref<!tpu.dma_semaphore, #tpu.memory_space<semaphore_mem>>
      %dma_start3A_88 = arith.constant 0 : i32
      %dma_start3A_89 = tpu.memref_slice %arg17[%add3A_6, %dma_start3A_88] : memref<10240x64xf32, #tpu.memory_space<vmem_shared>> -> memref<128x64xf32, #tpu.memory_space<vmem_shared>>
      %dma_start3A_90 = arith.constant 0 : i32
      %dma_start3A_91 = tpu.memref_slice %arg17[%add3A_6, %dma_start3A_90] : memref<10240x64xf32, #tpu.memory_space<vmem_shared>> -> memref<128x64xf32, #tpu.memory_space<vmem_shared>>
      tpu.enqueue_dma source(%arg13 : memref<128x64xf32, #tpu.memory_space<vmem>>) target(%dma_start3A_91 : memref<128x64xf32, #tpu.memory_space<vmem_shared>>) target_semaphore(%run_scoped3A : memref<!tpu.dma_semaphore, #tpu.memory_space<semaphore_mem>>)
      %dma_wait3A = arith.constant 0 : i32
      %dma_wait3A_92 = tpu.memref_slice %arg17[%add3A_6, %dma_wait3A] : memref<10240x64xf32, #tpu.memory_space<vmem_shared>> -> memref<128x64xf32, #tpu.memory_space<vmem_shared>>
      %dma_wait3A_93 = arith.constant 0 : i32
      %dma_wait3A_94 = tpu.memref_slice %arg17[%add3A_6, %dma_wait3A_93] : memref<10240x64xf32, #tpu.memory_space<vmem_shared>> -> memref<128x64xf32, #tpu.memory_space<vmem_shared>>
      tpu.wait_dma2 semaphore(%run_scoped3A : memref<!tpu.dma_semaphore, #tpu.memory_space<semaphore_mem>>) src(%arg13 : memref<128x64xf32, #tpu.memory_space<vmem>>) dst(%dma_wait3A_94 : memref<128x64xf32, #tpu.memory_space<vmem_shared>>)
      tpu.yield
    }) : () -> ()
    %mul3A_7 = arith.constant 640 : i32
    %mul3A_8 = arith.muli %arg1, %mul3A_7 : i32
    %add3A_9 = arith.constant 128 : i32
    %add3A_10 = arith.addi %mul3A_8, %add3A_9 : i32
    "tpu.region"() ({
      %run_scoped3A = tpu.sem_alloc : memref<!tpu.dma_semaphore, #tpu.memory_space<semaphore_mem>>
      %dma_start3A_88 = arith.constant 0 : i32
      %dma_start3A_89 = tpu.memref_slice %arg17[%add3A_10, %dma_start3A_88] : memref<10240x64xf32, #tpu.memory_space<vmem_shared>> -> memref<128x64xf32, #tpu.memory_space<vmem_shared>>
      %dma_start3A_90 = arith.constant 0 : i32
      %dma_start3A_91 = tpu.memref_slice %arg17[%add3A_10, %dma_start3A_90] : memref<10240x64xf32, #tpu.memory_space<vmem_shared>> -> memref<128x64xf32, #tpu.memory_space<vmem_shared>>
      tpu.enqueue_dma source(%arg13 : memref<128x64xf32, #tpu.memory_space<vmem>>) target(%dma_start3A_91 : memref<128x64xf32, #tpu.memory_space<vmem_shared>>) target_semaphore(%run_scoped3A : memref<!tpu.dma_semaphore, #tpu.memory_space<semaphore_mem>>)
      %dma_wait3A = arith.constant 0 : i32
      %dma_wait3A_92 = tpu.memref_slice %arg17[%add3A_10, %dma_wait3A] : memref<10240x64xf32, #tpu.memory_space<vmem_shared>> -> memref<128x64xf32, #tpu.memory_space<vmem_shared>>
      %dma_wait3A_93 = arith.constant 0 : i32
      %dma_wait3A_94 = tpu.memref_slice %arg17[%add3A_10, %dma_wait3A_93] : memref<10240x64xf32, #tpu.memory_space<vmem_shared>> -> memref<128x64xf32, #tpu.memory_space<vmem_shared>>
      tpu.wait_dma2 semaphore(%run_scoped3A : memref<!tpu.dma_semaphore, #tpu.memory_space<semaphore_mem>>) src(%arg13 : memref<128x64xf32, #tpu.memory_space<vmem>>) dst(%dma_wait3A_94 : memref<128x64xf32, #tpu.memory_space<vmem_shared>>)
      tpu.yield
    }) : () -> ()
    %mul3A_11 = arith.constant 640 : i32
    %mul3A_12 = arith.muli %arg1, %mul3A_11 : i32
    %add3A_13 = arith.constant 256 : i32
    %add3A_14 = arith.addi %mul3A_12, %add3A_13 : i32
    "tpu.region"() ({
      %run_scoped3A = tpu.sem_alloc : memref<!tpu.dma_semaphore, #tpu.memory_space<semaphore_mem>>
      %dma_start3A_88 = arith.constant 0 : i32
      %dma_start3A_89 = tpu.memref_slice %arg17[%add3A_14, %dma_start3A_88] : memref<10240x64xf32, #tpu.memory_space<vmem_shared>> -> memref<128x64xf32, #tpu.memory_space<vmem_shared>>
      %dma_start3A_90 = arith.constant 0 : i32
      %dma_start3A_91 = tpu.memref_slice %arg17[%add3A_14, %dma_start3A_90] : memref<10240x64xf32, #tpu.memory_space<vmem_shared>> -> memref<128x64xf32, #tpu.memory_space<vmem_shared>>
      tpu.enqueue_dma source(%arg13 : memref<128x64xf32, #tpu.memory_space<vmem>>) target(%dma_start3A_91 : memref<128x64xf32, #tpu.memory_space<vmem_shared>>) target_semaphore(%run_scoped3A : memref<!tpu.dma_semaphore, #tpu.memory_space<semaphore_mem>>)
      %dma_wait3A = arith.constant 0 : i32
      %dma_wait3A_92 = tpu.memref_slice %arg17[%add3A_14, %dma_wait3A] : memref<10240x64xf32, #tpu.memory_space<vmem_shared>> -> memref<128x64xf32, #tpu.memory_space<vmem_shared>>
      %dma_wait3A_93 = arith.constant 0 : i32
      %dma_wait3A_94 = tpu.memref_slice %arg17[%add3A_14, %dma_wait3A_93] : memref<10240x64xf32, #tpu.memory_space<vmem_shared>> -> memref<128x64xf32, #tpu.memory_space<vmem_shared>>
      tpu.wait_dma2 semaphore(%run_scoped3A : memref<!tpu.dma_semaphore, #tpu.memory_space<semaphore_mem>>) src(%arg13 : memref<128x64xf32, #tpu.memory_space<vmem>>) dst(%dma_wait3A_94 : memref<128x64xf32, #tpu.memory_space<vmem_shared>>)
      tpu.yield
    }) : () -> ()
    %mul3A_15 = arith.constant 640 : i32
    %mul3A_16 = arith.muli %arg1, %mul3A_15 : i32
    %add3A_17 = arith.constant 384 : i32
    %add3A_18 = arith.addi %mul3A_16, %add3A_17 : i32
    "tpu.region"() ({
      %run_scoped3A = tpu.sem_alloc : memref<!tpu.dma_semaphore, #tpu.memory_space<semaphore_mem>>
      %dma_start3A_88 = arith.constant 0 : i32
      %dma_start3A_89 = tpu.memref_slice %arg17[%add3A_18, %dma_start3A_88] : memref<10240x64xf32, #tpu.memory_space<vmem_shared>> -> memref<128x64xf32, #tpu.memory_space<vmem_shared>>
      %dma_start3A_90 = arith.constant 0 : i32
      %dma_start3A_91 = tpu.memref_slice %arg17[%add3A_18, %dma_start3A_90] : memref<10240x64xf32, #tpu.memory_space<vmem_shared>> -> memref<128x64xf32, #tpu.memory_space<vmem_shared>>
      tpu.enqueue_dma source(%arg13 : memref<128x64xf32, #tpu.memory_space<vmem>>) target(%dma_start3A_91 : memref<128x64xf32, #tpu.memory_space<vmem_shared>>) target_semaphore(%run_scoped3A : memref<!tpu.dma_semaphore, #tpu.memory_space<semaphore_mem>>)
      %dma_wait3A = arith.constant 0 : i32
      %dma_wait3A_92 = tpu.memref_slice %arg17[%add3A_18, %dma_wait3A] : memref<10240x64xf32, #tpu.memory_space<vmem_shared>> -> memref<128x64xf32, #tpu.memory_space<vmem_shared>>
      %dma_wait3A_93 = arith.constant 0 : i32
      %dma_wait3A_94 = tpu.memref_slice %arg17[%add3A_18, %dma_wait3A_93] : memref<10240x64xf32, #tpu.memory_space<vmem_shared>> -> memref<128x64xf32, #tpu.memory_space<vmem_shared>>
      tpu.wait_dma2 semaphore(%run_scoped3A : memref<!tpu.dma_semaphore, #tpu.memory_space<semaphore_mem>>) src(%arg13 : memref<128x64xf32, #tpu.memory_space<vmem>>) dst(%dma_wait3A_94 : memref<128x64xf32, #tpu.memory_space<vmem_shared>>)
      tpu.yield
    }) : () -> ()
    %mul3A_19 = arith.constant 640 : i32
    %mul3A_20 = arith.muli %arg1, %mul3A_19 : i32
    %add3A_21 = arith.constant 512 : i32
    %add3A_22 = arith.addi %mul3A_20, %add3A_21 : i32
    "tpu.region"() ({
      %run_scoped3A = tpu.sem_alloc : memref<!tpu.dma_semaphore, #tpu.memory_space<semaphore_mem>>
      %dma_start3A_88 = arith.constant 0 : i32
      %dma_start3A_89 = tpu.memref_slice %arg17[%add3A_22, %dma_start3A_88] : memref<10240x64xf32, #tpu.memory_space<vmem_shared>> -> memref<128x64xf32, #tpu.memory_space<vmem_shared>>
      %dma_start3A_90 = arith.constant 0 : i32
      %dma_start3A_91 = tpu.memref_slice %arg17[%add3A_22, %dma_start3A_90] : memref<10240x64xf32, #tpu.memory_space<vmem_shared>> -> memref<128x64xf32, #tpu.memory_space<vmem_shared>>
      tpu.enqueue_dma source(%arg13 : memref<128x64xf32, #tpu.memory_space<vmem>>) target(%dma_start3A_91 : memref<128x64xf32, #tpu.memory_space<vmem_shared>>) target_semaphore(%run_scoped3A : memref<!tpu.dma_semaphore, #tpu.memory_space<semaphore_mem>>)
      %dma_wait3A = arith.constant 0 : i32
      %dma_wait3A_92 = tpu.memref_slice %arg17[%add3A_22, %dma_wait3A] : memref<10240x64xf32, #tpu.memory_space<vmem_shared>> -> memref<128x64xf32, #tpu.memory_space<vmem_shared>>
      %dma_wait3A_93 = arith.constant 0 : i32
      %dma_wait3A_94 = tpu.memref_slice %arg17[%add3A_22, %dma_wait3A_93] : memref<10240x64xf32, #tpu.memory_space<vmem_shared>> -> memref<128x64xf32, #tpu.memory_space<vmem_shared>>
      tpu.wait_dma2 semaphore(%run_scoped3A : memref<!tpu.dma_semaphore, #tpu.memory_space<semaphore_mem>>) src(%arg13 : memref<128x64xf32, #tpu.memory_space<vmem>>) dst(%dma_wait3A_94 : memref<128x64xf32, #tpu.memory_space<vmem_shared>>)
      tpu.yield
    }) : () -> ()
    %mul3A_23 = arith.constant 80 : i32
    %mul3A_24 = arith.muli %arg1, %mul3A_23 : i32
    "tpu.region"() ({
      %run_scoped3A = tpu.sem_alloc : memref<!tpu.dma_semaphore, #tpu.memory_space<semaphore_mem>>
      %dma_start3A_88 = arith.constant 0 : i32
      %dma_start3A_89 = tpu.memref_slice %arg3[%mul3A_24, %dma_start3A_88] : memref<1280x128xi32, #tpu.memory_space<hbm>> -> memref<80x128xi32, #tpu.memory_space<hbm>>
      %dma_start3A_90 = arith.constant 0 : i32
      %dma_start3A_91 = tpu.memref_slice %arg3[%mul3A_24, %dma_start3A_90] : memref<1280x128xi32, #tpu.memory_space<hbm>> -> memref<80x128xi32, #tpu.memory_space<hbm>>
      tpu.enqueue_dma source(%dma_start3A_91 : memref<80x128xi32, #tpu.memory_space<hbm>>) target(%arg8 : memref<80x128xi32, #tpu.memory_space<vmem>>) target_semaphore(%run_scoped3A : memref<!tpu.dma_semaphore, #tpu.memory_space<semaphore_mem>>)
      %dma_wait3A = arith.constant 0 : i32
      %dma_wait3A_92 = tpu.memref_slice %arg3[%mul3A_24, %dma_wait3A] : memref<1280x128xi32, #tpu.memory_space<hbm>> -> memref<80x128xi32, #tpu.memory_space<hbm>>
      %dma_wait3A_93 = arith.constant 0 : i32
      %dma_wait3A_94 = tpu.memref_slice %arg3[%mul3A_24, %dma_wait3A_93] : memref<1280x128xi32, #tpu.memory_space<hbm>> -> memref<80x128xi32, #tpu.memory_space<hbm>>
      tpu.wait_dma2 semaphore(%run_scoped3A : memref<!tpu.dma_semaphore, #tpu.memory_space<semaphore_mem>>) src(%dma_wait3A_94 : memref<80x128xi32, #tpu.memory_space<hbm>>) dst(%arg8 : memref<80x128xi32, #tpu.memory_space<vmem>>)
      tpu.yield
    }) : () -> ()
    "tpu.region"() ({
      %run_scoped3A = tpu.sem_alloc : memref<!tpu.dma_semaphore, #tpu.memory_space<semaphore_mem>>
      %dma_start3A_88 = arith.constant 0 : i32
      %dma_start3A_89 = tpu.memref_slice %arg4[%mul3A_24, %dma_start3A_88] : memref<1280x128xi32, #tpu.memory_space<hbm>> -> memref<80x128xi32, #tpu.memory_space<hbm>>
      %dma_start3A_90 = arith.constant 0 : i32
      %dma_start3A_91 = tpu.memref_slice %arg4[%mul3A_24, %dma_start3A_90] : memref<1280x128xi32, #tpu.memory_space<hbm>> -> memref<80x128xi32, #tpu.memory_space<hbm>>
      tpu.enqueue_dma source(%dma_start3A_91 : memref<80x128xi32, #tpu.memory_space<hbm>>) target(%arg9 : memref<80x128xi32, #tpu.memory_space<vmem>>) target_semaphore(%run_scoped3A : memref<!tpu.dma_semaphore, #tpu.memory_space<semaphore_mem>>)
      %dma_wait3A = arith.constant 0 : i32
      %dma_wait3A_92 = tpu.memref_slice %arg4[%mul3A_24, %dma_wait3A] : memref<1280x128xi32, #tpu.memory_space<hbm>> -> memref<80x128xi32, #tpu.memory_space<hbm>>
      %dma_wait3A_93 = arith.constant 0 : i32
      %dma_wait3A_94 = tpu.memref_slice %arg4[%mul3A_24, %dma_wait3A_93] : memref<1280x128xi32, #tpu.memory_space<hbm>> -> memref<80x128xi32, #tpu.memory_space<hbm>>
      tpu.wait_dma2 semaphore(%run_scoped3A : memref<!tpu.dma_semaphore, #tpu.memory_space<semaphore_mem>>) src(%dma_wait3A_94 : memref<80x128xi32, #tpu.memory_space<hbm>>) dst(%arg9 : memref<80x128xi32, #tpu.memory_space<vmem>>)
      tpu.yield
    }) : () -> ()
    "tpu.region"() ({
      %run_scoped3A = tpu.sem_alloc : memref<!tpu.dma_semaphore, #tpu.memory_space<semaphore_mem>>
      %dma_start3A_88 = arith.constant 0 : i32
      %dma_start3A_89 = tpu.memref_slice %arg5[%mul3A_24, %dma_start3A_88] : memref<1280x128xi32, #tpu.memory_space<hbm>> -> memref<80x128xi32, #tpu.memory_space<hbm>>
      %dma_start3A_90 = arith.constant 0 : i32
      %dma_start3A_91 = tpu.memref_slice %arg5[%mul3A_24, %dma_start3A_90] : memref<1280x128xi32, #tpu.memory_space<hbm>> -> memref<80x128xi32, #tpu.memory_space<hbm>>
      tpu.enqueue_dma source(%dma_start3A_91 : memref<80x128xi32, #tpu.memory_space<hbm>>) target(%arg10 : memref<80x128xi32, #tpu.memory_space<vmem>>) target_semaphore(%run_scoped3A : memref<!tpu.dma_semaphore, #tpu.memory_space<semaphore_mem>>)
      %dma_wait3A = arith.constant 0 : i32
      %dma_wait3A_92 = tpu.memref_slice %arg5[%mul3A_24, %dma_wait3A] : memref<1280x128xi32, #tpu.memory_space<hbm>> -> memref<80x128xi32, #tpu.memory_space<hbm>>
      %dma_wait3A_93 = arith.constant 0 : i32
      %dma_wait3A_94 = tpu.memref_slice %arg5[%mul3A_24, %dma_wait3A_93] : memref<1280x128xi32, #tpu.memory_space<hbm>> -> memref<80x128xi32, #tpu.memory_space<hbm>>
      tpu.wait_dma2 semaphore(%run_scoped3A : memref<!tpu.dma_semaphore, #tpu.memory_space<semaphore_mem>>) src(%dma_wait3A_94 : memref<80x128xi32, #tpu.memory_space<hbm>>) dst(%arg10 : memref<80x128xi32, #tpu.memory_space<vmem>>)
      tpu.yield
    }) : () -> ()
    "tpu.region"() ({
      %run_scoped3A = tpu.sem_alloc : memref<!tpu.dma_semaphore, #tpu.memory_space<semaphore_mem>>
      %dma_start3A_88 = arith.constant 0 : i32
      %dma_start3A_89 = tpu.memref_slice %arg6[%mul3A_24, %dma_start3A_88] : memref<1280x128xf32, #tpu.memory_space<hbm>> -> memref<80x128xf32, #tpu.memory_space<hbm>>
      %dma_start3A_90 = arith.constant 0 : i32
      %dma_start3A_91 = tpu.memref_slice %arg6[%mul3A_24, %dma_start3A_90] : memref<1280x128xf32, #tpu.memory_space<hbm>> -> memref<80x128xf32, #tpu.memory_space<hbm>>
      tpu.enqueue_dma source(%dma_start3A_91 : memref<80x128xf32, #tpu.memory_space<hbm>>) target(%arg11 : memref<80x128xf32, #tpu.memory_space<vmem>>) target_semaphore(%run_scoped3A : memref<!tpu.dma_semaphore, #tpu.memory_space<semaphore_mem>>)
      %dma_wait3A = arith.constant 0 : i32
      %dma_wait3A_92 = tpu.memref_slice %arg6[%mul3A_24, %dma_wait3A] : memref<1280x128xf32, #tpu.memory_space<hbm>> -> memref<80x128xf32, #tpu.memory_space<hbm>>
      %dma_wait3A_93 = arith.constant 0 : i32
      %dma_wait3A_94 = tpu.memref_slice %arg6[%mul3A_24, %dma_wait3A_93] : memref<1280x128xf32, #tpu.memory_space<hbm>> -> memref<80x128xf32, #tpu.memory_space<hbm>>
      tpu.wait_dma2 semaphore(%run_scoped3A : memref<!tpu.dma_semaphore, #tpu.memory_space<semaphore_mem>>) src(%dma_wait3A_94 : memref<80x128xf32, #tpu.memory_space<hbm>>) dst(%arg11 : memref<80x128xf32, #tpu.memory_space<vmem>>)
      tpu.yield
    }) : () -> ()
    %scan3A_25 = arith.constant 0 : i32
    %scan3A_26 = arith.constant 0 : i32
    %scan3A_27 = arith.constant 80 : i32
    %scan3A_28 = arith.addi %scan3A_26, %scan3A_27 : i32
    %scan3A_29 = arith.constant 1 : i32
    scf.for %scan3A_88 = %scan3A_26 to %scan3A_28 step %scan3A_29  : i32 {
      %get3A = arith.index_cast %scan3A_88 : i32 to index
      %get3A_89 = arith.constant 0 : index
      %get3A_90 = tpu.vector_load %arg8[%get3A, %get3A_89] {strides = array<i32>} : memref<80x128xi32, #tpu.memory_space<vmem>>, vector<1x16xi32>,
      %get3A_91 = vector.shape_cast %get3A_90 : vector<1x16xi32> to vector<16xi32>
      %mul3A_92 = arith.constant 8 : i32
      %mul3A_93 = vector.broadcast %mul3A_92 : i32 to vector<16xi32>
      %mul3A_94 = arith.muli %get3A_91, %mul3A_93 : vector<16xi32>
      %get3A_95 = arith.index_cast %scan3A_88 : i32 to index
      %get3A_96 = arith.constant 0 : index
      %get3A_97 = tpu.vector_load %arg9[%get3A_95, %get3A_96] {strides = array<i32>} : memref<80x128xi32, #tpu.memory_space<vmem>>, vector<1x16xi32>,
      %get3A_98 = vector.shape_cast %get3A_97 : vector<1x16xi32> to vector<16xi32>
      %add3A_99 = arith.addi %mul3A_94, %get3A_98 : vector<16xi32>
      %mul3A_100 = arith.constant 2 : i32
      %mul3A_101 = vector.broadcast %mul3A_100 : i32 to vector<16xi32>
      %mul3A_102 = arith.muli %add3A_99, %mul3A_101 : vector<16xi32>
      %add3A_103 = vector.broadcast %arg0 : i32 to vector<16xi32>
      %add3A_104 = arith.addi %mul3A_102, %add3A_103 : vector<16xi32>
      %swap3A = arith.index_cast %scan3A_88 : i32 to index
      %swap3A_105 = arith.constant 0 : index
      %swap3A_106 = tpu.vector_load %arg12[%swap3A, %swap3A_105] {strides = array<i32>} : memref<80x128xi32, #tpu.memory_space<vmem>>, vector<1x16xi32>,
      %swap3A_107 = vector.shape_cast %swap3A_106 : vector<1x16xi32> to vector<16xi32>
      %swap3A_108 = vector.shape_cast %add3A_104 : vector<16xi32> to vector<1x16xi32>
      tpu.vector_store %arg12[%swap3A, %swap3A_105], %swap3A_108 {strides = array<i32>} : memref<80x128xi32, #tpu.memory_space<vmem>>, vector<1x16xi32>,
      %get3A_109 = arith.index_cast %scan3A_88 : i32 to index
      %get3A_110 = arith.constant 16 : index
      %get3A_111 = tpu.vector_load %arg8[%get3A_109, %get3A_110] {strides = array<i32>} : memref<80x128xi32, #tpu.memory_space<vmem>>, vector<1x16xi32>,
      %get3A_112 = vector.shape_cast %get3A_111 : vector<1x16xi32> to vector<16xi32>
      %mul3A_113 = arith.constant 8 : i32
      %mul3A_114 = vector.broadcast %mul3A_113 : i32 to vector<16xi32>
      %mul3A_115 = arith.muli %get3A_112, %mul3A_114 : vector<16xi32>
      %get3A_116 = arith.index_cast %scan3A_88 : i32 to index
      %get3A_117 = arith.constant 16 : index
      %get3A_118 = tpu.vector_load %arg9[%get3A_116, %get3A_117] {strides = array<i32>} : memref<80x128xi32, #tpu.memory_space<vmem>>, vector<1x16xi32>,
      %get3A_119 = vector.shape_cast %get3A_118 : vector<1x16xi32> to vector<16xi32>
      %add3A_120 = arith.addi %mul3A_115, %get3A_119 : vector<16xi32>
      %mul3A_121 = arith.constant 2 : i32
      %mul3A_122 = vector.broadcast %mul3A_121 : i32 to vector<16xi32>
      %mul3A_123 = arith.muli %add3A_120, %mul3A_122 : vector<16xi32>
      %add3A_124 = vector.broadcast %arg0 : i32 to vector<16xi32>
      %add3A_125 = arith.addi %mul3A_123, %add3A_124 : vector<16xi32>
      %swap3A_126 = arith.index_cast %scan3A_88 : i32 to index
      %swap3A_127 = arith.constant 16 : index
      %swap3A_128 = tpu.vector_load %arg12[%swap3A_126, %swap3A_127] {strides = array<i32>} : memref<80x128xi32, #tpu.memory_space<vmem>>, vector<1x16xi32>,
      %swap3A_129 = vector.shape_cast %swap3A_128 : vector<1x16xi32> to vector<16xi32>
      %swap3A_130 = vector.shape_cast %add3A_125 : vector<16xi32> to vector<1x16xi32>
      tpu.vector_store %arg12[%swap3A_126, %swap3A_127], %swap3A_130 {strides = array<i32>} : memref<80x128xi32, #tpu.memory_space<vmem>>, vector<1x16xi32>,
      %get3A_131 = arith.index_cast %scan3A_88 : i32 to index
      %get3A_132 = arith.constant 32 : index
      %get3A_133 = tpu.vector_load %arg8[%get3A_131, %get3A_132] {strides = array<i32>} : memref<80x128xi32, #tpu.memory_space<vmem>>, vector<1x16xi32>,
      %get3A_134 = vector.shape_cast %get3A_133 : vector<1x16xi32> to vector<16xi32>
      %mul3A_135 = arith.constant 8 : i32
      %mul3A_136 = vector.broadcast %mul3A_135 : i32 to vector<16xi32>
      %mul3A_137 = arith.muli %get3A_134, %mul3A_136 : vector<16xi32>
      %get3A_138 = arith.index_cast %scan3A_88 : i32 to index
      %get3A_139 = arith.constant 32 : index
      %get3A_140 = tpu.vector_load %arg9[%get3A_138, %get3A_139] {strides = array<i32>} : memref<80x128xi32, #tpu.memory_space<vmem>>, vector<1x16xi32>,
      %get3A_141 = vector.shape_cast %get3A_140 : vector<1x16xi32> to vector<16xi32>
      %add3A_142 = arith.addi %mul3A_137, %get3A_141 : vector<16xi32>
      %mul3A_143 = arith.constant 2 : i32
      %mul3A_144 = vector.broadcast %mul3A_143 : i32 to vector<16xi32>
      %mul3A_145 = arith.muli %add3A_142, %mul3A_144 : vector<16xi32>
      %add3A_146 = vector.broadcast %arg0 : i32 to vector<16xi32>
      %add3A_147 = arith.addi %mul3A_145, %add3A_146 : vector<16xi32>
      %swap3A_148 = arith.index_cast %scan3A_88 : i32 to index
      %swap3A_149 = arith.constant 32 : index
      %swap3A_150 = tpu.vector_load %arg12[%swap3A_148, %swap3A_149] {strides = array<i32>} : memref<80x128xi32, #tpu.memory_space<vmem>>, vector<1x16xi32>,
      %swap3A_151 = vector.shape_cast %swap3A_150 : vector<1x16xi32> to vector<16xi32>
      %swap3A_152 = vector.shape_cast %add3A_147 : vector<16xi32> to vector<1x16xi32>
      tpu.vector_store %arg12[%swap3A_148, %swap3A_149], %swap3A_152 {strides = array<i32>} : memref<80x128xi32, #tpu.memory_space<vmem>>, vector<1x16xi32>,
      %get3A_153 = arith.index_cast %scan3A_88 : i32 to index
      %get3A_154 = arith.constant 48 : index
      %get3A_155 = tpu.vector_load %arg8[%get3A_153, %get3A_154] {strides = array<i32>} : memref<80x128xi32, #tpu.memory_space<vmem>>, vector<1x16xi32>,
      %get3A_156 = vector.shape_cast %get3A_155 : vector<1x16xi32> to vector<16xi32>
      %mul3A_157 = arith.constant 8 : i32
      %mul3A_158 = vector.broadcast %mul3A_157 : i32 to vector<16xi32>
      %mul3A_159 = arith.muli %get3A_156, %mul3A_158 : vector<16xi32>
      %get3A_160 = arith.index_cast %scan3A_88 : i32 to index
      %get3A_161 = arith.constant 48 : index
      %get3A_162 = tpu.vector_load %arg9[%get3A_160, %get3A_161] {strides = array<i32>} : memref<80x128xi32, #tpu.memory_space<vmem>>, vector<1x16xi32>,
      %get3A_163 = vector.shape_cast %get3A_162 : vector<1x16xi32> to vector<16xi32>
      %add3A_164 = arith.addi %mul3A_159, %get3A_163 : vector<16xi32>
      %mul3A_165 = arith.constant 2 : i32
      %mul3A_166 = vector.broadcast %mul3A_165 : i32 to vector<16xi32>
      %mul3A_167 = arith.muli %add3A_164, %mul3A_166 : vector<16xi32>
      %add3A_168 = vector.broadcast %arg0 : i32 to vector<16xi32>
      %add3A_169 = arith.addi %mul3A_167, %add3A_168 : vector<16xi32>
      %swap3A_170 = arith.index_cast %scan3A_88 : i32 to index
      %swap3A_171 = arith.constant 48 : index
      %swap3A_172 = tpu.vector_load %arg12[%swap3A_170, %swap3A_171] {strides = array<i32>} : memref<80x128xi32, #tpu.memory_space<vmem>>, vector<1x16xi32>,
      %swap3A_173 = vector.shape_cast %swap3A_172 : vector<1x16xi32> to vector<16xi32>
      %swap3A_174 = vector.shape_cast %add3A_169 : vector<16xi32> to vector<1x16xi32>
      tpu.vector_store %arg12[%swap3A_170, %swap3A_171], %swap3A_174 {strides = array<i32>} : memref<80x128xi32, #tpu.memory_space<vmem>>, vector<1x16xi32>,
      %get3A_175 = arith.index_cast %scan3A_88 : i32 to index
      %get3A_176 = arith.constant 64 : index
      %get3A_177 = tpu.vector_load %arg8[%get3A_175, %get3A_176] {strides = array<i32>} : memref<80x128xi32, #tpu.memory_space<vmem>>, vector<1x16xi32>,
      %get3A_178 = vector.shape_cast %get3A_177 : vector<1x16xi32> to vector<16xi32>
      %mul3A_179 = arith.constant 8 : i32
      %mul3A_180 = vector.broadcast %mul3A_179 : i32 to vector<16xi32>
      %mul3A_181 = arith.muli %get3A_178, %mul3A_180 : vector<16xi32>
      %get3A_182 = arith.index_cast %scan3A_88 : i32 to index
      %get3A_183 = arith.constant 64 : index
      %get3A_184 = tpu.vector_load %arg9[%get3A_182, %get3A_183] {strides = array<i32>} : memref<80x128xi32, #tpu.memory_space<vmem>>, vector<1x16xi32>,
      %get3A_185 = vector.shape_cast %get3A_184 : vector<1x16xi32> to vector<16xi32>
      %add3A_186 = arith.addi %mul3A_181, %get3A_185 : vector<16xi32>
      %mul3A_187 = arith.constant 2 : i32
      %mul3A_188 = vector.broadcast %mul3A_187 : i32 to vector<16xi32>
      %mul3A_189 = arith.muli %add3A_186, %mul3A_188 : vector<16xi32>
      %add3A_190 = vector.broadcast %arg0 : i32 to vector<16xi32>
      %add3A_191 = arith.addi %mul3A_189, %add3A_190 : vector<16xi32>
      %swap3A_192 = arith.index_cast %scan3A_88 : i32 to index
      %swap3A_193 = arith.constant 64 : index
      %swap3A_194 = tpu.vector_load %arg12[%swap3A_192, %swap3A_193] {strides = array<i32>} : memref<80x128xi32, #tpu.memory_space<vmem>>, vector<1x16xi32>,
      %swap3A_195 = vector.shape_cast %swap3A_194 : vector<1x16xi32> to vector<16xi32>
      %swap3A_196 = vector.shape_cast %add3A_191 : vector<16xi32> to vector<1x16xi32>
      tpu.vector_store %arg12[%swap3A_192, %swap3A_193], %swap3A_196 {strides = array<i32>} : memref<80x128xi32, #tpu.memory_space<vmem>>, vector<1x16xi32>,
      %get3A_197 = arith.index_cast %scan3A_88 : i32 to index
      %get3A_198 = arith.constant 80 : index
      %get3A_199 = tpu.vector_load %arg8[%get3A_197, %get3A_198] {strides = array<i32>} : memref<80x128xi32, #tpu.memory_space<vmem>>, vector<1x16xi32>,
      %get3A_200 = vector.shape_cast %get3A_199 : vector<1x16xi32> to vector<16xi32>
      %mul3A_201 = arith.constant 8 : i32
      %mul3A_202 = vector.broadcast %mul3A_201 : i32 to vector<16xi32>
      %mul3A_203 = arith.muli %get3A_200, %mul3A_202 : vector<16xi32>
      %get3A_204 = arith.index_cast %scan3A_88 : i32 to index
      %get3A_205 = arith.constant 80 : index
      %get3A_206 = tpu.vector_load %arg9[%get3A_204, %get3A_205] {strides = array<i32>} : memref<80x128xi32, #tpu.memory_space<vmem>>, vector<1x16xi32>,
      %get3A_207 = vector.shape_cast %get3A_206 : vector<1x16xi32> to vector<16xi32>
      %add3A_208 = arith.addi %mul3A_203, %get3A_207 : vector<16xi32>
      %mul3A_209 = arith.constant 2 : i32
      %mul3A_210 = vector.broadcast %mul3A_209 : i32 to vector<16xi32>
      %mul3A_211 = arith.muli %add3A_208, %mul3A_210 : vector<16xi32>
      %add3A_212 = vector.broadcast %arg0 : i32 to vector<16xi32>
      %add3A_213 = arith.addi %mul3A_211, %add3A_212 : vector<16xi32>
      %swap3A_214 = arith.index_cast %scan3A_88 : i32 to index
      %swap3A_215 = arith.constant 80 : index
      %swap3A_216 = tpu.vector_load %arg12[%swap3A_214, %swap3A_215] {strides = array<i32>} : memref<80x128xi32, #tpu.memory_space<vmem>>, vector<1x16xi32>,
      %swap3A_217 = vector.shape_cast %swap3A_216 : vector<1x16xi32> to vector<16xi32>
      %swap3A_218 = vector.shape_cast %add3A_213 : vector<16xi32> to vector<1x16xi32>
      tpu.vector_store %arg12[%swap3A_214, %swap3A_215], %swap3A_218 {strides = array<i32>} : memref<80x128xi32, #tpu.memory_space<vmem>>, vector<1x16xi32>,
      %get3A_219 = arith.index_cast %scan3A_88 : i32 to index
      %get3A_220 = arith.constant 96 : index
      %get3A_221 = tpu.vector_load %arg8[%get3A_219, %get3A_220] {strides = array<i32>} : memref<80x128xi32, #tpu.memory_space<vmem>>, vector<1x16xi32>,
      %get3A_222 = vector.shape_cast %get3A_221 : vector<1x16xi32> to vector<16xi32>
      %mul3A_223 = arith.constant 8 : i32
      %mul3A_224 = vector.broadcast %mul3A_223 : i32 to vector<16xi32>
      %mul3A_225 = arith.muli %get3A_222, %mul3A_224 : vector<16xi32>
      %get3A_226 = arith.index_cast %scan3A_88 : i32 to index
      %get3A_227 = arith.constant 96 : index
      %get3A_228 = tpu.vector_load %arg9[%get3A_226, %get3A_227] {strides = array<i32>} : memref<80x128xi32, #tpu.memory_space<vmem>>, vector<1x16xi32>,
      %get3A_229 = vector.shape_cast %get3A_228 : vector<1x16xi32> to vector<16xi32>
      %add3A_230 = arith.addi %mul3A_225, %get3A_229 : vector<16xi32>
      %mul3A_231 = arith.constant 2 : i32
      %mul3A_232 = vector.broadcast %mul3A_231 : i32 to vector<16xi32>
      %mul3A_233 = arith.muli %add3A_230, %mul3A_232 : vector<16xi32>
      %add3A_234 = vector.broadcast %arg0 : i32 to vector<16xi32>
      %add3A_235 = arith.addi %mul3A_233, %add3A_234 : vector<16xi32>
      %swap3A_236 = arith.index_cast %scan3A_88 : i32 to index
      %swap3A_237 = arith.constant 96 : index
      %swap3A_238 = tpu.vector_load %arg12[%swap3A_236, %swap3A_237] {strides = array<i32>} : memref<80x128xi32, #tpu.memory_space<vmem>>, vector<1x16xi32>,
      %swap3A_239 = vector.shape_cast %swap3A_238 : vector<1x16xi32> to vector<16xi32>
      %swap3A_240 = vector.shape_cast %add3A_235 : vector<16xi32> to vector<1x16xi32>
      tpu.vector_store %arg12[%swap3A_236, %swap3A_237], %swap3A_240 {strides = array<i32>} : memref<80x128xi32, #tpu.memory_space<vmem>>, vector<1x16xi32>,
      %get3A_241 = arith.index_cast %scan3A_88 : i32 to index
      %get3A_242 = arith.constant 112 : index
      %get3A_243 = tpu.vector_load %arg8[%get3A_241, %get3A_242] {strides = array<i32>} : memref<80x128xi32, #tpu.memory_space<vmem>>, vector<1x16xi32>,
      %get3A_244 = vector.shape_cast %get3A_243 : vector<1x16xi32> to vector<16xi32>
      %mul3A_245 = arith.constant 8 : i32
      %mul3A_246 = vector.broadcast %mul3A_245 : i32 to vector<16xi32>
      %mul3A_247 = arith.muli %get3A_244, %mul3A_246 : vector<16xi32>
      %get3A_248 = arith.index_cast %scan3A_88 : i32 to index
      %get3A_249 = arith.constant 112 : index
      %get3A_250 = tpu.vector_load %arg9[%get3A_248, %get3A_249] {strides = array<i32>} : memref<80x128xi32, #tpu.memory_space<vmem>>, vector<1x16xi32>,
      %get3A_251 = vector.shape_cast %get3A_250 : vector<1x16xi32> to vector<16xi32>
      %add3A_252 = arith.addi %mul3A_247, %get3A_251 : vector<16xi32>
      %mul3A_253 = arith.constant 2 : i32
      %mul3A_254 = vector.broadcast %mul3A_253 : i32 to vector<16xi32>
      %mul3A_255 = arith.muli %add3A_252, %mul3A_254 : vector<16xi32>
      %add3A_256 = vector.broadcast %arg0 : i32 to vector<16xi32>
      %add3A_257 = arith.addi %mul3A_255, %add3A_256 : vector<16xi32>
      %swap3A_258 = arith.index_cast %scan3A_88 : i32 to index
      %swap3A_259 = arith.constant 112 : index
      %swap3A_260 = tpu.vector_load %arg12[%swap3A_258, %swap3A_259] {strides = array<i32>} : memref<80x128xi32, #tpu.memory_space<vmem>>, vector<1x16xi32>,
      %swap3A_261 = vector.shape_cast %swap3A_260 : vector<1x16xi32> to vector<16xi32>
      %swap3A_262 = vector.shape_cast %add3A_257 : vector<16xi32> to vector<1x16xi32>
      tpu.vector_store %arg12[%swap3A_258, %swap3A_259], %swap3A_262 {strides = array<i32>} : memref<80x128xi32, #tpu.memory_space<vmem>>, vector<1x16xi32>,
    }
    %scan3A_30 = arith.constant 80 : i32
    %barrier3A = arith.constant 0 : index
    tpu.barrier barrier_id(%barrier3A)
    %dma_start3A = arith.constant 0 : i32
    %dma_start3A_31 = arith.constant 0 : i32
    %dma_start3A_32 = tpu.memref_slice %arg12[%dma_start3A, %dma_start3A_31] : memref<80x128xi32, #tpu.memory_space<vmem>> -> memref<1x128xi32, #tpu.memory_space<vmem>>
    %dma_start3A_33 = tpu.memref_squeeze %dma_start3A_32 : memref<1x128xi32, #tpu.memory_space<vmem>> -> memref<128xi32, #tpu.memory_space<vmem>>
    %dma_start3A_34 = arith.constant 0 : i32
    %dma_start3A_35 = arith.constant 0 : i32
    %dma_start3A_36 = tpu.memref_slice %arg2[%dma_start3A_34, %dma_start3A_35] : memref<160000x64xf32, #tpu.memory_space<hbm>> -> memref<160000x64xf32, #tpu.memory_space<hbm>>
    tpu.enqueue_indirect_dma source(%dma_start3A_36 : memref<160000x64xf32, #tpu.memory_space<hbm>>) target(%arg13 : memref<128x64xf32, #tpu.memory_space<vmem>>) offsets(%dma_start3A_33 : memref<128xi32, #tpu.memory_space<vmem>>) semaphore(%arg18 : memref<!tpu.dma_semaphore, #tpu.memory_space<semaphore_mem>>)
    %dma_start3A_37 = arith.constant 1 : i32
    %dma_start3A_38 = arith.constant 0 : i32
    %dma_start3A_39 = tpu.memref_slice %arg12[%dma_start3A_37, %dma_start3A_38] : memref<80x128xi32, #tpu.memory_space<vmem>> -> memref<1x128xi32, #tpu.memory_space<vmem>>
    %dma_start3A_40 = tpu.memref_squeeze %dma_start3A_39 : memref<1x128xi32, #tpu.memory_space<vmem>> -> memref<128xi32, #tpu.memory_space<vmem>>
    %dma_start3A_41 = arith.constant 0 : i32
    %dma_start3A_42 = arith.constant 0 : i32
    %dma_start3A_43 = tpu.memref_slice %arg2[%dma_start3A_41, %dma_start3A_42] : memref<160000x64xf32, #tpu.memory_space<hbm>> -> memref<160000x64xf32, #tpu.memory_space<hbm>>
    tpu.enqueue_indirect_dma source(%dma_start3A_43 : memref<160000x64xf32, #tpu.memory_space<hbm>>) target(%arg14 : memref<128x64xf32, #tpu.memory_space<vmem>>) offsets(%dma_start3A_40 : memref<128xi32, #tpu.memory_space<vmem>>) semaphore(%arg19 : memref<!tpu.dma_semaphore, #tpu.memory_space<semaphore_mem>>)
    %dma_start3A_44 = arith.constant 2 : i32
    %dma_start3A_45 = arith.constant 0 : i32
    %dma_start3A_46 = tpu.memref_slice %arg12[%dma_start3A_44, %dma_start3A_45] : memref<80x128xi32, #tpu.memory_space<vmem>> -> memref<1x128xi32, #tpu.memory_space<vmem>>
    %dma_start3A_47 = tpu.memref_squeeze %dma_start3A_46 : memref<1x128xi32, #tpu.memory_space<vmem>> -> memref<128xi32, #tpu.memory_space<vmem>>
    %dma_start3A_48 = arith.constant 0 : i32
    %dma_start3A_49 = arith.constant 0 : i32
    %dma_start3A_50 = tpu.memref_slice %arg2[%dma_start3A_48, %dma_start3A_49] : memref<160000x64xf32, #tpu.memory_space<hbm>> -> memref<160000x64xf32, #tpu.memory_space<hbm>>
    tpu.enqueue_indirect_dma source(%dma_start3A_50 : memref<160000x64xf32, #tpu.memory_space<hbm>>) target(%arg15 : memref<128x64xf32, #tpu.memory_space<vmem>>) offsets(%dma_start3A_47 : memref<128xi32, #tpu.memory_space<vmem>>) semaphore(%arg20 : memref<!tpu.dma_semaphore, #tpu.memory_space<semaphore_mem>>)
    %scan3A_51 = arith.constant 0 : i32
    %scan3A_52 = arith.constant 0 : i32
    %scan3A_53 = arith.constant 20 : i32
    %scan3A_54 = arith.addi %scan3A_52, %scan3A_53 : i32
    %scan3A_55 = arith.constant 1 : i32
    scf.for %scan3A_88 = %scan3A_52 to %scan3A_54 step %scan3A_55  : i32 {
      %mul3A_89 = arith.constant 4 : i32
      %mul3A_90 = arith.muli %scan3A_88, %mul3A_89 : i32
      %add3A_91 = arith.constant 0 : i32
      %add3A_92 = arith.addi %mul3A_90, %add3A_91 : i32
      %add3A_93 = arith.constant 4 : i32
      %add3A_94 = arith.addi %add3A_92, %add3A_93 : i32
      %sub3A = arith.constant 1 : i32
      %sub3A_95 = arith.subi %add3A_94, %sub3A : i32
      %lt3A = arith.constant 80 : i32
      %lt3A_96 = arith.cmpi slt, %sub3A_95, %lt3A : i32
      %convert_element_type3A = arith.extui %lt3A_96 : i1 to i32
      %cond3A = arith.constant 0 : i32
      %cond3A_97 = arith.cmpi ne, %convert_element_type3A, %cond3A : i32
      scf.if %cond3A_97 {
        %add3A_184 = arith.constant 4 : i32
        %add3A_185 = arith.addi %add3A_92, %add3A_184 : i32
        %sub3A_186 = arith.constant 1 : i32
        %sub3A_187 = arith.subi %add3A_185, %sub3A_186 : i32
        %dma_start3A_188 = arith.constant 0 : i32
        %dma_start3A_189 = tpu.memref_slice %arg12[%sub3A_187, %dma_start3A_188] : memref<80x128xi32, #tpu.memory_space<vmem>> -> memref<1x128xi32, #tpu.memory_space<vmem>>
        %dma_start3A_190 = tpu.memref_squeeze %dma_start3A_189 : memref<1x128xi32, #tpu.memory_space<vmem>> -> memref<128xi32, #tpu.memory_space<vmem>>
        %dma_start3A_191 = arith.constant 0 : i32
        %dma_start3A_192 = arith.constant 0 : i32
        %dma_start3A_193 = tpu.memref_slice %arg2[%dma_start3A_191, %dma_start3A_192] : memref<160000x64xf32, #tpu.memory_space<hbm>> -> memref<160000x64xf32, #tpu.memory_space<hbm>>
        tpu.enqueue_indirect_dma source(%dma_start3A_193 : memref<160000x64xf32, #tpu.memory_space<hbm>>) target(%arg16 : memref<128x64xf32, #tpu.memory_space<vmem>>) offsets(%dma_start3A_190 : memref<128xi32, #tpu.memory_space<vmem>>) semaphore(%arg21 : memref<!tpu.dma_semaphore, #tpu.memory_space<semaphore_mem>>)
      } else {
      }
      %dma_wait3A = arith.constant 0 : i32
      %dma_wait3A_98 = tpu.memref_slice %arg12[%add3A_92, %dma_wait3A] : memref<80x128xi32, #tpu.memory_space<vmem>> -> memref<1x128xi32, #tpu.memory_space<vmem>>
      %dma_wait3A_99 = tpu.memref_squeeze %dma_wait3A_98 : memref<1x128xi32, #tpu.memory_space<vmem>> -> memref<128xi32, #tpu.memory_space<vmem>>
      %dma_wait3A_100 = arith.constant 0 : i32
      %dma_wait3A_101 = arith.constant 0 : i32
      %dma_wait3A_102 = tpu.memref_slice %arg2[%dma_wait3A_100, %dma_wait3A_101] : memref<160000x64xf32, #tpu.memory_space<hbm>> -> memref<160000x64xf32, #tpu.memory_space<hbm>>
      tpu.wait_indirect_dma semaphore(%arg18 : memref<!tpu.dma_semaphore, #tpu.memory_space<semaphore_mem>>) src(%dma_wait3A_102 : memref<160000x64xf32, #tpu.memory_space<hbm>>) dst(%arg13 : memref<128x64xf32, #tpu.memory_space<vmem>>)
      %scan3A_103 = arith.constant 0 : i32
      %scan3A_104 = arith.constant 0 : i32
      %scan3A_105 = arith.constant 8 : i32
      %scan3A_106 = arith.addi %scan3A_104, %scan3A_105 : i32
      %scan3A_107 = arith.constant 1 : i32
      scf.for %scan3A_184 = %scan3A_104 to %scan3A_106 step %scan3A_107  : i32 {
        %mul3A_185 = arith.constant 16 : i32
        %mul3A_186 = arith.muli %scan3A_184, %mul3A_185 : i32
        %get3A = arith.index_cast %add3A_92 : i32 to index
        %get3A_187 = arith.index_cast %mul3A_186 : i32 to index
        %get3A_188 = tpu.vector_load %arg11[%get3A, %get3A_187] {strides = array<i32>} : memref<80x128xf32, #tpu.memory_space<vmem>>, vector<1x16xf32>,
        %get3A_189 = vector.shape_cast %get3A_188 : vector<1x16xf32> to vector<16xf32>
        %slice3A = vector.extract_strided_slice %get3A_189 {offsets = [0], sizes = [1], strides = [1]} : vector<16xf32> to vector<1xf32>
        %squeeze3A = vector.extract %slice3A[0] : f32 from vector<1xf32>
        %mul3A_190 = arith.constant 16 : i32
        %mul3A_191 = arith.muli %scan3A_184, %mul3A_190 : i32
        %add3A_192 = arith.constant 0 : i32
        %add3A_193 = arith.addi %mul3A_191, %add3A_192 : i32
        %get3A_194 = arith.index_cast %add3A_193 : i32 to index
        %get3A_195 = arith.constant 0 : index
        %get3A_196 = tpu.vector_load %arg13[%get3A_194, %get3A_195] {strides = array<i32>} : memref<128x64xf32, #tpu.memory_space<vmem>>, vector<1x16xf32>,
        %get3A_197 = vector.shape_cast %get3A_196 : vector<1x16xf32> to vector<16xf32>
        %mul3A_198 = vector.broadcast %squeeze3A : f32 to vector<16xf32>
        %mul3A_199 = arith.mulf %get3A_197, %mul3A_198 : vector<16xf32>
        %swap3A = arith.index_cast %add3A_193 : i32 to index
        %swap3A_200 = arith.constant 0 : index
        %swap3A_201 = tpu.vector_load %arg13[%swap3A, %swap3A_200] {strides = array<i32>} : memref<128x64xf32, #tpu.memory_space<vmem>>, vector<1x16xf32>,
        %swap3A_202 = vector.shape_cast %swap3A_201 : vector<1x16xf32> to vector<16xf32>
        %swap3A_203 = vector.shape_cast %mul3A_199 : vector<16xf32> to vector<1x16xf32>
        tpu.vector_store %arg13[%swap3A, %swap3A_200], %swap3A_203 {strides = array<i32>} : memref<128x64xf32, #tpu.memory_space<vmem>>, vector<1x16xf32>,
        %get3A_204 = arith.index_cast %add3A_193 : i32 to index
        %get3A_205 = arith.constant 16 : index
        %get3A_206 = tpu.vector_load %arg13[%get3A_204, %get3A_205] {strides = array<i32>} : memref<128x64xf32, #tpu.memory_space<vmem>>, vector<1x16xf32>,
        %get3A_207 = vector.shape_cast %get3A_206 : vector<1x16xf32> to vector<16xf32>
        %mul3A_208 = vector.broadcast %squeeze3A : f32 to vector<16xf32>
        %mul3A_209 = arith.mulf %get3A_207, %mul3A_208 : vector<16xf32>
        %swap3A_210 = arith.index_cast %add3A_193 : i32 to index
        %swap3A_211 = arith.constant 16 : index
        %swap3A_212 = tpu.vector_load %arg13[%swap3A_210, %swap3A_211] {strides = array<i32>} : memref<128x64xf32, #tpu.memory_space<vmem>>, vector<1x16xf32>,
        %swap3A_213 = vector.shape_cast %swap3A_212 : vector<1x16xf32> to vector<16xf32>
        %swap3A_214 = vector.shape_cast %mul3A_209 : vector<16xf32> to vector<1x16xf32>
        tpu.vector_store %arg13[%swap3A_210, %swap3A_211], %swap3A_214 {strides = array<i32>} : memref<128x64xf32, #tpu.memory_space<vmem>>, vector<1x16xf32>,
        %get3A_215 = arith.index_cast %add3A_193 : i32 to index
        %get3A_216 = arith.constant 32 : index
        %get3A_217 = tpu.vector_load %arg13[%get3A_215, %get3A_216] {strides = array<i32>} : memref<128x64xf32, #tpu.memory_space<vmem>>, vector<1x16xf32>,
        %get3A_218 = vector.shape_cast %get3A_217 : vector<1x16xf32> to vector<16xf32>
        %mul3A_219 = vector.broadcast %squeeze3A : f32 to vector<16xf32>
        %mul3A_220 = arith.mulf %get3A_218, %mul3A_219 : vector<16xf32>
        %swap3A_221 = arith.index_cast %add3A_193 : i32 to index
        %swap3A_222 = arith.constant 32 : index
        %swap3A_223 = tpu.vector_load %arg13[%swap3A_221, %swap3A_222] {strides = array<i32>} : memref<128x64xf32, #tpu.memory_space<vmem>>, vector<1x16xf32>,
        %swap3A_224 = vector.shape_cast %swap3A_223 : vector<1x16xf32> to vector<16xf32>
        %swap3A_225 = vector.shape_cast %mul3A_220 : vector<16xf32> to vector<1x16xf32>
        tpu.vector_store %arg13[%swap3A_221, %swap3A_222], %swap3A_225 {strides = array<i32>} : memref<128x64xf32, #tpu.memory_space<vmem>>, vector<1x16xf32>,
        %get3A_226 = arith.index_cast %add3A_193 : i32 to index
        %get3A_227 = arith.constant 48 : index
        %get3A_228 = tpu.vector_load %arg13[%get3A_226, %get3A_227] {strides = array<i32>} : memref<128x64xf32, #tpu.memory_space<vmem>>, vector<1x16xf32>,
        %get3A_229 = vector.shape_cast %get3A_228 : vector<1x16xf32> to vector<16xf32>
        %mul3A_230 = vector.broadcast %squeeze3A : f32 to vector<16xf32>
        %mul3A_231 = arith.mulf %get3A_229, %mul3A_230 : vector<16xf32>
        %swap3A_232 = arith.index_cast %add3A_193 : i32 to index
        %swap3A_233 = arith.constant 48 : index
        %swap3A_234 = tpu.vector_load %arg13[%swap3A_232, %swap3A_233] {strides = array<i32>} : memref<128x64xf32, #tpu.memory_space<vmem>>, vector<1x16xf32>,
        %swap3A_235 = vector.shape_cast %swap3A_234 : vector<1x16xf32> to vector<16xf32>
        %swap3A_236 = vector.shape_cast %mul3A_231 : vector<16xf32> to vector<1x16xf32>
        tpu.vector_store %arg13[%swap3A_232, %swap3A_233], %swap3A_236 {strides = array<i32>} : memref<128x64xf32, #tpu.memory_space<vmem>>, vector<1x16xf32>,
        %slice3A_237 = vector.extract_strided_slice %get3A_189 {offsets = [1], sizes = [1], strides = [1]} : vector<16xf32> to vector<1xf32>
        %squeeze3A_238 = vector.extract %slice3A_237[0] : f32 from vector<1xf32>
        %mul3A_239 = arith.constant 16 : i32
        %mul3A_240 = arith.muli %scan3A_184, %mul3A_239 : i32
        %add3A_241 = arith.constant 1 : i32
        %add3A_242 = arith.addi %mul3A_240, %add3A_241 : i32
        %get3A_243 = arith.index_cast %add3A_242 : i32 to index
        %get3A_244 = arith.constant 0 : index
        %get3A_245 = tpu.vector_load %arg13[%get3A_243, %get3A_244] {strides = array<i32>} : memref<128x64xf32, #tpu.memory_space<vmem>>, vector<1x16xf32>,
        %get3A_246 = vector.shape_cast %get3A_245 : vector<1x16xf32> to vector<16xf32>
        %mul3A_247 = vector.broadcast %squeeze3A_238 : f32 to vector<16xf32>
        %mul3A_248 = arith.mulf %get3A_246, %mul3A_247 : vector<16xf32>
        %swap3A_249 = arith.index_cast %add3A_242 : i32 to index
        %swap3A_250 = arith.constant 0 : index
        %swap3A_251 = tpu.vector_load %arg13[%swap3A_249, %swap3A_250] {strides = array<i32>} : memref<128x64xf32, #tpu.memory_space<vmem>>, vector<1x16xf32>,
        %swap3A_252 = vector.shape_cast %swap3A_251 : vector<1x16xf32> to vector<16xf32>
        %swap3A_253 = vector.shape_cast %mul3A_248 : vector<16xf32> to vector<1x16xf32>
        tpu.vector_store %arg13[%swap3A_249, %swap3A_250], %swap3A_253 {strides = array<i32>} : memref<128x64xf32, #tpu.memory_space<vmem>>, vector<1x16xf32>,
        %get3A_254 = arith.index_cast %add3A_242 : i32 to index
        %get3A_255 = arith.constant 16 : index
        %get3A_256 = tpu.vector_load %arg13[%get3A_254, %get3A_255] {strides = array<i32>} : memref<128x64xf32, #tpu.memory_space<vmem>>, vector<1x16xf32>,
        %get3A_257 = vector.shape_cast %get3A_256 : vector<1x16xf32> to vector<16xf32>
        %mul3A_258 = vector.broadcast %squeeze3A_238 : f32 to vector<16xf32>
        %mul3A_259 = arith.mulf %get3A_257, %mul3A_258 : vector<16xf32>
        %swap3A_260 = arith.index_cast %add3A_242 : i32 to index
        %swap3A_261 = arith.constant 16 : index
        %swap3A_262 = tpu.vector_load %arg13[%swap3A_260, %swap3A_261] {strides = array<i32>} : memref<128x64xf32, #tpu.memory_space<vmem>>, vector<1x16xf32>,
        %swap3A_263 = vector.shape_cast %swap3A_262 : vector<1x16xf32> to vector<16xf32>
        %swap3A_264 = vector.shape_cast %mul3A_259 : vector<16xf32> to vector<1x16xf32>
        tpu.vector_store %arg13[%swap3A_260, %swap3A_261], %swap3A_264 {strides = array<i32>} : memref<128x64xf32, #tpu.memory_space<vmem>>, vector<1x16xf32>,
        %get3A_265 = arith.index_cast %add3A_242 : i32 to index
        %get3A_266 = arith.constant 32 : index
        %get3A_267 = tpu.vector_load %arg13[%get3A_265, %get3A_266] {strides = array<i32>} : memref<128x64xf32, #tpu.memory_space<vmem>>, vector<1x16xf32>,
        %get3A_268 = vector.shape_cast %get3A_267 : vector<1x16xf32> to vector<16xf32>
        %mul3A_269 = vector.broadcast %squeeze3A_238 : f32 to vector<16xf32>
        %mul3A_270 = arith.mulf %get3A_268, %mul3A_269 : vector<16xf32>
        %swap3A_271 = arith.index_cast %add3A_242 : i32 to index
        %swap3A_272 = arith.constant 32 : index
        %swap3A_273 = tpu.vector_load %arg13[%swap3A_271, %swap3A_272] {strides = array<i32>} : memref<128x64xf32, #tpu.memory_space<vmem>>, vector<1x16xf32>,
        %swap3A_274 = vector.shape_cast %swap3A_273 : vector<1x16xf32> to vector<16xf32>
        %swap3A_275 = vector.shape_cast %mul3A_270 : vector<16xf32> to vector<1x16xf32>
        tpu.vector_store %arg13[%swap3A_271, %swap3A_272], %swap3A_275 {strides = array<i32>} : memref<128x64xf32, #tpu.memory_space<vmem>>, vector<1x16xf32>,
        %get3A_276 = arith.index_cast %add3A_242 : i32 to index
        %get3A_277 = arith.constant 48 : index
        %get3A_278 = tpu.vector_load %arg13[%get3A_276, %get3A_277] {strides = array<i32>} : memref<128x64xf32, #tpu.memory_space<vmem>>, vector<1x16xf32>,
        %get3A_279 = vector.shape_cast %get3A_278 : vector<1x16xf32> to vector<16xf32>
        %mul3A_280 = vector.broadcast %squeeze3A_238 : f32 to vector<16xf32>
        %mul3A_281 = arith.mulf %get3A_279, %mul3A_280 : vector<16xf32>
        %swap3A_282 = arith.index_cast %add3A_242 : i32 to index
        %swap3A_283 = arith.constant 48 : index
        %swap3A_284 = tpu.vector_load %arg13[%swap3A_282, %swap3A_283] {strides = array<i32>} : memref<128x64xf32, #tpu.memory_space<vmem>>, vector<1x16xf32>,
        %swap3A_285 = vector.shape_cast %swap3A_284 : vector<1x16xf32> to vector<16xf32>
        %swap3A_286 = vector.shape_cast %mul3A_281 : vector<16xf32> to vector<1x16xf32>
        tpu.vector_store %arg13[%swap3A_282, %swap3A_283], %swap3A_286 {strides = array<i32>} : memref<128x64xf32, #tpu.memory_space<vmem>>, vector<1x16xf32>,
        %slice3A_287 = vector.extract_strided_slice %get3A_189 {offsets = [2], sizes = [1], strides = [1]} : vector<16xf32> to vector<1xf32>
        %squeeze3A_288 = vector.extract %slice3A_287[0] : f32 from vector<1xf32>
        %mul3A_289 = arith.constant 16 : i32
        %mul3A_290 = arith.muli %scan3A_184, %mul3A_289 : i32
        %add3A_291 = arith.constant 2 : i32
        %add3A_292 = arith.addi %mul3A_290, %add3A_291 : i32
        %get3A_293 = arith.index_cast %add3A_292 : i32 to index
        %get3A_294 = arith.constant 0 : index
        %get3A_295 = tpu.vector_load %arg13[%get3A_293, %get3A_294] {strides = array<i32>} : memref<128x64xf32, #tpu.memory_space<vmem>>, vector<1x16xf32>,
        %get3A_296 = vector.shape_cast %get3A_295 : vector<1x16xf32> to vector<16xf32>
        %mul3A_297 = vector.broadcast %squeeze3A_288 : f32 to vector<16xf32>
        %mul3A_298 = arith.mulf %get3A_296, %mul3A_297 : vector<16xf32>
        %swap3A_299 = arith.index_cast %add3A_292 : i32 to index
        %swap3A_300 = arith.constant 0 : index
        %swap3A_301 = tpu.vector_load %arg13[%swap3A_299, %swap3A_300] {strides = array<i32>} : memref<128x64xf32, #tpu.memory_space<vmem>>, vector<1x16xf32>,
        %swap3A_302 = vector.shape_cast %swap3A_301 : vector<1x16xf32> to vector<16xf32>
        %swap3A_303 = vector.shape_cast %mul3A_298 : vector<16xf32> to vector<1x16xf32>
        tpu.vector_store %arg13[%swap3A_299, %swap3A_300], %swap3A_303 {strides = array<i32>} : memref<128x64xf32, #tpu.memory_space<vmem>>, vector<1x16xf32>,
        %get3A_304 = arith.index_cast %add3A_292 : i32 to index
        %get3A_305 = arith.constant 16 : index
        %get3A_306 = tpu.vector_load %arg13[%get3A_304, %get3A_305] {strides = array<i32>} : memref<128x64xf32, #tpu.memory_space<vmem>>, vector<1x16xf32>,
        %get3A_307 = vector.shape_cast %get3A_306 : vector<1x16xf32> to vector<16xf32>
        %mul3A_308 = vector.broadcast %squeeze3A_288 : f32 to vector<16xf32>
        %mul3A_309 = arith.mulf %get3A_307, %mul3A_308 : vector<16xf32>
        %swap3A_310 = arith.index_cast %add3A_292 : i32 to index
        %swap3A_311 = arith.constant 16 : index
        %swap3A_312 = tpu.vector_load %arg13[%swap3A_310, %swap3A_311] {strides = array<i32>} : memref<128x64xf32, #tpu.memory_space<vmem>>, vector<1x16xf32>,
        %swap3A_313 = vector.shape_cast %swap3A_312 : vector<1x16xf32> to vector<16xf32>
        %swap3A_314 = vector.shape_cast %mul3A_309 : vector<16xf32> to vector<1x16xf32>
        tpu.vector_store %arg13[%swap3A_310, %swap3A_311], %swap3A_314 {strides = array<i32>} : memref<128x64xf32, #tpu.memory_space<vmem>>, vector<1x16xf32>,
        %get3A_315 = arith.index_cast %add3A_292 : i32 to index
        %get3A_316 = arith.constant 32 : index
        %get3A_317 = tpu.vector_load %arg13[%get3A_315, %get3A_316] {strides = array<i32>} : memref<128x64xf32, #tpu.memory_space<vmem>>, vector<1x16xf32>,
        %get3A_318 = vector.shape_cast %get3A_317 : vector<1x16xf32> to vector<16xf32>
        %mul3A_319 = vector.broadcast %squeeze3A_288 : f32 to vector<16xf32>
        %mul3A_320 = arith.mulf %get3A_318, %mul3A_319 : vector<16xf32>
        %swap3A_321 = arith.index_cast %add3A_292 : i32 to index
        %swap3A_322 = arith.constant 32 : index
        %swap3A_323 = tpu.vector_load %arg13[%swap3A_321, %swap3A_322] {strides = array<i32>} : memref<128x64xf32, #tpu.memory_space<vmem>>, vector<1x16xf32>,
        %swap3A_324 = vector.shape_cast %swap3A_323 : vector<1x16xf32> to vector<16xf32>
        %swap3A_325 = vector.shape_cast %mul3A_320 : vector<16xf32> to vector<1x16xf32>
        tpu.vector_store %arg13[%swap3A_321, %swap3A_322], %swap3A_325 {strides = array<i32>} : memref<128x64xf32, #tpu.memory_space<vmem>>, vector<1x16xf32>,
        %get3A_326 = arith.index_cast %add3A_292 : i32 to index
        %get3A_327 = arith.constant 48 : index
        %get3A_328 = tpu.vector_load %arg13[%get3A_326, %get3A_327] {strides = array<i32>} : memref<128x64xf32, #tpu.memory_space<vmem>>, vector<1x16xf32>,
        %get3A_329 = vector.shape_cast %get3A_328 : vector<1x16xf32> to vector<16xf32>
        %mul3A_330 = vector.broadcast %squeeze3A_288 : f32 to vector<16xf32>
        %mul3A_331 = arith.mulf %get3A_329, %mul3A_330 : vector<16xf32>
        %swap3A_332 = arith.index_cast %add3A_292 : i32 to index
        %swap3A_333 = arith.constant 48 : index
        %swap3A_334 = tpu.vector_load %arg13[%swap3A_332, %swap3A_333] {strides = array<i32>} : memref<128x64xf32, #tpu.memory_space<vmem>>, vector<1x16xf32>,
        %swap3A_335 = vector.shape_cast %swap3A_334 : vector<1x16xf32> to vector<16xf32>
        %swap3A_336 = vector.shape_cast %mul3A_331 : vector<16xf32> to vector<1x16xf32>
        tpu.vector_store %arg13[%swap3A_332, %swap3A_333], %swap3A_336 {strides = array<i32>} : memref<128x64xf32, #tpu.memory_space<vmem>>, vector<1x16xf32>,
        %slice3A_337 = vector.extract_strided_slice %get3A_189 {offsets = [3], sizes = [1], strides = [1]} : vector<16xf32> to vector<1xf32>
        %squeeze3A_338 = vector.extract %slice3A_337[0] : f32 from vector<1xf32>
        %mul3A_339 = arith.constant 16 : i32
        %mul3A_340 = arith.muli %scan3A_184, %mul3A_339 : i32
        %add3A_341 = arith.constant 3 : i32
        %add3A_342 = arith.addi %mul3A_340, %add3A_341 : i32
        %get3A_343 = arith.index_cast %add3A_342 : i32 to index
        %get3A_344 = arith.constant 0 : index
        %get3A_345 = tpu.vector_load %arg13[%get3A_343, %get3A_344] {strides = array<i32>} : memref<128x64xf32, #tpu.memory_space<vmem>>, vector<1x16xf32>,
        %get3A_346 = vector.shape_cast %get3A_345 : vector<1x16xf32> to vector<16xf32>
        %mul3A_347 = vector.broadcast %squeeze3A_338 : f32 to vector<16xf32>
        %mul3A_348 = arith.mulf %get3A_346, %mul3A_347 : vector<16xf32>
        %swap3A_349 = arith.index_cast %add3A_342 : i32 to index
        %swap3A_350 = arith.constant 0 : index
        %swap3A_351 = tpu.vector_load %arg13[%swap3A_349, %swap3A_350] {strides = array<i32>} : memref<128x64xf32, #tpu.memory_space<vmem>>, vector<1x16xf32>,
        %swap3A_352 = vector.shape_cast %swap3A_351 : vector<1x16xf32> to vector<16xf32>
        %swap3A_353 = vector.shape_cast %mul3A_348 : vector<16xf32> to vector<1x16xf32>
        tpu.vector_store %arg13[%swap3A_349, %swap3A_350], %swap3A_353 {strides = array<i32>} : memref<128x64xf32, #tpu.memory_space<vmem>>, vector<1x16xf32>,
        %get3A_354 = arith.index_cast %add3A_342 : i32 to index
        %get3A_355 = arith.constant 16 : index
        %get3A_356 = tpu.vector_load %arg13[%get3A_354, %get3A_355] {strides = array<i32>} : memref<128x64xf32, #tpu.memory_space<vmem>>, vector<1x16xf32>,
        %get3A_357 = vector.shape_cast %get3A_356 : vector<1x16xf32> to vector<16xf32>
        %mul3A_358 = vector.broadcast %squeeze3A_338 : f32 to vector<16xf32>
        %mul3A_359 = arith.mulf %get3A_357, %mul3A_358 : vector<16xf32>
        %swap3A_360 = arith.index_cast %add3A_342 : i32 to index
        %swap3A_361 = arith.constant 16 : index
        %swap3A_362 = tpu.vector_load %arg13[%swap3A_360, %swap3A_361] {strides = array<i32>} : memref<128x64xf32, #tpu.memory_space<vmem>>, vector<1x16xf32>,
        %swap3A_363 = vector.shape_cast %swap3A_362 : vector<1x16xf32> to vector<16xf32>
        %swap3A_364 = vector.shape_cast %mul3A_359 : vector<16xf32> to vector<1x16xf32>
        tpu.vector_store %arg13[%swap3A_360, %swap3A_361], %swap3A_364 {strides = array<i32>} : memref<128x64xf32, #tpu.memory_space<vmem>>, vector<1x16xf32>,
        %get3A_365 = arith.index_cast %add3A_342 : i32 to index
        %get3A_366 = arith.constant 32 : index
        %get3A_367 = tpu.vector_load %arg13[%get3A_365, %get3A_366] {strides = array<i32>} : memref<128x64xf32, #tpu.memory_space<vmem>>, vector<1x16xf32>,
        %get3A_368 = vector.shape_cast %get3A_367 : vector<1x16xf32> to vector<16xf32>
        %mul3A_369 = vector.broadcast %squeeze3A_338 : f32 to vector<16xf32>
        %mul3A_370 = arith.mulf %get3A_368, %mul3A_369 : vector<16xf32>
        %swap3A_371 = arith.index_cast %add3A_342 : i32 to index
        %swap3A_372 = arith.constant 32 : index
        %swap3A_373 = tpu.vector_load %arg13[%swap3A_371, %swap3A_372] {strides = array<i32>} : memref<128x64xf32, #tpu.memory_space<vmem>>, vector<1x16xf32>,
        %swap3A_374 = vector.shape_cast %swap3A_373 : vector<1x16xf32> to vector<16xf32>
        %swap3A_375 = vector.shape_cast %mul3A_370 : vector<16xf32> to vector<1x16xf32>
        tpu.vector_store %arg13[%swap3A_371, %swap3A_372], %swap3A_375 {strides = array<i32>} : memref<128x64xf32, #tpu.memory_space<vmem>>, vector<1x16xf32>,
        %get3A_376 = arith.index_cast %add3A_342 : i32 to index
        %get3A_377 = arith.constant 48 : index
        %get3A_378 = tpu.vector_load %arg13[%get3A_376, %get3A_377] {strides = array<i32>} : memref<128x64xf32, #tpu.memory_space<vmem>>, vector<1x16xf32>,
        %get3A_379 = vector.shape_cast %get3A_378 : vector<1x16xf32> to vector<16xf32>
        %mul3A_380 = vector.broadcast %squeeze3A_338 : f32 to vector<16xf32>
        %mul3A_381 = arith.mulf %get3A_379, %mul3A_380 : vector<16xf32>
        %swap3A_382 = arith.index_cast %add3A_342 : i32 to index
        %swap3A_383 = arith.constant 48 : index
        %swap3A_384 = tpu.vector_load %arg13[%swap3A_382, %swap3A_383] {strides = array<i32>} : memref<128x64xf32, #tpu.memory_space<vmem>>, vector<1x16xf32>,
        %swap3A_385 = vector.shape_cast %swap3A_384 : vector<1x16xf32> to vector<16xf32>
        %swap3A_386 = vector.shape_cast %mul3A_381 : vector<16xf32> to vector<1x16xf32>
        tpu.vector_store %arg13[%swap3A_382, %swap3A_383], %swap3A_386 {strides = array<i32>} : memref<128x64xf32, #tpu.memory_space<vmem>>, vector<1x16xf32>,
        %slice3A_387 = vector.extract_strided_slice %get3A_189 {offsets = [4], sizes = [1], strides = [1]} : vector<16xf32> to vector<1xf32>
        %squeeze3A_388 = vector.extract %slice3A_387[0] : f32 from vector<1xf32>
        %mul3A_389 = arith.constant 16 : i32
        %mul3A_390 = arith.muli %scan3A_184, %mul3A_389 : i32
        %add3A_391 = arith.constant 4 : i32
        %add3A_392 = arith.addi %mul3A_390, %add3A_391 : i32
        %get3A_393 = arith.index_cast %add3A_392 : i32 to index
        %get3A_394 = arith.constant 0 : index
        %get3A_395 = tpu.vector_load %arg13[%get3A_393, %get3A_394] {strides = array<i32>} : memref<128x64xf32, #tpu.memory_space<vmem>>, vector<1x16xf32>,
        %get3A_396 = vector.shape_cast %get3A_395 : vector<1x16xf32> to vector<16xf32>
        %mul3A_397 = vector.broadcast %squeeze3A_388 : f32 to vector<16xf32>
        %mul3A_398 = arith.mulf %get3A_396, %mul3A_397 : vector<16xf32>
        %swap3A_399 = arith.index_cast %add3A_392 : i32 to index
        %swap3A_400 = arith.constant 0 : index
        %swap3A_401 = tpu.vector_load %arg13[%swap3A_399, %swap3A_400] {strides = array<i32>} : memref<128x64xf32, #tpu.memory_space<vmem>>, vector<1x16xf32>,
        %swap3A_402 = vector.shape_cast %swap3A_401 : vector<1x16xf32> to vector<16xf32>
        %swap3A_403 = vector.shape_cast %mul3A_398 : vector<16xf32> to vector<1x16xf32>
        tpu.vector_store %arg13[%swap3A_399, %swap3A_400], %swap3A_403 {strides = array<i32>} : memref<128x64xf32, #tpu.memory_space<vmem>>, vector<1x16xf32>,
        %get3A_404 = arith.index_cast %add3A_392 : i32 to index
        %get3A_405 = arith.constant 16 : index
        %get3A_406 = tpu.vector_load %arg13[%get3A_404, %get3A_405] {strides = array<i32>} : memref<128x64xf32, #tpu.memory_space<vmem>>, vector<1x16xf32>,
        %get3A_407 = vector.shape_cast %get3A_406 : vector<1x16xf32> to vector<16xf32>
        %mul3A_408 = vector.broadcast %squeeze3A_388 : f32 to vector<16xf32>
        %mul3A_409 = arith.mulf %get3A_407, %mul3A_408 : vector<16xf32>
        %swap3A_410 = arith.index_cast %add3A_392 : i32 to index
        %swap3A_411 = arith.constant 16 : index
        %swap3A_412 = tpu.vector_load %arg13[%swap3A_410, %swap3A_411] {strides = array<i32>} : memref<128x64xf32, #tpu.memory_space<vmem>>, vector<1x16xf32>,
        %swap3A_413 = vector.shape_cast %swap3A_412 : vector<1x16xf32> to vector<16xf32>
        %swap3A_414 = vector.shape_cast %mul3A_409 : vector<16xf32> to vector<1x16xf32>
        tpu.vector_store %arg13[%swap3A_410, %swap3A_411], %swap3A_414 {strides = array<i32>} : memref<128x64xf32, #tpu.memory_space<vmem>>, vector<1x16xf32>,
        %get3A_415 = arith.index_cast %add3A_392 : i32 to index
        %get3A_416 = arith.constant 32 : index
        %get3A_417 = tpu.vector_load %arg13[%get3A_415, %get3A_416] {strides = array<i32>} : memref<128x64xf32, #tpu.memory_space<vmem>>, vector<1x16xf32>,
        %get3A_418 = vector.shape_cast %get3A_417 : vector<1x16xf32> to vector<16xf32>
        %mul3A_419 = vector.broadcast %squeeze3A_388 : f32 to vector<16xf32>
        %mul3A_420 = arith.mulf %get3A_418, %mul3A_419 : vector<16xf32>
        %swap3A_421 = arith.index_cast %add3A_392 : i32 to index
        %swap3A_422 = arith.constant 32 : index
        %swap3A_423 = tpu.vector_load %arg13[%swap3A_421, %swap3A_422] {strides = array<i32>} : memref<128x64xf32, #tpu.memory_space<vmem>>, vector<1x16xf32>,
        %swap3A_424 = vector.shape_cast %swap3A_423 : vector<1x16xf32> to vector<16xf32>
        %swap3A_425 = vector.shape_cast %mul3A_420 : vector<16xf32> to vector<1x16xf32>
        tpu.vector_store %arg13[%swap3A_421, %swap3A_422], %swap3A_425 {strides = array<i32>} : memref<128x64xf32, #tpu.memory_space<vmem>>, vector<1x16xf32>,
        %get3A_426 = arith.index_cast %add3A_392 : i32 to index
        %get3A_427 = arith.constant 48 : index
        %get3A_428 = tpu.vector_load %arg13[%get3A_426, %get3A_427] {strides = array<i32>} : memref<128x64xf32, #tpu.memory_space<vmem>>, vector<1x16xf32>,
        %get3A_429 = vector.shape_cast %get3A_428 : vector<1x16xf32> to vector<16xf32>
        %mul3A_430 = vector.broadcast %squeeze3A_388 : f32 to vector<16xf32>
        %mul3A_431 = arith.mulf %get3A_429, %mul3A_430 : vector<16xf32>
        %swap3A_432 = arith.index_cast %add3A_392 : i32 to index
        %swap3A_433 = arith.constant 48 : index
        %swap3A_434 = tpu.vector_load %arg13[%swap3A_432, %swap3A_433] {strides = array<i32>} : memref<128x64xf32, #tpu.memory_space<vmem>>, vector<1x16xf32>,
        %swap3A_435 = vector.shape_cast %swap3A_434 : vector<1x16xf32> to vector<16xf32>
        %swap3A_436 = vector.shape_cast %mul3A_431 : vector<16xf32> to vector<1x16xf32>
        tpu.vector_store %arg13[%swap3A_432, %swap3A_433], %swap3A_436 {strides = array<i32>} : memref<128x64xf32, #tpu.memory_space<vmem>>, vector<1x16xf32>,
        %slice3A_437 = vector.extract_strided_slice %get3A_189 {offsets = [5], sizes = [1], strides = [1]} : vector<16xf32> to vector<1xf32>
        %squeeze3A_438 = vector.extract %slice3A_437[0] : f32 from vector<1xf32>
        %mul3A_439 = arith.constant 16 : i32
        %mul3A_440 = arith.muli %scan3A_184, %mul3A_439 : i32
        %add3A_441 = arith.constant 5 : i32
        %add3A_442 = arith.addi %mul3A_440, %add3A_441 : i32
        %get3A_443 = arith.index_cast %add3A_442 : i32 to index
        %get3A_444 = arith.constant 0 : index
        %get3A_445 = tpu.vector_load %arg13[%get3A_443, %get3A_444] {strides = array<i32>} : memref<128x64xf32, #tpu.memory_space<vmem>>, vector<1x16xf32>,
        %get3A_446 = vector.shape_cast %get3A_445 : vector<1x16xf32> to vector<16xf32>
        %mul3A_447 = vector.broadcast %squeeze3A_438 : f32 to vector<16xf32>
        %mul3A_448 = arith.mulf %get3A_446, %mul3A_447 : vector<16xf32>
        %swap3A_449 = arith.index_cast %add3A_442 : i32 to index
        %swap3A_450 = arith.constant 0 : index
        %swap3A_451 = tpu.vector_load %arg13[%swap3A_449, %swap3A_450] {strides = array<i32>} : memref<128x64xf32, #tpu.memory_space<vmem>>, vector<1x16xf32>,
        %swap3A_452 = vector.shape_cast %swap3A_451 : vector<1x16xf32> to vector<16xf32>
        %swap3A_453 = vector.shape_cast %mul3A_448 : vector<16xf32> to vector<1x16xf32>
        tpu.vector_store %arg13[%swap3A_449, %swap3A_450], %swap3A_453 {strides = array<i32>} : memref<128x64xf32, #tpu.memory_space<vmem>>, vector<1x16xf32>,
        %get3A_454 = arith.index_cast %add3A_442 : i32 to index
        %get3A_455 = arith.constant 16 : index
        %get3A_456 = tpu.vector_load %arg13[%get3A_454, %get3A_455] {strides = array<i32>} : memref<128x64xf32, #tpu.memory_space<vmem>>, vector<1x16xf32>,
        %get3A_457 = vector.shape_cast %get3A_456 : vector<1x16xf32> to vector<16xf32>
        %mul3A_458 = vector.broadcast %squeeze3A_438 : f32 to vector<16xf32>
        %mul3A_459 = arith.mulf %get3A_457, %mul3A_458 : vector<16xf32>
        %swap3A_460 = arith.index_cast %add3A_442 : i32 to index
        %swap3A_461 = arith.constant 16 : index
        %swap3A_462 = tpu.vector_load %arg13[%swap3A_460, %swap3A_461] {strides = array<i32>} : memref<128x64xf32, #tpu.memory_space<vmem>>, vector<1x16xf32>,
        %swap3A_463 = vector.shape_cast %swap3A_462 : vector<1x16xf32> to vector<16xf32>
        %swap3A_464 = vector.shape_cast %mul3A_459 : vector<16xf32> to vector<1x16xf32>
        tpu.vector_store %arg13[%swap3A_460, %swap3A_461], %swap3A_464 {strides = array<i32>} : memref<128x64xf32, #tpu.memory_space<vmem>>, vector<1x16xf32>,
        %get3A_465 = arith.index_cast %add3A_442 : i32 to index
        %get3A_466 = arith.constant 32 : index
        %get3A_467 = tpu.vector_load %arg13[%get3A_465, %get3A_466] {strides = array<i32>} : memref<128x64xf32, #tpu.memory_space<vmem>>, vector<1x16xf32>,
        %get3A_468 = vector.shape_cast %get3A_467 : vector<1x16xf32> to vector<16xf32>
        %mul3A_469 = vector.broadcast %squeeze3A_438 : f32 to vector<16xf32>
        %mul3A_470 = arith.mulf %get3A_468, %mul3A_469 : vector<16xf32>
        %swap3A_471 = arith.index_cast %add3A_442 : i32 to index
        %swap3A_472 = arith.constant 32 : index
        %swap3A_473 = tpu.vector_load %arg13[%swap3A_471, %swap3A_472] {strides = array<i32>} : memref<128x64xf32, #tpu.memory_space<vmem>>, vector<1x16xf32>,
        %swap3A_474 = vector.shape_cast %swap3A_473 : vector<1x16xf32> to vector<16xf32>
        %swap3A_475 = vector.shape_cast %mul3A_470 : vector<16xf32> to vector<1x16xf32>
        tpu.vector_store %arg13[%swap3A_471, %swap3A_472], %swap3A_475 {strides = array<i32>} : memref<128x64xf32, #tpu.memory_space<vmem>>, vector<1x16xf32>,
        %get3A_476 = arith.index_cast %add3A_442 : i32 to index
        %get3A_477 = arith.constant 48 : index
        %get3A_478 = tpu.vector_load %arg13[%get3A_476, %get3A_477] {strides = array<i32>} : memref<128x64xf32, #tpu.memory_space<vmem>>, vector<1x16xf32>,
        %get3A_479 = vector.shape_cast %get3A_478 : vector<1x16xf32> to vector<16xf32>
        %mul3A_480 = vector.broadcast %squeeze3A_438 : f32 to vector<16xf32>
        %mul3A_481 = arith.mulf %get3A_479, %mul3A_480 : vector<16xf32>
        %swap3A_482 = arith.index_cast %add3A_442 : i32 to index
        %swap3A_483 = arith.constant 48 : index
        %swap3A_484 = tpu.vector_load %arg13[%swap3A_482, %swap3A_483] {strides = array<i32>} : memref<128x64xf32, #tpu.memory_space<vmem>>, vector<1x16xf32>,
        %swap3A_485 = vector.shape_cast %swap3A_484 : vector<1x16xf32> to vector<16xf32>
        %swap3A_486 = vector.shape_cast %mul3A_481 : vector<16xf32> to vector<1x16xf32>
        tpu.vector_store %arg13[%swap3A_482, %swap3A_483], %swap3A_486 {strides = array<i32>} : memref<128x64xf32, #tpu.memory_space<vmem>>, vector<1x16xf32>,
        %slice3A_487 = vector.extract_strided_slice %get3A_189 {offsets = [6], sizes = [1], strides = [1]} : vector<16xf32> to vector<1xf32>
        %squeeze3A_488 = vector.extract %slice3A_487[0] : f32 from vector<1xf32>
        %mul3A_489 = arith.constant 16 : i32
        %mul3A_490 = arith.muli %scan3A_184, %mul3A_489 : i32
        %add3A_491 = arith.constant 6 : i32
        %add3A_492 = arith.addi %mul3A_490, %add3A_491 : i32
        %get3A_493 = arith.index_cast %add3A_492 : i32 to index
        %get3A_494 = arith.constant 0 : index
        %get3A_495 = tpu.vector_load %arg13[%get3A_493, %get3A_494] {strides = array<i32>} : memref<128x64xf32, #tpu.memory_space<vmem>>, vector<1x16xf32>,
        %get3A_496 = vector.shape_cast %get3A_495 : vector<1x16xf32> to vector<16xf32>
        %mul3A_497 = vector.broadcast %squeeze3A_488 : f32 to vector<16xf32>
        %mul3A_498 = arith.mulf %get3A_496, %mul3A_497 : vector<16xf32>
        %swap3A_499 = arith.index_cast %add3A_492 : i32 to index
        %swap3A_500 = arith.constant 0 : index
        %swap3A_501 = tpu.vector_load %arg13[%swap3A_499, %swap3A_500] {strides = array<i32>} : memref<128x64xf32, #tpu.memory_space<vmem>>, vector<1x16xf32>,
        %swap3A_502 = vector.shape_cast %swap3A_501 : vector<1x16xf32> to vector<16xf32>
        %swap3A_503 = vector.shape_cast %mul3A_498 : vector<16xf32> to vector<1x16xf32>
        tpu.vector_store %arg13[%swap3A_499, %swap3A_500], %swap3A_503 {strides = array<i32>} : memref<128x64xf32, #tpu.memory_space<vmem>>, vector<1x16xf32>,
        %get3A_504 = arith.index_cast %add3A_492 : i32 to index
        %get3A_505 = arith.constant 16 : index
        %get3A_506 = tpu.vector_load %arg13[%get3A_504, %get3A_505] {strides = array<i32>} : memref<128x64xf32, #tpu.memory_space<vmem>>, vector<1x16xf32>,
        %get3A_507 = vector.shape_cast %get3A_506 : vector<1x16xf32> to vector<16xf32>
        %mul3A_508 = vector.broadcast %squeeze3A_488 : f32 to vector<16xf32>
        %mul3A_509 = arith.mulf %get3A_507, %mul3A_508 : vector<16xf32>
        %swap3A_510 = arith.index_cast %add3A_492 : i32 to index
        %swap3A_511 = arith.constant 16 : index
        %swap3A_512 = tpu.vector_load %arg13[%swap3A_510, %swap3A_511] {strides = array<i32>} : memref<128x64xf32, #tpu.memory_space<vmem>>, vector<1x16xf32>,
        %swap3A_513 = vector.shape_cast %swap3A_512 : vector<1x16xf32> to vector<16xf32>
        %swap3A_514 = vector.shape_cast %mul3A_509 : vector<16xf32> to vector<1x16xf32>
        tpu.vector_store %arg13[%swap3A_510, %swap3A_511], %swap3A_514 {strides = array<i32>} : memref<128x64xf32, #tpu.memory_space<vmem>>, vector<1x16xf32>,
        %get3A_515 = arith.index_cast %add3A_492 : i32 to index
        %get3A_516 = arith.constant 32 : index
        %get3A_517 = tpu.vector_load %arg13[%get3A_515, %get3A_516] {strides = array<i32>} : memref<128x64xf32, #tpu.memory_space<vmem>>, vector<1x16xf32>,
        %get3A_518 = vector.shape_cast %get3A_517 : vector<1x16xf32> to vector<16xf32>
        %mul3A_519 = vector.broadcast %squeeze3A_488 : f32 to vector<16xf32>
        %mul3A_520 = arith.mulf %get3A_518, %mul3A_519 : vector<16xf32>
        %swap3A_521 = arith.index_cast %add3A_492 : i32 to index
        %swap3A_522 = arith.constant 32 : index
        %swap3A_523 = tpu.vector_load %arg13[%swap3A_521, %swap3A_522] {strides = array<i32>} : memref<128x64xf32, #tpu.memory_space<vmem>>, vector<1x16xf32>,
        %swap3A_524 = vector.shape_cast %swap3A_523 : vector<1x16xf32> to vector<16xf32>
        %swap3A_525 = vector.shape_cast %mul3A_520 : vector<16xf32> to vector<1x16xf32>
        tpu.vector_store %arg13[%swap3A_521, %swap3A_522], %swap3A_525 {strides = array<i32>} : memref<128x64xf32, #tpu.memory_space<vmem>>, vector<1x16xf32>,
        %get3A_526 = arith.index_cast %add3A_492 : i32 to index
        %get3A_527 = arith.constant 48 : index
        %get3A_528 = tpu.vector_load %arg13[%get3A_526, %get3A_527] {strides = array<i32>} : memref<128x64xf32, #tpu.memory_space<vmem>>, vector<1x16xf32>,
        %get3A_529 = vector.shape_cast %get3A_528 : vector<1x16xf32> to vector<16xf32>
        %mul3A_530 = vector.broadcast %squeeze3A_488 : f32 to vector<16xf32>
        %mul3A_531 = arith.mulf %get3A_529, %mul3A_530 : vector<16xf32>
        %swap3A_532 = arith.index_cast %add3A_492 : i32 to index
        %swap3A_533 = arith.constant 48 : index
        %swap3A_534 = tpu.vector_load %arg13[%swap3A_532, %swap3A_533] {strides = array<i32>} : memref<128x64xf32, #tpu.memory_space<vmem>>, vector<1x16xf32>,
        %swap3A_535 = vector.shape_cast %swap3A_534 : vector<1x16xf32> to vector<16xf32>
        %swap3A_536 = vector.shape_cast %mul3A_531 : vector<16xf32> to vector<1x16xf32>
        tpu.vector_store %arg13[%swap3A_532, %swap3A_533], %swap3A_536 {strides = array<i32>} : memref<128x64xf32, #tpu.memory_space<vmem>>, vector<1x16xf32>,
        %slice3A_537 = vector.extract_strided_slice %get3A_189 {offsets = [7], sizes = [1], strides = [1]} : vector<16xf32> to vector<1xf32>
        %squeeze3A_538 = vector.extract %slice3A_537[0] : f32 from vector<1xf32>
        %mul3A_539 = arith.constant 16 : i32
        %mul3A_540 = arith.muli %scan3A_184, %mul3A_539 : i32
        %add3A_541 = arith.constant 7 : i32
        %add3A_542 = arith.addi %mul3A_540, %add3A_541 : i32
        %get3A_543 = arith.index_cast %add3A_542 : i32 to index
        %get3A_544 = arith.constant 0 : index
        %get3A_545 = tpu.vector_load %arg13[%get3A_543, %get3A_544] {strides = array<i32>} : memref<128x64xf32, #tpu.memory_space<vmem>>, vector<1x16xf32>,
        %get3A_546 = vector.shape_cast %get3A_545 : vector<1x16xf32> to vector<16xf32>
        %mul3A_547 = vector.broadcast %squeeze3A_538 : f32 to vector<16xf32>
        %mul3A_548 = arith.mulf %get3A_546, %mul3A_547 : vector<16xf32>
        %swap3A_549 = arith.index_cast %add3A_542 : i32 to index
        %swap3A_550 = arith.constant 0 : index
        %swap3A_551 = tpu.vector_load %arg13[%swap3A_549, %swap3A_550] {strides = array<i32>} : memref<128x64xf32, #tpu.memory_space<vmem>>, vector<1x16xf32>,
        %swap3A_552 = vector.shape_cast %swap3A_551 : vector<1x16xf32> to vector<16xf32>
        %swap3A_553 = vector.shape_cast %mul3A_548 : vector<16xf32> to vector<1x16xf32>
        tpu.vector_store %arg13[%swap3A_549, %swap3A_550], %swap3A_553 {strides = array<i32>} : memref<128x64xf32, #tpu.memory_space<vmem>>, vector<1x16xf32>,
        %get3A_554 = arith.index_cast %add3A_542 : i32 to index
        %get3A_555 = arith.constant 16 : index
        %get3A_556 = tpu.vector_load %arg13[%get3A_554, %get3A_555] {strides = array<i32>} : memref<128x64xf32, #tpu.memory_space<vmem>>, vector<1x16xf32>,
        %get3A_557 = vector.shape_cast %get3A_556 : vector<1x16xf32> to vector<16xf32>
        %mul3A_558 = vector.broadcast %squeeze3A_538 : f32 to vector<16xf32>
        %mul3A_559 = arith.mulf %get3A_557, %mul3A_558 : vector<16xf32>
        %swap3A_560 = arith.index_cast %add3A_542 : i32 to index
        %swap3A_561 = arith.constant 16 : index
        %swap3A_562 = tpu.vector_load %arg13[%swap3A_560, %swap3A_561] {strides = array<i32>} : memref<128x64xf32, #tpu.memory_space<vmem>>, vector<1x16xf32>,
        %swap3A_563 = vector.shape_cast %swap3A_562 : vector<1x16xf32> to vector<16xf32>
        %swap3A_564 = vector.shape_cast %mul3A_559 : vector<16xf32> to vector<1x16xf32>
        tpu.vector_store %arg13[%swap3A_560, %swap3A_561], %swap3A_564 {strides = array<i32>} : memref<128x64xf32, #tpu.memory_space<vmem>>, vector<1x16xf32>,
        %get3A_565 = arith.index_cast %add3A_542 : i32 to index
        %get3A_566 = arith.constant 32 : index
        %get3A_567 = tpu.vector_load %arg13[%get3A_565, %get3A_566] {strides = array<i32>} : memref<128x64xf32, #tpu.memory_space<vmem>>, vector<1x16xf32>,
        %get3A_568 = vector.shape_cast %get3A_567 : vector<1x16xf32> to vector<16xf32>
        %mul3A_569 = vector.broadcast %squeeze3A_538 : f32 to vector<16xf32>
        %mul3A_570 = arith.mulf %get3A_568, %mul3A_569 : vector<16xf32>
        %swap3A_571 = arith.index_cast %add3A_542 : i32 to index
        %swap3A_572 = arith.constant 32 : index
        %swap3A_573 = tpu.vector_load %arg13[%swap3A_571, %swap3A_572] {strides = array<i32>} : memref<128x64xf32, #tpu.memory_space<vmem>>, vector<1x16xf32>,
        %swap3A_574 = vector.shape_cast %swap3A_573 : vector<1x16xf32> to vector<16xf32>
        %swap3A_575 = vector.shape_cast %mul3A_570 : vector<16xf32> to vector<1x16xf32>
        tpu.vector_store %arg13[%swap3A_571, %swap3A_572], %swap3A_575 {strides = array<i32>} : memref<128x64xf32, #tpu.memory_space<vmem>>, vector<1x16xf32>,
        %get3A_576 = arith.index_cast %add3A_542 : i32 to index
        %get3A_577 = arith.constant 48 : index
        %get3A_578 = tpu.vector_load %arg13[%get3A_576, %get3A_577] {strides = array<i32>} : memref<128x64xf32, #tpu.memory_space<vmem>>, vector<1x16xf32>,
        %get3A_579 = vector.shape_cast %get3A_578 : vector<1x16xf32> to vector<16xf32>
        %mul3A_580 = vector.broadcast %squeeze3A_538 : f32 to vector<16xf32>
        %mul3A_581 = arith.mulf %get3A_579, %mul3A_580 : vector<16xf32>
        %swap3A_582 = arith.index_cast %add3A_542 : i32 to index
        %swap3A_583 = arith.constant 48 : index
        %swap3A_584 = tpu.vector_load %arg13[%swap3A_582, %swap3A_583] {strides = array<i32>} : memref<128x64xf32, #tpu.memory_space<vmem>>, vector<1x16xf32>,
        %swap3A_585 = vector.shape_cast %swap3A_584 : vector<1x16xf32> to vector<16xf32>
        %swap3A_586 = vector.shape_cast %mul3A_581 : vector<16xf32> to vector<1x16xf32>
        tpu.vector_store %arg13[%swap3A_582, %swap3A_583], %swap3A_586 {strides = array<i32>} : memref<128x64xf32, #tpu.memory_space<vmem>>, vector<1x16xf32>,
        %slice3A_587 = vector.extract_strided_slice %get3A_189 {offsets = [8], sizes = [1], strides = [1]} : vector<16xf32> to vector<1xf32>
        %squeeze3A_588 = vector.extract %slice3A_587[0] : f32 from vector<1xf32>
        %mul3A_589 = arith.constant 16 : i32
        %mul3A_590 = arith.muli %scan3A_184, %mul3A_589 : i32
        %add3A_591 = arith.constant 8 : i32
        %add3A_592 = arith.addi %mul3A_590, %add3A_591 : i32
        %get3A_593 = arith.index_cast %add3A_592 : i32 to index
        %get3A_594 = arith.constant 0 : index
        %get3A_595 = tpu.vector_load %arg13[%get3A_593, %get3A_594] {strides = array<i32>} : memref<128x64xf32, #tpu.memory_space<vmem>>, vector<1x16xf32>,
        %get3A_596 = vector.shape_cast %get3A_595 : vector<1x16xf32> to vector<16xf32>
        %mul3A_597 = vector.broadcast %squeeze3A_588 : f32 to vector<16xf32>
        %mul3A_598 = arith.mulf %get3A_596, %mul3A_597 : vector<16xf32>
        %swap3A_599 = arith.index_cast %add3A_592 : i32 to index
        %swap3A_600 = arith.constant 0 : index
        %swap3A_601 = tpu.vector_load %arg13[%swap3A_599, %swap3A_600] {strides = array<i32>} : memref<128x64xf32, #tpu.memory_space<vmem>>, vector<1x16xf32>,
        %swap3A_602 = vector.shape_cast %swap3A_601 : vector<1x16xf32> to vector<16xf32>
        %swap3A_603 = vector.shape_cast %mul3A_598 : vector<16xf32> to vector<1x16xf32>
        tpu.vector_store %arg13[%swap3A_599, %swap3A_600], %swap3A_603 {strides = array<i32>} : memref<128x64xf32, #tpu.memory_space<vmem>>, vector<1x16xf32>,
        %get3A_604 = arith.index_cast %add3A_592 : i32 to index
        %get3A_605 = arith.constant 16 : index
        %get3A_606 = tpu.vector_load %arg13[%get3A_604, %get3A_605] {strides = array<i32>} : memref<128x64xf32, #tpu.memory_space<vmem>>, vector<1x16xf32>,
        %get3A_607 = vector.shape_cast %get3A_606 : vector<1x16xf32> to vector<16xf32>
        %mul3A_608 = vector.broadcast %squeeze3A_588 : f32 to vector<16xf32>
        %mul3A_609 = arith.mulf %get3A_607, %mul3A_608 : vector<16xf32>
        %swap3A_610 = arith.index_cast %add3A_592 : i32 to index
        %swap3A_611 = arith.constant 16 : index
        %swap3A_612 = tpu.vector_load %arg13[%swap3A_610, %swap3A_611] {strides = array<i32>} : memref<128x64xf32, #tpu.memory_space<vmem>>, vector<1x16xf32>,
        %swap3A_613 = vector.shape_cast %swap3A_612 : vector<1x16xf32> to vector<16xf32>
        %swap3A_614 = vector.shape_cast %mul3A_609 : vector<16xf32> to vector<1x16xf32>
        tpu.vector_store %arg13[%swap3A_610, %swap3A_611], %swap3A_614 {strides = array<i32>} : memref<128x64xf32, #tpu.memory_space<vmem>>, vector<1x16xf32>,
        %get3A_615 = arith.index_cast %add3A_592 : i32 to index
        %get3A_616 = arith.constant 32 : index
        %get3A_617 = tpu.vector_load %arg13[%get3A_615, %get3A_616] {strides = array<i32>} : memref<128x64xf32, #tpu.memory_space<vmem>>, vector<1x16xf32>,
        %get3A_618 = vector.shape_cast %get3A_617 : vector<1x16xf32> to vector<16xf32>
        %mul3A_619 = vector.broadcast %squeeze3A_588 : f32 to vector<16xf32>
        %mul3A_620 = arith.mulf %get3A_618, %mul3A_619 : vector<16xf32>
        %swap3A_621 = arith.index_cast %add3A_592 : i32 to index
        %swap3A_622 = arith.constant 32 : index
        %swap3A_623 = tpu.vector_load %arg13[%swap3A_621, %swap3A_622] {strides = array<i32>} : memref<128x64xf32, #tpu.memory_space<vmem>>, vector<1x16xf32>,
        %swap3A_624 = vector.shape_cast %swap3A_623 : vector<1x16xf32> to vector<16xf32>
        %swap3A_625 = vector.shape_cast %mul3A_620 : vector<16xf32> to vector<1x16xf32>
        tpu.vector_store %arg13[%swap3A_621, %swap3A_622], %swap3A_625 {strides = array<i32>} : memref<128x64xf32, #tpu.memory_space<vmem>>, vector<1x16xf32>,
        %get3A_626 = arith.index_cast %add3A_592 : i32 to index
        %get3A_627 = arith.constant 48 : index
        %get3A_628 = tpu.vector_load %arg13[%get3A_626, %get3A_627] {strides = array<i32>} : memref<128x64xf32, #tpu.memory_space<vmem>>, vector<1x16xf32>,
        %get3A_629 = vector.shape_cast %get3A_628 : vector<1x16xf32> to vector<16xf32>
        %mul3A_630 = vector.broadcast %squeeze3A_588 : f32 to vector<16xf32>
        %mul3A_631 = arith.mulf %get3A_629, %mul3A_630 : vector<16xf32>
        %swap3A_632 = arith.index_cast %add3A_592 : i32 to index
        %swap3A_633 = arith.constant 48 : index
        %swap3A_634 = tpu.vector_load %arg13[%swap3A_632, %swap3A_633] {strides = array<i32>} : memref<128x64xf32, #tpu.memory_space<vmem>>, vector<1x16xf32>,
        %swap3A_635 = vector.shape_cast %swap3A_634 : vector<1x16xf32> to vector<16xf32>
        %swap3A_636 = vector.shape_cast %mul3A_631 : vector<16xf32> to vector<1x16xf32>
        tpu.vector_store %arg13[%swap3A_632, %swap3A_633], %swap3A_636 {strides = array<i32>} : memref<128x64xf32, #tpu.memory_space<vmem>>, vector<1x16xf32>,
        %slice3A_637 = vector.extract_strided_slice %get3A_189 {offsets = [9], sizes = [1], strides = [1]} : vector<16xf32> to vector<1xf32>
        %squeeze3A_638 = vector.extract %slice3A_637[0] : f32 from vector<1xf32>
        %mul3A_639 = arith.constant 16 : i32
        %mul3A_640 = arith.muli %scan3A_184, %mul3A_639 : i32
        %add3A_641 = arith.constant 9 : i32
        %add3A_642 = arith.addi %mul3A_640, %add3A_641 : i32
        %get3A_643 = arith.index_cast %add3A_642 : i32 to index
        %get3A_644 = arith.constant 0 : index
        %get3A_645 = tpu.vector_load %arg13[%get3A_643, %get3A_644] {strides = array<i32>} : memref<128x64xf32, #tpu.memory_space<vmem>>, vector<1x16xf32>,
        %get3A_646 = vector.shape_cast %get3A_645 : vector<1x16xf32> to vector<16xf32>
        %mul3A_647 = vector.broadcast %squeeze3A_638 : f32 to vector<16xf32>
        %mul3A_648 = arith.mulf %get3A_646, %mul3A_647 : vector<16xf32>
        %swap3A_649 = arith.index_cast %add3A_642 : i32 to index
        %swap3A_650 = arith.constant 0 : index
        %swap3A_651 = tpu.vector_load %arg13[%swap3A_649, %swap3A_650] {strides = array<i32>} : memref<128x64xf32, #tpu.memory_space<vmem>>, vector<1x16xf32>,
        %swap3A_652 = vector.shape_cast %swap3A_651 : vector<1x16xf32> to vector<16xf32>
        %swap3A_653 = vector.shape_cast %mul3A_648 : vector<16xf32> to vector<1x16xf32>
        tpu.vector_store %arg13[%swap3A_649, %swap3A_650], %swap3A_653 {strides = array<i32>} : memref<128x64xf32, #tpu.memory_space<vmem>>, vector<1x16xf32>,
        %get3A_654 = arith.index_cast %add3A_642 : i32 to index
        %get3A_655 = arith.constant 16 : index
        %get3A_656 = tpu.vector_load %arg13[%get3A_654, %get3A_655] {strides = array<i32>} : memref<128x64xf32, #tpu.memory_space<vmem>>, vector<1x16xf32>,
        %get3A_657 = vector.shape_cast %get3A_656 : vector<1x16xf32> to vector<16xf32>
        %mul3A_658 = vector.broadcast %squeeze3A_638 : f32 to vector<16xf32>
        %mul3A_659 = arith.mulf %get3A_657, %mul3A_658 : vector<16xf32>
        %swap3A_660 = arith.index_cast %add3A_642 : i32 to index
        %swap3A_661 = arith.constant 16 : index
        %swap3A_662 = tpu.vector_load %arg13[%swap3A_660, %swap3A_661] {strides = array<i32>} : memref<128x64xf32, #tpu.memory_space<vmem>>, vector<1x16xf32>,
        %swap3A_663 = vector.shape_cast %swap3A_662 : vector<1x16xf32> to vector<16xf32>
        %swap3A_664 = vector.shape_cast %mul3A_659 : vector<16xf32> to vector<1x16xf32>
        tpu.vector_store %arg13[%swap3A_660, %swap3A_661], %swap3A_664 {strides = array<i32>} : memref<128x64xf32, #tpu.memory_space<vmem>>, vector<1x16xf32>,
        %get3A_665 = arith.index_cast %add3A_642 : i32 to index
        %get3A_666 = arith.constant 32 : index
        %get3A_667 = tpu.vector_load %arg13[%get3A_665, %get3A_666] {strides = array<i32>} : memref<128x64xf32, #tpu.memory_space<vmem>>, vector<1x16xf32>,
        %get3A_668 = vector.shape_cast %get3A_667 : vector<1x16xf32> to vector<16xf32>
        %mul3A_669 = vector.broadcast %squeeze3A_638 : f32 to vector<16xf32>
        %mul3A_670 = arith.mulf %get3A_668, %mul3A_669 : vector<16xf32>
        %swap3A_671 = arith.index_cast %add3A_642 : i32 to index
        %swap3A_672 = arith.constant 32 : index
        %swap3A_673 = tpu.vector_load %arg13[%swap3A_671, %swap3A_672] {strides = array<i32>} : memref<128x64xf32, #tpu.memory_space<vmem>>, vector<1x16xf32>,
        %swap3A_674 = vector.shape_cast %swap3A_673 : vector<1x16xf32> to vector<16xf32>
        %swap3A_675 = vector.shape_cast %mul3A_670 : vector<16xf32> to vector<1x16xf32>
        tpu.vector_store %arg13[%swap3A_671, %swap3A_672], %swap3A_675 {strides = array<i32>} : memref<128x64xf32, #tpu.memory_space<vmem>>, vector<1x16xf32>,
        %get3A_676 = arith.index_cast %add3A_642 : i32 to index
        %get3A_677 = arith.constant 48 : index
        %get3A_678 = tpu.vector_load %arg13[%get3A_676, %get3A_677] {strides = array<i32>} : memref<128x64xf32, #tpu.memory_space<vmem>>, vector<1x16xf32>,
        %get3A_679 = vector.shape_cast %get3A_678 : vector<1x16xf32> to vector<16xf32>
        %mul3A_680 = vector.broadcast %squeeze3A_638 : f32 to vector<16xf32>
        %mul3A_681 = arith.mulf %get3A_679, %mul3A_680 : vector<16xf32>
        %swap3A_682 = arith.index_cast %add3A_642 : i32 to index
        %swap3A_683 = arith.constant 48 : index
        %swap3A_684 = tpu.vector_load %arg13[%swap3A_682, %swap3A_683] {strides = array<i32>} : memref<128x64xf32, #tpu.memory_space<vmem>>, vector<1x16xf32>,
        %swap3A_685 = vector.shape_cast %swap3A_684 : vector<1x16xf32> to vector<16xf32>
        %swap3A_686 = vector.shape_cast %mul3A_681 : vector<16xf32> to vector<1x16xf32>
        tpu.vector_store %arg13[%swap3A_682, %swap3A_683], %swap3A_686 {strides = array<i32>} : memref<128x64xf32, #tpu.memory_space<vmem>>, vector<1x16xf32>,
        %slice3A_687 = vector.extract_strided_slice %get3A_189 {offsets = [10], sizes = [1], strides = [1]} : vector<16xf32> to vector<1xf32>
        %squeeze3A_688 = vector.extract %slice3A_687[0] : f32 from vector<1xf32>
        %mul3A_689 = arith.constant 16 : i32
        %mul3A_690 = arith.muli %scan3A_184, %mul3A_689 : i32
        %add3A_691 = arith.constant 10 : i32
        %add3A_692 = arith.addi %mul3A_690, %add3A_691 : i32
        %get3A_693 = arith.index_cast %add3A_692 : i32 to index
        %get3A_694 = arith.constant 0 : index
        %get3A_695 = tpu.vector_load %arg13[%get3A_693, %get3A_694] {strides = array<i32>} : memref<128x64xf32, #tpu.memory_space<vmem>>, vector<1x16xf32>,
        %get3A_696 = vector.shape_cast %get3A_695 : vector<1x16xf32> to vector<16xf32>
        %mul3A_697 = vector.broadcast %squeeze3A_688 : f32 to vector<16xf32>
        %mul3A_698 = arith.mulf %get3A_696, %mul3A_697 : vector<16xf32>
        %swap3A_699 = arith.index_cast %add3A_692 : i32 to index
        %swap3A_700 = arith.constant 0 : index
        %swap3A_701 = tpu.vector_load %arg13[%swap3A_699, %swap3A_700] {strides = array<i32>} : memref<128x64xf32, #tpu.memory_space<vmem>>, vector<1x16xf32>,
        %swap3A_702 = vector.shape_cast %swap3A_701 : vector<1x16xf32> to vector<16xf32>
        %swap3A_703 = vector.shape_cast %mul3A_698 : vector<16xf32> to vector<1x16xf32>
        tpu.vector_store %arg13[%swap3A_699, %swap3A_700], %swap3A_703 {strides = array<i32>} : memref<128x64xf32, #tpu.memory_space<vmem>>, vector<1x16xf32>,
        %get3A_704 = arith.index_cast %add3A_692 : i32 to index
        %get3A_705 = arith.constant 16 : index
        %get3A_706 = tpu.vector_load %arg13[%get3A_704, %get3A_705] {strides = array<i32>} : memref<128x64xf32, #tpu.memory_space<vmem>>, vector<1x16xf32>,
        %get3A_707 = vector.shape_cast %get3A_706 : vector<1x16xf32> to vector<16xf32>
        %mul3A_708 = vector.broadcast %squeeze3A_688 : f32 to vector<16xf32>
        %mul3A_709 = arith.mulf %get3A_707, %mul3A_708 : vector<16xf32>
        %swap3A_710 = arith.index_cast %add3A_692 : i32 to index
        %swap3A_711 = arith.constant 16 : index
        %swap3A_712 = tpu.vector_load %arg13[%swap3A_710, %swap3A_711] {strides = array<i32>} : memref<128x64xf32, #tpu.memory_space<vmem>>, vector<1x16xf32>,
        %swap3A_713 = vector.shape_cast %swap3A_712 : vector<1x16xf32> to vector<16xf32>
        %swap3A_714 = vector.shape_cast %mul3A_709 : vector<16xf32> to vector<1x16xf32>
        tpu.vector_store %arg13[%swap3A_710, %swap3A_711], %swap3A_714 {strides = array<i32>} : memref<128x64xf32, #tpu.memory_space<vmem>>, vector<1x16xf32>,
        %get3A_715 = arith.index_cast %add3A_692 : i32 to index
        %get3A_716 = arith.constant 32 : index
        %get3A_717 = tpu.vector_load %arg13[%get3A_715, %get3A_716] {strides = array<i32>} : memref<128x64xf32, #tpu.memory_space<vmem>>, vector<1x16xf32>,
        %get3A_718 = vector.shape_cast %get3A_717 : vector<1x16xf32> to vector<16xf32>
        %mul3A_719 = vector.broadcast %squeeze3A_688 : f32 to vector<16xf32>
        %mul3A_720 = arith.mulf %get3A_718, %mul3A_719 : vector<16xf32>
        %swap3A_721 = arith.index_cast %add3A_692 : i32 to index
        %swap3A_722 = arith.constant 32 : index
        %swap3A_723 = tpu.vector_load %arg13[%swap3A_721, %swap3A_722] {strides = array<i32>} : memref<128x64xf32, #tpu.memory_space<vmem>>, vector<1x16xf32>,
        %swap3A_724 = vector.shape_cast %swap3A_723 : vector<1x16xf32> to vector<16xf32>
        %swap3A_725 = vector.shape_cast %mul3A_720 : vector<16xf32> to vector<1x16xf32>
        tpu.vector_store %arg13[%swap3A_721, %swap3A_722], %swap3A_725 {strides = array<i32>} : memref<128x64xf32, #tpu.memory_space<vmem>>, vector<1x16xf32>,
        %get3A_726 = arith.index_cast %add3A_692 : i32 to index
        %get3A_727 = arith.constant 48 : index
        %get3A_728 = tpu.vector_load %arg13[%get3A_726, %get3A_727] {strides = array<i32>} : memref<128x64xf32, #tpu.memory_space<vmem>>, vector<1x16xf32>,
        %get3A_729 = vector.shape_cast %get3A_728 : vector<1x16xf32> to vector<16xf32>
        %mul3A_730 = vector.broadcast %squeeze3A_688 : f32 to vector<16xf32>
        %mul3A_731 = arith.mulf %get3A_729, %mul3A_730 : vector<16xf32>
        %swap3A_732 = arith.index_cast %add3A_692 : i32 to index
        %swap3A_733 = arith.constant 48 : index
        %swap3A_734 = tpu.vector_load %arg13[%swap3A_732, %swap3A_733] {strides = array<i32>} : memref<128x64xf32, #tpu.memory_space<vmem>>, vector<1x16xf32>,
        %swap3A_735 = vector.shape_cast %swap3A_734 : vector<1x16xf32> to vector<16xf32>
        %swap3A_736 = vector.shape_cast %mul3A_731 : vector<16xf32> to vector<1x16xf32>
        tpu.vector_store %arg13[%swap3A_732, %swap3A_733], %swap3A_736 {strides = array<i32>} : memref<128x64xf32, #tpu.memory_space<vmem>>, vector<1x16xf32>,
        %slice3A_737 = vector.extract_strided_slice %get3A_189 {offsets = [11], sizes = [1], strides = [1]} : vector<16xf32> to vector<1xf32>
        %squeeze3A_738 = vector.extract %slice3A_737[0] : f32 from vector<1xf32>
        %mul3A_739 = arith.constant 16 : i32
        %mul3A_740 = arith.muli %scan3A_184, %mul3A_739 : i32
        %add3A_741 = arith.constant 11 : i32
        %add3A_742 = arith.addi %mul3A_740, %add3A_741 : i32
        %get3A_743 = arith.index_cast %add3A_742 : i32 to index
        %get3A_744 = arith.constant 0 : index
        %get3A_745 = tpu.vector_load %arg13[%get3A_743, %get3A_744] {strides = array<i32>} : memref<128x64xf32, #tpu.memory_space<vmem>>, vector<1x16xf32>,
        %get3A_746 = vector.shape_cast %get3A_745 : vector<1x16xf32> to vector<16xf32>
        %mul3A_747 = vector.broadcast %squeeze3A_738 : f32 to vector<16xf32>
        %mul3A_748 = arith.mulf %get3A_746, %mul3A_747 : vector<16xf32>
        %swap3A_749 = arith.index_cast %add3A_742 : i32 to index
        %swap3A_750 = arith.constant 0 : index
        %swap3A_751 = tpu.vector_load %arg13[%swap3A_749, %swap3A_750] {strides = array<i32>} : memref<128x64xf32, #tpu.memory_space<vmem>>, vector<1x16xf32>,
        %swap3A_752 = vector.shape_cast %swap3A_751 : vector<1x16xf32> to vector<16xf32>
        %swap3A_753 = vector.shape_cast %mul3A_748 : vector<16xf32> to vector<1x16xf32>
        tpu.vector_store %arg13[%swap3A_749, %swap3A_750], %swap3A_753 {strides = array<i32>} : memref<128x64xf32, #tpu.memory_space<vmem>>, vector<1x16xf32>,
        %get3A_754 = arith.index_cast %add3A_742 : i32 to index
        %get3A_755 = arith.constant 16 : index
        %get3A_756 = tpu.vector_load %arg13[%get3A_754, %get3A_755] {strides = array<i32>} : memref<128x64xf32, #tpu.memory_space<vmem>>, vector<1x16xf32>,
        %get3A_757 = vector.shape_cast %get3A_756 : vector<1x16xf32> to vector<16xf32>
        %mul3A_758 = vector.broadcast %squeeze3A_738 : f32 to vector<16xf32>
        %mul3A_759 = arith.mulf %get3A_757, %mul3A_758 : vector<16xf32>
        %swap3A_760 = arith.index_cast %add3A_742 : i32 to index
        %swap3A_761 = arith.constant 16 : index
        %swap3A_762 = tpu.vector_load %arg13[%swap3A_760, %swap3A_761] {strides = array<i32>} : memref<128x64xf32, #tpu.memory_space<vmem>>, vector<1x16xf32>,
        %swap3A_763 = vector.shape_cast %swap3A_762 : vector<1x16xf32> to vector<16xf32>
        %swap3A_764 = vector.shape_cast %mul3A_759 : vector<16xf32> to vector<1x16xf32>
        tpu.vector_store %arg13[%swap3A_760, %swap3A_761], %swap3A_764 {strides = array<i32>} : memref<128x64xf32, #tpu.memory_space<vmem>>, vector<1x16xf32>,
        %get3A_765 = arith.index_cast %add3A_742 : i32 to index
        %get3A_766 = arith.constant 32 : index
        %get3A_767 = tpu.vector_load %arg13[%get3A_765, %get3A_766] {strides = array<i32>} : memref<128x64xf32, #tpu.memory_space<vmem>>, vector<1x16xf32>,
        %get3A_768 = vector.shape_cast %get3A_767 : vector<1x16xf32> to vector<16xf32>
        %mul3A_769 = vector.broadcast %squeeze3A_738 : f32 to vector<16xf32>
        %mul3A_770 = arith.mulf %get3A_768, %mul3A_769 : vector<16xf32>
        %swap3A_771 = arith.index_cast %add3A_742 : i32 to index
        %swap3A_772 = arith.constant 32 : index
        %swap3A_773 = tpu.vector_load %arg13[%swap3A_771, %swap3A_772] {strides = array<i32>} : memref<128x64xf32, #tpu.memory_space<vmem>>, vector<1x16xf32>,
        %swap3A_774 = vector.shape_cast %swap3A_773 : vector<1x16xf32> to vector<16xf32>
        %swap3A_775 = vector.shape_cast %mul3A_770 : vector<16xf32> to vector<1x16xf32>
        tpu.vector_store %arg13[%swap3A_771, %swap3A_772], %swap3A_775 {strides = array<i32>} : memref<128x64xf32, #tpu.memory_space<vmem>>, vector<1x16xf32>,
        %get3A_776 = arith.index_cast %add3A_742 : i32 to index
        %get3A_777 = arith.constant 48 : index
        %get3A_778 = tpu.vector_load %arg13[%get3A_776, %get3A_777] {strides = array<i32>} : memref<128x64xf32, #tpu.memory_space<vmem>>, vector<1x16xf32>,
        %get3A_779 = vector.shape_cast %get3A_778 : vector<1x16xf32> to vector<16xf32>
        %mul3A_780 = vector.broadcast %squeeze3A_738 : f32 to vector<16xf32>
        %mul3A_781 = arith.mulf %get3A_779, %mul3A_780 : vector<16xf32>
        %swap3A_782 = arith.index_cast %add3A_742 : i32 to index
        %swap3A_783 = arith.constant 48 : index
        %swap3A_784 = tpu.vector_load %arg13[%swap3A_782, %swap3A_783] {strides = array<i32>} : memref<128x64xf32, #tpu.memory_space<vmem>>, vector<1x16xf32>,
        %swap3A_785 = vector.shape_cast %swap3A_784 : vector<1x16xf32> to vector<16xf32>
        %swap3A_786 = vector.shape_cast %mul3A_781 : vector<16xf32> to vector<1x16xf32>
        tpu.vector_store %arg13[%swap3A_782, %swap3A_783], %swap3A_786 {strides = array<i32>} : memref<128x64xf32, #tpu.memory_space<vmem>>, vector<1x16xf32>,
        %slice3A_787 = vector.extract_strided_slice %get3A_189 {offsets = [12], sizes = [1], strides = [1]} : vector<16xf32> to vector<1xf32>
        %squeeze3A_788 = vector.extract %slice3A_787[0] : f32 from vector<1xf32>
        %mul3A_789 = arith.constant 16 : i32
        %mul3A_790 = arith.muli %scan3A_184, %mul3A_789 : i32
        %add3A_791 = arith.constant 12 : i32
        %add3A_792 = arith.addi %mul3A_790, %add3A_791 : i32
        %get3A_793 = arith.index_cast %add3A_792 : i32 to index
        %get3A_794 = arith.constant 0 : index
        %get3A_795 = tpu.vector_load %arg13[%get3A_793, %get3A_794] {strides = array<i32>} : memref<128x64xf32, #tpu.memory_space<vmem>>, vector<1x16xf32>,
        %get3A_796 = vector.shape_cast %get3A_795 : vector<1x16xf32> to vector<16xf32>
        %mul3A_797 = vector.broadcast %squeeze3A_788 : f32 to vector<16xf32>
        %mul3A_798 = arith.mulf %get3A_796, %mul3A_797 : vector<16xf32>
        %swap3A_799 = arith.index_cast %add3A_792 : i32 to index
        %swap3A_800 = arith.constant 0 : index
        %swap3A_801 = tpu.vector_load %arg13[%swap3A_799, %swap3A_800] {strides = array<i32>} : memref<128x64xf32, #tpu.memory_space<vmem>>, vector<1x16xf32>,
        %swap3A_802 = vector.shape_cast %swap3A_801 : vector<1x16xf32> to vector<16xf32>
        %swap3A_803 = vector.shape_cast %mul3A_798 : vector<16xf32> to vector<1x16xf32>
        tpu.vector_store %arg13[%swap3A_799, %swap3A_800], %swap3A_803 {strides = array<i32>} : memref<128x64xf32, #tpu.memory_space<vmem>>, vector<1x16xf32>,
        %get3A_804 = arith.index_cast %add3A_792 : i32 to index
        %get3A_805 = arith.constant 16 : index
        %get3A_806 = tpu.vector_load %arg13[%get3A_804, %get3A_805] {strides = array<i32>} : memref<128x64xf32, #tpu.memory_space<vmem>>, vector<1x16xf32>,
        %get3A_807 = vector.shape_cast %get3A_806 : vector<1x16xf32> to vector<16xf32>
        %mul3A_808 = vector.broadcast %squeeze3A_788 : f32 to vector<16xf32>
        %mul3A_809 = arith.mulf %get3A_807, %mul3A_808 : vector<16xf32>
        %swap3A_810 = arith.index_cast %add3A_792 : i32 to index
        %swap3A_811 = arith.constant 16 : index
        %swap3A_812 = tpu.vector_load %arg13[%swap3A_810, %swap3A_811] {strides = array<i32>} : memref<128x64xf32, #tpu.memory_space<vmem>>, vector<1x16xf32>,
        %swap3A_813 = vector.shape_cast %swap3A_812 : vector<1x16xf32> to vector<16xf32>
        %swap3A_814 = vector.shape_cast %mul3A_809 : vector<16xf32> to vector<1x16xf32>
        tpu.vector_store %arg13[%swap3A_810, %swap3A_811], %swap3A_814 {strides = array<i32>} : memref<128x64xf32, #tpu.memory_space<vmem>>, vector<1x16xf32>,
        %get3A_815 = arith.index_cast %add3A_792 : i32 to index
        %get3A_816 = arith.constant 32 : index
        %get3A_817 = tpu.vector_load %arg13[%get3A_815, %get3A_816] {strides = array<i32>} : memref<128x64xf32, #tpu.memory_space<vmem>>, vector<1x16xf32>,
        %get3A_818 = vector.shape_cast %get3A_817 : vector<1x16xf32> to vector<16xf32>
        %mul3A_819 = vector.broadcast %squeeze3A_788 : f32 to vector<16xf32>
        %mul3A_820 = arith.mulf %get3A_818, %mul3A_819 : vector<16xf32>
        %swap3A_821 = arith.index_cast %add3A_792 : i32 to index
        %swap3A_822 = arith.constant 32 : index
        %swap3A_823 = tpu.vector_load %arg13[%swap3A_821, %swap3A_822] {strides = array<i32>} : memref<128x64xf32, #tpu.memory_space<vmem>>, vector<1x16xf32>,
        %swap3A_824 = vector.shape_cast %swap3A_823 : vector<1x16xf32> to vector<16xf32>
        %swap3A_825 = vector.shape_cast %mul3A_820 : vector<16xf32> to vector<1x16xf32>
        tpu.vector_store %arg13[%swap3A_821, %swap3A_822], %swap3A_825 {strides = array<i32>} : memref<128x64xf32, #tpu.memory_space<vmem>>, vector<1x16xf32>,
        %get3A_826 = arith.index_cast %add3A_792 : i32 to index
        %get3A_827 = arith.constant 48 : index
        %get3A_828 = tpu.vector_load %arg13[%get3A_826, %get3A_827] {strides = array<i32>} : memref<128x64xf32, #tpu.memory_space<vmem>>, vector<1x16xf32>,
        %get3A_829 = vector.shape_cast %get3A_828 : vector<1x16xf32> to vector<16xf32>
        %mul3A_830 = vector.broadcast %squeeze3A_788 : f32 to vector<16xf32>
        %mul3A_831 = arith.mulf %get3A_829, %mul3A_830 : vector<16xf32>
        %swap3A_832 = arith.index_cast %add3A_792 : i32 to index
        %swap3A_833 = arith.constant 48 : index
        %swap3A_834 = tpu.vector_load %arg13[%swap3A_832, %swap3A_833] {strides = array<i32>} : memref<128x64xf32, #tpu.memory_space<vmem>>, vector<1x16xf32>,
        %swap3A_835 = vector.shape_cast %swap3A_834 : vector<1x16xf32> to vector<16xf32>
        %swap3A_836 = vector.shape_cast %mul3A_831 : vector<16xf32> to vector<1x16xf32>
        tpu.vector_store %arg13[%swap3A_832, %swap3A_833], %swap3A_836 {strides = array<i32>} : memref<128x64xf32, #tpu.memory_space<vmem>>, vector<1x16xf32>,
        %slice3A_837 = vector.extract_strided_slice %get3A_189 {offsets = [13], sizes = [1], strides = [1]} : vector<16xf32> to vector<1xf32>
        %squeeze3A_838 = vector.extract %slice3A_837[0] : f32 from vector<1xf32>
        %mul3A_839 = arith.constant 16 : i32
        %mul3A_840 = arith.muli %scan3A_184, %mul3A_839 : i32
        %add3A_841 = arith.constant 13 : i32
        %add3A_842 = arith.addi %mul3A_840, %add3A_841 : i32
        %get3A_843 = arith.index_cast %add3A_842 : i32 to index
        %get3A_844 = arith.constant 0 : index
        %get3A_845 = tpu.vector_load %arg13[%get3A_843, %get3A_844] {strides = array<i32>} : memref<128x64xf32, #tpu.memory_space<vmem>>, vector<1x16xf32>,
        %get3A_846 = vector.shape_cast %get3A_845 : vector<1x16xf32> to vector<16xf32>
        %mul3A_847 = vector.broadcast %squeeze3A_838 : f32 to vector<16xf32>
        %mul3A_848 = arith.mulf %get3A_846, %mul3A_847 : vector<16xf32>
        %swap3A_849 = arith.index_cast %add3A_842 : i32 to index
        %swap3A_850 = arith.constant 0 : index
        %swap3A_851 = tpu.vector_load %arg13[%swap3A_849, %swap3A_850] {strides = array<i32>} : memref<128x64xf32, #tpu.memory_space<vmem>>, vector<1x16xf32>,
        %swap3A_852 = vector.shape_cast %swap3A_851 : vector<1x16xf32> to vector<16xf32>
        %swap3A_853 = vector.shape_cast %mul3A_848 : vector<16xf32> to vector<1x16xf32>
        tpu.vector_store %arg13[%swap3A_849, %swap3A_850], %swap3A_853 {strides = array<i32>} : memref<128x64xf32, #tpu.memory_space<vmem>>, vector<1x16xf32>,
        %get3A_854 = arith.index_cast %add3A_842 : i32 to index
        %get3A_855 = arith.constant 16 : index
        %get3A_856 = tpu.vector_load %arg13[%get3A_854, %get3A_855] {strides = array<i32>} : memref<128x64xf32, #tpu.memory_space<vmem>>, vector<1x16xf32>,
        %get3A_857 = vector.shape_cast %get3A_856 : vector<1x16xf32> to vector<16xf32>
        %mul3A_858 = vector.broadcast %squeeze3A_838 : f32 to vector<16xf32>
        %mul3A_859 = arith.mulf %get3A_857, %mul3A_858 : vector<16xf32>
        %swap3A_860 = arith.index_cast %add3A_842 : i32 to index
        %swap3A_861 = arith.constant 16 : index
        %swap3A_862 = tpu.vector_load %arg13[%swap3A_860, %swap3A_861] {strides = array<i32>} : memref<128x64xf32, #tpu.memory_space<vmem>>, vector<1x16xf32>,
        %swap3A_863 = vector.shape_cast %swap3A_862 : vector<1x16xf32> to vector<16xf32>
        %swap3A_864 = vector.shape_cast %mul3A_859 : vector<16xf32> to vector<1x16xf32>
        tpu.vector_store %arg13[%swap3A_860, %swap3A_861], %swap3A_864 {strides = array<i32>} : memref<128x64xf32, #tpu.memory_space<vmem>>, vector<1x16xf32>,
        %get3A_865 = arith.index_cast %add3A_842 : i32 to index
        %get3A_866 = arith.constant 32 : index
        %get3A_867 = tpu.vector_load %arg13[%get3A_865, %get3A_866] {strides = array<i32>} : memref<128x64xf32, #tpu.memory_space<vmem>>, vector<1x16xf32>,
        %get3A_868 = vector.shape_cast %get3A_867 : vector<1x16xf32> to vector<16xf32>
        %mul3A_869 = vector.broadcast %squeeze3A_838 : f32 to vector<16xf32>
        %mul3A_870 = arith.mulf %get3A_868, %mul3A_869 : vector<16xf32>
        %swap3A_871 = arith.index_cast %add3A_842 : i32 to index
        %swap3A_872 = arith.constant 32 : index
        %swap3A_873 = tpu.vector_load %arg13[%swap3A_871, %swap3A_872] {strides = array<i32>} : memref<128x64xf32, #tpu.memory_space<vmem>>, vector<1x16xf32>,
        %swap3A_874 = vector.shape_cast %swap3A_873 : vector<1x16xf32> to vector<16xf32>
        %swap3A_875 = vector.shape_cast %mul3A_870 : vector<16xf32> to vector<1x16xf32>
        tpu.vector_store %arg13[%swap3A_871, %swap3A_872], %swap3A_875 {strides = array<i32>} : memref<128x64xf32, #tpu.memory_space<vmem>>, vector<1x16xf32>,
        %get3A_876 = arith.index_cast %add3A_842 : i32 to index
        %get3A_877 = arith.constant 48 : index
        %get3A_878 = tpu.vector_load %arg13[%get3A_876, %get3A_877] {strides = array<i32>} : memref<128x64xf32, #tpu.memory_space<vmem>>, vector<1x16xf32>,
        %get3A_879 = vector.shape_cast %get3A_878 : vector<1x16xf32> to vector<16xf32>
        %mul3A_880 = vector.broadcast %squeeze3A_838 : f32 to vector<16xf32>
        %mul3A_881 = arith.mulf %get3A_879, %mul3A_880 : vector<16xf32>
        %swap3A_882 = arith.index_cast %add3A_842 : i32 to index
        %swap3A_883 = arith.constant 48 : index
        %swap3A_884 = tpu.vector_load %arg13[%swap3A_882, %swap3A_883] {strides = array<i32>} : memref<128x64xf32, #tpu.memory_space<vmem>>, vector<1x16xf32>,
        %swap3A_885 = vector.shape_cast %swap3A_884 : vector<1x16xf32> to vector<16xf32>
        %swap3A_886 = vector.shape_cast %mul3A_881 : vector<16xf32> to vector<1x16xf32>
        tpu.vector_store %arg13[%swap3A_882, %swap3A_883], %swap3A_886 {strides = array<i32>} : memref<128x64xf32, #tpu.memory_space<vmem>>, vector<1x16xf32>,
        %slice3A_887 = vector.extract_strided_slice %get3A_189 {offsets = [14], sizes = [1], strides = [1]} : vector<16xf32> to vector<1xf32>
        %squeeze3A_888 = vector.extract %slice3A_887[0] : f32 from vector<1xf32>
        %mul3A_889 = arith.constant 16 : i32
        %mul3A_890 = arith.muli %scan3A_184, %mul3A_889 : i32
        %add3A_891 = arith.constant 14 : i32
        %add3A_892 = arith.addi %mul3A_890, %add3A_891 : i32
        %get3A_893 = arith.index_cast %add3A_892 : i32 to index
        %get3A_894 = arith.constant 0 : index
        %get3A_895 = tpu.vector_load %arg13[%get3A_893, %get3A_894] {strides = array<i32>} : memref<128x64xf32, #tpu.memory_space<vmem>>, vector<1x16xf32>,
        %get3A_896 = vector.shape_cast %get3A_895 : vector<1x16xf32> to vector<16xf32>
        %mul3A_897 = vector.broadcast %squeeze3A_888 : f32 to vector<16xf32>
        %mul3A_898 = arith.mulf %get3A_896, %mul3A_897 : vector<16xf32>
        %swap3A_899 = arith.index_cast %add3A_892 : i32 to index
        %swap3A_900 = arith.constant 0 : index
        %swap3A_901 = tpu.vector_load %arg13[%swap3A_899, %swap3A_900] {strides = array<i32>} : memref<128x64xf32, #tpu.memory_space<vmem>>, vector<1x16xf32>,
        %swap3A_902 = vector.shape_cast %swap3A_901 : vector<1x16xf32> to vector<16xf32>
        %swap3A_903 = vector.shape_cast %mul3A_898 : vector<16xf32> to vector<1x16xf32>
        tpu.vector_store %arg13[%swap3A_899, %swap3A_900], %swap3A_903 {strides = array<i32>} : memref<128x64xf32, #tpu.memory_space<vmem>>, vector<1x16xf32>,
        %get3A_904 = arith.index_cast %add3A_892 : i32 to index
        %get3A_905 = arith.constant 16 : index
        %get3A_906 = tpu.vector_load %arg13[%get3A_904, %get3A_905] {strides = array<i32>} : memref<128x64xf32, #tpu.memory_space<vmem>>, vector<1x16xf32>,
        %get3A_907 = vector.shape_cast %get3A_906 : vector<1x16xf32> to vector<16xf32>
        %mul3A_908 = vector.broadcast %squeeze3A_888 : f32 to vector<16xf32>
        %mul3A_909 = arith.mulf %get3A_907, %mul3A_908 : vector<16xf32>
        %swap3A_910 = arith.index_cast %add3A_892 : i32 to index
        %swap3A_911 = arith.constant 16 : index
        %swap3A_912 = tpu.vector_load %arg13[%swap3A_910, %swap3A_911] {strides = array<i32>} : memref<128x64xf32, #tpu.memory_space<vmem>>, vector<1x16xf32>,
        %swap3A_913 = vector.shape_cast %swap3A_912 : vector<1x16xf32> to vector<16xf32>
        %swap3A_914 = vector.shape_cast %mul3A_909 : vector<16xf32> to vector<1x16xf32>
        tpu.vector_store %arg13[%swap3A_910, %swap3A_911], %swap3A_914 {strides = array<i32>} : memref<128x64xf32, #tpu.memory_space<vmem>>, vector<1x16xf32>,
        %get3A_915 = arith.index_cast %add3A_892 : i32 to index
        %get3A_916 = arith.constant 32 : index
        %get3A_917 = tpu.vector_load %arg13[%get3A_915, %get3A_916] {strides = array<i32>} : memref<128x64xf32, #tpu.memory_space<vmem>>, vector<1x16xf32>,
        %get3A_918 = vector.shape_cast %get3A_917 : vector<1x16xf32> to vector<16xf32>
        %mul3A_919 = vector.broadcast %squeeze3A_888 : f32 to vector<16xf32>
        %mul3A_920 = arith.mulf %get3A_918, %mul3A_919 : vector<16xf32>
        %swap3A_921 = arith.index_cast %add3A_892 : i32 to index
        %swap3A_922 = arith.constant 32 : index
        %swap3A_923 = tpu.vector_load %arg13[%swap3A_921, %swap3A_922] {strides = array<i32>} : memref<128x64xf32, #tpu.memory_space<vmem>>, vector<1x16xf32>,
        %swap3A_924 = vector.shape_cast %swap3A_923 : vector<1x16xf32> to vector<16xf32>
        %swap3A_925 = vector.shape_cast %mul3A_920 : vector<16xf32> to vector<1x16xf32>
        tpu.vector_store %arg13[%swap3A_921, %swap3A_922], %swap3A_925 {strides = array<i32>} : memref<128x64xf32, #tpu.memory_space<vmem>>, vector<1x16xf32>,
        %get3A_926 = arith.index_cast %add3A_892 : i32 to index
        %get3A_927 = arith.constant 48 : index
        %get3A_928 = tpu.vector_load %arg13[%get3A_926, %get3A_927] {strides = array<i32>} : memref<128x64xf32, #tpu.memory_space<vmem>>, vector<1x16xf32>,
        %get3A_929 = vector.shape_cast %get3A_928 : vector<1x16xf32> to vector<16xf32>
        %mul3A_930 = vector.broadcast %squeeze3A_888 : f32 to vector<16xf32>
        %mul3A_931 = arith.mulf %get3A_929, %mul3A_930 : vector<16xf32>
        %swap3A_932 = arith.index_cast %add3A_892 : i32 to index
        %swap3A_933 = arith.constant 48 : index
        %swap3A_934 = tpu.vector_load %arg13[%swap3A_932, %swap3A_933] {strides = array<i32>} : memref<128x64xf32, #tpu.memory_space<vmem>>, vector<1x16xf32>,
        %swap3A_935 = vector.shape_cast %swap3A_934 : vector<1x16xf32> to vector<16xf32>
        %swap3A_936 = vector.shape_cast %mul3A_931 : vector<16xf32> to vector<1x16xf32>
        tpu.vector_store %arg13[%swap3A_932, %swap3A_933], %swap3A_936 {strides = array<i32>} : memref<128x64xf32, #tpu.memory_space<vmem>>, vector<1x16xf32>,
        %slice3A_937 = vector.extract_strided_slice %get3A_189 {offsets = [15], sizes = [1], strides = [1]} : vector<16xf32> to vector<1xf32>
        %squeeze3A_938 = vector.extract %slice3A_937[0] : f32 from vector<1xf32>
        %mul3A_939 = arith.constant 16 : i32
        %mul3A_940 = arith.muli %scan3A_184, %mul3A_939 : i32
        %add3A_941 = arith.constant 15 : i32
        %add3A_942 = arith.addi %mul3A_940, %add3A_941 : i32
        %get3A_943 = arith.index_cast %add3A_942 : i32 to index
        %get3A_944 = arith.constant 0 : index
        %get3A_945 = tpu.vector_load %arg13[%get3A_943, %get3A_944] {strides = array<i32>} : memref<128x64xf32, #tpu.memory_space<vmem>>, vector<1x16xf32>,
        %get3A_946 = vector.shape_cast %get3A_945 : vector<1x16xf32> to vector<16xf32>
        %mul3A_947 = vector.broadcast %squeeze3A_938 : f32 to vector<16xf32>
        %mul3A_948 = arith.mulf %get3A_946, %mul3A_947 : vector<16xf32>
        %swap3A_949 = arith.index_cast %add3A_942 : i32 to index
        %swap3A_950 = arith.constant 0 : index
        %swap3A_951 = tpu.vector_load %arg13[%swap3A_949, %swap3A_950] {strides = array<i32>} : memref<128x64xf32, #tpu.memory_space<vmem>>, vector<1x16xf32>,
        %swap3A_952 = vector.shape_cast %swap3A_951 : vector<1x16xf32> to vector<16xf32>
        %swap3A_953 = vector.shape_cast %mul3A_948 : vector<16xf32> to vector<1x16xf32>
        tpu.vector_store %arg13[%swap3A_949, %swap3A_950], %swap3A_953 {strides = array<i32>} : memref<128x64xf32, #tpu.memory_space<vmem>>, vector<1x16xf32>,
        %get3A_954 = arith.index_cast %add3A_942 : i32 to index
        %get3A_955 = arith.constant 16 : index
        %get3A_956 = tpu.vector_load %arg13[%get3A_954, %get3A_955] {strides = array<i32>} : memref<128x64xf32, #tpu.memory_space<vmem>>, vector<1x16xf32>,
        %get3A_957 = vector.shape_cast %get3A_956 : vector<1x16xf32> to vector<16xf32>
        %mul3A_958 = vector.broadcast %squeeze3A_938 : f32 to vector<16xf32>
        %mul3A_959 = arith.mulf %get3A_957, %mul3A_958 : vector<16xf32>
        %swap3A_960 = arith.index_cast %add3A_942 : i32 to index
        %swap3A_961 = arith.constant 16 : index
        %swap3A_962 = tpu.vector_load %arg13[%swap3A_960, %swap3A_961] {strides = array<i32>} : memref<128x64xf32, #tpu.memory_space<vmem>>, vector<1x16xf32>,
        %swap3A_963 = vector.shape_cast %swap3A_962 : vector<1x16xf32> to vector<16xf32>
        %swap3A_964 = vector.shape_cast %mul3A_959 : vector<16xf32> to vector<1x16xf32>
        tpu.vector_store %arg13[%swap3A_960, %swap3A_961], %swap3A_964 {strides = array<i32>} : memref<128x64xf32, #tpu.memory_space<vmem>>, vector<1x16xf32>,
        %get3A_965 = arith.index_cast %add3A_942 : i32 to index
        %get3A_966 = arith.constant 32 : index
        %get3A_967 = tpu.vector_load %arg13[%get3A_965, %get3A_966] {strides = array<i32>} : memref<128x64xf32, #tpu.memory_space<vmem>>, vector<1x16xf32>,
        %get3A_968 = vector.shape_cast %get3A_967 : vector<1x16xf32> to vector<16xf32>
        %mul3A_969 = vector.broadcast %squeeze3A_938 : f32 to vector<16xf32>
        %mul3A_970 = arith.mulf %get3A_968, %mul3A_969 : vector<16xf32>
        %swap3A_971 = arith.index_cast %add3A_942 : i32 to index
        %swap3A_972 = arith.constant 32 : index
        %swap3A_973 = tpu.vector_load %arg13[%swap3A_971, %swap3A_972] {strides = array<i32>} : memref<128x64xf32, #tpu.memory_space<vmem>>, vector<1x16xf32>,
        %swap3A_974 = vector.shape_cast %swap3A_973 : vector<1x16xf32> to vector<16xf32>
        %swap3A_975 = vector.shape_cast %mul3A_970 : vector<16xf32> to vector<1x16xf32>
        tpu.vector_store %arg13[%swap3A_971, %swap3A_972], %swap3A_975 {strides = array<i32>} : memref<128x64xf32, #tpu.memory_space<vmem>>, vector<1x16xf32>,
        %get3A_976 = arith.index_cast %add3A_942 : i32 to index
        %get3A_977 = arith.constant 48 : index
        %get3A_978 = tpu.vector_load %arg13[%get3A_976, %get3A_977] {strides = array<i32>} : memref<128x64xf32, #tpu.memory_space<vmem>>, vector<1x16xf32>,
        %get3A_979 = vector.shape_cast %get3A_978 : vector<1x16xf32> to vector<16xf32>
        %mul3A_980 = vector.broadcast %squeeze3A_938 : f32 to vector<16xf32>
        %mul3A_981 = arith.mulf %get3A_979, %mul3A_980 : vector<16xf32>
        %swap3A_982 = arith.index_cast %add3A_942 : i32 to index
        %swap3A_983 = arith.constant 48 : index
        %swap3A_984 = tpu.vector_load %arg13[%swap3A_982, %swap3A_983] {strides = array<i32>} : memref<128x64xf32, #tpu.memory_space<vmem>>, vector<1x16xf32>,
        %swap3A_985 = vector.shape_cast %swap3A_984 : vector<1x16xf32> to vector<16xf32>
        %swap3A_986 = vector.shape_cast %mul3A_981 : vector<16xf32> to vector<1x16xf32>
        tpu.vector_store %arg13[%swap3A_982, %swap3A_983], %swap3A_986 {strides = array<i32>} : memref<128x64xf32, #tpu.memory_space<vmem>>, vector<1x16xf32>,
      }
      %scan3A_108 = arith.constant 8 : i32
      "tpu.region"() ({
        %run_scoped3A = tpu.sem_alloc : memref<!tpu.dma_semaphore, #tpu.memory_space<semaphore_mem>>
        %dma_start3A_184 = arith.constant 0 : i32
        %dma_start3A_185 = tpu.memref_slice %arg10[%add3A_92, %dma_start3A_184] : memref<80x128xi32, #tpu.memory_space<vmem>> -> memref<1x128xi32, #tpu.memory_space<vmem>>
        %dma_start3A_186 = tpu.memref_squeeze %dma_start3A_185 : memref<1x128xi32, #tpu.memory_space<vmem>> -> memref<128xi32, #tpu.memory_space<vmem>>
        %dma_start3A_187 = arith.constant 0 : i32
        %dma_start3A_188 = arith.constant 0 : i32
        %dma_start3A_189 = tpu.memref_slice %arg17[%dma_start3A_187, %dma_start3A_188] : memref<10240x64xf32, #tpu.memory_space<vmem_shared>> -> memref<10240x64xf32, #tpu.memory_space<vmem_shared>>
        tpu.enqueue_indirect_dma source(%arg13 : memref<128x64xf32, #tpu.memory_space<vmem>>) target(%dma_start3A_189 : memref<10240x64xf32, #tpu.memory_space<vmem_shared>>) offsets(%dma_start3A_186 : memref<128xi32, #tpu.memory_space<vmem>>) semaphore(%run_scoped3A : memref<!tpu.dma_semaphore, #tpu.memory_space<semaphore_mem>>) {add = true}
        %dma_wait3A_190 = arith.constant 0 : i32
        %dma_wait3A_191 = tpu.memref_slice %arg10[%add3A_92, %dma_wait3A_190] : memref<80x128xi32, #tpu.memory_space<vmem>> -> memref<1x128xi32, #tpu.memory_space<vmem>>
        %dma_wait3A_192 = tpu.memref_squeeze %dma_wait3A_191 : memref<1x128xi32, #tpu.memory_space<vmem>> -> memref<128xi32, #tpu.memory_space<vmem>>
        %dma_wait3A_193 = arith.constant 0 : i32
        %dma_wait3A_194 = arith.constant 0 : i32
        %dma_wait3A_195 = tpu.memref_slice %arg17[%dma_wait3A_193, %dma_wait3A_194] : memref<10240x64xf32, #tpu.memory_space<vmem_shared>> -> memref<10240x64xf32, #tpu.memory_space<vmem_shared>>
        tpu.wait_indirect_dma semaphore(%run_scoped3A : memref<!tpu.dma_semaphore, #tpu.memory_space<semaphore_mem>>) src(%arg13 : memref<128x64xf32, #tpu.memory_space<vmem>>) dst(%dma_wait3A_195 : memref<10240x64xf32, #tpu.memory_space<vmem_shared>>)
        tpu.yield
      }) : () -> ()
      %mul3A_109 = arith.constant 4 : i32
      %mul3A_110 = arith.muli %scan3A_88, %mul3A_109 : i32
      %add3A_111 = arith.constant 1 : i32
      %add3A_112 = arith.addi %mul3A_110, %add3A_111 : i32
      %add3A_113 = arith.constant 4 : i32
      %add3A_114 = arith.addi %add3A_112, %add3A_113 : i32
      %sub3A_115 = arith.constant 1 : i32
      %sub3A_116 = arith.subi %add3A_114, %sub3A_115 : i32
      %lt3A_117 = arith.constant 80 : i32
      %lt3A_118 = arith.cmpi slt, %sub3A_116, %lt3A_117 : i32
      %convert_element_type3A_119 = arith.extui %lt3A_118 : i1 to i32
      %cond3A_120 = arith.constant 0 : i32
      %cond3A_121 = arith.cmpi ne, %convert_element_type3A_119, %cond3A_120 : i32
      scf.if %cond3A_121 {
        %add3A_184 = arith.constant 4 : i32
        %add3A_185 = arith.addi %add3A_112, %add3A_184 : i32
        %sub3A_186 = arith.constant 1 : i32
        %sub3A_187 = arith.subi %add3A_185, %sub3A_186 : i32
        %dma_start3A_188 = arith.constant 0 : i32
        %dma_start3A_189 = tpu.memref_slice %arg12[%sub3A_187, %dma_start3A_188] : memref<80x128xi32, #tpu.memory_space<vmem>> -> memref<1x128xi32, #tpu.memory_space<vmem>>
        %dma_start3A_190 = tpu.memref_squeeze %dma_start3A_189 : memref<1x128xi32, #tpu.memory_space<vmem>> -> memref<128xi32, #tpu.memory_space<vmem>>
        %dma_start3A_191 = arith.constant 0 : i32
        %dma_start3A_192 = arith.constant 0 : i32
        %dma_start3A_193 = tpu.memref_slice %arg2[%dma_start3A_191, %dma_start3A_192] : memref<160000x64xf32, #tpu.memory_space<hbm>> -> memref<160000x64xf32, #tpu.memory_space<hbm>>
        tpu.enqueue_indirect_dma source(%dma_start3A_193 : memref<160000x64xf32, #tpu.memory_space<hbm>>) target(%arg13 : memref<128x64xf32, #tpu.memory_space<vmem>>) offsets(%dma_start3A_190 : memref<128xi32, #tpu.memory_space<vmem>>) semaphore(%arg18 : memref<!tpu.dma_semaphore, #tpu.memory_space<semaphore_mem>>)
      } else {
      }
      %dma_wait3A_122 = arith.constant 0 : i32
      %dma_wait3A_123 = tpu.memref_slice %arg12[%add3A_112, %dma_wait3A_122] : memref<80x128xi32, #tpu.memory_space<vmem>> -> memref<1x128xi32, #tpu.memory_space<vmem>>
      %dma_wait3A_124 = tpu.memref_squeeze %dma_wait3A_123 : memref<1x128xi32, #tpu.memory_space<vmem>> -> memref<128xi32, #tpu.memory_space<vmem>>
      %dma_wait3A_125 = arith.constant 0 : i32
      %dma_wait3A_126 = arith.constant 0 : i32
      %dma_wait3A_127 = tpu.memref_slice %arg2[%dma_wait3A_125, %dma_wait3A_126] : memref<160000x64xf32, #tpu.memory_space<hbm>> -> memref<160000x64xf32, #tpu.memory_space<hbm>>
      tpu.wait_indirect_dma semaphore(%arg19 : memref<!tpu.dma_semaphore, #tpu.memory_space<semaphore_mem>>) src(%dma_wait3A_127 : memref<160000x64xf32, #tpu.memory_space<hbm>>) dst(%arg14 : memref<128x64xf32, #tpu.memory_space<vmem>>)
      %scan3A_128 = arith.constant 0 : i32
      %scan3A_129 = arith.constant 0 : i32
      %scan3A_130 = arith.constant 8 : i32
      %scan3A_131 = arith.addi %scan3A_129, %scan3A_130 : i32
      %scan3A_132 = arith.constant 1 : i32
      scf.for %scan3A_184 = %scan3A_129 to %scan3A_131 step %scan3A_132  : i32 {
        %mul3A_185 = arith.constant 16 : i32
        %mul3A_186 = arith.muli %scan3A_184, %mul3A_185 : i32
        %get3A = arith.index_cast %add3A_112 : i32 to index
        %get3A_187 = arith.index_cast %mul3A_186 : i32 to index
        %get3A_188 = tpu.vector_load %arg11[%get3A, %get3A_187] {strides = array<i32>} : memref<80x128xf32, #tpu.memory_space<vmem>>, vector<1x16xf32>,
        %get3A_189 = vector.shape_cast %get3A_188 : vector<1x16xf32> to vector<16xf32>
        %slice3A = vector.extract_strided_slice %get3A_189 {offsets = [0], sizes = [1], strides = [1]} : vector<16xf32> to vector<1xf32>
        %squeeze3A = vector.extract %slice3A[0] : f32 from vector<1xf32>
        %mul3A_190 = arith.constant 16 : i32
        %mul3A_191 = arith.muli %scan3A_184, %mul3A_190 : i32
        %add3A_192 = arith.constant 0 : i32
        %add3A_193 = arith.addi %mul3A_191, %add3A_192 : i32
        %get3A_194 = arith.index_cast %add3A_193 : i32 to index
        %get3A_195 = arith.constant 0 : index
        %get3A_196 = tpu.vector_load %arg14[%get3A_194, %get3A_195] {strides = array<i32>} : memref<128x64xf32, #tpu.memory_space<vmem>>, vector<1x16xf32>,
        %get3A_197 = vector.shape_cast %get3A_196 : vector<1x16xf32> to vector<16xf32>
        %mul3A_198 = vector.broadcast %squeeze3A : f32 to vector<16xf32>
        %mul3A_199 = arith.mulf %get3A_197, %mul3A_198 : vector<16xf32>
        %swap3A = arith.index_cast %add3A_193 : i32 to index
        %swap3A_200 = arith.constant 0 : index
        %swap3A_201 = tpu.vector_load %arg14[%swap3A, %swap3A_200] {strides = array<i32>} : memref<128x64xf32, #tpu.memory_space<vmem>>, vector<1x16xf32>,
        %swap3A_202 = vector.shape_cast %swap3A_201 : vector<1x16xf32> to vector<16xf32>
        %swap3A_203 = vector.shape_cast %mul3A_199 : vector<16xf32> to vector<1x16xf32>
        tpu.vector_store %arg14[%swap3A, %swap3A_200], %swap3A_203 {strides = array<i32>} : memref<128x64xf32, #tpu.memory_space<vmem>>, vector<1x16xf32>,
        %get3A_204 = arith.index_cast %add3A_193 : i32 to index
        %get3A_205 = arith.constant 16 : index
        %get3A_206 = tpu.vector_load %arg14[%get3A_204, %get3A_205] {strides = array<i32>} : memref<128x64xf32, #tpu.memory_space<vmem>>, vector<1x16xf32>,
        %get3A_207 = vector.shape_cast %get3A_206 : vector<1x16xf32> to vector<16xf32>
        %mul3A_208 = vector.broadcast %squeeze3A : f32 to vector<16xf32>
        %mul3A_209 = arith.mulf %get3A_207, %mul3A_208 : vector<16xf32>
        %swap3A_210 = arith.index_cast %add3A_193 : i32 to index
        %swap3A_211 = arith.constant 16 : index
        %swap3A_212 = tpu.vector_load %arg14[%swap3A_210, %swap3A_211] {strides = array<i32>} : memref<128x64xf32, #tpu.memory_space<vmem>>, vector<1x16xf32>,
        %swap3A_213 = vector.shape_cast %swap3A_212 : vector<1x16xf32> to vector<16xf32>
        %swap3A_214 = vector.shape_cast %mul3A_209 : vector<16xf32> to vector<1x16xf32>
        tpu.vector_store %arg14[%swap3A_210, %swap3A_211], %swap3A_214 {strides = array<i32>} : memref<128x64xf32, #tpu.memory_space<vmem>>, vector<1x16xf32>,
        %get3A_215 = arith.index_cast %add3A_193 : i32 to index
        %get3A_216 = arith.constant 32 : index
        %get3A_217 = tpu.vector_load %arg14[%get3A_215, %get3A_216] {strides = array<i32>} : memref<128x64xf32, #tpu.memory_space<vmem>>, vector<1x16xf32>,
        %get3A_218 = vector.shape_cast %get3A_217 : vector<1x16xf32> to vector<16xf32>
        %mul3A_219 = vector.broadcast %squeeze3A : f32 to vector<16xf32>
        %mul3A_220 = arith.mulf %get3A_218, %mul3A_219 : vector<16xf32>
        %swap3A_221 = arith.index_cast %add3A_193 : i32 to index
        %swap3A_222 = arith.constant 32 : index
        %swap3A_223 = tpu.vector_load %arg14[%swap3A_221, %swap3A_222] {strides = array<i32>} : memref<128x64xf32, #tpu.memory_space<vmem>>, vector<1x16xf32>,
        %swap3A_224 = vector.shape_cast %swap3A_223 : vector<1x16xf32> to vector<16xf32>
        %swap3A_225 = vector.shape_cast %mul3A_220 : vector<16xf32> to vector<1x16xf32>
        tpu.vector_store %arg14[%swap3A_221, %swap3A_222], %swap3A_225 {strides = array<i32>} : memref<128x64xf32, #tpu.memory_space<vmem>>, vector<1x16xf32>,
        %get3A_226 = arith.index_cast %add3A_193 : i32 to index
        %get3A_227 = arith.constant 48 : index
        %get3A_228 = tpu.vector_load %arg14[%get3A_226, %get3A_227] {strides = array<i32>} : memref<128x64xf32, #tpu.memory_space<vmem>>, vector<1x16xf32>,
        %get3A_229 = vector.shape_cast %get3A_228 : vector<1x16xf32> to vector<16xf32>
        %mul3A_230 = vector.broadcast %squeeze3A : f32 to vector<16xf32>
        %mul3A_231 = arith.mulf %get3A_229, %mul3A_230 : vector<16xf32>
        %swap3A_232 = arith.index_cast %add3A_193 : i32 to index
        %swap3A_233 = arith.constant 48 : index
        %swap3A_234 = tpu.vector_load %arg14[%swap3A_232, %swap3A_233] {strides = array<i32>} : memref<128x64xf32, #tpu.memory_space<vmem>>, vector<1x16xf32>,
        %swap3A_235 = vector.shape_cast %swap3A_234 : vector<1x16xf32> to vector<16xf32>
        %swap3A_236 = vector.shape_cast %mul3A_231 : vector<16xf32> to vector<1x16xf32>
        tpu.vector_store %arg14[%swap3A_232, %swap3A_233], %swap3A_236 {strides = array<i32>} : memref<128x64xf32, #tpu.memory_space<vmem>>, vector<1x16xf32>,
        %slice3A_237 = vector.extract_strided_slice %get3A_189 {offsets = [1], sizes = [1], strides = [1]} : vector<16xf32> to vector<1xf32>
        %squeeze3A_238 = vector.extract %slice3A_237[0] : f32 from vector<1xf32>
        %mul3A_239 = arith.constant 16 : i32
        %mul3A_240 = arith.muli %scan3A_184, %mul3A_239 : i32
        %add3A_241 = arith.constant 1 : i32
        %add3A_242 = arith.addi %mul3A_240, %add3A_241 : i32
        %get3A_243 = arith.index_cast %add3A_242 : i32 to index
        %get3A_244 = arith.constant 0 : index
        %get3A_245 = tpu.vector_load %arg14[%get3A_243, %get3A_244] {strides = array<i32>} : memref<128x64xf32, #tpu.memory_space<vmem>>, vector<1x16xf32>,
        %get3A_246 = vector.shape_cast %get3A_245 : vector<1x16xf32> to vector<16xf32>
        %mul3A_247 = vector.broadcast %squeeze3A_238 : f32 to vector<16xf32>
        %mul3A_248 = arith.mulf %get3A_246, %mul3A_247 : vector<16xf32>
        %swap3A_249 = arith.index_cast %add3A_242 : i32 to index
        %swap3A_250 = arith.constant 0 : index
        %swap3A_251 = tpu.vector_load %arg14[%swap3A_249, %swap3A_250] {strides = array<i32>} : memref<128x64xf32, #tpu.memory_space<vmem>>, vector<1x16xf32>,
        %swap3A_252 = vector.shape_cast %swap3A_251 : vector<1x16xf32> to vector<16xf32>
        %swap3A_253 = vector.shape_cast %mul3A_248 : vector<16xf32> to vector<1x16xf32>
        tpu.vector_store %arg14[%swap3A_249, %swap3A_250], %swap3A_253 {strides = array<i32>} : memref<128x64xf32, #tpu.memory_space<vmem>>, vector<1x16xf32>,
        %get3A_254 = arith.index_cast %add3A_242 : i32 to index
        %get3A_255 = arith.constant 16 : index
        %get3A_256 = tpu.vector_load %arg14[%get3A_254, %get3A_255] {strides = array<i32>} : memref<128x64xf32, #tpu.memory_space<vmem>>, vector<1x16xf32>,
        %get3A_257 = vector.shape_cast %get3A_256 : vector<1x16xf32> to vector<16xf32>
        %mul3A_258 = vector.broadcast %squeeze3A_238 : f32 to vector<16xf32>
        %mul3A_259 = arith.mulf %get3A_257, %mul3A_258 : vector<16xf32>
        %swap3A_260 = arith.index_cast %add3A_242 : i32 to index
        %swap3A_261 = arith.constant 16 : index
        %swap3A_262 = tpu.vector_load %arg14[%swap3A_260, %swap3A_261] {strides = array<i32>} : memref<128x64xf32, #tpu.memory_space<vmem>>, vector<1x16xf32>,
        %swap3A_263 = vector.shape_cast %swap3A_262 : vector<1x16xf32> to vector<16xf32>
        %swap3A_264 = vector.shape_cast %mul3A_259 : vector<16xf32> to vector<1x16xf32>
        tpu.vector_store %arg14[%swap3A_260, %swap3A_261], %swap3A_264 {strides = array<i32>} : memref<128x64xf32, #tpu.memory_space<vmem>>, vector<1x16xf32>,
        %get3A_265 = arith.index_cast %add3A_242 : i32 to index
        %get3A_266 = arith.constant 32 : index
        %get3A_267 = tpu.vector_load %arg14[%get3A_265, %get3A_266] {strides = array<i32>} : memref<128x64xf32, #tpu.memory_space<vmem>>, vector<1x16xf32>,
        %get3A_268 = vector.shape_cast %get3A_267 : vector<1x16xf32> to vector<16xf32>
        %mul3A_269 = vector.broadcast %squeeze3A_238 : f32 to vector<16xf32>
        %mul3A_270 = arith.mulf %get3A_268, %mul3A_269 : vector<16xf32>
        %swap3A_271 = arith.index_cast %add3A_242 : i32 to index
        %swap3A_272 = arith.constant 32 : index
        %swap3A_273 = tpu.vector_load %arg14[%swap3A_271, %swap3A_272] {strides = array<i32>} : memref<128x64xf32, #tpu.memory_space<vmem>>, vector<1x16xf32>,
        %swap3A_274 = vector.shape_cast %swap3A_273 : vector<1x16xf32> to vector<16xf32>
        %swap3A_275 = vector.shape_cast %mul3A_270 : vector<16xf32> to vector<1x16xf32>
        tpu.vector_store %arg14[%swap3A_271, %swap3A_272], %swap3A_275 {strides = array<i32>} : memref<128x64xf32, #tpu.memory_space<vmem>>, vector<1x16xf32>,
        %get3A_276 = arith.index_cast %add3A_242 : i32 to index
        %get3A_277 = arith.constant 48 : index
        %get3A_278 = tpu.vector_load %arg14[%get3A_276, %get3A_277] {strides = array<i32>} : memref<128x64xf32, #tpu.memory_space<vmem>>, vector<1x16xf32>,
        %get3A_279 = vector.shape_cast %get3A_278 : vector<1x16xf32> to vector<16xf32>
        %mul3A_280 = vector.broadcast %squeeze3A_238 : f32 to vector<16xf32>
        %mul3A_281 = arith.mulf %get3A_279, %mul3A_280 : vector<16xf32>
        %swap3A_282 = arith.index_cast %add3A_242 : i32 to index
        %swap3A_283 = arith.constant 48 : index
        %swap3A_284 = tpu.vector_load %arg14[%swap3A_282, %swap3A_283] {strides = array<i32>} : memref<128x64xf32, #tpu.memory_space<vmem>>, vector<1x16xf32>,
        %swap3A_285 = vector.shape_cast %swap3A_284 : vector<1x16xf32> to vector<16xf32>
        %swap3A_286 = vector.shape_cast %mul3A_281 : vector<16xf32> to vector<1x16xf32>
        tpu.vector_store %arg14[%swap3A_282, %swap3A_283], %swap3A_286 {strides = array<i32>} : memref<128x64xf32, #tpu.memory_space<vmem>>, vector<1x16xf32>,
        %slice3A_287 = vector.extract_strided_slice %get3A_189 {offsets = [2], sizes = [1], strides = [1]} : vector<16xf32> to vector<1xf32>
        %squeeze3A_288 = vector.extract %slice3A_287[0] : f32 from vector<1xf32>
        %mul3A_289 = arith.constant 16 : i32
        %mul3A_290 = arith.muli %scan3A_184, %mul3A_289 : i32
        %add3A_291 = arith.constant 2 : i32
        %add3A_292 = arith.addi %mul3A_290, %add3A_291 : i32
        %get3A_293 = arith.index_cast %add3A_292 : i32 to index
        %get3A_294 = arith.constant 0 : index
        %get3A_295 = tpu.vector_load %arg14[%get3A_293, %get3A_294] {strides = array<i32>} : memref<128x64xf32, #tpu.memory_space<vmem>>, vector<1x16xf32>,
        %get3A_296 = vector.shape_cast %get3A_295 : vector<1x16xf32> to vector<16xf32>
        %mul3A_297 = vector.broadcast %squeeze3A_288 : f32 to vector<16xf32>
        %mul3A_298 = arith.mulf %get3A_296, %mul3A_297 : vector<16xf32>
        %swap3A_299 = arith.index_cast %add3A_292 : i32 to index
        %swap3A_300 = arith.constant 0 : index
        %swap3A_301 = tpu.vector_load %arg14[%swap3A_299, %swap3A_300] {strides = array<i32>} : memref<128x64xf32, #tpu.memory_space<vmem>>, vector<1x16xf32>,
        %swap3A_302 = vector.shape_cast %swap3A_301 : vector<1x16xf32> to vector<16xf32>
        %swap3A_303 = vector.shape_cast %mul3A_298 : vector<16xf32> to vector<1x16xf32>
        tpu.vector_store %arg14[%swap3A_299, %swap3A_300], %swap3A_303 {strides = array<i32>} : memref<128x64xf32, #tpu.memory_space<vmem>>, vector<1x16xf32>,
        %get3A_304 = arith.index_cast %add3A_292 : i32 to index
        %get3A_305 = arith.constant 16 : index
        %get3A_306 = tpu.vector_load %arg14[%get3A_304, %get3A_305] {strides = array<i32>} : memref<128x64xf32, #tpu.memory_space<vmem>>, vector<1x16xf32>,
        %get3A_307 = vector.shape_cast %get3A_306 : vector<1x16xf32> to vector<16xf32>
        %mul3A_308 = vector.broadcast %squeeze3A_288 : f32 to vector<16xf32>
        %mul3A_309 = arith.mulf %get3A_307, %mul3A_308 : vector<16xf32>
        %swap3A_310 = arith.index_cast %add3A_292 : i32 to index
        %swap3A_311 = arith.constant 16 : index
        %swap3A_312 = tpu.vector_load %arg14[%swap3A_310, %swap3A_311] {strides = array<i32>} : memref<128x64xf32, #tpu.memory_space<vmem>>, vector<1x16xf32>,
        %swap3A_313 = vector.shape_cast %swap3A_312 : vector<1x16xf32> to vector<16xf32>
        %swap3A_314 = vector.shape_cast %mul3A_309 : vector<16xf32> to vector<1x16xf32>
        tpu.vector_store %arg14[%swap3A_310, %swap3A_311], %swap3A_314 {strides = array<i32>} : memref<128x64xf32, #tpu.memory_space<vmem>>, vector<1x16xf32>,
        %get3A_315 = arith.index_cast %add3A_292 : i32 to index
        %get3A_316 = arith.constant 32 : index
        %get3A_317 = tpu.vector_load %arg14[%get3A_315, %get3A_316] {strides = array<i32>} : memref<128x64xf32, #tpu.memory_space<vmem>>, vector<1x16xf32>,
        %get3A_318 = vector.shape_cast %get3A_317 : vector<1x16xf32> to vector<16xf32>
        %mul3A_319 = vector.broadcast %squeeze3A_288 : f32 to vector<16xf32>
        %mul3A_320 = arith.mulf %get3A_318, %mul3A_319 : vector<16xf32>
        %swap3A_321 = arith.index_cast %add3A_292 : i32 to index
        %swap3A_322 = arith.constant 32 : index
        %swap3A_323 = tpu.vector_load %arg14[%swap3A_321, %swap3A_322] {strides = array<i32>} : memref<128x64xf32, #tpu.memory_space<vmem>>, vector<1x16xf32>,
        %swap3A_324 = vector.shape_cast %swap3A_323 : vector<1x16xf32> to vector<16xf32>
        %swap3A_325 = vector.shape_cast %mul3A_320 : vector<16xf32> to vector<1x16xf32>
        tpu.vector_store %arg14[%swap3A_321, %swap3A_322], %swap3A_325 {strides = array<i32>} : memref<128x64xf32, #tpu.memory_space<vmem>>, vector<1x16xf32>,
        %get3A_326 = arith.index_cast %add3A_292 : i32 to index
        %get3A_327 = arith.constant 48 : index
        %get3A_328 = tpu.vector_load %arg14[%get3A_326, %get3A_327] {strides = array<i32>} : memref<128x64xf32, #tpu.memory_space<vmem>>, vector<1x16xf32>,
        %get3A_329 = vector.shape_cast %get3A_328 : vector<1x16xf32> to vector<16xf32>
        %mul3A_330 = vector.broadcast %squeeze3A_288 : f32 to vector<16xf32>
        %mul3A_331 = arith.mulf %get3A_329, %mul3A_330 : vector<16xf32>
        %swap3A_332 = arith.index_cast %add3A_292 : i32 to index
        %swap3A_333 = arith.constant 48 : index
        %swap3A_334 = tpu.vector_load %arg14[%swap3A_332, %swap3A_333] {strides = array<i32>} : memref<128x64xf32, #tpu.memory_space<vmem>>, vector<1x16xf32>,
        %swap3A_335 = vector.shape_cast %swap3A_334 : vector<1x16xf32> to vector<16xf32>
        %swap3A_336 = vector.shape_cast %mul3A_331 : vector<16xf32> to vector<1x16xf32>
        tpu.vector_store %arg14[%swap3A_332, %swap3A_333], %swap3A_336 {strides = array<i32>} : memref<128x64xf32, #tpu.memory_space<vmem>>, vector<1x16xf32>,
        %slice3A_337 = vector.extract_strided_slice %get3A_189 {offsets = [3], sizes = [1], strides = [1]} : vector<16xf32> to vector<1xf32>
        %squeeze3A_338 = vector.extract %slice3A_337[0] : f32 from vector<1xf32>
        %mul3A_339 = arith.constant 16 : i32
        %mul3A_340 = arith.muli %scan3A_184, %mul3A_339 : i32
        %add3A_341 = arith.constant 3 : i32
        %add3A_342 = arith.addi %mul3A_340, %add3A_341 : i32
        %get3A_343 = arith.index_cast %add3A_342 : i32 to index
        %get3A_344 = arith.constant 0 : index
        %get3A_345 = tpu.vector_load %arg14[%get3A_343, %get3A_344] {strides = array<i32>} : memref<128x64xf32, #tpu.memory_space<vmem>>, vector<1x16xf32>,
        %get3A_346 = vector.shape_cast %get3A_345 : vector<1x16xf32> to vector<16xf32>
        %mul3A_347 = vector.broadcast %squeeze3A_338 : f32 to vector<16xf32>
        %mul3A_348 = arith.mulf %get3A_346, %mul3A_347 : vector<16xf32>
        %swap3A_349 = arith.index_cast %add3A_342 : i32 to index
        %swap3A_350 = arith.constant 0 : index
        %swap3A_351 = tpu.vector_load %arg14[%swap3A_349, %swap3A_350] {strides = array<i32>} : memref<128x64xf32, #tpu.memory_space<vmem>>, vector<1x16xf32>,
        %swap3A_352 = vector.shape_cast %swap3A_351 : vector<1x16xf32> to vector<16xf32>
        %swap3A_353 = vector.shape_cast %mul3A_348 : vector<16xf32> to vector<1x16xf32>
        tpu.vector_store %arg14[%swap3A_349, %swap3A_350], %swap3A_353 {strides = array<i32>} : memref<128x64xf32, #tpu.memory_space<vmem>>, vector<1x16xf32>,
        %get3A_354 = arith.index_cast %add3A_342 : i32 to index
        %get3A_355 = arith.constant 16 : index
        %get3A_356 = tpu.vector_load %arg14[%get3A_354, %get3A_355] {strides = array<i32>} : memref<128x64xf32, #tpu.memory_space<vmem>>, vector<1x16xf32>,
        %get3A_357 = vector.shape_cast %get3A_356 : vector<1x16xf32> to vector<16xf32>
        %mul3A_358 = vector.broadcast %squeeze3A_338 : f32 to vector<16xf32>
        %mul3A_359 = arith.mulf %get3A_357, %mul3A_358 : vector<16xf32>
        %swap3A_360 = arith.index_cast %add3A_342 : i32 to index
        %swap3A_361 = arith.constant 16 : index
        %swap3A_362 = tpu.vector_load %arg14[%swap3A_360, %swap3A_361] {strides = array<i32>} : memref<128x64xf32, #tpu.memory_space<vmem>>, vector<1x16xf32>,
        %swap3A_363 = vector.shape_cast %swap3A_362 : vector<1x16xf32> to vector<16xf32>
        %swap3A_364 = vector.shape_cast %mul3A_359 : vector<16xf32> to vector<1x16xf32>
        tpu.vector_store %arg14[%swap3A_360, %swap3A_361], %swap3A_364 {strides = array<i32>} : memref<128x64xf32, #tpu.memory_space<vmem>>, vector<1x16xf32>,
        %get3A_365 = arith.index_cast %add3A_342 : i32 to index
        %get3A_366 = arith.constant 32 : index
        %get3A_367 = tpu.vector_load %arg14[%get3A_365, %get3A_366] {strides = array<i32>} : memref<128x64xf32, #tpu.memory_space<vmem>>, vector<1x16xf32>,
        %get3A_368 = vector.shape_cast %get3A_367 : vector<1x16xf32> to vector<16xf32>
        %mul3A_369 = vector.broadcast %squeeze3A_338 : f32 to vector<16xf32>
        %mul3A_370 = arith.mulf %get3A_368, %mul3A_369 : vector<16xf32>
        %swap3A_371 = arith.index_cast %add3A_342 : i32 to index
        %swap3A_372 = arith.constant 32 : index
        %swap3A_373 = tpu.vector_load %arg14[%swap3A_371, %swap3A_372] {strides = array<i32>} : memref<128x64xf32, #tpu.memory_space<vmem>>, vector<1x16xf32>,
        %swap3A_374 = vector.shape_cast %swap3A_373 : vector<1x16xf32> to vector<16xf32>
        %swap3A_375 = vector.shape_cast %mul3A_370 : vector<16xf32> to vector<1x16xf32>
        tpu.vector_store %arg14[%swap3A_371, %swap3A_372], %swap3A_375 {strides = array<i32>} : memref<128x64xf32, #tpu.memory_space<vmem>>, vector<1x16xf32>,
        %get3A_376 = arith.index_cast %add3A_342 : i32 to index
        %get3A_377 = arith.constant 48 : index
        %get3A_378 = tpu.vector_load %arg14[%get3A_376, %get3A_377] {strides = array<i32>} : memref<128x64xf32, #tpu.memory_space<vmem>>, vector<1x16xf32>,
        %get3A_379 = vector.shape_cast %get3A_378 : vector<1x16xf32> to vector<16xf32>
        %mul3A_380 = vector.broadcast %squeeze3A_338 : f32 to vector<16xf32>
        %mul3A_381 = arith.mulf %get3A_379, %mul3A_380 : vector<16xf32>
        %swap3A_382 = arith.index_cast %add3A_342 : i32 to index
        %swap3A_383 = arith.constant 48 : index
        %swap3A_384 = tpu.vector_load %arg14[%swap3A_382, %swap3A_383] {strides = array<i32>} : memref<128x64xf32, #tpu.memory_space<vmem>>, vector<1x16xf32>,
        %swap3A_385 = vector.shape_cast %swap3A_384 : vector<1x16xf32> to vector<16xf32>
        %swap3A_386 = vector.shape_cast %mul3A_381 : vector<16xf32> to vector<1x16xf32>
        tpu.vector_store %arg14[%swap3A_382, %swap3A_383], %swap3A_386 {strides = array<i32>} : memref<128x64xf32, #tpu.memory_space<vmem>>, vector<1x16xf32>,
        %slice3A_387 = vector.extract_strided_slice %get3A_189 {offsets = [4], sizes = [1], strides = [1]} : vector<16xf32> to vector<1xf32>
        %squeeze3A_388 = vector.extract %slice3A_387[0] : f32 from vector<1xf32>
        %mul3A_389 = arith.constant 16 : i32
        %mul3A_390 = arith.muli %scan3A_184, %mul3A_389 : i32
        %add3A_391 = arith.constant 4 : i32
        %add3A_392 = arith.addi %mul3A_390, %add3A_391 : i32
        %get3A_393 = arith.index_cast %add3A_392 : i32 to index
        %get3A_394 = arith.constant 0 : index
        %get3A_395 = tpu.vector_load %arg14[%get3A_393, %get3A_394] {strides = array<i32>} : memref<128x64xf32, #tpu.memory_space<vmem>>, vector<1x16xf32>,
        %get3A_396 = vector.shape_cast %get3A_395 : vector<1x16xf32> to vector<16xf32>
        %mul3A_397 = vector.broadcast %squeeze3A_388 : f32 to vector<16xf32>
        %mul3A_398 = arith.mulf %get3A_396, %mul3A_397 : vector<16xf32>
        %swap3A_399 = arith.index_cast %add3A_392 : i32 to index
        %swap3A_400 = arith.constant 0 : index
        %swap3A_401 = tpu.vector_load %arg14[%swap3A_399, %swap3A_400] {strides = array<i32>} : memref<128x64xf32, #tpu.memory_space<vmem>>, vector<1x16xf32>,
        %swap3A_402 = vector.shape_cast %swap3A_401 : vector<1x16xf32> to vector<16xf32>
        %swap3A_403 = vector.shape_cast %mul3A_398 : vector<16xf32> to vector<1x16xf32>
        tpu.vector_store %arg14[%swap3A_399, %swap3A_400], %swap3A_403 {strides = array<i32>} : memref<128x64xf32, #tpu.memory_space<vmem>>, vector<1x16xf32>,
        %get3A_404 = arith.index_cast %add3A_392 : i32 to index
        %get3A_405 = arith.constant 16 : index
        %get3A_406 = tpu.vector_load %arg14[%get3A_404, %get3A_405] {strides = array<i32>} : memref<128x64xf32, #tpu.memory_space<vmem>>, vector<1x16xf32>,
        %get3A_407 = vector.shape_cast %get3A_406 : vector<1x16xf32> to vector<16xf32>
        %mul3A_408 = vector.broadcast %squeeze3A_388 : f32 to vector<16xf32>
        %mul3A_409 = arith.mulf %get3A_407, %mul3A_408 : vector<16xf32>
        %swap3A_410 = arith.index_cast %add3A_392 : i32 to index
        %swap3A_411 = arith.constant 16 : index
        %swap3A_412 = tpu.vector_load %arg14[%swap3A_410, %swap3A_411] {strides = array<i32>} : memref<128x64xf32, #tpu.memory_space<vmem>>, vector<1x16xf32>,
        %swap3A_413 = vector.shape_cast %swap3A_412 : vector<1x16xf32> to vector<16xf32>
        %swap3A_414 = vector.shape_cast %mul3A_409 : vector<16xf32> to vector<1x16xf32>
        tpu.vector_store %arg14[%swap3A_410, %swap3A_411], %swap3A_414 {strides = array<i32>} : memref<128x64xf32, #tpu.memory_space<vmem>>, vector<1x16xf32>,
        %get3A_415 = arith.index_cast %add3A_392 : i32 to index
        %get3A_416 = arith.constant 32 : index
        %get3A_417 = tpu.vector_load %arg14[%get3A_415, %get3A_416] {strides = array<i32>} : memref<128x64xf32, #tpu.memory_space<vmem>>, vector<1x16xf32>,
        %get3A_418 = vector.shape_cast %get3A_417 : vector<1x16xf32> to vector<16xf32>
        %mul3A_419 = vector.broadcast %squeeze3A_388 : f32 to vector<16xf32>
        %mul3A_420 = arith.mulf %get3A_418, %mul3A_419 : vector<16xf32>
        %swap3A_421 = arith.index_cast %add3A_392 : i32 to index
        %swap3A_422 = arith.constant 32 : index
        %swap3A_423 = tpu.vector_load %arg14[%swap3A_421, %swap3A_422] {strides = array<i32>} : memref<128x64xf32, #tpu.memory_space<vmem>>, vector<1x16xf32>,
        %swap3A_424 = vector.shape_cast %swap3A_423 : vector<1x16xf32> to vector<16xf32>
        %swap3A_425 = vector.shape_cast %mul3A_420 : vector<16xf32> to vector<1x16xf32>
        tpu.vector_store %arg14[%swap3A_421, %swap3A_422], %swap3A_425 {strides = array<i32>} : memref<128x64xf32, #tpu.memory_space<vmem>>, vector<1x16xf32>,
        %get3A_426 = arith.index_cast %add3A_392 : i32 to index
        %get3A_427 = arith.constant 48 : index
        %get3A_428 = tpu.vector_load %arg14[%get3A_426, %get3A_427] {strides = array<i32>} : memref<128x64xf32, #tpu.memory_space<vmem>>, vector<1x16xf32>,
        %get3A_429 = vector.shape_cast %get3A_428 : vector<1x16xf32> to vector<16xf32>
        %mul3A_430 = vector.broadcast %squeeze3A_388 : f32 to vector<16xf32>
        %mul3A_431 = arith.mulf %get3A_429, %mul3A_430 : vector<16xf32>
        %swap3A_432 = arith.index_cast %add3A_392 : i32 to index
        %swap3A_433 = arith.constant 48 : index
        %swap3A_434 = tpu.vector_load %arg14[%swap3A_432, %swap3A_433] {strides = array<i32>} : memref<128x64xf32, #tpu.memory_space<vmem>>, vector<1x16xf32>,
        %swap3A_435 = vector.shape_cast %swap3A_434 : vector<1x16xf32> to vector<16xf32>
        %swap3A_436 = vector.shape_cast %mul3A_431 : vector<16xf32> to vector<1x16xf32>
        tpu.vector_store %arg14[%swap3A_432, %swap3A_433], %swap3A_436 {strides = array<i32>} : memref<128x64xf32, #tpu.memory_space<vmem>>, vector<1x16xf32>,
        %slice3A_437 = vector.extract_strided_slice %get3A_189 {offsets = [5], sizes = [1], strides = [1]} : vector<16xf32> to vector<1xf32>
        %squeeze3A_438 = vector.extract %slice3A_437[0] : f32 from vector<1xf32>
        %mul3A_439 = arith.constant 16 : i32
        %mul3A_440 = arith.muli %scan3A_184, %mul3A_439 : i32
        %add3A_441 = arith.constant 5 : i32
        %add3A_442 = arith.addi %mul3A_440, %add3A_441 : i32
        %get3A_443 = arith.index_cast %add3A_442 : i32 to index
        %get3A_444 = arith.constant 0 : index
        %get3A_445 = tpu.vector_load %arg14[%get3A_443, %get3A_444] {strides = array<i32>} : memref<128x64xf32, #tpu.memory_space<vmem>>, vector<1x16xf32>,
        %get3A_446 = vector.shape_cast %get3A_445 : vector<1x16xf32> to vector<16xf32>
        %mul3A_447 = vector.broadcast %squeeze3A_438 : f32 to vector<16xf32>
        %mul3A_448 = arith.mulf %get3A_446, %mul3A_447 : vector<16xf32>
        %swap3A_449 = arith.index_cast %add3A_442 : i32 to index
        %swap3A_450 = arith.constant 0 : index
        %swap3A_451 = tpu.vector_load %arg14[%swap3A_449, %swap3A_450] {strides = array<i32>} : memref<128x64xf32, #tpu.memory_space<vmem>>, vector<1x16xf32>,
        %swap3A_452 = vector.shape_cast %swap3A_451 : vector<1x16xf32> to vector<16xf32>
        %swap3A_453 = vector.shape_cast %mul3A_448 : vector<16xf32> to vector<1x16xf32>
        tpu.vector_store %arg14[%swap3A_449, %swap3A_450], %swap3A_453 {strides = array<i32>} : memref<128x64xf32, #tpu.memory_space<vmem>>, vector<1x16xf32>,
        %get3A_454 = arith.index_cast %add3A_442 : i32 to index
        %get3A_455 = arith.constant 16 : index
        %get3A_456 = tpu.vector_load %arg14[%get3A_454, %get3A_455] {strides = array<i32>} : memref<128x64xf32, #tpu.memory_space<vmem>>, vector<1x16xf32>,
        %get3A_457 = vector.shape_cast %get3A_456 : vector<1x16xf32> to vector<16xf32>
        %mul3A_458 = vector.broadcast %squeeze3A_438 : f32 to vector<16xf32>
        %mul3A_459 = arith.mulf %get3A_457, %mul3A_458 : vector<16xf32>
        %swap3A_460 = arith.index_cast %add3A_442 : i32 to index
        %swap3A_461 = arith.constant 16 : index
        %swap3A_462 = tpu.vector_load %arg14[%swap3A_460, %swap3A_461] {strides = array<i32>} : memref<128x64xf32, #tpu.memory_space<vmem>>, vector<1x16xf32>,
        %swap3A_463 = vector.shape_cast %swap3A_462 : vector<1x16xf32> to vector<16xf32>
        %swap3A_464 = vector.shape_cast %mul3A_459 : vector<16xf32> to vector<1x16xf32>
        tpu.vector_store %arg14[%swap3A_460, %swap3A_461], %swap3A_464 {strides = array<i32>} : memref<128x64xf32, #tpu.memory_space<vmem>>, vector<1x16xf32>,
        %get3A_465 = arith.index_cast %add3A_442 : i32 to index
        %get3A_466 = arith.constant 32 : index
        %get3A_467 = tpu.vector_load %arg14[%get3A_465, %get3A_466] {strides = array<i32>} : memref<128x64xf32, #tpu.memory_space<vmem>>, vector<1x16xf32>,
        %get3A_468 = vector.shape_cast %get3A_467 : vector<1x16xf32> to vector<16xf32>
        %mul3A_469 = vector.broadcast %squeeze3A_438 : f32 to vector<16xf32>
        %mul3A_470 = arith.mulf %get3A_468, %mul3A_469 : vector<16xf32>
        %swap3A_471 = arith.index_cast %add3A_442 : i32 to index
        %swap3A_472 = arith.constant 32 : index
        %swap3A_473 = tpu.vector_load %arg14[%swap3A_471, %swap3A_472] {strides = array<i32>} : memref<128x64xf32, #tpu.memory_space<vmem>>, vector<1x16xf32>,
        %swap3A_474 = vector.shape_cast %swap3A_473 : vector<1x16xf32> to vector<16xf32>
        %swap3A_475 = vector.shape_cast %mul3A_470 : vector<16xf32> to vector<1x16xf32>
        tpu.vector_store %arg14[%swap3A_471, %swap3A_472], %swap3A_475 {strides = array<i32>} : memref<128x64xf32, #tpu.memory_space<vmem>>, vector<1x16xf32>,
        %get3A_476 = arith.index_cast %add3A_442 : i32 to index
        %get3A_477 = arith.constant 48 : index
        %get3A_478 = tpu.vector_load %arg14[%get3A_476, %get3A_477] {strides = array<i32>} : memref<128x64xf32, #tpu.memory_space<vmem>>, vector<1x16xf32>,
        %get3A_479 = vector.shape_cast %get3A_478 : vector<1x16xf32> to vector<16xf32>
        %mul3A_480 = vector.broadcast %squeeze3A_438 : f32 to vector<16xf32>
        %mul3A_481 = arith.mulf %get3A_479, %mul3A_480 : vector<16xf32>
        %swap3A_482 = arith.index_cast %add3A_442 : i32 to index
        %swap3A_483 = arith.constant 48 : index
        %swap3A_484 = tpu.vector_load %arg14[%swap3A_482, %swap3A_483] {strides = array<i32>} : memref<128x64xf32, #tpu.memory_space<vmem>>, vector<1x16xf32>,
        %swap3A_485 = vector.shape_cast %swap3A_484 : vector<1x16xf32> to vector<16xf32>
        %swap3A_486 = vector.shape_cast %mul3A_481 : vector<16xf32> to vector<1x16xf32>
        tpu.vector_store %arg14[%swap3A_482, %swap3A_483], %swap3A_486 {strides = array<i32>} : memref<128x64xf32, #tpu.memory_space<vmem>>, vector<1x16xf32>,
        %slice3A_487 = vector.extract_strided_slice %get3A_189 {offsets = [6], sizes = [1], strides = [1]} : vector<16xf32> to vector<1xf32>
        %squeeze3A_488 = vector.extract %slice3A_487[0] : f32 from vector<1xf32>
        %mul3A_489 = arith.constant 16 : i32
        %mul3A_490 = arith.muli %scan3A_184, %mul3A_489 : i32
        %add3A_491 = arith.constant 6 : i32
        %add3A_492 = arith.addi %mul3A_490, %add3A_491 : i32
        %get3A_493 = arith.index_cast %add3A_492 : i32 to index
        %get3A_494 = arith.constant 0 : index
        %get3A_495 = tpu.vector_load %arg14[%get3A_493, %get3A_494] {strides = array<i32>} : memref<128x64xf32, #tpu.memory_space<vmem>>, vector<1x16xf32>,
        %get3A_496 = vector.shape_cast %get3A_495 : vector<1x16xf32> to vector<16xf32>
        %mul3A_497 = vector.broadcast %squeeze3A_488 : f32 to vector<16xf32>
        %mul3A_498 = arith.mulf %get3A_496, %mul3A_497 : vector<16xf32>
        %swap3A_499 = arith.index_cast %add3A_492 : i32 to index
        %swap3A_500 = arith.constant 0 : index
        %swap3A_501 = tpu.vector_load %arg14[%swap3A_499, %swap3A_500] {strides = array<i32>} : memref<128x64xf32, #tpu.memory_space<vmem>>, vector<1x16xf32>,
        %swap3A_502 = vector.shape_cast %swap3A_501 : vector<1x16xf32> to vector<16xf32>
        %swap3A_503 = vector.shape_cast %mul3A_498 : vector<16xf32> to vector<1x16xf32>
        tpu.vector_store %arg14[%swap3A_499, %swap3A_500], %swap3A_503 {strides = array<i32>} : memref<128x64xf32, #tpu.memory_space<vmem>>, vector<1x16xf32>,
        %get3A_504 = arith.index_cast %add3A_492 : i32 to index
        %get3A_505 = arith.constant 16 : index
        %get3A_506 = tpu.vector_load %arg14[%get3A_504, %get3A_505] {strides = array<i32>} : memref<128x64xf32, #tpu.memory_space<vmem>>, vector<1x16xf32>,
        %get3A_507 = vector.shape_cast %get3A_506 : vector<1x16xf32> to vector<16xf32>
        %mul3A_508 = vector.broadcast %squeeze3A_488 : f32 to vector<16xf32>
        %mul3A_509 = arith.mulf %get3A_507, %mul3A_508 : vector<16xf32>
        %swap3A_510 = arith.index_cast %add3A_492 : i32 to index
        %swap3A_511 = arith.constant 16 : index
        %swap3A_512 = tpu.vector_load %arg14[%swap3A_510, %swap3A_511] {strides = array<i32>} : memref<128x64xf32, #tpu.memory_space<vmem>>, vector<1x16xf32>,
        %swap3A_513 = vector.shape_cast %swap3A_512 : vector<1x16xf32> to vector<16xf32>
        %swap3A_514 = vector.shape_cast %mul3A_509 : vector<16xf32> to vector<1x16xf32>
        tpu.vector_store %arg14[%swap3A_510, %swap3A_511], %swap3A_514 {strides = array<i32>} : memref<128x64xf32, #tpu.memory_space<vmem>>, vector<1x16xf32>,
        %get3A_515 = arith.index_cast %add3A_492 : i32 to index
        %get3A_516 = arith.constant 32 : index
        %get3A_517 = tpu.vector_load %arg14[%get3A_515, %get3A_516] {strides = array<i32>} : memref<128x64xf32, #tpu.memory_space<vmem>>, vector<1x16xf32>,
        %get3A_518 = vector.shape_cast %get3A_517 : vector<1x16xf32> to vector<16xf32>
        %mul3A_519 = vector.broadcast %squeeze3A_488 : f32 to vector<16xf32>
        %mul3A_520 = arith.mulf %get3A_518, %mul3A_519 : vector<16xf32>
        %swap3A_521 = arith.index_cast %add3A_492 : i32 to index
        %swap3A_522 = arith.constant 32 : index
        %swap3A_523 = tpu.vector_load %arg14[%swap3A_521, %swap3A_522] {strides = array<i32>} : memref<128x64xf32, #tpu.memory_space<vmem>>, vector<1x16xf32>,
        %swap3A_524 = vector.shape_cast %swap3A_523 : vector<1x16xf32> to vector<16xf32>
        %swap3A_525 = vector.shape_cast %mul3A_520 : vector<16xf32> to vector<1x16xf32>
        tpu.vector_store %arg14[%swap3A_521, %swap3A_522], %swap3A_525 {strides = array<i32>} : memref<128x64xf32, #tpu.memory_space<vmem>>, vector<1x16xf32>,
        %get3A_526 = arith.index_cast %add3A_492 : i32 to index
        %get3A_527 = arith.constant 48 : index
        %get3A_528 = tpu.vector_load %arg14[%get3A_526, %get3A_527] {strides = array<i32>} : memref<128x64xf32, #tpu.memory_space<vmem>>, vector<1x16xf32>,
        %get3A_529 = vector.shape_cast %get3A_528 : vector<1x16xf32> to vector<16xf32>
        %mul3A_530 = vector.broadcast %squeeze3A_488 : f32 to vector<16xf32>
        %mul3A_531 = arith.mulf %get3A_529, %mul3A_530 : vector<16xf32>
        %swap3A_532 = arith.index_cast %add3A_492 : i32 to index
        %swap3A_533 = arith.constant 48 : index
        %swap3A_534 = tpu.vector_load %arg14[%swap3A_532, %swap3A_533] {strides = array<i32>} : memref<128x64xf32, #tpu.memory_space<vmem>>, vector<1x16xf32>,
        %swap3A_535 = vector.shape_cast %swap3A_534 : vector<1x16xf32> to vector<16xf32>
        %swap3A_536 = vector.shape_cast %mul3A_531 : vector<16xf32> to vector<1x16xf32>
        tpu.vector_store %arg14[%swap3A_532, %swap3A_533], %swap3A_536 {strides = array<i32>} : memref<128x64xf32, #tpu.memory_space<vmem>>, vector<1x16xf32>,
        %slice3A_537 = vector.extract_strided_slice %get3A_189 {offsets = [7], sizes = [1], strides = [1]} : vector<16xf32> to vector<1xf32>
        %squeeze3A_538 = vector.extract %slice3A_537[0] : f32 from vector<1xf32>
        %mul3A_539 = arith.constant 16 : i32
        %mul3A_540 = arith.muli %scan3A_184, %mul3A_539 : i32
        %add3A_541 = arith.constant 7 : i32
        %add3A_542 = arith.addi %mul3A_540, %add3A_541 : i32
        %get3A_543 = arith.index_cast %add3A_542 : i32 to index
        %get3A_544 = arith.constant 0 : index
        %get3A_545 = tpu.vector_load %arg14[%get3A_543, %get3A_544] {strides = array<i32>} : memref<128x64xf32, #tpu.memory_space<vmem>>, vector<1x16xf32>,
        %get3A_546 = vector.shape_cast %get3A_545 : vector<1x16xf32> to vector<16xf32>
        %mul3A_547 = vector.broadcast %squeeze3A_538 : f32 to vector<16xf32>
        %mul3A_548 = arith.mulf %get3A_546, %mul3A_547 : vector<16xf32>
        %swap3A_549 = arith.index_cast %add3A_542 : i32 to index
        %swap3A_550 = arith.constant 0 : index
        %swap3A_551 = tpu.vector_load %arg14[%swap3A_549, %swap3A_550] {strides = array<i32>} : memref<128x64xf32, #tpu.memory_space<vmem>>, vector<1x16xf32>,
        %swap3A_552 = vector.shape_cast %swap3A_551 : vector<1x16xf32> to vector<16xf32>
        %swap3A_553 = vector.shape_cast %mul3A_548 : vector<16xf32> to vector<1x16xf32>
        tpu.vector_store %arg14[%swap3A_549, %swap3A_550], %swap3A_553 {strides = array<i32>} : memref<128x64xf32, #tpu.memory_space<vmem>>, vector<1x16xf32>,
        %get3A_554 = arith.index_cast %add3A_542 : i32 to index
        %get3A_555 = arith.constant 16 : index
        %get3A_556 = tpu.vector_load %arg14[%get3A_554, %get3A_555] {strides = array<i32>} : memref<128x64xf32, #tpu.memory_space<vmem>>, vector<1x16xf32>,
        %get3A_557 = vector.shape_cast %get3A_556 : vector<1x16xf32> to vector<16xf32>
        %mul3A_558 = vector.broadcast %squeeze3A_538 : f32 to vector<16xf32>
        %mul3A_559 = arith.mulf %get3A_557, %mul3A_558 : vector<16xf32>
        %swap3A_560 = arith.index_cast %add3A_542 : i32 to index
        %swap3A_561 = arith.constant 16 : index
        %swap3A_562 = tpu.vector_load %arg14[%swap3A_560, %swap3A_561] {strides = array<i32>} : memref<128x64xf32, #tpu.memory_space<vmem>>, vector<1x16xf32>,
        %swap3A_563 = vector.shape_cast %swap3A_562 : vector<1x16xf32> to vector<16xf32>
        %swap3A_564 = vector.shape_cast %mul3A_559 : vector<16xf32> to vector<1x16xf32>
        tpu.vector_store %arg14[%swap3A_560, %swap3A_561], %swap3A_564 {strides = array<i32>} : memref<128x64xf32, #tpu.memory_space<vmem>>, vector<1x16xf32>,
        %get3A_565 = arith.index_cast %add3A_542 : i32 to index
        %get3A_566 = arith.constant 32 : index
        %get3A_567 = tpu.vector_load %arg14[%get3A_565, %get3A_566] {strides = array<i32>} : memref<128x64xf32, #tpu.memory_space<vmem>>, vector<1x16xf32>,
        %get3A_568 = vector.shape_cast %get3A_567 : vector<1x16xf32> to vector<16xf32>
        %mul3A_569 = vector.broadcast %squeeze3A_538 : f32 to vector<16xf32>
        %mul3A_570 = arith.mulf %get3A_568, %mul3A_569 : vector<16xf32>
        %swap3A_571 = arith.index_cast %add3A_542 : i32 to index
        %swap3A_572 = arith.constant 32 : index
        %swap3A_573 = tpu.vector_load %arg14[%swap3A_571, %swap3A_572] {strides = array<i32>} : memref<128x64xf32, #tpu.memory_space<vmem>>, vector<1x16xf32>,
        %swap3A_574 = vector.shape_cast %swap3A_573 : vector<1x16xf32> to vector<16xf32>
        %swap3A_575 = vector.shape_cast %mul3A_570 : vector<16xf32> to vector<1x16xf32>
        tpu.vector_store %arg14[%swap3A_571, %swap3A_572], %swap3A_575 {strides = array<i32>} : memref<128x64xf32, #tpu.memory_space<vmem>>, vector<1x16xf32>,
        %get3A_576 = arith.index_cast %add3A_542 : i32 to index
        %get3A_577 = arith.constant 48 : index
        %get3A_578 = tpu.vector_load %arg14[%get3A_576, %get3A_577] {strides = array<i32>} : memref<128x64xf32, #tpu.memory_space<vmem>>, vector<1x16xf32>,
        %get3A_579 = vector.shape_cast %get3A_578 : vector<1x16xf32> to vector<16xf32>
        %mul3A_580 = vector.broadcast %squeeze3A_538 : f32 to vector<16xf32>
        %mul3A_581 = arith.mulf %get3A_579, %mul3A_580 : vector<16xf32>
        %swap3A_582 = arith.index_cast %add3A_542 : i32 to index
        %swap3A_583 = arith.constant 48 : index
        %swap3A_584 = tpu.vector_load %arg14[%swap3A_582, %swap3A_583] {strides = array<i32>} : memref<128x64xf32, #tpu.memory_space<vmem>>, vector<1x16xf32>,
        %swap3A_585 = vector.shape_cast %swap3A_584 : vector<1x16xf32> to vector<16xf32>
        %swap3A_586 = vector.shape_cast %mul3A_581 : vector<16xf32> to vector<1x16xf32>
        tpu.vector_store %arg14[%swap3A_582, %swap3A_583], %swap3A_586 {strides = array<i32>} : memref<128x64xf32, #tpu.memory_space<vmem>>, vector<1x16xf32>,
        %slice3A_587 = vector.extract_strided_slice %get3A_189 {offsets = [8], sizes = [1], strides = [1]} : vector<16xf32> to vector<1xf32>
        %squeeze3A_588 = vector.extract %slice3A_587[0] : f32 from vector<1xf32>
        %mul3A_589 = arith.constant 16 : i32
        %mul3A_590 = arith.muli %scan3A_184, %mul3A_589 : i32
        %add3A_591 = arith.constant 8 : i32
        %add3A_592 = arith.addi %mul3A_590, %add3A_591 : i32
        %get3A_593 = arith.index_cast %add3A_592 : i32 to index
        %get3A_594 = arith.constant 0 : index
        %get3A_595 = tpu.vector_load %arg14[%get3A_593, %get3A_594] {strides = array<i32>} : memref<128x64xf32, #tpu.memory_space<vmem>>, vector<1x16xf32>,
        %get3A_596 = vector.shape_cast %get3A_595 : vector<1x16xf32> to vector<16xf32>
        %mul3A_597 = vector.broadcast %squeeze3A_588 : f32 to vector<16xf32>
        %mul3A_598 = arith.mulf %get3A_596, %mul3A_597 : vector<16xf32>
        %swap3A_599 = arith.index_cast %add3A_592 : i32 to index
        %swap3A_600 = arith.constant 0 : index
        %swap3A_601 = tpu.vector_load %arg14[%swap3A_599, %swap3A_600] {strides = array<i32>} : memref<128x64xf32, #tpu.memory_space<vmem>>, vector<1x16xf32>,
        %swap3A_602 = vector.shape_cast %swap3A_601 : vector<1x16xf32> to vector<16xf32>
        %swap3A_603 = vector.shape_cast %mul3A_598 : vector<16xf32> to vector<1x16xf32>
        tpu.vector_store %arg14[%swap3A_599, %swap3A_600], %swap3A_603 {strides = array<i32>} : memref<128x64xf32, #tpu.memory_space<vmem>>, vector<1x16xf32>,
        %get3A_604 = arith.index_cast %add3A_592 : i32 to index
        %get3A_605 = arith.constant 16 : index
        %get3A_606 = tpu.vector_load %arg14[%get3A_604, %get3A_605] {strides = array<i32>} : memref<128x64xf32, #tpu.memory_space<vmem>>, vector<1x16xf32>,
        %get3A_607 = vector.shape_cast %get3A_606 : vector<1x16xf32> to vector<16xf32>
        %mul3A_608 = vector.broadcast %squeeze3A_588 : f32 to vector<16xf32>
        %mul3A_609 = arith.mulf %get3A_607, %mul3A_608 : vector<16xf32>
        %swap3A_610 = arith.index_cast %add3A_592 : i32 to index
        %swap3A_611 = arith.constant 16 : index
        %swap3A_612 = tpu.vector_load %arg14[%swap3A_610, %swap3A_611] {strides = array<i32>} : memref<128x64xf32, #tpu.memory_space<vmem>>, vector<1x16xf32>,
        %swap3A_613 = vector.shape_cast %swap3A_612 : vector<1x16xf32> to vector<16xf32>
        %swap3A_614 = vector.shape_cast %mul3A_609 : vector<16xf32> to vector<1x16xf32>
        tpu.vector_store %arg14[%swap3A_610, %swap3A_611], %swap3A_614 {strides = array<i32>} : memref<128x64xf32, #tpu.memory_space<vmem>>, vector<1x16xf32>,
        %get3A_615 = arith.index_cast %add3A_592 : i32 to index
        %get3A_616 = arith.constant 32 : index
        %get3A_617 = tpu.vector_load %arg14[%get3A_615, %get3A_616] {strides = array<i32>} : memref<128x64xf32, #tpu.memory_space<vmem>>, vector<1x16xf32>,
        %get3A_618 = vector.shape_cast %get3A_617 : vector<1x16xf32> to vector<16xf32>
        %mul3A_619 = vector.broadcast %squeeze3A_588 : f32 to vector<16xf32>
        %mul3A_620 = arith.mulf %get3A_618, %mul3A_619 : vector<16xf32>
        %swap3A_621 = arith.index_cast %add3A_592 : i32 to index
        %swap3A_622 = arith.constant 32 : index
        %swap3A_623 = tpu.vector_load %arg14[%swap3A_621, %swap3A_622] {strides = array<i32>} : memref<128x64xf32, #tpu.memory_space<vmem>>, vector<1x16xf32>,
        %swap3A_624 = vector.shape_cast %swap3A_623 : vector<1x16xf32> to vector<16xf32>
        %swap3A_625 = vector.shape_cast %mul3A_620 : vector<16xf32> to vector<1x16xf32>
        tpu.vector_store %arg14[%swap3A_621, %swap3A_622], %swap3A_625 {strides = array<i32>} : memref<128x64xf32, #tpu.memory_space<vmem>>, vector<1x16xf32>,
        %get3A_626 = arith.index_cast %add3A_592 : i32 to index
        %get3A_627 = arith.constant 48 : index
        %get3A_628 = tpu.vector_load %arg14[%get3A_626, %get3A_627] {strides = array<i32>} : memref<128x64xf32, #tpu.memory_space<vmem>>, vector<1x16xf32>,
        %get3A_629 = vector.shape_cast %get3A_628 : vector<1x16xf32> to vector<16xf32>
        %mul3A_630 = vector.broadcast %squeeze3A_588 : f32 to vector<16xf32>
        %mul3A_631 = arith.mulf %get3A_629, %mul3A_630 : vector<16xf32>
        %swap3A_632 = arith.index_cast %add3A_592 : i32 to index
        %swap3A_633 = arith.constant 48 : index
        %swap3A_634 = tpu.vector_load %arg14[%swap3A_632, %swap3A_633] {strides = array<i32>} : memref<128x64xf32, #tpu.memory_space<vmem>>, vector<1x16xf32>,
        %swap3A_635 = vector.shape_cast %swap3A_634 : vector<1x16xf32> to vector<16xf32>
        %swap3A_636 = vector.shape_cast %mul3A_631 : vector<16xf32> to vector<1x16xf32>
        tpu.vector_store %arg14[%swap3A_632, %swap3A_633], %swap3A_636 {strides = array<i32>} : memref<128x64xf32, #tpu.memory_space<vmem>>, vector<1x16xf32>,
        %slice3A_637 = vector.extract_strided_slice %get3A_189 {offsets = [9], sizes = [1], strides = [1]} : vector<16xf32> to vector<1xf32>
        %squeeze3A_638 = vector.extract %slice3A_637[0] : f32 from vector<1xf32>
        %mul3A_639 = arith.constant 16 : i32
        %mul3A_640 = arith.muli %scan3A_184, %mul3A_639 : i32
        %add3A_641 = arith.constant 9 : i32
        %add3A_642 = arith.addi %mul3A_640, %add3A_641 : i32
        %get3A_643 = arith.index_cast %add3A_642 : i32 to index
        %get3A_644 = arith.constant 0 : index
        %get3A_645 = tpu.vector_load %arg14[%get3A_643, %get3A_644] {strides = array<i32>} : memref<128x64xf32, #tpu.memory_space<vmem>>, vector<1x16xf32>,
        %get3A_646 = vector.shape_cast %get3A_645 : vector<1x16xf32> to vector<16xf32>
        %mul3A_647 = vector.broadcast %squeeze3A_638 : f32 to vector<16xf32>
        %mul3A_648 = arith.mulf %get3A_646, %mul3A_647 : vector<16xf32>
        %swap3A_649 = arith.index_cast %add3A_642 : i32 to index
        %swap3A_650 = arith.constant 0 : index
        %swap3A_651 = tpu.vector_load %arg14[%swap3A_649, %swap3A_650] {strides = array<i32>} : memref<128x64xf32, #tpu.memory_space<vmem>>, vector<1x16xf32>,
        %swap3A_652 = vector.shape_cast %swap3A_651 : vector<1x16xf32> to vector<16xf32>
        %swap3A_653 = vector.shape_cast %mul3A_648 : vector<16xf32> to vector<1x16xf32>
        tpu.vector_store %arg14[%swap3A_649, %swap3A_650], %swap3A_653 {strides = array<i32>} : memref<128x64xf32, #tpu.memory_space<vmem>>, vector<1x16xf32>,
        %get3A_654 = arith.index_cast %add3A_642 : i32 to index
        %get3A_655 = arith.constant 16 : index
        %get3A_656 = tpu.vector_load %arg14[%get3A_654, %get3A_655] {strides = array<i32>} : memref<128x64xf32, #tpu.memory_space<vmem>>, vector<1x16xf32>,
        %get3A_657 = vector.shape_cast %get3A_656 : vector<1x16xf32> to vector<16xf32>
        %mul3A_658 = vector.broadcast %squeeze3A_638 : f32 to vector<16xf32>
        %mul3A_659 = arith.mulf %get3A_657, %mul3A_658 : vector<16xf32>
        %swap3A_660 = arith.index_cast %add3A_642 : i32 to index
        %swap3A_661 = arith.constant 16 : index
        %swap3A_662 = tpu.vector_load %arg14[%swap3A_660, %swap3A_661] {strides = array<i32>} : memref<128x64xf32, #tpu.memory_space<vmem>>, vector<1x16xf32>,
        %swap3A_663 = vector.shape_cast %swap3A_662 : vector<1x16xf32> to vector<16xf32>
        %swap3A_664 = vector.shape_cast %mul3A_659 : vector<16xf32> to vector<1x16xf32>
        tpu.vector_store %arg14[%swap3A_660, %swap3A_661], %swap3A_664 {strides = array<i32>} : memref<128x64xf32, #tpu.memory_space<vmem>>, vector<1x16xf32>,
        %get3A_665 = arith.index_cast %add3A_642 : i32 to index
        %get3A_666 = arith.constant 32 : index
        %get3A_667 = tpu.vector_load %arg14[%get3A_665, %get3A_666] {strides = array<i32>} : memref<128x64xf32, #tpu.memory_space<vmem>>, vector<1x16xf32>,
        %get3A_668 = vector.shape_cast %get3A_667 : vector<1x16xf32> to vector<16xf32>
        %mul3A_669 = vector.broadcast %squeeze3A_638 : f32 to vector<16xf32>
        %mul3A_670 = arith.mulf %get3A_668, %mul3A_669 : vector<16xf32>
        %swap3A_671 = arith.index_cast %add3A_642 : i32 to index
        %swap3A_672 = arith.constant 32 : index
        %swap3A_673 = tpu.vector_load %arg14[%swap3A_671, %swap3A_672] {strides = array<i32>} : memref<128x64xf32, #tpu.memory_space<vmem>>, vector<1x16xf32>,
        %swap3A_674 = vector.shape_cast %swap3A_673 : vector<1x16xf32> to vector<16xf32>
        %swap3A_675 = vector.shape_cast %mul3A_670 : vector<16xf32> to vector<1x16xf32>
        tpu.vector_store %arg14[%swap3A_671, %swap3A_672], %swap3A_675 {strides = array<i32>} : memref<128x64xf32, #tpu.memory_space<vmem>>, vector<1x16xf32>,
        %get3A_676 = arith.index_cast %add3A_642 : i32 to index
        %get3A_677 = arith.constant 48 : index
        %get3A_678 = tpu.vector_load %arg14[%get3A_676, %get3A_677] {strides = array<i32>} : memref<128x64xf32, #tpu.memory_space<vmem>>, vector<1x16xf32>,
        %get3A_679 = vector.shape_cast %get3A_678 : vector<1x16xf32> to vector<16xf32>
        %mul3A_680 = vector.broadcast %squeeze3A_638 : f32 to vector<16xf32>
        %mul3A_681 = arith.mulf %get3A_679, %mul3A_680 : vector<16xf32>
        %swap3A_682 = arith.index_cast %add3A_642 : i32 to index
        %swap3A_683 = arith.constant 48 : index
        %swap3A_684 = tpu.vector_load %arg14[%swap3A_682, %swap3A_683] {strides = array<i32>} : memref<128x64xf32, #tpu.memory_space<vmem>>, vector<1x16xf32>,
        %swap3A_685 = vector.shape_cast %swap3A_684 : vector<1x16xf32> to vector<16xf32>
        %swap3A_686 = vector.shape_cast %mul3A_681 : vector<16xf32> to vector<1x16xf32>
        tpu.vector_store %arg14[%swap3A_682, %swap3A_683], %swap3A_686 {strides = array<i32>} : memref<128x64xf32, #tpu.memory_space<vmem>>, vector<1x16xf32>,
        %slice3A_687 = vector.extract_strided_slice %get3A_189 {offsets = [10], sizes = [1], strides = [1]} : vector<16xf32> to vector<1xf32>
        %squeeze3A_688 = vector.extract %slice3A_687[0] : f32 from vector<1xf32>
        %mul3A_689 = arith.constant 16 : i32
        %mul3A_690 = arith.muli %scan3A_184, %mul3A_689 : i32
        %add3A_691 = arith.constant 10 : i32
        %add3A_692 = arith.addi %mul3A_690, %add3A_691 : i32
        %get3A_693 = arith.index_cast %add3A_692 : i32 to index
        %get3A_694 = arith.constant 0 : index
        %get3A_695 = tpu.vector_load %arg14[%get3A_693, %get3A_694] {strides = array<i32>} : memref<128x64xf32, #tpu.memory_space<vmem>>, vector<1x16xf32>,
        %get3A_696 = vector.shape_cast %get3A_695 : vector<1x16xf32> to vector<16xf32>
        %mul3A_697 = vector.broadcast %squeeze3A_688 : f32 to vector<16xf32>
        %mul3A_698 = arith.mulf %get3A_696, %mul3A_697 : vector<16xf32>
        %swap3A_699 = arith.index_cast %add3A_692 : i32 to index
        %swap3A_700 = arith.constant 0 : index
        %swap3A_701 = tpu.vector_load %arg14[%swap3A_699, %swap3A_700] {strides = array<i32>} : memref<128x64xf32, #tpu.memory_space<vmem>>, vector<1x16xf32>,
        %swap3A_702 = vector.shape_cast %swap3A_701 : vector<1x16xf32> to vector<16xf32>
        %swap3A_703 = vector.shape_cast %mul3A_698 : vector<16xf32> to vector<1x16xf32>
        tpu.vector_store %arg14[%swap3A_699, %swap3A_700], %swap3A_703 {strides = array<i32>} : memref<128x64xf32, #tpu.memory_space<vmem>>, vector<1x16xf32>,
        %get3A_704 = arith.index_cast %add3A_692 : i32 to index
        %get3A_705 = arith.constant 16 : index
        %get3A_706 = tpu.vector_load %arg14[%get3A_704, %get3A_705] {strides = array<i32>} : memref<128x64xf32, #tpu.memory_space<vmem>>, vector<1x16xf32>,
        %get3A_707 = vector.shape_cast %get3A_706 : vector<1x16xf32> to vector<16xf32>
        %mul3A_708 = vector.broadcast %squeeze3A_688 : f32 to vector<16xf32>
        %mul3A_709 = arith.mulf %get3A_707, %mul3A_708 : vector<16xf32>
        %swap3A_710 = arith.index_cast %add3A_692 : i32 to index
        %swap3A_711 = arith.constant 16 : index
        %swap3A_712 = tpu.vector_load %arg14[%swap3A_710, %swap3A_711] {strides = array<i32>} : memref<128x64xf32, #tpu.memory_space<vmem>>, vector<1x16xf32>,
        %swap3A_713 = vector.shape_cast %swap3A_712 : vector<1x16xf32> to vector<16xf32>
        %swap3A_714 = vector.shape_cast %mul3A_709 : vector<16xf32> to vector<1x16xf32>
        tpu.vector_store %arg14[%swap3A_710, %swap3A_711], %swap3A_714 {strides = array<i32>} : memref<128x64xf32, #tpu.memory_space<vmem>>, vector<1x16xf32>,
        %get3A_715 = arith.index_cast %add3A_692 : i32 to index
        %get3A_716 = arith.constant 32 : index
        %get3A_717 = tpu.vector_load %arg14[%get3A_715, %get3A_716] {strides = array<i32>} : memref<128x64xf32, #tpu.memory_space<vmem>>, vector<1x16xf32>,
        %get3A_718 = vector.shape_cast %get3A_717 : vector<1x16xf32> to vector<16xf32>
        %mul3A_719 = vector.broadcast %squeeze3A_688 : f32 to vector<16xf32>
        %mul3A_720 = arith.mulf %get3A_718, %mul3A_719 : vector<16xf32>
        %swap3A_721 = arith.index_cast %add3A_692 : i32 to index
        %swap3A_722 = arith.constant 32 : index
        %swap3A_723 = tpu.vector_load %arg14[%swap3A_721, %swap3A_722] {strides = array<i32>} : memref<128x64xf32, #tpu.memory_space<vmem>>, vector<1x16xf32>,
        %swap3A_724 = vector.shape_cast %swap3A_723 : vector<1x16xf32> to vector<16xf32>
        %swap3A_725 = vector.shape_cast %mul3A_720 : vector<16xf32> to vector<1x16xf32>
        tpu.vector_store %arg14[%swap3A_721, %swap3A_722], %swap3A_725 {strides = array<i32>} : memref<128x64xf32, #tpu.memory_space<vmem>>, vector<1x16xf32>,
        %get3A_726 = arith.index_cast %add3A_692 : i32 to index
        %get3A_727 = arith.constant 48 : index
        %get3A_728 = tpu.vector_load %arg14[%get3A_726, %get3A_727] {strides = array<i32>} : memref<128x64xf32, #tpu.memory_space<vmem>>, vector<1x16xf32>,
        %get3A_729 = vector.shape_cast %get3A_728 : vector<1x16xf32> to vector<16xf32>
        %mul3A_730 = vector.broadcast %squeeze3A_688 : f32 to vector<16xf32>
        %mul3A_731 = arith.mulf %get3A_729, %mul3A_730 : vector<16xf32>
        %swap3A_732 = arith.index_cast %add3A_692 : i32 to index
        %swap3A_733 = arith.constant 48 : index
        %swap3A_734 = tpu.vector_load %arg14[%swap3A_732, %swap3A_733] {strides = array<i32>} : memref<128x64xf32, #tpu.memory_space<vmem>>, vector<1x16xf32>,
        %swap3A_735 = vector.shape_cast %swap3A_734 : vector<1x16xf32> to vector<16xf32>
        %swap3A_736 = vector.shape_cast %mul3A_731 : vector<16xf32> to vector<1x16xf32>
        tpu.vector_store %arg14[%swap3A_732, %swap3A_733], %swap3A_736 {strides = array<i32>} : memref<128x64xf32, #tpu.memory_space<vmem>>, vector<1x16xf32>,
        %slice3A_737 = vector.extract_strided_slice %get3A_189 {offsets = [11], sizes = [1], strides = [1]} : vector<16xf32> to vector<1xf32>
        %squeeze3A_738 = vector.extract %slice3A_737[0] : f32 from vector<1xf32>
        %mul3A_739 = arith.constant 16 : i32
        %mul3A_740 = arith.muli %scan3A_184, %mul3A_739 : i32
        %add3A_741 = arith.constant 11 : i32
        %add3A_742 = arith.addi %mul3A_740, %add3A_741 : i32
        %get3A_743 = arith.index_cast %add3A_742 : i32 to index
        %get3A_744 = arith.constant 0 : index
        %get3A_745 = tpu.vector_load %arg14[%get3A_743, %get3A_744] {strides = array<i32>} : memref<128x64xf32, #tpu.memory_space<vmem>>, vector<1x16xf32>,
        %get3A_746 = vector.shape_cast %get3A_745 : vector<1x16xf32> to vector<16xf32>
        %mul3A_747 = vector.broadcast %squeeze3A_738 : f32 to vector<16xf32>
        %mul3A_748 = arith.mulf %get3A_746, %mul3A_747 : vector<16xf32>
        %swap3A_749 = arith.index_cast %add3A_742 : i32 to index
        %swap3A_750 = arith.constant 0 : index
        %swap3A_751 = tpu.vector_load %arg14[%swap3A_749, %swap3A_750] {strides = array<i32>} : memref<128x64xf32, #tpu.memory_space<vmem>>, vector<1x16xf32>,
        %swap3A_752 = vector.shape_cast %swap3A_751 : vector<1x16xf32> to vector<16xf32>
        %swap3A_753 = vector.shape_cast %mul3A_748 : vector<16xf32> to vector<1x16xf32>
        tpu.vector_store %arg14[%swap3A_749, %swap3A_750], %swap3A_753 {strides = array<i32>} : memref<128x64xf32, #tpu.memory_space<vmem>>, vector<1x16xf32>,
        %get3A_754 = arith.index_cast %add3A_742 : i32 to index
        %get3A_755 = arith.constant 16 : index
        %get3A_756 = tpu.vector_load %arg14[%get3A_754, %get3A_755] {strides = array<i32>} : memref<128x64xf32, #tpu.memory_space<vmem>>, vector<1x16xf32>,
        %get3A_757 = vector.shape_cast %get3A_756 : vector<1x16xf32> to vector<16xf32>
        %mul3A_758 = vector.broadcast %squeeze3A_738 : f32 to vector<16xf32>
        %mul3A_759 = arith.mulf %get3A_757, %mul3A_758 : vector<16xf32>
        %swap3A_760 = arith.index_cast %add3A_742 : i32 to index
        %swap3A_761 = arith.constant 16 : index
        %swap3A_762 = tpu.vector_load %arg14[%swap3A_760, %swap3A_761] {strides = array<i32>} : memref<128x64xf32, #tpu.memory_space<vmem>>, vector<1x16xf32>,
        %swap3A_763 = vector.shape_cast %swap3A_762 : vector<1x16xf32> to vector<16xf32>
        %swap3A_764 = vector.shape_cast %mul3A_759 : vector<16xf32> to vector<1x16xf32>
        tpu.vector_store %arg14[%swap3A_760, %swap3A_761], %swap3A_764 {strides = array<i32>} : memref<128x64xf32, #tpu.memory_space<vmem>>, vector<1x16xf32>,
        %get3A_765 = arith.index_cast %add3A_742 : i32 to index
        %get3A_766 = arith.constant 32 : index
        %get3A_767 = tpu.vector_load %arg14[%get3A_765, %get3A_766] {strides = array<i32>} : memref<128x64xf32, #tpu.memory_space<vmem>>, vector<1x16xf32>,
        %get3A_768 = vector.shape_cast %get3A_767 : vector<1x16xf32> to vector<16xf32>
        %mul3A_769 = vector.broadcast %squeeze3A_738 : f32 to vector<16xf32>
        %mul3A_770 = arith.mulf %get3A_768, %mul3A_769 : vector<16xf32>
        %swap3A_771 = arith.index_cast %add3A_742 : i32 to index
        %swap3A_772 = arith.constant 32 : index
        %swap3A_773 = tpu.vector_load %arg14[%swap3A_771, %swap3A_772] {strides = array<i32>} : memref<128x64xf32, #tpu.memory_space<vmem>>, vector<1x16xf32>,
        %swap3A_774 = vector.shape_cast %swap3A_773 : vector<1x16xf32> to vector<16xf32>
        %swap3A_775 = vector.shape_cast %mul3A_770 : vector<16xf32> to vector<1x16xf32>
        tpu.vector_store %arg14[%swap3A_771, %swap3A_772], %swap3A_775 {strides = array<i32>} : memref<128x64xf32, #tpu.memory_space<vmem>>, vector<1x16xf32>,
        %get3A_776 = arith.index_cast %add3A_742 : i32 to index
        %get3A_777 = arith.constant 48 : index
        %get3A_778 = tpu.vector_load %arg14[%get3A_776, %get3A_777] {strides = array<i32>} : memref<128x64xf32, #tpu.memory_space<vmem>>, vector<1x16xf32>,
        %get3A_779 = vector.shape_cast %get3A_778 : vector<1x16xf32> to vector<16xf32>
        %mul3A_780 = vector.broadcast %squeeze3A_738 : f32 to vector<16xf32>
        %mul3A_781 = arith.mulf %get3A_779, %mul3A_780 : vector<16xf32>
        %swap3A_782 = arith.index_cast %add3A_742 : i32 to index
        %swap3A_783 = arith.constant 48 : index
        %swap3A_784 = tpu.vector_load %arg14[%swap3A_782, %swap3A_783] {strides = array<i32>} : memref<128x64xf32, #tpu.memory_space<vmem>>, vector<1x16xf32>,
        %swap3A_785 = vector.shape_cast %swap3A_784 : vector<1x16xf32> to vector<16xf32>
        %swap3A_786 = vector.shape_cast %mul3A_781 : vector<16xf32> to vector<1x16xf32>
        tpu.vector_store %arg14[%swap3A_782, %swap3A_783], %swap3A_786 {strides = array<i32>} : memref<128x64xf32, #tpu.memory_space<vmem>>, vector<1x16xf32>,
        %slice3A_787 = vector.extract_strided_slice %get3A_189 {offsets = [12], sizes = [1], strides = [1]} : vector<16xf32> to vector<1xf32>
        %squeeze3A_788 = vector.extract %slice3A_787[0] : f32 from vector<1xf32>
        %mul3A_789 = arith.constant 16 : i32
        %mul3A_790 = arith.muli %scan3A_184, %mul3A_789 : i32
        %add3A_791 = arith.constant 12 : i32
        %add3A_792 = arith.addi %mul3A_790, %add3A_791 : i32
        %get3A_793 = arith.index_cast %add3A_792 : i32 to index
        %get3A_794 = arith.constant 0 : index
        %get3A_795 = tpu.vector_load %arg14[%get3A_793, %get3A_794] {strides = array<i32>} : memref<128x64xf32, #tpu.memory_space<vmem>>, vector<1x16xf32>,
        %get3A_796 = vector.shape_cast %get3A_795 : vector<1x16xf32> to vector<16xf32>
        %mul3A_797 = vector.broadcast %squeeze3A_788 : f32 to vector<16xf32>
        %mul3A_798 = arith.mulf %get3A_796, %mul3A_797 : vector<16xf32>
        %swap3A_799 = arith.index_cast %add3A_792 : i32 to index
        %swap3A_800 = arith.constant 0 : index
        %swap3A_801 = tpu.vector_load %arg14[%swap3A_799, %swap3A_800] {strides = array<i32>} : memref<128x64xf32, #tpu.memory_space<vmem>>, vector<1x16xf32>,
        %swap3A_802 = vector.shape_cast %swap3A_801 : vector<1x16xf32> to vector<16xf32>
        %swap3A_803 = vector.shape_cast %mul3A_798 : vector<16xf32> to vector<1x16xf32>
        tpu.vector_store %arg14[%swap3A_799, %swap3A_800], %swap3A_803 {strides = array<i32>} : memref<128x64xf32, #tpu.memory_space<vmem>>, vector<1x16xf32>,
        %get3A_804 = arith.index_cast %add3A_792 : i32 to index
        %get3A_805 = arith.constant 16 : index
        %get3A_806 = tpu.vector_load %arg14[%get3A_804, %get3A_805] {strides = array<i32>} : memref<128x64xf32, #tpu.memory_space<vmem>>, vector<1x16xf32>,
        %get3A_807 = vector.shape_cast %get3A_806 : vector<1x16xf32> to vector<16xf32>
        %mul3A_808 = vector.broadcast %squeeze3A_788 : f32 to vector<16xf32>
        %mul3A_809 = arith.mulf %get3A_807, %mul3A_808 : vector<16xf32>
        %swap3A_810 = arith.index_cast %add3A_792 : i32 to index
        %swap3A_811 = arith.constant 16 : index
        %swap3A_812 = tpu.vector_load %arg14[%swap3A_810, %swap3A_811] {strides = array<i32>} : memref<128x64xf32, #tpu.memory_space<vmem>>, vector<1x16xf32>,
        %swap3A_813 = vector.shape_cast %swap3A_812 : vector<1x16xf32> to vector<16xf32>
        %swap3A_814 = vector.shape_cast %mul3A_809 : vector<16xf32> to vector<1x16xf32>
        tpu.vector_store %arg14[%swap3A_810, %swap3A_811], %swap3A_814 {strides = array<i32>} : memref<128x64xf32, #tpu.memory_space<vmem>>, vector<1x16xf32>,
        %get3A_815 = arith.index_cast %add3A_792 : i32 to index
        %get3A_816 = arith.constant 32 : index
        %get3A_817 = tpu.vector_load %arg14[%get3A_815, %get3A_816] {strides = array<i32>} : memref<128x64xf32, #tpu.memory_space<vmem>>, vector<1x16xf32>,
        %get3A_818 = vector.shape_cast %get3A_817 : vector<1x16xf32> to vector<16xf32>
        %mul3A_819 = vector.broadcast %squeeze3A_788 : f32 to vector<16xf32>
        %mul3A_820 = arith.mulf %get3A_818, %mul3A_819 : vector<16xf32>
        %swap3A_821 = arith.index_cast %add3A_792 : i32 to index
        %swap3A_822 = arith.constant 32 : index
        %swap3A_823 = tpu.vector_load %arg14[%swap3A_821, %swap3A_822] {strides = array<i32>} : memref<128x64xf32, #tpu.memory_space<vmem>>, vector<1x16xf32>,
        %swap3A_824 = vector.shape_cast %swap3A_823 : vector<1x16xf32> to vector<16xf32>
        %swap3A_825 = vector.shape_cast %mul3A_820 : vector<16xf32> to vector<1x16xf32>
        tpu.vector_store %arg14[%swap3A_821, %swap3A_822], %swap3A_825 {strides = array<i32>} : memref<128x64xf32, #tpu.memory_space<vmem>>, vector<1x16xf32>,
        %get3A_826 = arith.index_cast %add3A_792 : i32 to index
        %get3A_827 = arith.constant 48 : index
        %get3A_828 = tpu.vector_load %arg14[%get3A_826, %get3A_827] {strides = array<i32>} : memref<128x64xf32, #tpu.memory_space<vmem>>, vector<1x16xf32>,
        %get3A_829 = vector.shape_cast %get3A_828 : vector<1x16xf32> to vector<16xf32>
        %mul3A_830 = vector.broadcast %squeeze3A_788 : f32 to vector<16xf32>
        %mul3A_831 = arith.mulf %get3A_829, %mul3A_830 : vector<16xf32>
        %swap3A_832 = arith.index_cast %add3A_792 : i32 to index
        %swap3A_833 = arith.constant 48 : index
        %swap3A_834 = tpu.vector_load %arg14[%swap3A_832, %swap3A_833] {strides = array<i32>} : memref<128x64xf32, #tpu.memory_space<vmem>>, vector<1x16xf32>,
        %swap3A_835 = vector.shape_cast %swap3A_834 : vector<1x16xf32> to vector<16xf32>
        %swap3A_836 = vector.shape_cast %mul3A_831 : vector<16xf32> to vector<1x16xf32>
        tpu.vector_store %arg14[%swap3A_832, %swap3A_833], %swap3A_836 {strides = array<i32>} : memref<128x64xf32, #tpu.memory_space<vmem>>, vector<1x16xf32>,
        %slice3A_837 = vector.extract_strided_slice %get3A_189 {offsets = [13], sizes = [1], strides = [1]} : vector<16xf32> to vector<1xf32>
        %squeeze3A_838 = vector.extract %slice3A_837[0] : f32 from vector<1xf32>
        %mul3A_839 = arith.constant 16 : i32
        %mul3A_840 = arith.muli %scan3A_184, %mul3A_839 : i32
        %add3A_841 = arith.constant 13 : i32
        %add3A_842 = arith.addi %mul3A_840, %add3A_841 : i32
        %get3A_843 = arith.index_cast %add3A_842 : i32 to index
        %get3A_844 = arith.constant 0 : index
        %get3A_845 = tpu.vector_load %arg14[%get3A_843, %get3A_844] {strides = array<i32>} : memref<128x64xf32, #tpu.memory_space<vmem>>, vector<1x16xf32>,
        %get3A_846 = vector.shape_cast %get3A_845 : vector<1x16xf32> to vector<16xf32>
        %mul3A_847 = vector.broadcast %squeeze3A_838 : f32 to vector<16xf32>
        %mul3A_848 = arith.mulf %get3A_846, %mul3A_847 : vector<16xf32>
        %swap3A_849 = arith.index_cast %add3A_842 : i32 to index
        %swap3A_850 = arith.constant 0 : index
        %swap3A_851 = tpu.vector_load %arg14[%swap3A_849, %swap3A_850] {strides = array<i32>} : memref<128x64xf32, #tpu.memory_space<vmem>>, vector<1x16xf32>,
        %swap3A_852 = vector.shape_cast %swap3A_851 : vector<1x16xf32> to vector<16xf32>
        %swap3A_853 = vector.shape_cast %mul3A_848 : vector<16xf32> to vector<1x16xf32>
        tpu.vector_store %arg14[%swap3A_849, %swap3A_850], %swap3A_853 {strides = array<i32>} : memref<128x64xf32, #tpu.memory_space<vmem>>, vector<1x16xf32>,
        %get3A_854 = arith.index_cast %add3A_842 : i32 to index
        %get3A_855 = arith.constant 16 : index
        %get3A_856 = tpu.vector_load %arg14[%get3A_854, %get3A_855] {strides = array<i32>} : memref<128x64xf32, #tpu.memory_space<vmem>>, vector<1x16xf32>,
        %get3A_857 = vector.shape_cast %get3A_856 : vector<1x16xf32> to vector<16xf32>
        %mul3A_858 = vector.broadcast %squeeze3A_838 : f32 to vector<16xf32>
        %mul3A_859 = arith.mulf %get3A_857, %mul3A_858 : vector<16xf32>
        %swap3A_860 = arith.index_cast %add3A_842 : i32 to index
        %swap3A_861 = arith.constant 16 : index
        %swap3A_862 = tpu.vector_load %arg14[%swap3A_860, %swap3A_861] {strides = array<i32>} : memref<128x64xf32, #tpu.memory_space<vmem>>, vector<1x16xf32>,
        %swap3A_863 = vector.shape_cast %swap3A_862 : vector<1x16xf32> to vector<16xf32>
        %swap3A_864 = vector.shape_cast %mul3A_859 : vector<16xf32> to vector<1x16xf32>
        tpu.vector_store %arg14[%swap3A_860, %swap3A_861], %swap3A_864 {strides = array<i32>} : memref<128x64xf32, #tpu.memory_space<vmem>>, vector<1x16xf32>,
        %get3A_865 = arith.index_cast %add3A_842 : i32 to index
        %get3A_866 = arith.constant 32 : index
        %get3A_867 = tpu.vector_load %arg14[%get3A_865, %get3A_866] {strides = array<i32>} : memref<128x64xf32, #tpu.memory_space<vmem>>, vector<1x16xf32>,
        %get3A_868 = vector.shape_cast %get3A_867 : vector<1x16xf32> to vector<16xf32>
        %mul3A_869 = vector.broadcast %squeeze3A_838 : f32 to vector<16xf32>
        %mul3A_870 = arith.mulf %get3A_868, %mul3A_869 : vector<16xf32>
        %swap3A_871 = arith.index_cast %add3A_842 : i32 to index
        %swap3A_872 = arith.constant 32 : index
        %swap3A_873 = tpu.vector_load %arg14[%swap3A_871, %swap3A_872] {strides = array<i32>} : memref<128x64xf32, #tpu.memory_space<vmem>>, vector<1x16xf32>,
        %swap3A_874 = vector.shape_cast %swap3A_873 : vector<1x16xf32> to vector<16xf32>
        %swap3A_875 = vector.shape_cast %mul3A_870 : vector<16xf32> to vector<1x16xf32>
        tpu.vector_store %arg14[%swap3A_871, %swap3A_872], %swap3A_875 {strides = array<i32>} : memref<128x64xf32, #tpu.memory_space<vmem>>, vector<1x16xf32>,
        %get3A_876 = arith.index_cast %add3A_842 : i32 to index
        %get3A_877 = arith.constant 48 : index
        %get3A_878 = tpu.vector_load %arg14[%get3A_876, %get3A_877] {strides = array<i32>} : memref<128x64xf32, #tpu.memory_space<vmem>>, vector<1x16xf32>,
        %get3A_879 = vector.shape_cast %get3A_878 : vector<1x16xf32> to vector<16xf32>
        %mul3A_880 = vector.broadcast %squeeze3A_838 : f32 to vector<16xf32>
        %mul3A_881 = arith.mulf %get3A_879, %mul3A_880 : vector<16xf32>
        %swap3A_882 = arith.index_cast %add3A_842 : i32 to index
        %swap3A_883 = arith.constant 48 : index
        %swap3A_884 = tpu.vector_load %arg14[%swap3A_882, %swap3A_883] {strides = array<i32>} : memref<128x64xf32, #tpu.memory_space<vmem>>, vector<1x16xf32>,
        %swap3A_885 = vector.shape_cast %swap3A_884 : vector<1x16xf32> to vector<16xf32>
        %swap3A_886 = vector.shape_cast %mul3A_881 : vector<16xf32> to vector<1x16xf32>
        tpu.vector_store %arg14[%swap3A_882, %swap3A_883], %swap3A_886 {strides = array<i32>} : memref<128x64xf32, #tpu.memory_space<vmem>>, vector<1x16xf32>,
        %slice3A_887 = vector.extract_strided_slice %get3A_189 {offsets = [14], sizes = [1], strides = [1]} : vector<16xf32> to vector<1xf32>
        %squeeze3A_888 = vector.extract %slice3A_887[0] : f32 from vector<1xf32>
        %mul3A_889 = arith.constant 16 : i32
        %mul3A_890 = arith.muli %scan3A_184, %mul3A_889 : i32
        %add3A_891 = arith.constant 14 : i32
        %add3A_892 = arith.addi %mul3A_890, %add3A_891 : i32
        %get3A_893 = arith.index_cast %add3A_892 : i32 to index
        %get3A_894 = arith.constant 0 : index
        %get3A_895 = tpu.vector_load %arg14[%get3A_893, %get3A_894] {strides = array<i32>} : memref<128x64xf32, #tpu.memory_space<vmem>>, vector<1x16xf32>,
        %get3A_896 = vector.shape_cast %get3A_895 : vector<1x16xf32> to vector<16xf32>
        %mul3A_897 = vector.broadcast %squeeze3A_888 : f32 to vector<16xf32>
        %mul3A_898 = arith.mulf %get3A_896, %mul3A_897 : vector<16xf32>
        %swap3A_899 = arith.index_cast %add3A_892 : i32 to index
        %swap3A_900 = arith.constant 0 : index
        %swap3A_901 = tpu.vector_load %arg14[%swap3A_899, %swap3A_900] {strides = array<i32>} : memref<128x64xf32, #tpu.memory_space<vmem>>, vector<1x16xf32>,
        %swap3A_902 = vector.shape_cast %swap3A_901 : vector<1x16xf32> to vector<16xf32>
        %swap3A_903 = vector.shape_cast %mul3A_898 : vector<16xf32> to vector<1x16xf32>
        tpu.vector_store %arg14[%swap3A_899, %swap3A_900], %swap3A_903 {strides = array<i32>} : memref<128x64xf32, #tpu.memory_space<vmem>>, vector<1x16xf32>,
        %get3A_904 = arith.index_cast %add3A_892 : i32 to index
        %get3A_905 = arith.constant 16 : index
        %get3A_906 = tpu.vector_load %arg14[%get3A_904, %get3A_905] {strides = array<i32>} : memref<128x64xf32, #tpu.memory_space<vmem>>, vector<1x16xf32>,
        %get3A_907 = vector.shape_cast %get3A_906 : vector<1x16xf32> to vector<16xf32>
        %mul3A_908 = vector.broadcast %squeeze3A_888 : f32 to vector<16xf32>
        %mul3A_909 = arith.mulf %get3A_907, %mul3A_908 : vector<16xf32>
        %swap3A_910 = arith.index_cast %add3A_892 : i32 to index
        %swap3A_911 = arith.constant 16 : index
        %swap3A_912 = tpu.vector_load %arg14[%swap3A_910, %swap3A_911] {strides = array<i32>} : memref<128x64xf32, #tpu.memory_space<vmem>>, vector<1x16xf32>,
        %swap3A_913 = vector.shape_cast %swap3A_912 : vector<1x16xf32> to vector<16xf32>
        %swap3A_914 = vector.shape_cast %mul3A_909 : vector<16xf32> to vector<1x16xf32>
        tpu.vector_store %arg14[%swap3A_910, %swap3A_911], %swap3A_914 {strides = array<i32>} : memref<128x64xf32, #tpu.memory_space<vmem>>, vector<1x16xf32>,
        %get3A_915 = arith.index_cast %add3A_892 : i32 to index
        %get3A_916 = arith.constant 32 : index
        %get3A_917 = tpu.vector_load %arg14[%get3A_915, %get3A_916] {strides = array<i32>} : memref<128x64xf32, #tpu.memory_space<vmem>>, vector<1x16xf32>,
        %get3A_918 = vector.shape_cast %get3A_917 : vector<1x16xf32> to vector<16xf32>
        %mul3A_919 = vector.broadcast %squeeze3A_888 : f32 to vector<16xf32>
        %mul3A_920 = arith.mulf %get3A_918, %mul3A_919 : vector<16xf32>
        %swap3A_921 = arith.index_cast %add3A_892 : i32 to index
        %swap3A_922 = arith.constant 32 : index
        %swap3A_923 = tpu.vector_load %arg14[%swap3A_921, %swap3A_922] {strides = array<i32>} : memref<128x64xf32, #tpu.memory_space<vmem>>, vector<1x16xf32>,
        %swap3A_924 = vector.shape_cast %swap3A_923 : vector<1x16xf32> to vector<16xf32>
        %swap3A_925 = vector.shape_cast %mul3A_920 : vector<16xf32> to vector<1x16xf32>
        tpu.vector_store %arg14[%swap3A_921, %swap3A_922], %swap3A_925 {strides = array<i32>} : memref<128x64xf32, #tpu.memory_space<vmem>>, vector<1x16xf32>,
        %get3A_926 = arith.index_cast %add3A_892 : i32 to index
        %get3A_927 = arith.constant 48 : index
        %get3A_928 = tpu.vector_load %arg14[%get3A_926, %get3A_927] {strides = array<i32>} : memref<128x64xf32, #tpu.memory_space<vmem>>, vector<1x16xf32>,
        %get3A_929 = vector.shape_cast %get3A_928 : vector<1x16xf32> to vector<16xf32>
        %mul3A_930 = vector.broadcast %squeeze3A_888 : f32 to vector<16xf32>
        %mul3A_931 = arith.mulf %get3A_929, %mul3A_930 : vector<16xf32>
        %swap3A_932 = arith.index_cast %add3A_892 : i32 to index
        %swap3A_933 = arith.constant 48 : index
        %swap3A_934 = tpu.vector_load %arg14[%swap3A_932, %swap3A_933] {strides = array<i32>} : memref<128x64xf32, #tpu.memory_space<vmem>>, vector<1x16xf32>,
        %swap3A_935 = vector.shape_cast %swap3A_934 : vector<1x16xf32> to vector<16xf32>
        %swap3A_936 = vector.shape_cast %mul3A_931 : vector<16xf32> to vector<1x16xf32>
        tpu.vector_store %arg14[%swap3A_932, %swap3A_933], %swap3A_936 {strides = array<i32>} : memref<128x64xf32, #tpu.memory_space<vmem>>, vector<1x16xf32>,
        %slice3A_937 = vector.extract_strided_slice %get3A_189 {offsets = [15], sizes = [1], strides = [1]} : vector<16xf32> to vector<1xf32>
        %squeeze3A_938 = vector.extract %slice3A_937[0] : f32 from vector<1xf32>
        %mul3A_939 = arith.constant 16 : i32
        %mul3A_940 = arith.muli %scan3A_184, %mul3A_939 : i32
        %add3A_941 = arith.constant 15 : i32
        %add3A_942 = arith.addi %mul3A_940, %add3A_941 : i32
        %get3A_943 = arith.index_cast %add3A_942 : i32 to index
        %get3A_944 = arith.constant 0 : index
        %get3A_945 = tpu.vector_load %arg14[%get3A_943, %get3A_944] {strides = array<i32>} : memref<128x64xf32, #tpu.memory_space<vmem>>, vector<1x16xf32>,
        %get3A_946 = vector.shape_cast %get3A_945 : vector<1x16xf32> to vector<16xf32>
        %mul3A_947 = vector.broadcast %squeeze3A_938 : f32 to vector<16xf32>
        %mul3A_948 = arith.mulf %get3A_946, %mul3A_947 : vector<16xf32>
        %swap3A_949 = arith.index_cast %add3A_942 : i32 to index
        %swap3A_950 = arith.constant 0 : index
        %swap3A_951 = tpu.vector_load %arg14[%swap3A_949, %swap3A_950] {strides = array<i32>} : memref<128x64xf32, #tpu.memory_space<vmem>>, vector<1x16xf32>,
        %swap3A_952 = vector.shape_cast %swap3A_951 : vector<1x16xf32> to vector<16xf32>
        %swap3A_953 = vector.shape_cast %mul3A_948 : vector<16xf32> to vector<1x16xf32>
        tpu.vector_store %arg14[%swap3A_949, %swap3A_950], %swap3A_953 {strides = array<i32>} : memref<128x64xf32, #tpu.memory_space<vmem>>, vector<1x16xf32>,
        %get3A_954 = arith.index_cast %add3A_942 : i32 to index
        %get3A_955 = arith.constant 16 : index
        %get3A_956 = tpu.vector_load %arg14[%get3A_954, %get3A_955] {strides = array<i32>} : memref<128x64xf32, #tpu.memory_space<vmem>>, vector<1x16xf32>,
        %get3A_957 = vector.shape_cast %get3A_956 : vector<1x16xf32> to vector<16xf32>
        %mul3A_958 = vector.broadcast %squeeze3A_938 : f32 to vector<16xf32>
        %mul3A_959 = arith.mulf %get3A_957, %mul3A_958 : vector<16xf32>
        %swap3A_960 = arith.index_cast %add3A_942 : i32 to index
        %swap3A_961 = arith.constant 16 : index
        %swap3A_962 = tpu.vector_load %arg14[%swap3A_960, %swap3A_961] {strides = array<i32>} : memref<128x64xf32, #tpu.memory_space<vmem>>, vector<1x16xf32>,
        %swap3A_963 = vector.shape_cast %swap3A_962 : vector<1x16xf32> to vector<16xf32>
        %swap3A_964 = vector.shape_cast %mul3A_959 : vector<16xf32> to vector<1x16xf32>
        tpu.vector_store %arg14[%swap3A_960, %swap3A_961], %swap3A_964 {strides = array<i32>} : memref<128x64xf32, #tpu.memory_space<vmem>>, vector<1x16xf32>,
        %get3A_965 = arith.index_cast %add3A_942 : i32 to index
        %get3A_966 = arith.constant 32 : index
        %get3A_967 = tpu.vector_load %arg14[%get3A_965, %get3A_966] {strides = array<i32>} : memref<128x64xf32, #tpu.memory_space<vmem>>, vector<1x16xf32>,
        %get3A_968 = vector.shape_cast %get3A_967 : vector<1x16xf32> to vector<16xf32>
        %mul3A_969 = vector.broadcast %squeeze3A_938 : f32 to vector<16xf32>
        %mul3A_970 = arith.mulf %get3A_968, %mul3A_969 : vector<16xf32>
        %swap3A_971 = arith.index_cast %add3A_942 : i32 to index
        %swap3A_972 = arith.constant 32 : index
        %swap3A_973 = tpu.vector_load %arg14[%swap3A_971, %swap3A_972] {strides = array<i32>} : memref<128x64xf32, #tpu.memory_space<vmem>>, vector<1x16xf32>,
        %swap3A_974 = vector.shape_cast %swap3A_973 : vector<1x16xf32> to vector<16xf32>
        %swap3A_975 = vector.shape_cast %mul3A_970 : vector<16xf32> to vector<1x16xf32>
        tpu.vector_store %arg14[%swap3A_971, %swap3A_972], %swap3A_975 {strides = array<i32>} : memref<128x64xf32, #tpu.memory_space<vmem>>, vector<1x16xf32>,
        %get3A_976 = arith.index_cast %add3A_942 : i32 to index
        %get3A_977 = arith.constant 48 : index
        %get3A_978 = tpu.vector_load %arg14[%get3A_976, %get3A_977] {strides = array<i32>} : memref<128x64xf32, #tpu.memory_space<vmem>>, vector<1x16xf32>,
        %get3A_979 = vector.shape_cast %get3A_978 : vector<1x16xf32> to vector<16xf32>
        %mul3A_980 = vector.broadcast %squeeze3A_938 : f32 to vector<16xf32>
        %mul3A_981 = arith.mulf %get3A_979, %mul3A_980 : vector<16xf32>
        %swap3A_982 = arith.index_cast %add3A_942 : i32 to index
        %swap3A_983 = arith.constant 48 : index
        %swap3A_984 = tpu.vector_load %arg14[%swap3A_982, %swap3A_983] {strides = array<i32>} : memref<128x64xf32, #tpu.memory_space<vmem>>, vector<1x16xf32>,
        %swap3A_985 = vector.shape_cast %swap3A_984 : vector<1x16xf32> to vector<16xf32>
        %swap3A_986 = vector.shape_cast %mul3A_981 : vector<16xf32> to vector<1x16xf32>
        tpu.vector_store %arg14[%swap3A_982, %swap3A_983], %swap3A_986 {strides = array<i32>} : memref<128x64xf32, #tpu.memory_space<vmem>>, vector<1x16xf32>,
      }
      %scan3A_133 = arith.constant 8 : i32
      "tpu.region"() ({
        %run_scoped3A = tpu.sem_alloc : memref<!tpu.dma_semaphore, #tpu.memory_space<semaphore_mem>>
        %dma_start3A_184 = arith.constant 0 : i32
        %dma_start3A_185 = tpu.memref_slice %arg10[%add3A_112, %dma_start3A_184] : memref<80x128xi32, #tpu.memory_space<vmem>> -> memref<1x128xi32, #tpu.memory_space<vmem>>
        %dma_start3A_186 = tpu.memref_squeeze %dma_start3A_185 : memref<1x128xi32, #tpu.memory_space<vmem>> -> memref<128xi32, #tpu.memory_space<vmem>>
        %dma_start3A_187 = arith.constant 0 : i32
        %dma_start3A_188 = arith.constant 0 : i32
        %dma_start3A_189 = tpu.memref_slice %arg17[%dma_start3A_187, %dma_start3A_188] : memref<10240x64xf32, #tpu.memory_space<vmem_shared>> -> memref<10240x64xf32, #tpu.memory_space<vmem_shared>>
        tpu.enqueue_indirect_dma source(%arg14 : memref<128x64xf32, #tpu.memory_space<vmem>>) target(%dma_start3A_189 : memref<10240x64xf32, #tpu.memory_space<vmem_shared>>) offsets(%dma_start3A_186 : memref<128xi32, #tpu.memory_space<vmem>>) semaphore(%run_scoped3A : memref<!tpu.dma_semaphore, #tpu.memory_space<semaphore_mem>>) {add = true}
        %dma_wait3A_190 = arith.constant 0 : i32
        %dma_wait3A_191 = tpu.memref_slice %arg10[%add3A_112, %dma_wait3A_190] : memref<80x128xi32, #tpu.memory_space<vmem>> -> memref<1x128xi32, #tpu.memory_space<vmem>>
        %dma_wait3A_192 = tpu.memref_squeeze %dma_wait3A_191 : memref<1x128xi32, #tpu.memory_space<vmem>> -> memref<128xi32, #tpu.memory_space<vmem>>
        %dma_wait3A_193 = arith.constant 0 : i32
        %dma_wait3A_194 = arith.constant 0 : i32
        %dma_wait3A_195 = tpu.memref_slice %arg17[%dma_wait3A_193, %dma_wait3A_194] : memref<10240x64xf32, #tpu.memory_space<vmem_shared>> -> memref<10240x64xf32, #tpu.memory_space<vmem_shared>>
        tpu.wait_indirect_dma semaphore(%run_scoped3A : memref<!tpu.dma_semaphore, #tpu.memory_space<semaphore_mem>>) src(%arg14 : memref<128x64xf32, #tpu.memory_space<vmem>>) dst(%dma_wait3A_195 : memref<10240x64xf32, #tpu.memory_space<vmem_shared>>)
        tpu.yield
      }) : () -> ()
      %mul3A_134 = arith.constant 4 : i32
      %mul3A_135 = arith.muli %scan3A_88, %mul3A_134 : i32
      %add3A_136 = arith.constant 2 : i32
      %add3A_137 = arith.addi %mul3A_135, %add3A_136 : i32
      %add3A_138 = arith.constant 4 : i32
      %add3A_139 = arith.addi %add3A_137, %add3A_138 : i32
      %sub3A_140 = arith.constant 1 : i32
      %sub3A_141 = arith.subi %add3A_139, %sub3A_140 : i32
      %lt3A_142 = arith.constant 80 : i32
      %lt3A_143 = arith.cmpi slt, %sub3A_141, %lt3A_142 : i32
      %convert_element_type3A_144 = arith.extui %lt3A_143 : i1 to i32
      %cond3A_145 = arith.constant 0 : i32
      %cond3A_146 = arith.cmpi ne, %convert_element_type3A_144, %cond3A_145 : i32
      scf.if %cond3A_146 {
        %add3A_184 = arith.constant 4 : i32
        %add3A_185 = arith.addi %add3A_137, %add3A_184 : i32
        %sub3A_186 = arith.constant 1 : i32
        %sub3A_187 = arith.subi %add3A_185, %sub3A_186 : i32
        %dma_start3A_188 = arith.constant 0 : i32
        %dma_start3A_189 = tpu.memref_slice %arg12[%sub3A_187, %dma_start3A_188] : memref<80x128xi32, #tpu.memory_space<vmem>> -> memref<1x128xi32, #tpu.memory_space<vmem>>
        %dma_start3A_190 = tpu.memref_squeeze %dma_start3A_189 : memref<1x128xi32, #tpu.memory_space<vmem>> -> memref<128xi32, #tpu.memory_space<vmem>>
        %dma_start3A_191 = arith.constant 0 : i32
        %dma_start3A_192 = arith.constant 0 : i32
        %dma_start3A_193 = tpu.memref_slice %arg2[%dma_start3A_191, %dma_start3A_192] : memref<160000x64xf32, #tpu.memory_space<hbm>> -> memref<160000x64xf32, #tpu.memory_space<hbm>>
        tpu.enqueue_indirect_dma source(%dma_start3A_193 : memref<160000x64xf32, #tpu.memory_space<hbm>>) target(%arg14 : memref<128x64xf32, #tpu.memory_space<vmem>>) offsets(%dma_start3A_190 : memref<128xi32, #tpu.memory_space<vmem>>) semaphore(%arg19 : memref<!tpu.dma_semaphore, #tpu.memory_space<semaphore_mem>>)
      } else {
      }
      %dma_wait3A_147 = arith.constant 0 : i32
      %dma_wait3A_148 = tpu.memref_slice %arg12[%add3A_137, %dma_wait3A_147] : memref<80x128xi32, #tpu.memory_space<vmem>> -> memref<1x128xi32, #tpu.memory_space<vmem>>
      %dma_wait3A_149 = tpu.memref_squeeze %dma_wait3A_148 : memref<1x128xi32, #tpu.memory_space<vmem>> -> memref<128xi32, #tpu.memory_space<vmem>>
      %dma_wait3A_150 = arith.constant 0 : i32
      %dma_wait3A_151 = arith.constant 0 : i32
      %dma_wait3A_152 = tpu.memref_slice %arg2[%dma_wait3A_150, %dma_wait3A_151] : memref<160000x64xf32, #tpu.memory_space<hbm>> -> memref<160000x64xf32, #tpu.memory_space<hbm>>
      tpu.wait_indirect_dma semaphore(%arg20 : memref<!tpu.dma_semaphore, #tpu.memory_space<semaphore_mem>>) src(%dma_wait3A_152 : memref<160000x64xf32, #tpu.memory_space<hbm>>) dst(%arg15 : memref<128x64xf32, #tpu.memory_space<vmem>>)
      %scan3A_153 = arith.constant 0 : i32
      %scan3A_154 = arith.constant 0 : i32
      %scan3A_155 = arith.constant 8 : i32
      %scan3A_156 = arith.addi %scan3A_154, %scan3A_155 : i32
      %scan3A_157 = arith.constant 1 : i32
      scf.for %scan3A_184 = %scan3A_154 to %scan3A_156 step %scan3A_157  : i32 {
        %mul3A_185 = arith.constant 16 : i32
        %mul3A_186 = arith.muli %scan3A_184, %mul3A_185 : i32
        %get3A = arith.index_cast %add3A_137 : i32 to index
        %get3A_187 = arith.index_cast %mul3A_186 : i32 to index
        %get3A_188 = tpu.vector_load %arg11[%get3A, %get3A_187] {strides = array<i32>} : memref<80x128xf32, #tpu.memory_space<vmem>>, vector<1x16xf32>,
        %get3A_189 = vector.shape_cast %get3A_188 : vector<1x16xf32> to vector<16xf32>
        %slice3A = vector.extract_strided_slice %get3A_189 {offsets = [0], sizes = [1], strides = [1]} : vector<16xf32> to vector<1xf32>
        %squeeze3A = vector.extract %slice3A[0] : f32 from vector<1xf32>
        %mul3A_190 = arith.constant 16 : i32
        %mul3A_191 = arith.muli %scan3A_184, %mul3A_190 : i32
        %add3A_192 = arith.constant 0 : i32
        %add3A_193 = arith.addi %mul3A_191, %add3A_192 : i32
        %get3A_194 = arith.index_cast %add3A_193 : i32 to index
        %get3A_195 = arith.constant 0 : index
        %get3A_196 = tpu.vector_load %arg15[%get3A_194, %get3A_195] {strides = array<i32>} : memref<128x64xf32, #tpu.memory_space<vmem>>, vector<1x16xf32>,
        %get3A_197 = vector.shape_cast %get3A_196 : vector<1x16xf32> to vector<16xf32>
        %mul3A_198 = vector.broadcast %squeeze3A : f32 to vector<16xf32>
        %mul3A_199 = arith.mulf %get3A_197, %mul3A_198 : vector<16xf32>
        %swap3A = arith.index_cast %add3A_193 : i32 to index
        %swap3A_200 = arith.constant 0 : index
        %swap3A_201 = tpu.vector_load %arg15[%swap3A, %swap3A_200] {strides = array<i32>} : memref<128x64xf32, #tpu.memory_space<vmem>>, vector<1x16xf32>,
        %swap3A_202 = vector.shape_cast %swap3A_201 : vector<1x16xf32> to vector<16xf32>
        %swap3A_203 = vector.shape_cast %mul3A_199 : vector<16xf32> to vector<1x16xf32>
        tpu.vector_store %arg15[%swap3A, %swap3A_200], %swap3A_203 {strides = array<i32>} : memref<128x64xf32, #tpu.memory_space<vmem>>, vector<1x16xf32>,
        %get3A_204 = arith.index_cast %add3A_193 : i32 to index
        %get3A_205 = arith.constant 16 : index
        %get3A_206 = tpu.vector_load %arg15[%get3A_204, %get3A_205] {strides = array<i32>} : memref<128x64xf32, #tpu.memory_space<vmem>>, vector<1x16xf32>,
        %get3A_207 = vector.shape_cast %get3A_206 : vector<1x16xf32> to vector<16xf32>
        %mul3A_208 = vector.broadcast %squeeze3A : f32 to vector<16xf32>
        %mul3A_209 = arith.mulf %get3A_207, %mul3A_208 : vector<16xf32>
        %swap3A_210 = arith.index_cast %add3A_193 : i32 to index
        %swap3A_211 = arith.constant 16 : index
        %swap3A_212 = tpu.vector_load %arg15[%swap3A_210, %swap3A_211] {strides = array<i32>} : memref<128x64xf32, #tpu.memory_space<vmem>>, vector<1x16xf32>,
        %swap3A_213 = vector.shape_cast %swap3A_212 : vector<1x16xf32> to vector<16xf32>
        %swap3A_214 = vector.shape_cast %mul3A_209 : vector<16xf32> to vector<1x16xf32>
        tpu.vector_store %arg15[%swap3A_210, %swap3A_211], %swap3A_214 {strides = array<i32>} : memref<128x64xf32, #tpu.memory_space<vmem>>, vector<1x16xf32>,
        %get3A_215 = arith.index_cast %add3A_193 : i32 to index
        %get3A_216 = arith.constant 32 : index
        %get3A_217 = tpu.vector_load %arg15[%get3A_215, %get3A_216] {strides = array<i32>} : memref<128x64xf32, #tpu.memory_space<vmem>>, vector<1x16xf32>,
        %get3A_218 = vector.shape_cast %get3A_217 : vector<1x16xf32> to vector<16xf32>
        %mul3A_219 = vector.broadcast %squeeze3A : f32 to vector<16xf32>
        %mul3A_220 = arith.mulf %get3A_218, %mul3A_219 : vector<16xf32>
        %swap3A_221 = arith.index_cast %add3A_193 : i32 to index
        %swap3A_222 = arith.constant 32 : index
        %swap3A_223 = tpu.vector_load %arg15[%swap3A_221, %swap3A_222] {strides = array<i32>} : memref<128x64xf32, #tpu.memory_space<vmem>>, vector<1x16xf32>,
        %swap3A_224 = vector.shape_cast %swap3A_223 : vector<1x16xf32> to vector<16xf32>
        %swap3A_225 = vector.shape_cast %mul3A_220 : vector<16xf32> to vector<1x16xf32>
        tpu.vector_store %arg15[%swap3A_221, %swap3A_222], %swap3A_225 {strides = array<i32>} : memref<128x64xf32, #tpu.memory_space<vmem>>, vector<1x16xf32>,
        %get3A_226 = arith.index_cast %add3A_193 : i32 to index
        %get3A_227 = arith.constant 48 : index
        %get3A_228 = tpu.vector_load %arg15[%get3A_226, %get3A_227] {strides = array<i32>} : memref<128x64xf32, #tpu.memory_space<vmem>>, vector<1x16xf32>,
        %get3A_229 = vector.shape_cast %get3A_228 : vector<1x16xf32> to vector<16xf32>
        %mul3A_230 = vector.broadcast %squeeze3A : f32 to vector<16xf32>
        %mul3A_231 = arith.mulf %get3A_229, %mul3A_230 : vector<16xf32>
        %swap3A_232 = arith.index_cast %add3A_193 : i32 to index
        %swap3A_233 = arith.constant 48 : index
        %swap3A_234 = tpu.vector_load %arg15[%swap3A_232, %swap3A_233] {strides = array<i32>} : memref<128x64xf32, #tpu.memory_space<vmem>>, vector<1x16xf32>,
        %swap3A_235 = vector.shape_cast %swap3A_234 : vector<1x16xf32> to vector<16xf32>
        %swap3A_236 = vector.shape_cast %mul3A_231 : vector<16xf32> to vector<1x16xf32>
        tpu.vector_store %arg15[%swap3A_232, %swap3A_233], %swap3A_236 {strides = array<i32>} : memref<128x64xf32, #tpu.memory_space<vmem>>, vector<1x16xf32>,
        %slice3A_237 = vector.extract_strided_slice %get3A_189 {offsets = [1], sizes = [1], strides = [1]} : vector<16xf32> to vector<1xf32>
        %squeeze3A_238 = vector.extract %slice3A_237[0] : f32 from vector<1xf32>
        %mul3A_239 = arith.constant 16 : i32
        %mul3A_240 = arith.muli %scan3A_184, %mul3A_239 : i32
        %add3A_241 = arith.constant 1 : i32
        %add3A_242 = arith.addi %mul3A_240, %add3A_241 : i32
        %get3A_243 = arith.index_cast %add3A_242 : i32 to index
        %get3A_244 = arith.constant 0 : index
        %get3A_245 = tpu.vector_load %arg15[%get3A_243, %get3A_244] {strides = array<i32>} : memref<128x64xf32, #tpu.memory_space<vmem>>, vector<1x16xf32>,
        %get3A_246 = vector.shape_cast %get3A_245 : vector<1x16xf32> to vector<16xf32>
        %mul3A_247 = vector.broadcast %squeeze3A_238 : f32 to vector<16xf32>
        %mul3A_248 = arith.mulf %get3A_246, %mul3A_247 : vector<16xf32>
        %swap3A_249 = arith.index_cast %add3A_242 : i32 to index
        %swap3A_250 = arith.constant 0 : index
        %swap3A_251 = tpu.vector_load %arg15[%swap3A_249, %swap3A_250] {strides = array<i32>} : memref<128x64xf32, #tpu.memory_space<vmem>>, vector<1x16xf32>,
        %swap3A_252 = vector.shape_cast %swap3A_251 : vector<1x16xf32> to vector<16xf32>
        %swap3A_253 = vector.shape_cast %mul3A_248 : vector<16xf32> to vector<1x16xf32>
        tpu.vector_store %arg15[%swap3A_249, %swap3A_250], %swap3A_253 {strides = array<i32>} : memref<128x64xf32, #tpu.memory_space<vmem>>, vector<1x16xf32>,
        %get3A_254 = arith.index_cast %add3A_242 : i32 to index
        %get3A_255 = arith.constant 16 : index
        %get3A_256 = tpu.vector_load %arg15[%get3A_254, %get3A_255] {strides = array<i32>} : memref<128x64xf32, #tpu.memory_space<vmem>>, vector<1x16xf32>,
        %get3A_257 = vector.shape_cast %get3A_256 : vector<1x16xf32> to vector<16xf32>
        %mul3A_258 = vector.broadcast %squeeze3A_238 : f32 to vector<16xf32>
        %mul3A_259 = arith.mulf %get3A_257, %mul3A_258 : vector<16xf32>
        %swap3A_260 = arith.index_cast %add3A_242 : i32 to index
        %swap3A_261 = arith.constant 16 : index
        %swap3A_262 = tpu.vector_load %arg15[%swap3A_260, %swap3A_261] {strides = array<i32>} : memref<128x64xf32, #tpu.memory_space<vmem>>, vector<1x16xf32>,
        %swap3A_263 = vector.shape_cast %swap3A_262 : vector<1x16xf32> to vector<16xf32>
        %swap3A_264 = vector.shape_cast %mul3A_259 : vector<16xf32> to vector<1x16xf32>
        tpu.vector_store %arg15[%swap3A_260, %swap3A_261], %swap3A_264 {strides = array<i32>} : memref<128x64xf32, #tpu.memory_space<vmem>>, vector<1x16xf32>,
        %get3A_265 = arith.index_cast %add3A_242 : i32 to index
        %get3A_266 = arith.constant 32 : index
        %get3A_267 = tpu.vector_load %arg15[%get3A_265, %get3A_266] {strides = array<i32>} : memref<128x64xf32, #tpu.memory_space<vmem>>, vector<1x16xf32>,
        %get3A_268 = vector.shape_cast %get3A_267 : vector<1x16xf32> to vector<16xf32>
        %mul3A_269 = vector.broadcast %squeeze3A_238 : f32 to vector<16xf32>
        %mul3A_270 = arith.mulf %get3A_268, %mul3A_269 : vector<16xf32>
        %swap3A_271 = arith.index_cast %add3A_242 : i32 to index
        %swap3A_272 = arith.constant 32 : index
        %swap3A_273 = tpu.vector_load %arg15[%swap3A_271, %swap3A_272] {strides = array<i32>} : memref<128x64xf32, #tpu.memory_space<vmem>>, vector<1x16xf32>,
        %swap3A_274 = vector.shape_cast %swap3A_273 : vector<1x16xf32> to vector<16xf32>
        %swap3A_275 = vector.shape_cast %mul3A_270 : vector<16xf32> to vector<1x16xf32>
        tpu.vector_store %arg15[%swap3A_271, %swap3A_272], %swap3A_275 {strides = array<i32>} : memref<128x64xf32, #tpu.memory_space<vmem>>, vector<1x16xf32>,
        %get3A_276 = arith.index_cast %add3A_242 : i32 to index
        %get3A_277 = arith.constant 48 : index
        %get3A_278 = tpu.vector_load %arg15[%get3A_276, %get3A_277] {strides = array<i32>} : memref<128x64xf32, #tpu.memory_space<vmem>>, vector<1x16xf32>,
        %get3A_279 = vector.shape_cast %get3A_278 : vector<1x16xf32> to vector<16xf32>
        %mul3A_280 = vector.broadcast %squeeze3A_238 : f32 to vector<16xf32>
        %mul3A_281 = arith.mulf %get3A_279, %mul3A_280 : vector<16xf32>
        %swap3A_282 = arith.index_cast %add3A_242 : i32 to index
        %swap3A_283 = arith.constant 48 : index
        %swap3A_284 = tpu.vector_load %arg15[%swap3A_282, %swap3A_283] {strides = array<i32>} : memref<128x64xf32, #tpu.memory_space<vmem>>, vector<1x16xf32>,
        %swap3A_285 = vector.shape_cast %swap3A_284 : vector<1x16xf32> to vector<16xf32>
        %swap3A_286 = vector.shape_cast %mul3A_281 : vector<16xf32> to vector<1x16xf32>
        tpu.vector_store %arg15[%swap3A_282, %swap3A_283], %swap3A_286 {strides = array<i32>} : memref<128x64xf32, #tpu.memory_space<vmem>>, vector<1x16xf32>,
        %slice3A_287 = vector.extract_strided_slice %get3A_189 {offsets = [2], sizes = [1], strides = [1]} : vector<16xf32> to vector<1xf32>
        %squeeze3A_288 = vector.extract %slice3A_287[0] : f32 from vector<1xf32>
        %mul3A_289 = arith.constant 16 : i32
        %mul3A_290 = arith.muli %scan3A_184, %mul3A_289 : i32
        %add3A_291 = arith.constant 2 : i32
        %add3A_292 = arith.addi %mul3A_290, %add3A_291 : i32
        %get3A_293 = arith.index_cast %add3A_292 : i32 to index
        %get3A_294 = arith.constant 0 : index
        %get3A_295 = tpu.vector_load %arg15[%get3A_293, %get3A_294] {strides = array<i32>} : memref<128x64xf32, #tpu.memory_space<vmem>>, vector<1x16xf32>,
        %get3A_296 = vector.shape_cast %get3A_295 : vector<1x16xf32> to vector<16xf32>
        %mul3A_297 = vector.broadcast %squeeze3A_288 : f32 to vector<16xf32>
        %mul3A_298 = arith.mulf %get3A_296, %mul3A_297 : vector<16xf32>
        %swap3A_299 = arith.index_cast %add3A_292 : i32 to index
        %swap3A_300 = arith.constant 0 : index
        %swap3A_301 = tpu.vector_load %arg15[%swap3A_299, %swap3A_300] {strides = array<i32>} : memref<128x64xf32, #tpu.memory_space<vmem>>, vector<1x16xf32>,
        %swap3A_302 = vector.shape_cast %swap3A_301 : vector<1x16xf32> to vector<16xf32>
        %swap3A_303 = vector.shape_cast %mul3A_298 : vector<16xf32> to vector<1x16xf32>
        tpu.vector_store %arg15[%swap3A_299, %swap3A_300], %swap3A_303 {strides = array<i32>} : memref<128x64xf32, #tpu.memory_space<vmem>>, vector<1x16xf32>,
        %get3A_304 = arith.index_cast %add3A_292 : i32 to index
        %get3A_305 = arith.constant 16 : index
        %get3A_306 = tpu.vector_load %arg15[%get3A_304, %get3A_305] {strides = array<i32>} : memref<128x64xf32, #tpu.memory_space<vmem>>, vector<1x16xf32>,
        %get3A_307 = vector.shape_cast %get3A_306 : vector<1x16xf32> to vector<16xf32>
        %mul3A_308 = vector.broadcast %squeeze3A_288 : f32 to vector<16xf32>
        %mul3A_309 = arith.mulf %get3A_307, %mul3A_308 : vector<16xf32>
        %swap3A_310 = arith.index_cast %add3A_292 : i32 to index
        %swap3A_311 = arith.constant 16 : index
        %swap3A_312 = tpu.vector_load %arg15[%swap3A_310, %swap3A_311] {strides = array<i32>} : memref<128x64xf32, #tpu.memory_space<vmem>>, vector<1x16xf32>,
        %swap3A_313 = vector.shape_cast %swap3A_312 : vector<1x16xf32> to vector<16xf32>
        %swap3A_314 = vector.shape_cast %mul3A_309 : vector<16xf32> to vector<1x16xf32>
        tpu.vector_store %arg15[%swap3A_310, %swap3A_311], %swap3A_314 {strides = array<i32>} : memref<128x64xf32, #tpu.memory_space<vmem>>, vector<1x16xf32>,
        %get3A_315 = arith.index_cast %add3A_292 : i32 to index
        %get3A_316 = arith.constant 32 : index
        %get3A_317 = tpu.vector_load %arg15[%get3A_315, %get3A_316] {strides = array<i32>} : memref<128x64xf32, #tpu.memory_space<vmem>>, vector<1x16xf32>,
        %get3A_318 = vector.shape_cast %get3A_317 : vector<1x16xf32> to vector<16xf32>
        %mul3A_319 = vector.broadcast %squeeze3A_288 : f32 to vector<16xf32>
        %mul3A_320 = arith.mulf %get3A_318, %mul3A_319 : vector<16xf32>
        %swap3A_321 = arith.index_cast %add3A_292 : i32 to index
        %swap3A_322 = arith.constant 32 : index
        %swap3A_323 = tpu.vector_load %arg15[%swap3A_321, %swap3A_322] {strides = array<i32>} : memref<128x64xf32, #tpu.memory_space<vmem>>, vector<1x16xf32>,
        %swap3A_324 = vector.shape_cast %swap3A_323 : vector<1x16xf32> to vector<16xf32>
        %swap3A_325 = vector.shape_cast %mul3A_320 : vector<16xf32> to vector<1x16xf32>
        tpu.vector_store %arg15[%swap3A_321, %swap3A_322], %swap3A_325 {strides = array<i32>} : memref<128x64xf32, #tpu.memory_space<vmem>>, vector<1x16xf32>,
        %get3A_326 = arith.index_cast %add3A_292 : i32 to index
        %get3A_327 = arith.constant 48 : index
        %get3A_328 = tpu.vector_load %arg15[%get3A_326, %get3A_327] {strides = array<i32>} : memref<128x64xf32, #tpu.memory_space<vmem>>, vector<1x16xf32>,
        %get3A_329 = vector.shape_cast %get3A_328 : vector<1x16xf32> to vector<16xf32>
        %mul3A_330 = vector.broadcast %squeeze3A_288 : f32 to vector<16xf32>
        %mul3A_331 = arith.mulf %get3A_329, %mul3A_330 : vector<16xf32>
        %swap3A_332 = arith.index_cast %add3A_292 : i32 to index
        %swap3A_333 = arith.constant 48 : index
        %swap3A_334 = tpu.vector_load %arg15[%swap3A_332, %swap3A_333] {strides = array<i32>} : memref<128x64xf32, #tpu.memory_space<vmem>>, vector<1x16xf32>,
        %swap3A_335 = vector.shape_cast %swap3A_334 : vector<1x16xf32> to vector<16xf32>
        %swap3A_336 = vector.shape_cast %mul3A_331 : vector<16xf32> to vector<1x16xf32>
        tpu.vector_store %arg15[%swap3A_332, %swap3A_333], %swap3A_336 {strides = array<i32>} : memref<128x64xf32, #tpu.memory_space<vmem>>, vector<1x16xf32>,
        %slice3A_337 = vector.extract_strided_slice %get3A_189 {offsets = [3], sizes = [1], strides = [1]} : vector<16xf32> to vector<1xf32>
        %squeeze3A_338 = vector.extract %slice3A_337[0] : f32 from vector<1xf32>
        %mul3A_339 = arith.constant 16 : i32
        %mul3A_340 = arith.muli %scan3A_184, %mul3A_339 : i32
        %add3A_341 = arith.constant 3 : i32
        %add3A_342 = arith.addi %mul3A_340, %add3A_341 : i32
        %get3A_343 = arith.index_cast %add3A_342 : i32 to index
        %get3A_344 = arith.constant 0 : index
        %get3A_345 = tpu.vector_load %arg15[%get3A_343, %get3A_344] {strides = array<i32>} : memref<128x64xf32, #tpu.memory_space<vmem>>, vector<1x16xf32>,
        %get3A_346 = vector.shape_cast %get3A_345 : vector<1x16xf32> to vector<16xf32>
        %mul3A_347 = vector.broadcast %squeeze3A_338 : f32 to vector<16xf32>
        %mul3A_348 = arith.mulf %get3A_346, %mul3A_347 : vector<16xf32>
        %swap3A_349 = arith.index_cast %add3A_342 : i32 to index
        %swap3A_350 = arith.constant 0 : index
        %swap3A_351 = tpu.vector_load %arg15[%swap3A_349, %swap3A_350] {strides = array<i32>} : memref<128x64xf32, #tpu.memory_space<vmem>>, vector<1x16xf32>,
        %swap3A_352 = vector.shape_cast %swap3A_351 : vector<1x16xf32> to vector<16xf32>
        %swap3A_353 = vector.shape_cast %mul3A_348 : vector<16xf32> to vector<1x16xf32>
        tpu.vector_store %arg15[%swap3A_349, %swap3A_350], %swap3A_353 {strides = array<i32>} : memref<128x64xf32, #tpu.memory_space<vmem>>, vector<1x16xf32>,
        %get3A_354 = arith.index_cast %add3A_342 : i32 to index
        %get3A_355 = arith.constant 16 : index
        %get3A_356 = tpu.vector_load %arg15[%get3A_354, %get3A_355] {strides = array<i32>} : memref<128x64xf32, #tpu.memory_space<vmem>>, vector<1x16xf32>,
        %get3A_357 = vector.shape_cast %get3A_356 : vector<1x16xf32> to vector<16xf32>
        %mul3A_358 = vector.broadcast %squeeze3A_338 : f32 to vector<16xf32>
        %mul3A_359 = arith.mulf %get3A_357, %mul3A_358 : vector<16xf32>
        %swap3A_360 = arith.index_cast %add3A_342 : i32 to index
        %swap3A_361 = arith.constant 16 : index
        %swap3A_362 = tpu.vector_load %arg15[%swap3A_360, %swap3A_361] {strides = array<i32>} : memref<128x64xf32, #tpu.memory_space<vmem>>, vector<1x16xf32>,
        %swap3A_363 = vector.shape_cast %swap3A_362 : vector<1x16xf32> to vector<16xf32>
        %swap3A_364 = vector.shape_cast %mul3A_359 : vector<16xf32> to vector<1x16xf32>
        tpu.vector_store %arg15[%swap3A_360, %swap3A_361], %swap3A_364 {strides = array<i32>} : memref<128x64xf32, #tpu.memory_space<vmem>>, vector<1x16xf32>,
        %get3A_365 = arith.index_cast %add3A_342 : i32 to index
        %get3A_366 = arith.constant 32 : index
        %get3A_367 = tpu.vector_load %arg15[%get3A_365, %get3A_366] {strides = array<i32>} : memref<128x64xf32, #tpu.memory_space<vmem>>, vector<1x16xf32>,
        %get3A_368 = vector.shape_cast %get3A_367 : vector<1x16xf32> to vector<16xf32>
        %mul3A_369 = vector.broadcast %squeeze3A_338 : f32 to vector<16xf32>
        %mul3A_370 = arith.mulf %get3A_368, %mul3A_369 : vector<16xf32>
        %swap3A_371 = arith.index_cast %add3A_342 : i32 to index
        %swap3A_372 = arith.constant 32 : index
        %swap3A_373 = tpu.vector_load %arg15[%swap3A_371, %swap3A_372] {strides = array<i32>} : memref<128x64xf32, #tpu.memory_space<vmem>>, vector<1x16xf32>,
        %swap3A_374 = vector.shape_cast %swap3A_373 : vector<1x16xf32> to vector<16xf32>
        %swap3A_375 = vector.shape_cast %mul3A_370 : vector<16xf32> to vector<1x16xf32>
        tpu.vector_store %arg15[%swap3A_371, %swap3A_372], %swap3A_375 {strides = array<i32>} : memref<128x64xf32, #tpu.memory_space<vmem>>, vector<1x16xf32>,
        %get3A_376 = arith.index_cast %add3A_342 : i32 to index
        %get3A_377 = arith.constant 48 : index
        %get3A_378 = tpu.vector_load %arg15[%get3A_376, %get3A_377] {strides = array<i32>} : memref<128x64xf32, #tpu.memory_space<vmem>>, vector<1x16xf32>,
        %get3A_379 = vector.shape_cast %get3A_378 : vector<1x16xf32> to vector<16xf32>
        %mul3A_380 = vector.broadcast %squeeze3A_338 : f32 to vector<16xf32>
        %mul3A_381 = arith.mulf %get3A_379, %mul3A_380 : vector<16xf32>
        %swap3A_382 = arith.index_cast %add3A_342 : i32 to index
        %swap3A_383 = arith.constant 48 : index
        %swap3A_384 = tpu.vector_load %arg15[%swap3A_382, %swap3A_383] {strides = array<i32>} : memref<128x64xf32, #tpu.memory_space<vmem>>, vector<1x16xf32>,
        %swap3A_385 = vector.shape_cast %swap3A_384 : vector<1x16xf32> to vector<16xf32>
        %swap3A_386 = vector.shape_cast %mul3A_381 : vector<16xf32> to vector<1x16xf32>
        tpu.vector_store %arg15[%swap3A_382, %swap3A_383], %swap3A_386 {strides = array<i32>} : memref<128x64xf32, #tpu.memory_space<vmem>>, vector<1x16xf32>,
        %slice3A_387 = vector.extract_strided_slice %get3A_189 {offsets = [4], sizes = [1], strides = [1]} : vector<16xf32> to vector<1xf32>
        %squeeze3A_388 = vector.extract %slice3A_387[0] : f32 from vector<1xf32>
        %mul3A_389 = arith.constant 16 : i32
        %mul3A_390 = arith.muli %scan3A_184, %mul3A_389 : i32
        %add3A_391 = arith.constant 4 : i32
        %add3A_392 = arith.addi %mul3A_390, %add3A_391 : i32
        %get3A_393 = arith.index_cast %add3A_392 : i32 to index
        %get3A_394 = arith.constant 0 : index
        %get3A_395 = tpu.vector_load %arg15[%get3A_393, %get3A_394] {strides = array<i32>} : memref<128x64xf32, #tpu.memory_space<vmem>>, vector<1x16xf32>,
        %get3A_396 = vector.shape_cast %get3A_395 : vector<1x16xf32> to vector<16xf32>
        %mul3A_397 = vector.broadcast %squeeze3A_388 : f32 to vector<16xf32>
        %mul3A_398 = arith.mulf %get3A_396, %mul3A_397 : vector<16xf32>
        %swap3A_399 = arith.index_cast %add3A_392 : i32 to index
        %swap3A_400 = arith.constant 0 : index
        %swap3A_401 = tpu.vector_load %arg15[%swap3A_399, %swap3A_400] {strides = array<i32>} : memref<128x64xf32, #tpu.memory_space<vmem>>, vector<1x16xf32>,
        %swap3A_402 = vector.shape_cast %swap3A_401 : vector<1x16xf32> to vector<16xf32>
        %swap3A_403 = vector.shape_cast %mul3A_398 : vector<16xf32> to vector<1x16xf32>
        tpu.vector_store %arg15[%swap3A_399, %swap3A_400], %swap3A_403 {strides = array<i32>} : memref<128x64xf32, #tpu.memory_space<vmem>>, vector<1x16xf32>,
        %get3A_404 = arith.index_cast %add3A_392 : i32 to index
        %get3A_405 = arith.constant 16 : index
        %get3A_406 = tpu.vector_load %arg15[%get3A_404, %get3A_405] {strides = array<i32>} : memref<128x64xf32, #tpu.memory_space<vmem>>, vector<1x16xf32>,
        %get3A_407 = vector.shape_cast %get3A_406 : vector<1x16xf32> to vector<16xf32>
        %mul3A_408 = vector.broadcast %squeeze3A_388 : f32 to vector<16xf32>
        %mul3A_409 = arith.mulf %get3A_407, %mul3A_408 : vector<16xf32>
        %swap3A_410 = arith.index_cast %add3A_392 : i32 to index
        %swap3A_411 = arith.constant 16 : index
        %swap3A_412 = tpu.vector_load %arg15[%swap3A_410, %swap3A_411] {strides = array<i32>} : memref<128x64xf32, #tpu.memory_space<vmem>>, vector<1x16xf32>,
        %swap3A_413 = vector.shape_cast %swap3A_412 : vector<1x16xf32> to vector<16xf32>
        %swap3A_414 = vector.shape_cast %mul3A_409 : vector<16xf32> to vector<1x16xf32>
        tpu.vector_store %arg15[%swap3A_410, %swap3A_411], %swap3A_414 {strides = array<i32>} : memref<128x64xf32, #tpu.memory_space<vmem>>, vector<1x16xf32>,
        %get3A_415 = arith.index_cast %add3A_392 : i32 to index
        %get3A_416 = arith.constant 32 : index
        %get3A_417 = tpu.vector_load %arg15[%get3A_415, %get3A_416] {strides = array<i32>} : memref<128x64xf32, #tpu.memory_space<vmem>>, vector<1x16xf32>,
        %get3A_418 = vector.shape_cast %get3A_417 : vector<1x16xf32> to vector<16xf32>
        %mul3A_419 = vector.broadcast %squeeze3A_388 : f32 to vector<16xf32>
        %mul3A_420 = arith.mulf %get3A_418, %mul3A_419 : vector<16xf32>
        %swap3A_421 = arith.index_cast %add3A_392 : i32 to index
        %swap3A_422 = arith.constant 32 : index
        %swap3A_423 = tpu.vector_load %arg15[%swap3A_421, %swap3A_422] {strides = array<i32>} : memref<128x64xf32, #tpu.memory_space<vmem>>, vector<1x16xf32>,
        %swap3A_424 = vector.shape_cast %swap3A_423 : vector<1x16xf32> to vector<16xf32>
        %swap3A_425 = vector.shape_cast %mul3A_420 : vector<16xf32> to vector<1x16xf32>
        tpu.vector_store %arg15[%swap3A_421, %swap3A_422], %swap3A_425 {strides = array<i32>} : memref<128x64xf32, #tpu.memory_space<vmem>>, vector<1x16xf32>,
        %get3A_426 = arith.index_cast %add3A_392 : i32 to index
        %get3A_427 = arith.constant 48 : index
        %get3A_428 = tpu.vector_load %arg15[%get3A_426, %get3A_427] {strides = array<i32>} : memref<128x64xf32, #tpu.memory_space<vmem>>, vector<1x16xf32>,
        %get3A_429 = vector.shape_cast %get3A_428 : vector<1x16xf32> to vector<16xf32>
        %mul3A_430 = vector.broadcast %squeeze3A_388 : f32 to vector<16xf32>
        %mul3A_431 = arith.mulf %get3A_429, %mul3A_430 : vector<16xf32>
        %swap3A_432 = arith.index_cast %add3A_392 : i32 to index
        %swap3A_433 = arith.constant 48 : index
        %swap3A_434 = tpu.vector_load %arg15[%swap3A_432, %swap3A_433] {strides = array<i32>} : memref<128x64xf32, #tpu.memory_space<vmem>>, vector<1x16xf32>,
        %swap3A_435 = vector.shape_cast %swap3A_434 : vector<1x16xf32> to vector<16xf32>
        %swap3A_436 = vector.shape_cast %mul3A_431 : vector<16xf32> to vector<1x16xf32>
        tpu.vector_store %arg15[%swap3A_432, %swap3A_433], %swap3A_436 {strides = array<i32>} : memref<128x64xf32, #tpu.memory_space<vmem>>, vector<1x16xf32>,
        %slice3A_437 = vector.extract_strided_slice %get3A_189 {offsets = [5], sizes = [1], strides = [1]} : vector<16xf32> to vector<1xf32>
        %squeeze3A_438 = vector.extract %slice3A_437[0] : f32 from vector<1xf32>
        %mul3A_439 = arith.constant 16 : i32
        %mul3A_440 = arith.muli %scan3A_184, %mul3A_439 : i32
        %add3A_441 = arith.constant 5 : i32
        %add3A_442 = arith.addi %mul3A_440, %add3A_441 : i32
        %get3A_443 = arith.index_cast %add3A_442 : i32 to index
        %get3A_444 = arith.constant 0 : index
        %get3A_445 = tpu.vector_load %arg15[%get3A_443, %get3A_444] {strides = array<i32>} : memref<128x64xf32, #tpu.memory_space<vmem>>, vector<1x16xf32>,
        %get3A_446 = vector.shape_cast %get3A_445 : vector<1x16xf32> to vector<16xf32>
        %mul3A_447 = vector.broadcast %squeeze3A_438 : f32 to vector<16xf32>
        %mul3A_448 = arith.mulf %get3A_446, %mul3A_447 : vector<16xf32>
        %swap3A_449 = arith.index_cast %add3A_442 : i32 to index
        %swap3A_450 = arith.constant 0 : index
        %swap3A_451 = tpu.vector_load %arg15[%swap3A_449, %swap3A_450] {strides = array<i32>} : memref<128x64xf32, #tpu.memory_space<vmem>>, vector<1x16xf32>,
        %swap3A_452 = vector.shape_cast %swap3A_451 : vector<1x16xf32> to vector<16xf32>
        %swap3A_453 = vector.shape_cast %mul3A_448 : vector<16xf32> to vector<1x16xf32>
        tpu.vector_store %arg15[%swap3A_449, %swap3A_450], %swap3A_453 {strides = array<i32>} : memref<128x64xf32, #tpu.memory_space<vmem>>, vector<1x16xf32>,
        %get3A_454 = arith.index_cast %add3A_442 : i32 to index
        %get3A_455 = arith.constant 16 : index
        %get3A_456 = tpu.vector_load %arg15[%get3A_454, %get3A_455] {strides = array<i32>} : memref<128x64xf32, #tpu.memory_space<vmem>>, vector<1x16xf32>,
        %get3A_457 = vector.shape_cast %get3A_456 : vector<1x16xf32> to vector<16xf32>
        %mul3A_458 = vector.broadcast %squeeze3A_438 : f32 to vector<16xf32>
        %mul3A_459 = arith.mulf %get3A_457, %mul3A_458 : vector<16xf32>
        %swap3A_460 = arith.index_cast %add3A_442 : i32 to index
        %swap3A_461 = arith.constant 16 : index
        %swap3A_462 = tpu.vector_load %arg15[%swap3A_460, %swap3A_461] {strides = array<i32>} : memref<128x64xf32, #tpu.memory_space<vmem>>, vector<1x16xf32>,
        %swap3A_463 = vector.shape_cast %swap3A_462 : vector<1x16xf32> to vector<16xf32>
        %swap3A_464 = vector.shape_cast %mul3A_459 : vector<16xf32> to vector<1x16xf32>
        tpu.vector_store %arg15[%swap3A_460, %swap3A_461], %swap3A_464 {strides = array<i32>} : memref<128x64xf32, #tpu.memory_space<vmem>>, vector<1x16xf32>,
        %get3A_465 = arith.index_cast %add3A_442 : i32 to index
        %get3A_466 = arith.constant 32 : index
        %get3A_467 = tpu.vector_load %arg15[%get3A_465, %get3A_466] {strides = array<i32>} : memref<128x64xf32, #tpu.memory_space<vmem>>, vector<1x16xf32>,
        %get3A_468 = vector.shape_cast %get3A_467 : vector<1x16xf32> to vector<16xf32>
        %mul3A_469 = vector.broadcast %squeeze3A_438 : f32 to vector<16xf32>
        %mul3A_470 = arith.mulf %get3A_468, %mul3A_469 : vector<16xf32>
        %swap3A_471 = arith.index_cast %add3A_442 : i32 to index
        %swap3A_472 = arith.constant 32 : index
        %swap3A_473 = tpu.vector_load %arg15[%swap3A_471, %swap3A_472] {strides = array<i32>} : memref<128x64xf32, #tpu.memory_space<vmem>>, vector<1x16xf32>,
        %swap3A_474 = vector.shape_cast %swap3A_473 : vector<1x16xf32> to vector<16xf32>
        %swap3A_475 = vector.shape_cast %mul3A_470 : vector<16xf32> to vector<1x16xf32>
        tpu.vector_store %arg15[%swap3A_471, %swap3A_472], %swap3A_475 {strides = array<i32>} : memref<128x64xf32, #tpu.memory_space<vmem>>, vector<1x16xf32>,
        %get3A_476 = arith.index_cast %add3A_442 : i32 to index
        %get3A_477 = arith.constant 48 : index
        %get3A_478 = tpu.vector_load %arg15[%get3A_476, %get3A_477] {strides = array<i32>} : memref<128x64xf32, #tpu.memory_space<vmem>>, vector<1x16xf32>,
        %get3A_479 = vector.shape_cast %get3A_478 : vector<1x16xf32> to vector<16xf32>
        %mul3A_480 = vector.broadcast %squeeze3A_438 : f32 to vector<16xf32>
        %mul3A_481 = arith.mulf %get3A_479, %mul3A_480 : vector<16xf32>
        %swap3A_482 = arith.index_cast %add3A_442 : i32 to index
        %swap3A_483 = arith.constant 48 : index
        %swap3A_484 = tpu.vector_load %arg15[%swap3A_482, %swap3A_483] {strides = array<i32>} : memref<128x64xf32, #tpu.memory_space<vmem>>, vector<1x16xf32>,
        %swap3A_485 = vector.shape_cast %swap3A_484 : vector<1x16xf32> to vector<16xf32>
        %swap3A_486 = vector.shape_cast %mul3A_481 : vector<16xf32> to vector<1x16xf32>
        tpu.vector_store %arg15[%swap3A_482, %swap3A_483], %swap3A_486 {strides = array<i32>} : memref<128x64xf32, #tpu.memory_space<vmem>>, vector<1x16xf32>,
        %slice3A_487 = vector.extract_strided_slice %get3A_189 {offsets = [6], sizes = [1], strides = [1]} : vector<16xf32> to vector<1xf32>
        %squeeze3A_488 = vector.extract %slice3A_487[0] : f32 from vector<1xf32>
        %mul3A_489 = arith.constant 16 : i32
        %mul3A_490 = arith.muli %scan3A_184, %mul3A_489 : i32
        %add3A_491 = arith.constant 6 : i32
        %add3A_492 = arith.addi %mul3A_490, %add3A_491 : i32
        %get3A_493 = arith.index_cast %add3A_492 : i32 to index
        %get3A_494 = arith.constant 0 : index
        %get3A_495 = tpu.vector_load %arg15[%get3A_493, %get3A_494] {strides = array<i32>} : memref<128x64xf32, #tpu.memory_space<vmem>>, vector<1x16xf32>,
        %get3A_496 = vector.shape_cast %get3A_495 : vector<1x16xf32> to vector<16xf32>
        %mul3A_497 = vector.broadcast %squeeze3A_488 : f32 to vector<16xf32>
        %mul3A_498 = arith.mulf %get3A_496, %mul3A_497 : vector<16xf32>
        %swap3A_499 = arith.index_cast %add3A_492 : i32 to index
        %swap3A_500 = arith.constant 0 : index
        %swap3A_501 = tpu.vector_load %arg15[%swap3A_499, %swap3A_500] {strides = array<i32>} : memref<128x64xf32, #tpu.memory_space<vmem>>, vector<1x16xf32>,
        %swap3A_502 = vector.shape_cast %swap3A_501 : vector<1x16xf32> to vector<16xf32>
        %swap3A_503 = vector.shape_cast %mul3A_498 : vector<16xf32> to vector<1x16xf32>
        tpu.vector_store %arg15[%swap3A_499, %swap3A_500], %swap3A_503 {strides = array<i32>} : memref<128x64xf32, #tpu.memory_space<vmem>>, vector<1x16xf32>,
        %get3A_504 = arith.index_cast %add3A_492 : i32 to index
        %get3A_505 = arith.constant 16 : index
        %get3A_506 = tpu.vector_load %arg15[%get3A_504, %get3A_505] {strides = array<i32>} : memref<128x64xf32, #tpu.memory_space<vmem>>, vector<1x16xf32>,
        %get3A_507 = vector.shape_cast %get3A_506 : vector<1x16xf32> to vector<16xf32>
        %mul3A_508 = vector.broadcast %squeeze3A_488 : f32 to vector<16xf32>
        %mul3A_509 = arith.mulf %get3A_507, %mul3A_508 : vector<16xf32>
        %swap3A_510 = arith.index_cast %add3A_492 : i32 to index
        %swap3A_511 = arith.constant 16 : index
        %swap3A_512 = tpu.vector_load %arg15[%swap3A_510, %swap3A_511] {strides = array<i32>} : memref<128x64xf32, #tpu.memory_space<vmem>>, vector<1x16xf32>,
        %swap3A_513 = vector.shape_cast %swap3A_512 : vector<1x16xf32> to vector<16xf32>
        %swap3A_514 = vector.shape_cast %mul3A_509 : vector<16xf32> to vector<1x16xf32>
        tpu.vector_store %arg15[%swap3A_510, %swap3A_511], %swap3A_514 {strides = array<i32>} : memref<128x64xf32, #tpu.memory_space<vmem>>, vector<1x16xf32>,
        %get3A_515 = arith.index_cast %add3A_492 : i32 to index
        %get3A_516 = arith.constant 32 : index
        %get3A_517 = tpu.vector_load %arg15[%get3A_515, %get3A_516] {strides = array<i32>} : memref<128x64xf32, #tpu.memory_space<vmem>>, vector<1x16xf32>,
        %get3A_518 = vector.shape_cast %get3A_517 : vector<1x16xf32> to vector<16xf32>
        %mul3A_519 = vector.broadcast %squeeze3A_488 : f32 to vector<16xf32>
        %mul3A_520 = arith.mulf %get3A_518, %mul3A_519 : vector<16xf32>
        %swap3A_521 = arith.index_cast %add3A_492 : i32 to index
        %swap3A_522 = arith.constant 32 : index
        %swap3A_523 = tpu.vector_load %arg15[%swap3A_521, %swap3A_522] {strides = array<i32>} : memref<128x64xf32, #tpu.memory_space<vmem>>, vector<1x16xf32>,
        %swap3A_524 = vector.shape_cast %swap3A_523 : vector<1x16xf32> to vector<16xf32>
        %swap3A_525 = vector.shape_cast %mul3A_520 : vector<16xf32> to vector<1x16xf32>
        tpu.vector_store %arg15[%swap3A_521, %swap3A_522], %swap3A_525 {strides = array<i32>} : memref<128x64xf32, #tpu.memory_space<vmem>>, vector<1x16xf32>,
        %get3A_526 = arith.index_cast %add3A_492 : i32 to index
        %get3A_527 = arith.constant 48 : index
        %get3A_528 = tpu.vector_load %arg15[%get3A_526, %get3A_527] {strides = array<i32>} : memref<128x64xf32, #tpu.memory_space<vmem>>, vector<1x16xf32>,
        %get3A_529 = vector.shape_cast %get3A_528 : vector<1x16xf32> to vector<16xf32>
        %mul3A_530 = vector.broadcast %squeeze3A_488 : f32 to vector<16xf32>
        %mul3A_531 = arith.mulf %get3A_529, %mul3A_530 : vector<16xf32>
        %swap3A_532 = arith.index_cast %add3A_492 : i32 to index
        %swap3A_533 = arith.constant 48 : index
        %swap3A_534 = tpu.vector_load %arg15[%swap3A_532, %swap3A_533] {strides = array<i32>} : memref<128x64xf32, #tpu.memory_space<vmem>>, vector<1x16xf32>,
        %swap3A_535 = vector.shape_cast %swap3A_534 : vector<1x16xf32> to vector<16xf32>
        %swap3A_536 = vector.shape_cast %mul3A_531 : vector<16xf32> to vector<1x16xf32>
        tpu.vector_store %arg15[%swap3A_532, %swap3A_533], %swap3A_536 {strides = array<i32>} : memref<128x64xf32, #tpu.memory_space<vmem>>, vector<1x16xf32>,
        %slice3A_537 = vector.extract_strided_slice %get3A_189 {offsets = [7], sizes = [1], strides = [1]} : vector<16xf32> to vector<1xf32>
        %squeeze3A_538 = vector.extract %slice3A_537[0] : f32 from vector<1xf32>
        %mul3A_539 = arith.constant 16 : i32
        %mul3A_540 = arith.muli %scan3A_184, %mul3A_539 : i32
        %add3A_541 = arith.constant 7 : i32
        %add3A_542 = arith.addi %mul3A_540, %add3A_541 : i32
        %get3A_543 = arith.index_cast %add3A_542 : i32 to index
        %get3A_544 = arith.constant 0 : index
        %get3A_545 = tpu.vector_load %arg15[%get3A_543, %get3A_544] {strides = array<i32>} : memref<128x64xf32, #tpu.memory_space<vmem>>, vector<1x16xf32>,
        %get3A_546 = vector.shape_cast %get3A_545 : vector<1x16xf32> to vector<16xf32>
        %mul3A_547 = vector.broadcast %squeeze3A_538 : f32 to vector<16xf32>
        %mul3A_548 = arith.mulf %get3A_546, %mul3A_547 : vector<16xf32>
        %swap3A_549 = arith.index_cast %add3A_542 : i32 to index
        %swap3A_550 = arith.constant 0 : index
        %swap3A_551 = tpu.vector_load %arg15[%swap3A_549, %swap3A_550] {strides = array<i32>} : memref<128x64xf32, #tpu.memory_space<vmem>>, vector<1x16xf32>,
        %swap3A_552 = vector.shape_cast %swap3A_551 : vector<1x16xf32> to vector<16xf32>
        %swap3A_553 = vector.shape_cast %mul3A_548 : vector<16xf32> to vector<1x16xf32>
        tpu.vector_store %arg15[%swap3A_549, %swap3A_550], %swap3A_553 {strides = array<i32>} : memref<128x64xf32, #tpu.memory_space<vmem>>, vector<1x16xf32>,
        %get3A_554 = arith.index_cast %add3A_542 : i32 to index
        %get3A_555 = arith.constant 16 : index
        %get3A_556 = tpu.vector_load %arg15[%get3A_554, %get3A_555] {strides = array<i32>} : memref<128x64xf32, #tpu.memory_space<vmem>>, vector<1x16xf32>,
        %get3A_557 = vector.shape_cast %get3A_556 : vector<1x16xf32> to vector<16xf32>
        %mul3A_558 = vector.broadcast %squeeze3A_538 : f32 to vector<16xf32>
        %mul3A_559 = arith.mulf %get3A_557, %mul3A_558 : vector<16xf32>
        %swap3A_560 = arith.index_cast %add3A_542 : i32 to index
        %swap3A_561 = arith.constant 16 : index
        %swap3A_562 = tpu.vector_load %arg15[%swap3A_560, %swap3A_561] {strides = array<i32>} : memref<128x64xf32, #tpu.memory_space<vmem>>, vector<1x16xf32>,
        %swap3A_563 = vector.shape_cast %swap3A_562 : vector<1x16xf32> to vector<16xf32>
        %swap3A_564 = vector.shape_cast %mul3A_559 : vector<16xf32> to vector<1x16xf32>
        tpu.vector_store %arg15[%swap3A_560, %swap3A_561], %swap3A_564 {strides = array<i32>} : memref<128x64xf32, #tpu.memory_space<vmem>>, vector<1x16xf32>,
        %get3A_565 = arith.index_cast %add3A_542 : i32 to index
        %get3A_566 = arith.constant 32 : index
        %get3A_567 = tpu.vector_load %arg15[%get3A_565, %get3A_566] {strides = array<i32>} : memref<128x64xf32, #tpu.memory_space<vmem>>, vector<1x16xf32>,
        %get3A_568 = vector.shape_cast %get3A_567 : vector<1x16xf32> to vector<16xf32>
        %mul3A_569 = vector.broadcast %squeeze3A_538 : f32 to vector<16xf32>
        %mul3A_570 = arith.mulf %get3A_568, %mul3A_569 : vector<16xf32>
        %swap3A_571 = arith.index_cast %add3A_542 : i32 to index
        %swap3A_572 = arith.constant 32 : index
        %swap3A_573 = tpu.vector_load %arg15[%swap3A_571, %swap3A_572] {strides = array<i32>} : memref<128x64xf32, #tpu.memory_space<vmem>>, vector<1x16xf32>,
        %swap3A_574 = vector.shape_cast %swap3A_573 : vector<1x16xf32> to vector<16xf32>
        %swap3A_575 = vector.shape_cast %mul3A_570 : vector<16xf32> to vector<1x16xf32>
        tpu.vector_store %arg15[%swap3A_571, %swap3A_572], %swap3A_575 {strides = array<i32>} : memref<128x64xf32, #tpu.memory_space<vmem>>, vector<1x16xf32>,
        %get3A_576 = arith.index_cast %add3A_542 : i32 to index
        %get3A_577 = arith.constant 48 : index
        %get3A_578 = tpu.vector_load %arg15[%get3A_576, %get3A_577] {strides = array<i32>} : memref<128x64xf32, #tpu.memory_space<vmem>>, vector<1x16xf32>,
        %get3A_579 = vector.shape_cast %get3A_578 : vector<1x16xf32> to vector<16xf32>
        %mul3A_580 = vector.broadcast %squeeze3A_538 : f32 to vector<16xf32>
        %mul3A_581 = arith.mulf %get3A_579, %mul3A_580 : vector<16xf32>
        %swap3A_582 = arith.index_cast %add3A_542 : i32 to index
        %swap3A_583 = arith.constant 48 : index
        %swap3A_584 = tpu.vector_load %arg15[%swap3A_582, %swap3A_583] {strides = array<i32>} : memref<128x64xf32, #tpu.memory_space<vmem>>, vector<1x16xf32>,
        %swap3A_585 = vector.shape_cast %swap3A_584 : vector<1x16xf32> to vector<16xf32>
        %swap3A_586 = vector.shape_cast %mul3A_581 : vector<16xf32> to vector<1x16xf32>
        tpu.vector_store %arg15[%swap3A_582, %swap3A_583], %swap3A_586 {strides = array<i32>} : memref<128x64xf32, #tpu.memory_space<vmem>>, vector<1x16xf32>,
        %slice3A_587 = vector.extract_strided_slice %get3A_189 {offsets = [8], sizes = [1], strides = [1]} : vector<16xf32> to vector<1xf32>
        %squeeze3A_588 = vector.extract %slice3A_587[0] : f32 from vector<1xf32>
        %mul3A_589 = arith.constant 16 : i32
        %mul3A_590 = arith.muli %scan3A_184, %mul3A_589 : i32
        %add3A_591 = arith.constant 8 : i32
        %add3A_592 = arith.addi %mul3A_590, %add3A_591 : i32
        %get3A_593 = arith.index_cast %add3A_592 : i32 to index
        %get3A_594 = arith.constant 0 : index
        %get3A_595 = tpu.vector_load %arg15[%get3A_593, %get3A_594] {strides = array<i32>} : memref<128x64xf32, #tpu.memory_space<vmem>>, vector<1x16xf32>,
        %get3A_596 = vector.shape_cast %get3A_595 : vector<1x16xf32> to vector<16xf32>
        %mul3A_597 = vector.broadcast %squeeze3A_588 : f32 to vector<16xf32>
        %mul3A_598 = arith.mulf %get3A_596, %mul3A_597 : vector<16xf32>
        %swap3A_599 = arith.index_cast %add3A_592 : i32 to index
        %swap3A_600 = arith.constant 0 : index
        %swap3A_601 = tpu.vector_load %arg15[%swap3A_599, %swap3A_600] {strides = array<i32>} : memref<128x64xf32, #tpu.memory_space<vmem>>, vector<1x16xf32>,
        %swap3A_602 = vector.shape_cast %swap3A_601 : vector<1x16xf32> to vector<16xf32>
        %swap3A_603 = vector.shape_cast %mul3A_598 : vector<16xf32> to vector<1x16xf32>
        tpu.vector_store %arg15[%swap3A_599, %swap3A_600], %swap3A_603 {strides = array<i32>} : memref<128x64xf32, #tpu.memory_space<vmem>>, vector<1x16xf32>,
        %get3A_604 = arith.index_cast %add3A_592 : i32 to index
        %get3A_605 = arith.constant 16 : index
        %get3A_606 = tpu.vector_load %arg15[%get3A_604, %get3A_605] {strides = array<i32>} : memref<128x64xf32, #tpu.memory_space<vmem>>, vector<1x16xf32>,
        %get3A_607 = vector.shape_cast %get3A_606 : vector<1x16xf32> to vector<16xf32>
        %mul3A_608 = vector.broadcast %squeeze3A_588 : f32 to vector<16xf32>
        %mul3A_609 = arith.mulf %get3A_607, %mul3A_608 : vector<16xf32>
        %swap3A_610 = arith.index_cast %add3A_592 : i32 to index
        %swap3A_611 = arith.constant 16 : index
        %swap3A_612 = tpu.vector_load %arg15[%swap3A_610, %swap3A_611] {strides = array<i32>} : memref<128x64xf32, #tpu.memory_space<vmem>>, vector<1x16xf32>,
        %swap3A_613 = vector.shape_cast %swap3A_612 : vector<1x16xf32> to vector<16xf32>
        %swap3A_614 = vector.shape_cast %mul3A_609 : vector<16xf32> to vector<1x16xf32>
        tpu.vector_store %arg15[%swap3A_610, %swap3A_611], %swap3A_614 {strides = array<i32>} : memref<128x64xf32, #tpu.memory_space<vmem>>, vector<1x16xf32>,
        %get3A_615 = arith.index_cast %add3A_592 : i32 to index
        %get3A_616 = arith.constant 32 : index
        %get3A_617 = tpu.vector_load %arg15[%get3A_615, %get3A_616] {strides = array<i32>} : memref<128x64xf32, #tpu.memory_space<vmem>>, vector<1x16xf32>,
        %get3A_618 = vector.shape_cast %get3A_617 : vector<1x16xf32> to vector<16xf32>
        %mul3A_619 = vector.broadcast %squeeze3A_588 : f32 to vector<16xf32>
        %mul3A_620 = arith.mulf %get3A_618, %mul3A_619 : vector<16xf32>
        %swap3A_621 = arith.index_cast %add3A_592 : i32 to index
        %swap3A_622 = arith.constant 32 : index
        %swap3A_623 = tpu.vector_load %arg15[%swap3A_621, %swap3A_622] {strides = array<i32>} : memref<128x64xf32, #tpu.memory_space<vmem>>, vector<1x16xf32>,
        %swap3A_624 = vector.shape_cast %swap3A_623 : vector<1x16xf32> to vector<16xf32>
        %swap3A_625 = vector.shape_cast %mul3A_620 : vector<16xf32> to vector<1x16xf32>
        tpu.vector_store %arg15[%swap3A_621, %swap3A_622], %swap3A_625 {strides = array<i32>} : memref<128x64xf32, #tpu.memory_space<vmem>>, vector<1x16xf32>,
        %get3A_626 = arith.index_cast %add3A_592 : i32 to index
        %get3A_627 = arith.constant 48 : index
        %get3A_628 = tpu.vector_load %arg15[%get3A_626, %get3A_627] {strides = array<i32>} : memref<128x64xf32, #tpu.memory_space<vmem>>, vector<1x16xf32>,
        %get3A_629 = vector.shape_cast %get3A_628 : vector<1x16xf32> to vector<16xf32>
        %mul3A_630 = vector.broadcast %squeeze3A_588 : f32 to vector<16xf32>
        %mul3A_631 = arith.mulf %get3A_629, %mul3A_630 : vector<16xf32>
        %swap3A_632 = arith.index_cast %add3A_592 : i32 to index
        %swap3A_633 = arith.constant 48 : index
        %swap3A_634 = tpu.vector_load %arg15[%swap3A_632, %swap3A_633] {strides = array<i32>} : memref<128x64xf32, #tpu.memory_space<vmem>>, vector<1x16xf32>,
        %swap3A_635 = vector.shape_cast %swap3A_634 : vector<1x16xf32> to vector<16xf32>
        %swap3A_636 = vector.shape_cast %mul3A_631 : vector<16xf32> to vector<1x16xf32>
        tpu.vector_store %arg15[%swap3A_632, %swap3A_633], %swap3A_636 {strides = array<i32>} : memref<128x64xf32, #tpu.memory_space<vmem>>, vector<1x16xf32>,
        %slice3A_637 = vector.extract_strided_slice %get3A_189 {offsets = [9], sizes = [1], strides = [1]} : vector<16xf32> to vector<1xf32>
        %squeeze3A_638 = vector.extract %slice3A_637[0] : f32 from vector<1xf32>
        %mul3A_639 = arith.constant 16 : i32
        %mul3A_640 = arith.muli %scan3A_184, %mul3A_639 : i32
        %add3A_641 = arith.constant 9 : i32
        %add3A_642 = arith.addi %mul3A_640, %add3A_641 : i32
        %get3A_643 = arith.index_cast %add3A_642 : i32 to index
        %get3A_644 = arith.constant 0 : index
        %get3A_645 = tpu.vector_load %arg15[%get3A_643, %get3A_644] {strides = array<i32>} : memref<128x64xf32, #tpu.memory_space<vmem>>, vector<1x16xf32>,
        %get3A_646 = vector.shape_cast %get3A_645 : vector<1x16xf32> to vector<16xf32>
        %mul3A_647 = vector.broadcast %squeeze3A_638 : f32 to vector<16xf32>
        %mul3A_648 = arith.mulf %get3A_646, %mul3A_647 : vector<16xf32>
        %swap3A_649 = arith.index_cast %add3A_642 : i32 to index
        %swap3A_650 = arith.constant 0 : index
        %swap3A_651 = tpu.vector_load %arg15[%swap3A_649, %swap3A_650] {strides = array<i32>} : memref<128x64xf32, #tpu.memory_space<vmem>>, vector<1x16xf32>,
        %swap3A_652 = vector.shape_cast %swap3A_651 : vector<1x16xf32> to vector<16xf32>
        %swap3A_653 = vector.shape_cast %mul3A_648 : vector<16xf32> to vector<1x16xf32>
        tpu.vector_store %arg15[%swap3A_649, %swap3A_650], %swap3A_653 {strides = array<i32>} : memref<128x64xf32, #tpu.memory_space<vmem>>, vector<1x16xf32>,
        %get3A_654 = arith.index_cast %add3A_642 : i32 to index
        %get3A_655 = arith.constant 16 : index
        %get3A_656 = tpu.vector_load %arg15[%get3A_654, %get3A_655] {strides = array<i32>} : memref<128x64xf32, #tpu.memory_space<vmem>>, vector<1x16xf32>,
        %get3A_657 = vector.shape_cast %get3A_656 : vector<1x16xf32> to vector<16xf32>
        %mul3A_658 = vector.broadcast %squeeze3A_638 : f32 to vector<16xf32>
        %mul3A_659 = arith.mulf %get3A_657, %mul3A_658 : vector<16xf32>
        %swap3A_660 = arith.index_cast %add3A_642 : i32 to index
        %swap3A_661 = arith.constant 16 : index
        %swap3A_662 = tpu.vector_load %arg15[%swap3A_660, %swap3A_661] {strides = array<i32>} : memref<128x64xf32, #tpu.memory_space<vmem>>, vector<1x16xf32>,
        %swap3A_663 = vector.shape_cast %swap3A_662 : vector<1x16xf32> to vector<16xf32>
        %swap3A_664 = vector.shape_cast %mul3A_659 : vector<16xf32> to vector<1x16xf32>
        tpu.vector_store %arg15[%swap3A_660, %swap3A_661], %swap3A_664 {strides = array<i32>} : memref<128x64xf32, #tpu.memory_space<vmem>>, vector<1x16xf32>,
        %get3A_665 = arith.index_cast %add3A_642 : i32 to index
        %get3A_666 = arith.constant 32 : index
        %get3A_667 = tpu.vector_load %arg15[%get3A_665, %get3A_666] {strides = array<i32>} : memref<128x64xf32, #tpu.memory_space<vmem>>, vector<1x16xf32>,
        %get3A_668 = vector.shape_cast %get3A_667 : vector<1x16xf32> to vector<16xf32>
        %mul3A_669 = vector.broadcast %squeeze3A_638 : f32 to vector<16xf32>
        %mul3A_670 = arith.mulf %get3A_668, %mul3A_669 : vector<16xf32>
        %swap3A_671 = arith.index_cast %add3A_642 : i32 to index
        %swap3A_672 = arith.constant 32 : index
        %swap3A_673 = tpu.vector_load %arg15[%swap3A_671, %swap3A_672] {strides = array<i32>} : memref<128x64xf32, #tpu.memory_space<vmem>>, vector<1x16xf32>,
        %swap3A_674 = vector.shape_cast %swap3A_673 : vector<1x16xf32> to vector<16xf32>
        %swap3A_675 = vector.shape_cast %mul3A_670 : vector<16xf32> to vector<1x16xf32>
        tpu.vector_store %arg15[%swap3A_671, %swap3A_672], %swap3A_675 {strides = array<i32>} : memref<128x64xf32, #tpu.memory_space<vmem>>, vector<1x16xf32>,
        %get3A_676 = arith.index_cast %add3A_642 : i32 to index
        %get3A_677 = arith.constant 48 : index
        %get3A_678 = tpu.vector_load %arg15[%get3A_676, %get3A_677] {strides = array<i32>} : memref<128x64xf32, #tpu.memory_space<vmem>>, vector<1x16xf32>,
        %get3A_679 = vector.shape_cast %get3A_678 : vector<1x16xf32> to vector<16xf32>
        %mul3A_680 = vector.broadcast %squeeze3A_638 : f32 to vector<16xf32>
        %mul3A_681 = arith.mulf %get3A_679, %mul3A_680 : vector<16xf32>
        %swap3A_682 = arith.index_cast %add3A_642 : i32 to index
        %swap3A_683 = arith.constant 48 : index
        %swap3A_684 = tpu.vector_load %arg15[%swap3A_682, %swap3A_683] {strides = array<i32>} : memref<128x64xf32, #tpu.memory_space<vmem>>, vector<1x16xf32>,
        %swap3A_685 = vector.shape_cast %swap3A_684 : vector<1x16xf32> to vector<16xf32>
        %swap3A_686 = vector.shape_cast %mul3A_681 : vector<16xf32> to vector<1x16xf32>
        tpu.vector_store %arg15[%swap3A_682, %swap3A_683], %swap3A_686 {strides = array<i32>} : memref<128x64xf32, #tpu.memory_space<vmem>>, vector<1x16xf32>,
        %slice3A_687 = vector.extract_strided_slice %get3A_189 {offsets = [10], sizes = [1], strides = [1]} : vector<16xf32> to vector<1xf32>
        %squeeze3A_688 = vector.extract %slice3A_687[0] : f32 from vector<1xf32>
        %mul3A_689 = arith.constant 16 : i32
        %mul3A_690 = arith.muli %scan3A_184, %mul3A_689 : i32
        %add3A_691 = arith.constant 10 : i32
        %add3A_692 = arith.addi %mul3A_690, %add3A_691 : i32
        %get3A_693 = arith.index_cast %add3A_692 : i32 to index
        %get3A_694 = arith.constant 0 : index
        %get3A_695 = tpu.vector_load %arg15[%get3A_693, %get3A_694] {strides = array<i32>} : memref<128x64xf32, #tpu.memory_space<vmem>>, vector<1x16xf32>,
        %get3A_696 = vector.shape_cast %get3A_695 : vector<1x16xf32> to vector<16xf32>
        %mul3A_697 = vector.broadcast %squeeze3A_688 : f32 to vector<16xf32>
        %mul3A_698 = arith.mulf %get3A_696, %mul3A_697 : vector<16xf32>
        %swap3A_699 = arith.index_cast %add3A_692 : i32 to index
        %swap3A_700 = arith.constant 0 : index
        %swap3A_701 = tpu.vector_load %arg15[%swap3A_699, %swap3A_700] {strides = array<i32>} : memref<128x64xf32, #tpu.memory_space<vmem>>, vector<1x16xf32>,
        %swap3A_702 = vector.shape_cast %swap3A_701 : vector<1x16xf32> to vector<16xf32>
        %swap3A_703 = vector.shape_cast %mul3A_698 : vector<16xf32> to vector<1x16xf32>
        tpu.vector_store %arg15[%swap3A_699, %swap3A_700], %swap3A_703 {strides = array<i32>} : memref<128x64xf32, #tpu.memory_space<vmem>>, vector<1x16xf32>,
        %get3A_704 = arith.index_cast %add3A_692 : i32 to index
        %get3A_705 = arith.constant 16 : index
        %get3A_706 = tpu.vector_load %arg15[%get3A_704, %get3A_705] {strides = array<i32>} : memref<128x64xf32, #tpu.memory_space<vmem>>, vector<1x16xf32>,
        %get3A_707 = vector.shape_cast %get3A_706 : vector<1x16xf32> to vector<16xf32>
        %mul3A_708 = vector.broadcast %squeeze3A_688 : f32 to vector<16xf32>
        %mul3A_709 = arith.mulf %get3A_707, %mul3A_708 : vector<16xf32>
        %swap3A_710 = arith.index_cast %add3A_692 : i32 to index
        %swap3A_711 = arith.constant 16 : index
        %swap3A_712 = tpu.vector_load %arg15[%swap3A_710, %swap3A_711] {strides = array<i32>} : memref<128x64xf32, #tpu.memory_space<vmem>>, vector<1x16xf32>,
        %swap3A_713 = vector.shape_cast %swap3A_712 : vector<1x16xf32> to vector<16xf32>
        %swap3A_714 = vector.shape_cast %mul3A_709 : vector<16xf32> to vector<1x16xf32>
        tpu.vector_store %arg15[%swap3A_710, %swap3A_711], %swap3A_714 {strides = array<i32>} : memref<128x64xf32, #tpu.memory_space<vmem>>, vector<1x16xf32>,
        %get3A_715 = arith.index_cast %add3A_692 : i32 to index
        %get3A_716 = arith.constant 32 : index
        %get3A_717 = tpu.vector_load %arg15[%get3A_715, %get3A_716] {strides = array<i32>} : memref<128x64xf32, #tpu.memory_space<vmem>>, vector<1x16xf32>,
        %get3A_718 = vector.shape_cast %get3A_717 : vector<1x16xf32> to vector<16xf32>
        %mul3A_719 = vector.broadcast %squeeze3A_688 : f32 to vector<16xf32>
        %mul3A_720 = arith.mulf %get3A_718, %mul3A_719 : vector<16xf32>
        %swap3A_721 = arith.index_cast %add3A_692 : i32 to index
        %swap3A_722 = arith.constant 32 : index
        %swap3A_723 = tpu.vector_load %arg15[%swap3A_721, %swap3A_722] {strides = array<i32>} : memref<128x64xf32, #tpu.memory_space<vmem>>, vector<1x16xf32>,
        %swap3A_724 = vector.shape_cast %swap3A_723 : vector<1x16xf32> to vector<16xf32>
        %swap3A_725 = vector.shape_cast %mul3A_720 : vector<16xf32> to vector<1x16xf32>
        tpu.vector_store %arg15[%swap3A_721, %swap3A_722], %swap3A_725 {strides = array<i32>} : memref<128x64xf32, #tpu.memory_space<vmem>>, vector<1x16xf32>,
        %get3A_726 = arith.index_cast %add3A_692 : i32 to index
        %get3A_727 = arith.constant 48 : index
        %get3A_728 = tpu.vector_load %arg15[%get3A_726, %get3A_727] {strides = array<i32>} : memref<128x64xf32, #tpu.memory_space<vmem>>, vector<1x16xf32>,
        %get3A_729 = vector.shape_cast %get3A_728 : vector<1x16xf32> to vector<16xf32>
        %mul3A_730 = vector.broadcast %squeeze3A_688 : f32 to vector<16xf32>
        %mul3A_731 = arith.mulf %get3A_729, %mul3A_730 : vector<16xf32>
        %swap3A_732 = arith.index_cast %add3A_692 : i32 to index
        %swap3A_733 = arith.constant 48 : index
        %swap3A_734 = tpu.vector_load %arg15[%swap3A_732, %swap3A_733] {strides = array<i32>} : memref<128x64xf32, #tpu.memory_space<vmem>>, vector<1x16xf32>,
        %swap3A_735 = vector.shape_cast %swap3A_734 : vector<1x16xf32> to vector<16xf32>
        %swap3A_736 = vector.shape_cast %mul3A_731 : vector<16xf32> to vector<1x16xf32>
        tpu.vector_store %arg15[%swap3A_732, %swap3A_733], %swap3A_736 {strides = array<i32>} : memref<128x64xf32, #tpu.memory_space<vmem>>, vector<1x16xf32>,
        %slice3A_737 = vector.extract_strided_slice %get3A_189 {offsets = [11], sizes = [1], strides = [1]} : vector<16xf32> to vector<1xf32>
        %squeeze3A_738 = vector.extract %slice3A_737[0] : f32 from vector<1xf32>
        %mul3A_739 = arith.constant 16 : i32
        %mul3A_740 = arith.muli %scan3A_184, %mul3A_739 : i32
        %add3A_741 = arith.constant 11 : i32
        %add3A_742 = arith.addi %mul3A_740, %add3A_741 : i32
        %get3A_743 = arith.index_cast %add3A_742 : i32 to index
        %get3A_744 = arith.constant 0 : index
        %get3A_745 = tpu.vector_load %arg15[%get3A_743, %get3A_744] {strides = array<i32>} : memref<128x64xf32, #tpu.memory_space<vmem>>, vector<1x16xf32>,
        %get3A_746 = vector.shape_cast %get3A_745 : vector<1x16xf32> to vector<16xf32>
        %mul3A_747 = vector.broadcast %squeeze3A_738 : f32 to vector<16xf32>
        %mul3A_748 = arith.mulf %get3A_746, %mul3A_747 : vector<16xf32>
        %swap3A_749 = arith.index_cast %add3A_742 : i32 to index
        %swap3A_750 = arith.constant 0 : index
        %swap3A_751 = tpu.vector_load %arg15[%swap3A_749, %swap3A_750] {strides = array<i32>} : memref<128x64xf32, #tpu.memory_space<vmem>>, vector<1x16xf32>,
        %swap3A_752 = vector.shape_cast %swap3A_751 : vector<1x16xf32> to vector<16xf32>
        %swap3A_753 = vector.shape_cast %mul3A_748 : vector<16xf32> to vector<1x16xf32>
        tpu.vector_store %arg15[%swap3A_749, %swap3A_750], %swap3A_753 {strides = array<i32>} : memref<128x64xf32, #tpu.memory_space<vmem>>, vector<1x16xf32>,
        %get3A_754 = arith.index_cast %add3A_742 : i32 to index
        %get3A_755 = arith.constant 16 : index
        %get3A_756 = tpu.vector_load %arg15[%get3A_754, %get3A_755] {strides = array<i32>} : memref<128x64xf32, #tpu.memory_space<vmem>>, vector<1x16xf32>,
        %get3A_757 = vector.shape_cast %get3A_756 : vector<1x16xf32> to vector<16xf32>
        %mul3A_758 = vector.broadcast %squeeze3A_738 : f32 to vector<16xf32>
        %mul3A_759 = arith.mulf %get3A_757, %mul3A_758 : vector<16xf32>
        %swap3A_760 = arith.index_cast %add3A_742 : i32 to index
        %swap3A_761 = arith.constant 16 : index
        %swap3A_762 = tpu.vector_load %arg15[%swap3A_760, %swap3A_761] {strides = array<i32>} : memref<128x64xf32, #tpu.memory_space<vmem>>, vector<1x16xf32>,
        %swap3A_763 = vector.shape_cast %swap3A_762 : vector<1x16xf32> to vector<16xf32>
        %swap3A_764 = vector.shape_cast %mul3A_759 : vector<16xf32> to vector<1x16xf32>
        tpu.vector_store %arg15[%swap3A_760, %swap3A_761], %swap3A_764 {strides = array<i32>} : memref<128x64xf32, #tpu.memory_space<vmem>>, vector<1x16xf32>,
        %get3A_765 = arith.index_cast %add3A_742 : i32 to index
        %get3A_766 = arith.constant 32 : index
        %get3A_767 = tpu.vector_load %arg15[%get3A_765, %get3A_766] {strides = array<i32>} : memref<128x64xf32, #tpu.memory_space<vmem>>, vector<1x16xf32>,
        %get3A_768 = vector.shape_cast %get3A_767 : vector<1x16xf32> to vector<16xf32>
        %mul3A_769 = vector.broadcast %squeeze3A_738 : f32 to vector<16xf32>
        %mul3A_770 = arith.mulf %get3A_768, %mul3A_769 : vector<16xf32>
        %swap3A_771 = arith.index_cast %add3A_742 : i32 to index
        %swap3A_772 = arith.constant 32 : index
        %swap3A_773 = tpu.vector_load %arg15[%swap3A_771, %swap3A_772] {strides = array<i32>} : memref<128x64xf32, #tpu.memory_space<vmem>>, vector<1x16xf32>,
        %swap3A_774 = vector.shape_cast %swap3A_773 : vector<1x16xf32> to vector<16xf32>
        %swap3A_775 = vector.shape_cast %mul3A_770 : vector<16xf32> to vector<1x16xf32>
        tpu.vector_store %arg15[%swap3A_771, %swap3A_772], %swap3A_775 {strides = array<i32>} : memref<128x64xf32, #tpu.memory_space<vmem>>, vector<1x16xf32>,
        %get3A_776 = arith.index_cast %add3A_742 : i32 to index
        %get3A_777 = arith.constant 48 : index
        %get3A_778 = tpu.vector_load %arg15[%get3A_776, %get3A_777] {strides = array<i32>} : memref<128x64xf32, #tpu.memory_space<vmem>>, vector<1x16xf32>,
        %get3A_779 = vector.shape_cast %get3A_778 : vector<1x16xf32> to vector<16xf32>
        %mul3A_780 = vector.broadcast %squeeze3A_738 : f32 to vector<16xf32>
        %mul3A_781 = arith.mulf %get3A_779, %mul3A_780 : vector<16xf32>
        %swap3A_782 = arith.index_cast %add3A_742 : i32 to index
        %swap3A_783 = arith.constant 48 : index
        %swap3A_784 = tpu.vector_load %arg15[%swap3A_782, %swap3A_783] {strides = array<i32>} : memref<128x64xf32, #tpu.memory_space<vmem>>, vector<1x16xf32>,
        %swap3A_785 = vector.shape_cast %swap3A_784 : vector<1x16xf32> to vector<16xf32>
        %swap3A_786 = vector.shape_cast %mul3A_781 : vector<16xf32> to vector<1x16xf32>
        tpu.vector_store %arg15[%swap3A_782, %swap3A_783], %swap3A_786 {strides = array<i32>} : memref<128x64xf32, #tpu.memory_space<vmem>>, vector<1x16xf32>,
        %slice3A_787 = vector.extract_strided_slice %get3A_189 {offsets = [12], sizes = [1], strides = [1]} : vector<16xf32> to vector<1xf32>
        %squeeze3A_788 = vector.extract %slice3A_787[0] : f32 from vector<1xf32>
        %mul3A_789 = arith.constant 16 : i32
        %mul3A_790 = arith.muli %scan3A_184, %mul3A_789 : i32
        %add3A_791 = arith.constant 12 : i32
        %add3A_792 = arith.addi %mul3A_790, %add3A_791 : i32
        %get3A_793 = arith.index_cast %add3A_792 : i32 to index
        %get3A_794 = arith.constant 0 : index
        %get3A_795 = tpu.vector_load %arg15[%get3A_793, %get3A_794] {strides = array<i32>} : memref<128x64xf32, #tpu.memory_space<vmem>>, vector<1x16xf32>,
        %get3A_796 = vector.shape_cast %get3A_795 : vector<1x16xf32> to vector<16xf32>
        %mul3A_797 = vector.broadcast %squeeze3A_788 : f32 to vector<16xf32>
        %mul3A_798 = arith.mulf %get3A_796, %mul3A_797 : vector<16xf32>
        %swap3A_799 = arith.index_cast %add3A_792 : i32 to index
        %swap3A_800 = arith.constant 0 : index
        %swap3A_801 = tpu.vector_load %arg15[%swap3A_799, %swap3A_800] {strides = array<i32>} : memref<128x64xf32, #tpu.memory_space<vmem>>, vector<1x16xf32>,
        %swap3A_802 = vector.shape_cast %swap3A_801 : vector<1x16xf32> to vector<16xf32>
        %swap3A_803 = vector.shape_cast %mul3A_798 : vector<16xf32> to vector<1x16xf32>
        tpu.vector_store %arg15[%swap3A_799, %swap3A_800], %swap3A_803 {strides = array<i32>} : memref<128x64xf32, #tpu.memory_space<vmem>>, vector<1x16xf32>,
        %get3A_804 = arith.index_cast %add3A_792 : i32 to index
        %get3A_805 = arith.constant 16 : index
        %get3A_806 = tpu.vector_load %arg15[%get3A_804, %get3A_805] {strides = array<i32>} : memref<128x64xf32, #tpu.memory_space<vmem>>, vector<1x16xf32>,
        %get3A_807 = vector.shape_cast %get3A_806 : vector<1x16xf32> to vector<16xf32>
        %mul3A_808 = vector.broadcast %squeeze3A_788 : f32 to vector<16xf32>
        %mul3A_809 = arith.mulf %get3A_807, %mul3A_808 : vector<16xf32>
        %swap3A_810 = arith.index_cast %add3A_792 : i32 to index
        %swap3A_811 = arith.constant 16 : index
        %swap3A_812 = tpu.vector_load %arg15[%swap3A_810, %swap3A_811] {strides = array<i32>} : memref<128x64xf32, #tpu.memory_space<vmem>>, vector<1x16xf32>,
        %swap3A_813 = vector.shape_cast %swap3A_812 : vector<1x16xf32> to vector<16xf32>
        %swap3A_814 = vector.shape_cast %mul3A_809 : vector<16xf32> to vector<1x16xf32>
        tpu.vector_store %arg15[%swap3A_810, %swap3A_811], %swap3A_814 {strides = array<i32>} : memref<128x64xf32, #tpu.memory_space<vmem>>, vector<1x16xf32>,
        %get3A_815 = arith.index_cast %add3A_792 : i32 to index
        %get3A_816 = arith.constant 32 : index
        %get3A_817 = tpu.vector_load %arg15[%get3A_815, %get3A_816] {strides = array<i32>} : memref<128x64xf32, #tpu.memory_space<vmem>>, vector<1x16xf32>,
        %get3A_818 = vector.shape_cast %get3A_817 : vector<1x16xf32> to vector<16xf32>
        %mul3A_819 = vector.broadcast %squeeze3A_788 : f32 to vector<16xf32>
        %mul3A_820 = arith.mulf %get3A_818, %mul3A_819 : vector<16xf32>
        %swap3A_821 = arith.index_cast %add3A_792 : i32 to index
        %swap3A_822 = arith.constant 32 : index
        %swap3A_823 = tpu.vector_load %arg15[%swap3A_821, %swap3A_822] {strides = array<i32>} : memref<128x64xf32, #tpu.memory_space<vmem>>, vector<1x16xf32>,
        %swap3A_824 = vector.shape_cast %swap3A_823 : vector<1x16xf32> to vector<16xf32>
        %swap3A_825 = vector.shape_cast %mul3A_820 : vector<16xf32> to vector<1x16xf32>
        tpu.vector_store %arg15[%swap3A_821, %swap3A_822], %swap3A_825 {strides = array<i32>} : memref<128x64xf32, #tpu.memory_space<vmem>>, vector<1x16xf32>,
        %get3A_826 = arith.index_cast %add3A_792 : i32 to index
        %get3A_827 = arith.constant 48 : index
        %get3A_828 = tpu.vector_load %arg15[%get3A_826, %get3A_827] {strides = array<i32>} : memref<128x64xf32, #tpu.memory_space<vmem>>, vector<1x16xf32>,
        %get3A_829 = vector.shape_cast %get3A_828 : vector<1x16xf32> to vector<16xf32>
        %mul3A_830 = vector.broadcast %squeeze3A_788 : f32 to vector<16xf32>
        %mul3A_831 = arith.mulf %get3A_829, %mul3A_830 : vector<16xf32>
        %swap3A_832 = arith.index_cast %add3A_792 : i32 to index
        %swap3A_833 = arith.constant 48 : index
        %swap3A_834 = tpu.vector_load %arg15[%swap3A_832, %swap3A_833] {strides = array<i32>} : memref<128x64xf32, #tpu.memory_space<vmem>>, vector<1x16xf32>,
        %swap3A_835 = vector.shape_cast %swap3A_834 : vector<1x16xf32> to vector<16xf32>
        %swap3A_836 = vector.shape_cast %mul3A_831 : vector<16xf32> to vector<1x16xf32>
        tpu.vector_store %arg15[%swap3A_832, %swap3A_833], %swap3A_836 {strides = array<i32>} : memref<128x64xf32, #tpu.memory_space<vmem>>, vector<1x16xf32>,
        %slice3A_837 = vector.extract_strided_slice %get3A_189 {offsets = [13], sizes = [1], strides = [1]} : vector<16xf32> to vector<1xf32>
        %squeeze3A_838 = vector.extract %slice3A_837[0] : f32 from vector<1xf32>
        %mul3A_839 = arith.constant 16 : i32
        %mul3A_840 = arith.muli %scan3A_184, %mul3A_839 : i32
        %add3A_841 = arith.constant 13 : i32
        %add3A_842 = arith.addi %mul3A_840, %add3A_841 : i32
        %get3A_843 = arith.index_cast %add3A_842 : i32 to index
        %get3A_844 = arith.constant 0 : index
        %get3A_845 = tpu.vector_load %arg15[%get3A_843, %get3A_844] {strides = array<i32>} : memref<128x64xf32, #tpu.memory_space<vmem>>, vector<1x16xf32>,
        %get3A_846 = vector.shape_cast %get3A_845 : vector<1x16xf32> to vector<16xf32>
        %mul3A_847 = vector.broadcast %squeeze3A_838 : f32 to vector<16xf32>
        %mul3A_848 = arith.mulf %get3A_846, %mul3A_847 : vector<16xf32>
        %swap3A_849 = arith.index_cast %add3A_842 : i32 to index
        %swap3A_850 = arith.constant 0 : index
        %swap3A_851 = tpu.vector_load %arg15[%swap3A_849, %swap3A_850] {strides = array<i32>} : memref<128x64xf32, #tpu.memory_space<vmem>>, vector<1x16xf32>,
        %swap3A_852 = vector.shape_cast %swap3A_851 : vector<1x16xf32> to vector<16xf32>
        %swap3A_853 = vector.shape_cast %mul3A_848 : vector<16xf32> to vector<1x16xf32>
        tpu.vector_store %arg15[%swap3A_849, %swap3A_850], %swap3A_853 {strides = array<i32>} : memref<128x64xf32, #tpu.memory_space<vmem>>, vector<1x16xf32>,
        %get3A_854 = arith.index_cast %add3A_842 : i32 to index
        %get3A_855 = arith.constant 16 : index
        %get3A_856 = tpu.vector_load %arg15[%get3A_854, %get3A_855] {strides = array<i32>} : memref<128x64xf32, #tpu.memory_space<vmem>>, vector<1x16xf32>,
        %get3A_857 = vector.shape_cast %get3A_856 : vector<1x16xf32> to vector<16xf32>
        %mul3A_858 = vector.broadcast %squeeze3A_838 : f32 to vector<16xf32>
        %mul3A_859 = arith.mulf %get3A_857, %mul3A_858 : vector<16xf32>
        %swap3A_860 = arith.index_cast %add3A_842 : i32 to index
        %swap3A_861 = arith.constant 16 : index
        %swap3A_862 = tpu.vector_load %arg15[%swap3A_860, %swap3A_861] {strides = array<i32>} : memref<128x64xf32, #tpu.memory_space<vmem>>, vector<1x16xf32>,
        %swap3A_863 = vector.shape_cast %swap3A_862 : vector<1x16xf32> to vector<16xf32>
        %swap3A_864 = vector.shape_cast %mul3A_859 : vector<16xf32> to vector<1x16xf32>
        tpu.vector_store %arg15[%swap3A_860, %swap3A_861], %swap3A_864 {strides = array<i32>} : memref<128x64xf32, #tpu.memory_space<vmem>>, vector<1x16xf32>,
        %get3A_865 = arith.index_cast %add3A_842 : i32 to index
        %get3A_866 = arith.constant 32 : index
        %get3A_867 = tpu.vector_load %arg15[%get3A_865, %get3A_866] {strides = array<i32>} : memref<128x64xf32, #tpu.memory_space<vmem>>, vector<1x16xf32>,
        %get3A_868 = vector.shape_cast %get3A_867 : vector<1x16xf32> to vector<16xf32>
        %mul3A_869 = vector.broadcast %squeeze3A_838 : f32 to vector<16xf32>
        %mul3A_870 = arith.mulf %get3A_868, %mul3A_869 : vector<16xf32>
        %swap3A_871 = arith.index_cast %add3A_842 : i32 to index
        %swap3A_872 = arith.constant 32 : index
        %swap3A_873 = tpu.vector_load %arg15[%swap3A_871, %swap3A_872] {strides = array<i32>} : memref<128x64xf32, #tpu.memory_space<vmem>>, vector<1x16xf32>,
        %swap3A_874 = vector.shape_cast %swap3A_873 : vector<1x16xf32> to vector<16xf32>
        %swap3A_875 = vector.shape_cast %mul3A_870 : vector<16xf32> to vector<1x16xf32>
        tpu.vector_store %arg15[%swap3A_871, %swap3A_872], %swap3A_875 {strides = array<i32>} : memref<128x64xf32, #tpu.memory_space<vmem>>, vector<1x16xf32>,
        %get3A_876 = arith.index_cast %add3A_842 : i32 to index
        %get3A_877 = arith.constant 48 : index
        %get3A_878 = tpu.vector_load %arg15[%get3A_876, %get3A_877] {strides = array<i32>} : memref<128x64xf32, #tpu.memory_space<vmem>>, vector<1x16xf32>,
        %get3A_879 = vector.shape_cast %get3A_878 : vector<1x16xf32> to vector<16xf32>
        %mul3A_880 = vector.broadcast %squeeze3A_838 : f32 to vector<16xf32>
        %mul3A_881 = arith.mulf %get3A_879, %mul3A_880 : vector<16xf32>
        %swap3A_882 = arith.index_cast %add3A_842 : i32 to index
        %swap3A_883 = arith.constant 48 : index
        %swap3A_884 = tpu.vector_load %arg15[%swap3A_882, %swap3A_883] {strides = array<i32>} : memref<128x64xf32, #tpu.memory_space<vmem>>, vector<1x16xf32>,
        %swap3A_885 = vector.shape_cast %swap3A_884 : vector<1x16xf32> to vector<16xf32>
        %swap3A_886 = vector.shape_cast %mul3A_881 : vector<16xf32> to vector<1x16xf32>
        tpu.vector_store %arg15[%swap3A_882, %swap3A_883], %swap3A_886 {strides = array<i32>} : memref<128x64xf32, #tpu.memory_space<vmem>>, vector<1x16xf32>,
        %slice3A_887 = vector.extract_strided_slice %get3A_189 {offsets = [14], sizes = [1], strides = [1]} : vector<16xf32> to vector<1xf32>
        %squeeze3A_888 = vector.extract %slice3A_887[0] : f32 from vector<1xf32>
        %mul3A_889 = arith.constant 16 : i32
        %mul3A_890 = arith.muli %scan3A_184, %mul3A_889 : i32
        %add3A_891 = arith.constant 14 : i32
        %add3A_892 = arith.addi %mul3A_890, %add3A_891 : i32
        %get3A_893 = arith.index_cast %add3A_892 : i32 to index
        %get3A_894 = arith.constant 0 : index
        %get3A_895 = tpu.vector_load %arg15[%get3A_893, %get3A_894] {strides = array<i32>} : memref<128x64xf32, #tpu.memory_space<vmem>>, vector<1x16xf32>,
        %get3A_896 = vector.shape_cast %get3A_895 : vector<1x16xf32> to vector<16xf32>
        %mul3A_897 = vector.broadcast %squeeze3A_888 : f32 to vector<16xf32>
        %mul3A_898 = arith.mulf %get3A_896, %mul3A_897 : vector<16xf32>
        %swap3A_899 = arith.index_cast %add3A_892 : i32 to index
        %swap3A_900 = arith.constant 0 : index
        %swap3A_901 = tpu.vector_load %arg15[%swap3A_899, %swap3A_900] {strides = array<i32>} : memref<128x64xf32, #tpu.memory_space<vmem>>, vector<1x16xf32>,
        %swap3A_902 = vector.shape_cast %swap3A_901 : vector<1x16xf32> to vector<16xf32>
        %swap3A_903 = vector.shape_cast %mul3A_898 : vector<16xf32> to vector<1x16xf32>
        tpu.vector_store %arg15[%swap3A_899, %swap3A_900], %swap3A_903 {strides = array<i32>} : memref<128x64xf32, #tpu.memory_space<vmem>>, vector<1x16xf32>,
        %get3A_904 = arith.index_cast %add3A_892 : i32 to index
        %get3A_905 = arith.constant 16 : index
        %get3A_906 = tpu.vector_load %arg15[%get3A_904, %get3A_905] {strides = array<i32>} : memref<128x64xf32, #tpu.memory_space<vmem>>, vector<1x16xf32>,
        %get3A_907 = vector.shape_cast %get3A_906 : vector<1x16xf32> to vector<16xf32>
        %mul3A_908 = vector.broadcast %squeeze3A_888 : f32 to vector<16xf32>
        %mul3A_909 = arith.mulf %get3A_907, %mul3A_908 : vector<16xf32>
        %swap3A_910 = arith.index_cast %add3A_892 : i32 to index
        %swap3A_911 = arith.constant 16 : index
        %swap3A_912 = tpu.vector_load %arg15[%swap3A_910, %swap3A_911] {strides = array<i32>} : memref<128x64xf32, #tpu.memory_space<vmem>>, vector<1x16xf32>,
        %swap3A_913 = vector.shape_cast %swap3A_912 : vector<1x16xf32> to vector<16xf32>
        %swap3A_914 = vector.shape_cast %mul3A_909 : vector<16xf32> to vector<1x16xf32>
        tpu.vector_store %arg15[%swap3A_910, %swap3A_911], %swap3A_914 {strides = array<i32>} : memref<128x64xf32, #tpu.memory_space<vmem>>, vector<1x16xf32>,
        %get3A_915 = arith.index_cast %add3A_892 : i32 to index
        %get3A_916 = arith.constant 32 : index
        %get3A_917 = tpu.vector_load %arg15[%get3A_915, %get3A_916] {strides = array<i32>} : memref<128x64xf32, #tpu.memory_space<vmem>>, vector<1x16xf32>,
        %get3A_918 = vector.shape_cast %get3A_917 : vector<1x16xf32> to vector<16xf32>
        %mul3A_919 = vector.broadcast %squeeze3A_888 : f32 to vector<16xf32>
        %mul3A_920 = arith.mulf %get3A_918, %mul3A_919 : vector<16xf32>
        %swap3A_921 = arith.index_cast %add3A_892 : i32 to index
        %swap3A_922 = arith.constant 32 : index
        %swap3A_923 = tpu.vector_load %arg15[%swap3A_921, %swap3A_922] {strides = array<i32>} : memref<128x64xf32, #tpu.memory_space<vmem>>, vector<1x16xf32>,
        %swap3A_924 = vector.shape_cast %swap3A_923 : vector<1x16xf32> to vector<16xf32>
        %swap3A_925 = vector.shape_cast %mul3A_920 : vector<16xf32> to vector<1x16xf32>
        tpu.vector_store %arg15[%swap3A_921, %swap3A_922], %swap3A_925 {strides = array<i32>} : memref<128x64xf32, #tpu.memory_space<vmem>>, vector<1x16xf32>,
        %get3A_926 = arith.index_cast %add3A_892 : i32 to index
        %get3A_927 = arith.constant 48 : index
        %get3A_928 = tpu.vector_load %arg15[%get3A_926, %get3A_927] {strides = array<i32>} : memref<128x64xf32, #tpu.memory_space<vmem>>, vector<1x16xf32>,
        %get3A_929 = vector.shape_cast %get3A_928 : vector<1x16xf32> to vector<16xf32>
        %mul3A_930 = vector.broadcast %squeeze3A_888 : f32 to vector<16xf32>
        %mul3A_931 = arith.mulf %get3A_929, %mul3A_930 : vector<16xf32>
        %swap3A_932 = arith.index_cast %add3A_892 : i32 to index
        %swap3A_933 = arith.constant 48 : index
        %swap3A_934 = tpu.vector_load %arg15[%swap3A_932, %swap3A_933] {strides = array<i32>} : memref<128x64xf32, #tpu.memory_space<vmem>>, vector<1x16xf32>,
        %swap3A_935 = vector.shape_cast %swap3A_934 : vector<1x16xf32> to vector<16xf32>
        %swap3A_936 = vector.shape_cast %mul3A_931 : vector<16xf32> to vector<1x16xf32>
        tpu.vector_store %arg15[%swap3A_932, %swap3A_933], %swap3A_936 {strides = array<i32>} : memref<128x64xf32, #tpu.memory_space<vmem>>, vector<1x16xf32>,
        %slice3A_937 = vector.extract_strided_slice %get3A_189 {offsets = [15], sizes = [1], strides = [1]} : vector<16xf32> to vector<1xf32>
        %squeeze3A_938 = vector.extract %slice3A_937[0] : f32 from vector<1xf32>
        %mul3A_939 = arith.constant 16 : i32
        %mul3A_940 = arith.muli %scan3A_184, %mul3A_939 : i32
        %add3A_941 = arith.constant 15 : i32
        %add3A_942 = arith.addi %mul3A_940, %add3A_941 : i32
        %get3A_943 = arith.index_cast %add3A_942 : i32 to index
        %get3A_944 = arith.constant 0 : index
        %get3A_945 = tpu.vector_load %arg15[%get3A_943, %get3A_944] {strides = array<i32>} : memref<128x64xf32, #tpu.memory_space<vmem>>, vector<1x16xf32>,
        %get3A_946 = vector.shape_cast %get3A_945 : vector<1x16xf32> to vector<16xf32>
        %mul3A_947 = vector.broadcast %squeeze3A_938 : f32 to vector<16xf32>
        %mul3A_948 = arith.mulf %get3A_946, %mul3A_947 : vector<16xf32>
        %swap3A_949 = arith.index_cast %add3A_942 : i32 to index
        %swap3A_950 = arith.constant 0 : index
        %swap3A_951 = tpu.vector_load %arg15[%swap3A_949, %swap3A_950] {strides = array<i32>} : memref<128x64xf32, #tpu.memory_space<vmem>>, vector<1x16xf32>,
        %swap3A_952 = vector.shape_cast %swap3A_951 : vector<1x16xf32> to vector<16xf32>
        %swap3A_953 = vector.shape_cast %mul3A_948 : vector<16xf32> to vector<1x16xf32>
        tpu.vector_store %arg15[%swap3A_949, %swap3A_950], %swap3A_953 {strides = array<i32>} : memref<128x64xf32, #tpu.memory_space<vmem>>, vector<1x16xf32>,
        %get3A_954 = arith.index_cast %add3A_942 : i32 to index
        %get3A_955 = arith.constant 16 : index
        %get3A_956 = tpu.vector_load %arg15[%get3A_954, %get3A_955] {strides = array<i32>} : memref<128x64xf32, #tpu.memory_space<vmem>>, vector<1x16xf32>,
        %get3A_957 = vector.shape_cast %get3A_956 : vector<1x16xf32> to vector<16xf32>
        %mul3A_958 = vector.broadcast %squeeze3A_938 : f32 to vector<16xf32>
        %mul3A_959 = arith.mulf %get3A_957, %mul3A_958 : vector<16xf32>
        %swap3A_960 = arith.index_cast %add3A_942 : i32 to index
        %swap3A_961 = arith.constant 16 : index
        %swap3A_962 = tpu.vector_load %arg15[%swap3A_960, %swap3A_961] {strides = array<i32>} : memref<128x64xf32, #tpu.memory_space<vmem>>, vector<1x16xf32>,
        %swap3A_963 = vector.shape_cast %swap3A_962 : vector<1x16xf32> to vector<16xf32>
        %swap3A_964 = vector.shape_cast %mul3A_959 : vector<16xf32> to vector<1x16xf32>
        tpu.vector_store %arg15[%swap3A_960, %swap3A_961], %swap3A_964 {strides = array<i32>} : memref<128x64xf32, #tpu.memory_space<vmem>>, vector<1x16xf32>,
        %get3A_965 = arith.index_cast %add3A_942 : i32 to index
        %get3A_966 = arith.constant 32 : index
        %get3A_967 = tpu.vector_load %arg15[%get3A_965, %get3A_966] {strides = array<i32>} : memref<128x64xf32, #tpu.memory_space<vmem>>, vector<1x16xf32>,
        %get3A_968 = vector.shape_cast %get3A_967 : vector<1x16xf32> to vector<16xf32>
        %mul3A_969 = vector.broadcast %squeeze3A_938 : f32 to vector<16xf32>
        %mul3A_970 = arith.mulf %get3A_968, %mul3A_969 : vector<16xf32>
        %swap3A_971 = arith.index_cast %add3A_942 : i32 to index
        %swap3A_972 = arith.constant 32 : index
        %swap3A_973 = tpu.vector_load %arg15[%swap3A_971, %swap3A_972] {strides = array<i32>} : memref<128x64xf32, #tpu.memory_space<vmem>>, vector<1x16xf32>,
        %swap3A_974 = vector.shape_cast %swap3A_973 : vector<1x16xf32> to vector<16xf32>
        %swap3A_975 = vector.shape_cast %mul3A_970 : vector<16xf32> to vector<1x16xf32>
        tpu.vector_store %arg15[%swap3A_971, %swap3A_972], %swap3A_975 {strides = array<i32>} : memref<128x64xf32, #tpu.memory_space<vmem>>, vector<1x16xf32>,
        %get3A_976 = arith.index_cast %add3A_942 : i32 to index
        %get3A_977 = arith.constant 48 : index
        %get3A_978 = tpu.vector_load %arg15[%get3A_976, %get3A_977] {strides = array<i32>} : memref<128x64xf32, #tpu.memory_space<vmem>>, vector<1x16xf32>,
        %get3A_979 = vector.shape_cast %get3A_978 : vector<1x16xf32> to vector<16xf32>
        %mul3A_980 = vector.broadcast %squeeze3A_938 : f32 to vector<16xf32>
        %mul3A_981 = arith.mulf %get3A_979, %mul3A_980 : vector<16xf32>
        %swap3A_982 = arith.index_cast %add3A_942 : i32 to index
        %swap3A_983 = arith.constant 48 : index
        %swap3A_984 = tpu.vector_load %arg15[%swap3A_982, %swap3A_983] {strides = array<i32>} : memref<128x64xf32, #tpu.memory_space<vmem>>, vector<1x16xf32>,
        %swap3A_985 = vector.shape_cast %swap3A_984 : vector<1x16xf32> to vector<16xf32>
        %swap3A_986 = vector.shape_cast %mul3A_981 : vector<16xf32> to vector<1x16xf32>
        tpu.vector_store %arg15[%swap3A_982, %swap3A_983], %swap3A_986 {strides = array<i32>} : memref<128x64xf32, #tpu.memory_space<vmem>>, vector<1x16xf32>,
      }
      %scan3A_158 = arith.constant 8 : i32
      "tpu.region"() ({
        %run_scoped3A = tpu.sem_alloc : memref<!tpu.dma_semaphore, #tpu.memory_space<semaphore_mem>>
        %dma_start3A_184 = arith.constant 0 : i32
        %dma_start3A_185 = tpu.memref_slice %arg10[%add3A_137, %dma_start3A_184] : memref<80x128xi32, #tpu.memory_space<vmem>> -> memref<1x128xi32, #tpu.memory_space<vmem>>
        %dma_start3A_186 = tpu.memref_squeeze %dma_start3A_185 : memref<1x128xi32, #tpu.memory_space<vmem>> -> memref<128xi32, #tpu.memory_space<vmem>>
        %dma_start3A_187 = arith.constant 0 : i32
        %dma_start3A_188 = arith.constant 0 : i32
        %dma_start3A_189 = tpu.memref_slice %arg17[%dma_start3A_187, %dma_start3A_188] : memref<10240x64xf32, #tpu.memory_space<vmem_shared>> -> memref<10240x64xf32, #tpu.memory_space<vmem_shared>>
        tpu.enqueue_indirect_dma source(%arg15 : memref<128x64xf32, #tpu.memory_space<vmem>>) target(%dma_start3A_189 : memref<10240x64xf32, #tpu.memory_space<vmem_shared>>) offsets(%dma_start3A_186 : memref<128xi32, #tpu.memory_space<vmem>>) semaphore(%run_scoped3A : memref<!tpu.dma_semaphore, #tpu.memory_space<semaphore_mem>>) {add = true}
        %dma_wait3A_190 = arith.constant 0 : i32
        %dma_wait3A_191 = tpu.memref_slice %arg10[%add3A_137, %dma_wait3A_190] : memref<80x128xi32, #tpu.memory_space<vmem>> -> memref<1x128xi32, #tpu.memory_space<vmem>>
        %dma_wait3A_192 = tpu.memref_squeeze %dma_wait3A_191 : memref<1x128xi32, #tpu.memory_space<vmem>> -> memref<128xi32, #tpu.memory_space<vmem>>
        %dma_wait3A_193 = arith.constant 0 : i32
        %dma_wait3A_194 = arith.constant 0 : i32
        %dma_wait3A_195 = tpu.memref_slice %arg17[%dma_wait3A_193, %dma_wait3A_194] : memref<10240x64xf32, #tpu.memory_space<vmem_shared>> -> memref<10240x64xf32, #tpu.memory_space<vmem_shared>>
        tpu.wait_indirect_dma semaphore(%run_scoped3A : memref<!tpu.dma_semaphore, #tpu.memory_space<semaphore_mem>>) src(%arg15 : memref<128x64xf32, #tpu.memory_space<vmem>>) dst(%dma_wait3A_195 : memref<10240x64xf32, #tpu.memory_space<vmem_shared>>)
        tpu.yield
      }) : () -> ()
      %mul3A_159 = arith.constant 4 : i32
      %mul3A_160 = arith.muli %scan3A_88, %mul3A_159 : i32
      %add3A_161 = arith.constant 3 : i32
      %add3A_162 = arith.addi %mul3A_160, %add3A_161 : i32
      %add3A_163 = arith.constant 4 : i32
      %add3A_164 = arith.addi %add3A_162, %add3A_163 : i32
      %sub3A_165 = arith.constant 1 : i32
      %sub3A_166 = arith.subi %add3A_164, %sub3A_165 : i32
      %lt3A_167 = arith.constant 80 : i32
      %lt3A_168 = arith.cmpi slt, %sub3A_166, %lt3A_167 : i32
      %convert_element_type3A_169 = arith.extui %lt3A_168 : i1 to i32
      %cond3A_170 = arith.constant 0 : i32
      %cond3A_171 = arith.cmpi ne, %convert_element_type3A_169, %cond3A_170 : i32
      scf.if %cond3A_171 {
        %add3A_184 = arith.constant 4 : i32
        %add3A_185 = arith.addi %add3A_162, %add3A_184 : i32
        %sub3A_186 = arith.constant 1 : i32
        %sub3A_187 = arith.subi %add3A_185, %sub3A_186 : i32
        %dma_start3A_188 = arith.constant 0 : i32
        %dma_start3A_189 = tpu.memref_slice %arg12[%sub3A_187, %dma_start3A_188] : memref<80x128xi32, #tpu.memory_space<vmem>> -> memref<1x128xi32, #tpu.memory_space<vmem>>
        %dma_start3A_190 = tpu.memref_squeeze %dma_start3A_189 : memref<1x128xi32, #tpu.memory_space<vmem>> -> memref<128xi32, #tpu.memory_space<vmem>>
        %dma_start3A_191 = arith.constant 0 : i32
        %dma_start3A_192 = arith.constant 0 : i32
        %dma_start3A_193 = tpu.memref_slice %arg2[%dma_start3A_191, %dma_start3A_192] : memref<160000x64xf32, #tpu.memory_space<hbm>> -> memref<160000x64xf32, #tpu.memory_space<hbm>>
        tpu.enqueue_indirect_dma source(%dma_start3A_193 : memref<160000x64xf32, #tpu.memory_space<hbm>>) target(%arg15 : memref<128x64xf32, #tpu.memory_space<vmem>>) offsets(%dma_start3A_190 : memref<128xi32, #tpu.memory_space<vmem>>) semaphore(%arg20 : memref<!tpu.dma_semaphore, #tpu.memory_space<semaphore_mem>>)
      } else {
      }
      %dma_wait3A_172 = arith.constant 0 : i32
      %dma_wait3A_173 = tpu.memref_slice %arg12[%add3A_162, %dma_wait3A_172] : memref<80x128xi32, #tpu.memory_space<vmem>> -> memref<1x128xi32, #tpu.memory_space<vmem>>
      %dma_wait3A_174 = tpu.memref_squeeze %dma_wait3A_173 : memref<1x128xi32, #tpu.memory_space<vmem>> -> memref<128xi32, #tpu.memory_space<vmem>>
      %dma_wait3A_175 = arith.constant 0 : i32
      %dma_wait3A_176 = arith.constant 0 : i32
      %dma_wait3A_177 = tpu.memref_slice %arg2[%dma_wait3A_175, %dma_wait3A_176] : memref<160000x64xf32, #tpu.memory_space<hbm>> -> memref<160000x64xf32, #tpu.memory_space<hbm>>
      tpu.wait_indirect_dma semaphore(%arg21 : memref<!tpu.dma_semaphore, #tpu.memory_space<semaphore_mem>>) src(%dma_wait3A_177 : memref<160000x64xf32, #tpu.memory_space<hbm>>) dst(%arg16 : memref<128x64xf32, #tpu.memory_space<vmem>>)
      %scan3A_178 = arith.constant 0 : i32
      %scan3A_179 = arith.constant 0 : i32
      %scan3A_180 = arith.constant 8 : i32
      %scan3A_181 = arith.addi %scan3A_179, %scan3A_180 : i32
      %scan3A_182 = arith.constant 1 : i32
      scf.for %scan3A_184 = %scan3A_179 to %scan3A_181 step %scan3A_182  : i32 {
        %mul3A_185 = arith.constant 16 : i32
        %mul3A_186 = arith.muli %scan3A_184, %mul3A_185 : i32
        %get3A = arith.index_cast %add3A_162 : i32 to index
        %get3A_187 = arith.index_cast %mul3A_186 : i32 to index
        %get3A_188 = tpu.vector_load %arg11[%get3A, %get3A_187] {strides = array<i32>} : memref<80x128xf32, #tpu.memory_space<vmem>>, vector<1x16xf32>,
        %get3A_189 = vector.shape_cast %get3A_188 : vector<1x16xf32> to vector<16xf32>
        %slice3A = vector.extract_strided_slice %get3A_189 {offsets = [0], sizes = [1], strides = [1]} : vector<16xf32> to vector<1xf32>
        %squeeze3A = vector.extract %slice3A[0] : f32 from vector<1xf32>
        %mul3A_190 = arith.constant 16 : i32
        %mul3A_191 = arith.muli %scan3A_184, %mul3A_190 : i32
        %add3A_192 = arith.constant 0 : i32
        %add3A_193 = arith.addi %mul3A_191, %add3A_192 : i32
        %get3A_194 = arith.index_cast %add3A_193 : i32 to index
        %get3A_195 = arith.constant 0 : index
        %get3A_196 = tpu.vector_load %arg16[%get3A_194, %get3A_195] {strides = array<i32>} : memref<128x64xf32, #tpu.memory_space<vmem>>, vector<1x16xf32>,
        %get3A_197 = vector.shape_cast %get3A_196 : vector<1x16xf32> to vector<16xf32>
        %mul3A_198 = vector.broadcast %squeeze3A : f32 to vector<16xf32>
        %mul3A_199 = arith.mulf %get3A_197, %mul3A_198 : vector<16xf32>
        %swap3A = arith.index_cast %add3A_193 : i32 to index
        %swap3A_200 = arith.constant 0 : index
        %swap3A_201 = tpu.vector_load %arg16[%swap3A, %swap3A_200] {strides = array<i32>} : memref<128x64xf32, #tpu.memory_space<vmem>>, vector<1x16xf32>,
        %swap3A_202 = vector.shape_cast %swap3A_201 : vector<1x16xf32> to vector<16xf32>
        %swap3A_203 = vector.shape_cast %mul3A_199 : vector<16xf32> to vector<1x16xf32>
        tpu.vector_store %arg16[%swap3A, %swap3A_200], %swap3A_203 {strides = array<i32>} : memref<128x64xf32, #tpu.memory_space<vmem>>, vector<1x16xf32>,
        %get3A_204 = arith.index_cast %add3A_193 : i32 to index
        %get3A_205 = arith.constant 16 : index
        %get3A_206 = tpu.vector_load %arg16[%get3A_204, %get3A_205] {strides = array<i32>} : memref<128x64xf32, #tpu.memory_space<vmem>>, vector<1x16xf32>,
        %get3A_207 = vector.shape_cast %get3A_206 : vector<1x16xf32> to vector<16xf32>
        %mul3A_208 = vector.broadcast %squeeze3A : f32 to vector<16xf32>
        %mul3A_209 = arith.mulf %get3A_207, %mul3A_208 : vector<16xf32>
        %swap3A_210 = arith.index_cast %add3A_193 : i32 to index
        %swap3A_211 = arith.constant 16 : index
        %swap3A_212 = tpu.vector_load %arg16[%swap3A_210, %swap3A_211] {strides = array<i32>} : memref<128x64xf32, #tpu.memory_space<vmem>>, vector<1x16xf32>,
        %swap3A_213 = vector.shape_cast %swap3A_212 : vector<1x16xf32> to vector<16xf32>
        %swap3A_214 = vector.shape_cast %mul3A_209 : vector<16xf32> to vector<1x16xf32>
        tpu.vector_store %arg16[%swap3A_210, %swap3A_211], %swap3A_214 {strides = array<i32>} : memref<128x64xf32, #tpu.memory_space<vmem>>, vector<1x16xf32>,
        %get3A_215 = arith.index_cast %add3A_193 : i32 to index
        %get3A_216 = arith.constant 32 : index
        %get3A_217 = tpu.vector_load %arg16[%get3A_215, %get3A_216] {strides = array<i32>} : memref<128x64xf32, #tpu.memory_space<vmem>>, vector<1x16xf32>,
        %get3A_218 = vector.shape_cast %get3A_217 : vector<1x16xf32> to vector<16xf32>
        %mul3A_219 = vector.broadcast %squeeze3A : f32 to vector<16xf32>
        %mul3A_220 = arith.mulf %get3A_218, %mul3A_219 : vector<16xf32>
        %swap3A_221 = arith.index_cast %add3A_193 : i32 to index
        %swap3A_222 = arith.constant 32 : index
        %swap3A_223 = tpu.vector_load %arg16[%swap3A_221, %swap3A_222] {strides = array<i32>} : memref<128x64xf32, #tpu.memory_space<vmem>>, vector<1x16xf32>,
        %swap3A_224 = vector.shape_cast %swap3A_223 : vector<1x16xf32> to vector<16xf32>
        %swap3A_225 = vector.shape_cast %mul3A_220 : vector<16xf32> to vector<1x16xf32>
        tpu.vector_store %arg16[%swap3A_221, %swap3A_222], %swap3A_225 {strides = array<i32>} : memref<128x64xf32, #tpu.memory_space<vmem>>, vector<1x16xf32>,
        %get3A_226 = arith.index_cast %add3A_193 : i32 to index
        %get3A_227 = arith.constant 48 : index
        %get3A_228 = tpu.vector_load %arg16[%get3A_226, %get3A_227] {strides = array<i32>} : memref<128x64xf32, #tpu.memory_space<vmem>>, vector<1x16xf32>,
        %get3A_229 = vector.shape_cast %get3A_228 : vector<1x16xf32> to vector<16xf32>
        %mul3A_230 = vector.broadcast %squeeze3A : f32 to vector<16xf32>
        %mul3A_231 = arith.mulf %get3A_229, %mul3A_230 : vector<16xf32>
        %swap3A_232 = arith.index_cast %add3A_193 : i32 to index
        %swap3A_233 = arith.constant 48 : index
        %swap3A_234 = tpu.vector_load %arg16[%swap3A_232, %swap3A_233] {strides = array<i32>} : memref<128x64xf32, #tpu.memory_space<vmem>>, vector<1x16xf32>,
        %swap3A_235 = vector.shape_cast %swap3A_234 : vector<1x16xf32> to vector<16xf32>
        %swap3A_236 = vector.shape_cast %mul3A_231 : vector<16xf32> to vector<1x16xf32>
        tpu.vector_store %arg16[%swap3A_232, %swap3A_233], %swap3A_236 {strides = array<i32>} : memref<128x64xf32, #tpu.memory_space<vmem>>, vector<1x16xf32>,
        %slice3A_237 = vector.extract_strided_slice %get3A_189 {offsets = [1], sizes = [1], strides = [1]} : vector<16xf32> to vector<1xf32>
        %squeeze3A_238 = vector.extract %slice3A_237[0] : f32 from vector<1xf32>
        %mul3A_239 = arith.constant 16 : i32
        %mul3A_240 = arith.muli %scan3A_184, %mul3A_239 : i32
        %add3A_241 = arith.constant 1 : i32
        %add3A_242 = arith.addi %mul3A_240, %add3A_241 : i32
        %get3A_243 = arith.index_cast %add3A_242 : i32 to index
        %get3A_244 = arith.constant 0 : index
        %get3A_245 = tpu.vector_load %arg16[%get3A_243, %get3A_244] {strides = array<i32>} : memref<128x64xf32, #tpu.memory_space<vmem>>, vector<1x16xf32>,
        %get3A_246 = vector.shape_cast %get3A_245 : vector<1x16xf32> to vector<16xf32>
        %mul3A_247 = vector.broadcast %squeeze3A_238 : f32 to vector<16xf32>
        %mul3A_248 = arith.mulf %get3A_246, %mul3A_247 : vector<16xf32>
        %swap3A_249 = arith.index_cast %add3A_242 : i32 to index
        %swap3A_250 = arith.constant 0 : index
        %swap3A_251 = tpu.vector_load %arg16[%swap3A_249, %swap3A_250] {strides = array<i32>} : memref<128x64xf32, #tpu.memory_space<vmem>>, vector<1x16xf32>,
        %swap3A_252 = vector.shape_cast %swap3A_251 : vector<1x16xf32> to vector<16xf32>
        %swap3A_253 = vector.shape_cast %mul3A_248 : vector<16xf32> to vector<1x16xf32>
        tpu.vector_store %arg16[%swap3A_249, %swap3A_250], %swap3A_253 {strides = array<i32>} : memref<128x64xf32, #tpu.memory_space<vmem>>, vector<1x16xf32>,
        %get3A_254 = arith.index_cast %add3A_242 : i32 to index
        %get3A_255 = arith.constant 16 : index
        %get3A_256 = tpu.vector_load %arg16[%get3A_254, %get3A_255] {strides = array<i32>} : memref<128x64xf32, #tpu.memory_space<vmem>>, vector<1x16xf32>,
        %get3A_257 = vector.shape_cast %get3A_256 : vector<1x16xf32> to vector<16xf32>
        %mul3A_258 = vector.broadcast %squeeze3A_238 : f32 to vector<16xf32>
        %mul3A_259 = arith.mulf %get3A_257, %mul3A_258 : vector<16xf32>
        %swap3A_260 = arith.index_cast %add3A_242 : i32 to index
        %swap3A_261 = arith.constant 16 : index
        %swap3A_262 = tpu.vector_load %arg16[%swap3A_260, %swap3A_261] {strides = array<i32>} : memref<128x64xf32, #tpu.memory_space<vmem>>, vector<1x16xf32>,
        %swap3A_263 = vector.shape_cast %swap3A_262 : vector<1x16xf32> to vector<16xf32>
        %swap3A_264 = vector.shape_cast %mul3A_259 : vector<16xf32> to vector<1x16xf32>
        tpu.vector_store %arg16[%swap3A_260, %swap3A_261], %swap3A_264 {strides = array<i32>} : memref<128x64xf32, #tpu.memory_space<vmem>>, vector<1x16xf32>,
        %get3A_265 = arith.index_cast %add3A_242 : i32 to index
        %get3A_266 = arith.constant 32 : index
        %get3A_267 = tpu.vector_load %arg16[%get3A_265, %get3A_266] {strides = array<i32>} : memref<128x64xf32, #tpu.memory_space<vmem>>, vector<1x16xf32>,
        %get3A_268 = vector.shape_cast %get3A_267 : vector<1x16xf32> to vector<16xf32>
        %mul3A_269 = vector.broadcast %squeeze3A_238 : f32 to vector<16xf32>
        %mul3A_270 = arith.mulf %get3A_268, %mul3A_269 : vector<16xf32>
        %swap3A_271 = arith.index_cast %add3A_242 : i32 to index
        %swap3A_272 = arith.constant 32 : index
        %swap3A_273 = tpu.vector_load %arg16[%swap3A_271, %swap3A_272] {strides = array<i32>} : memref<128x64xf32, #tpu.memory_space<vmem>>, vector<1x16xf32>,
        %swap3A_274 = vector.shape_cast %swap3A_273 : vector<1x16xf32> to vector<16xf32>
        %swap3A_275 = vector.shape_cast %mul3A_270 : vector<16xf32> to vector<1x16xf32>
        tpu.vector_store %arg16[%swap3A_271, %swap3A_272], %swap3A_275 {strides = array<i32>} : memref<128x64xf32, #tpu.memory_space<vmem>>, vector<1x16xf32>,
        %get3A_276 = arith.index_cast %add3A_242 : i32 to index
        %get3A_277 = arith.constant 48 : index
        %get3A_278 = tpu.vector_load %arg16[%get3A_276, %get3A_277] {strides = array<i32>} : memref<128x64xf32, #tpu.memory_space<vmem>>, vector<1x16xf32>,
        %get3A_279 = vector.shape_cast %get3A_278 : vector<1x16xf32> to vector<16xf32>
        %mul3A_280 = vector.broadcast %squeeze3A_238 : f32 to vector<16xf32>
        %mul3A_281 = arith.mulf %get3A_279, %mul3A_280 : vector<16xf32>
        %swap3A_282 = arith.index_cast %add3A_242 : i32 to index
        %swap3A_283 = arith.constant 48 : index
        %swap3A_284 = tpu.vector_load %arg16[%swap3A_282, %swap3A_283] {strides = array<i32>} : memref<128x64xf32, #tpu.memory_space<vmem>>, vector<1x16xf32>,
        %swap3A_285 = vector.shape_cast %swap3A_284 : vector<1x16xf32> to vector<16xf32>
        %swap3A_286 = vector.shape_cast %mul3A_281 : vector<16xf32> to vector<1x16xf32>
        tpu.vector_store %arg16[%swap3A_282, %swap3A_283], %swap3A_286 {strides = array<i32>} : memref<128x64xf32, #tpu.memory_space<vmem>>, vector<1x16xf32>,
        %slice3A_287 = vector.extract_strided_slice %get3A_189 {offsets = [2], sizes = [1], strides = [1]} : vector<16xf32> to vector<1xf32>
        %squeeze3A_288 = vector.extract %slice3A_287[0] : f32 from vector<1xf32>
        %mul3A_289 = arith.constant 16 : i32
        %mul3A_290 = arith.muli %scan3A_184, %mul3A_289 : i32
        %add3A_291 = arith.constant 2 : i32
        %add3A_292 = arith.addi %mul3A_290, %add3A_291 : i32
        %get3A_293 = arith.index_cast %add3A_292 : i32 to index
        %get3A_294 = arith.constant 0 : index
        %get3A_295 = tpu.vector_load %arg16[%get3A_293, %get3A_294] {strides = array<i32>} : memref<128x64xf32, #tpu.memory_space<vmem>>, vector<1x16xf32>,
        %get3A_296 = vector.shape_cast %get3A_295 : vector<1x16xf32> to vector<16xf32>
        %mul3A_297 = vector.broadcast %squeeze3A_288 : f32 to vector<16xf32>
        %mul3A_298 = arith.mulf %get3A_296, %mul3A_297 : vector<16xf32>
        %swap3A_299 = arith.index_cast %add3A_292 : i32 to index
        %swap3A_300 = arith.constant 0 : index
        %swap3A_301 = tpu.vector_load %arg16[%swap3A_299, %swap3A_300] {strides = array<i32>} : memref<128x64xf32, #tpu.memory_space<vmem>>, vector<1x16xf32>,
        %swap3A_302 = vector.shape_cast %swap3A_301 : vector<1x16xf32> to vector<16xf32>
        %swap3A_303 = vector.shape_cast %mul3A_298 : vector<16xf32> to vector<1x16xf32>
        tpu.vector_store %arg16[%swap3A_299, %swap3A_300], %swap3A_303 {strides = array<i32>} : memref<128x64xf32, #tpu.memory_space<vmem>>, vector<1x16xf32>,
        %get3A_304 = arith.index_cast %add3A_292 : i32 to index
        %get3A_305 = arith.constant 16 : index
        %get3A_306 = tpu.vector_load %arg16[%get3A_304, %get3A_305] {strides = array<i32>} : memref<128x64xf32, #tpu.memory_space<vmem>>, vector<1x16xf32>,
        %get3A_307 = vector.shape_cast %get3A_306 : vector<1x16xf32> to vector<16xf32>
        %mul3A_308 = vector.broadcast %squeeze3A_288 : f32 to vector<16xf32>
        %mul3A_309 = arith.mulf %get3A_307, %mul3A_308 : vector<16xf32>
        %swap3A_310 = arith.index_cast %add3A_292 : i32 to index
        %swap3A_311 = arith.constant 16 : index
        %swap3A_312 = tpu.vector_load %arg16[%swap3A_310, %swap3A_311] {strides = array<i32>} : memref<128x64xf32, #tpu.memory_space<vmem>>, vector<1x16xf32>,
        %swap3A_313 = vector.shape_cast %swap3A_312 : vector<1x16xf32> to vector<16xf32>
        %swap3A_314 = vector.shape_cast %mul3A_309 : vector<16xf32> to vector<1x16xf32>
        tpu.vector_store %arg16[%swap3A_310, %swap3A_311], %swap3A_314 {strides = array<i32>} : memref<128x64xf32, #tpu.memory_space<vmem>>, vector<1x16xf32>,
        %get3A_315 = arith.index_cast %add3A_292 : i32 to index
        %get3A_316 = arith.constant 32 : index
        %get3A_317 = tpu.vector_load %arg16[%get3A_315, %get3A_316] {strides = array<i32>} : memref<128x64xf32, #tpu.memory_space<vmem>>, vector<1x16xf32>,
        %get3A_318 = vector.shape_cast %get3A_317 : vector<1x16xf32> to vector<16xf32>
        %mul3A_319 = vector.broadcast %squeeze3A_288 : f32 to vector<16xf32>
        %mul3A_320 = arith.mulf %get3A_318, %mul3A_319 : vector<16xf32>
        %swap3A_321 = arith.index_cast %add3A_292 : i32 to index
        %swap3A_322 = arith.constant 32 : index
        %swap3A_323 = tpu.vector_load %arg16[%swap3A_321, %swap3A_322] {strides = array<i32>} : memref<128x64xf32, #tpu.memory_space<vmem>>, vector<1x16xf32>,
        %swap3A_324 = vector.shape_cast %swap3A_323 : vector<1x16xf32> to vector<16xf32>
        %swap3A_325 = vector.shape_cast %mul3A_320 : vector<16xf32> to vector<1x16xf32>
        tpu.vector_store %arg16[%swap3A_321, %swap3A_322], %swap3A_325 {strides = array<i32>} : memref<128x64xf32, #tpu.memory_space<vmem>>, vector<1x16xf32>,
        %get3A_326 = arith.index_cast %add3A_292 : i32 to index
        %get3A_327 = arith.constant 48 : index
        %get3A_328 = tpu.vector_load %arg16[%get3A_326, %get3A_327] {strides = array<i32>} : memref<128x64xf32, #tpu.memory_space<vmem>>, vector<1x16xf32>,
        %get3A_329 = vector.shape_cast %get3A_328 : vector<1x16xf32> to vector<16xf32>
        %mul3A_330 = vector.broadcast %squeeze3A_288 : f32 to vector<16xf32>
        %mul3A_331 = arith.mulf %get3A_329, %mul3A_330 : vector<16xf32>
        %swap3A_332 = arith.index_cast %add3A_292 : i32 to index
        %swap3A_333 = arith.constant 48 : index
        %swap3A_334 = tpu.vector_load %arg16[%swap3A_332, %swap3A_333] {strides = array<i32>} : memref<128x64xf32, #tpu.memory_space<vmem>>, vector<1x16xf32>,
        %swap3A_335 = vector.shape_cast %swap3A_334 : vector<1x16xf32> to vector<16xf32>
        %swap3A_336 = vector.shape_cast %mul3A_331 : vector<16xf32> to vector<1x16xf32>
        tpu.vector_store %arg16[%swap3A_332, %swap3A_333], %swap3A_336 {strides = array<i32>} : memref<128x64xf32, #tpu.memory_space<vmem>>, vector<1x16xf32>,
        %slice3A_337 = vector.extract_strided_slice %get3A_189 {offsets = [3], sizes = [1], strides = [1]} : vector<16xf32> to vector<1xf32>
        %squeeze3A_338 = vector.extract %slice3A_337[0] : f32 from vector<1xf32>
        %mul3A_339 = arith.constant 16 : i32
        %mul3A_340 = arith.muli %scan3A_184, %mul3A_339 : i32
        %add3A_341 = arith.constant 3 : i32
        %add3A_342 = arith.addi %mul3A_340, %add3A_341 : i32
        %get3A_343 = arith.index_cast %add3A_342 : i32 to index
        %get3A_344 = arith.constant 0 : index
        %get3A_345 = tpu.vector_load %arg16[%get3A_343, %get3A_344] {strides = array<i32>} : memref<128x64xf32, #tpu.memory_space<vmem>>, vector<1x16xf32>,
        %get3A_346 = vector.shape_cast %get3A_345 : vector<1x16xf32> to vector<16xf32>
        %mul3A_347 = vector.broadcast %squeeze3A_338 : f32 to vector<16xf32>
        %mul3A_348 = arith.mulf %get3A_346, %mul3A_347 : vector<16xf32>
        %swap3A_349 = arith.index_cast %add3A_342 : i32 to index
        %swap3A_350 = arith.constant 0 : index
        %swap3A_351 = tpu.vector_load %arg16[%swap3A_349, %swap3A_350] {strides = array<i32>} : memref<128x64xf32, #tpu.memory_space<vmem>>, vector<1x16xf32>,
        %swap3A_352 = vector.shape_cast %swap3A_351 : vector<1x16xf32> to vector<16xf32>
        %swap3A_353 = vector.shape_cast %mul3A_348 : vector<16xf32> to vector<1x16xf32>
        tpu.vector_store %arg16[%swap3A_349, %swap3A_350], %swap3A_353 {strides = array<i32>} : memref<128x64xf32, #tpu.memory_space<vmem>>, vector<1x16xf32>,
        %get3A_354 = arith.index_cast %add3A_342 : i32 to index
        %get3A_355 = arith.constant 16 : index
        %get3A_356 = tpu.vector_load %arg16[%get3A_354, %get3A_355] {strides = array<i32>} : memref<128x64xf32, #tpu.memory_space<vmem>>, vector<1x16xf32>,
        %get3A_357 = vector.shape_cast %get3A_356 : vector<1x16xf32> to vector<16xf32>
        %mul3A_358 = vector.broadcast %squeeze3A_338 : f32 to vector<16xf32>
        %mul3A_359 = arith.mulf %get3A_357, %mul3A_358 : vector<16xf32>
        %swap3A_360 = arith.index_cast %add3A_342 : i32 to index
        %swap3A_361 = arith.constant 16 : index
        %swap3A_362 = tpu.vector_load %arg16[%swap3A_360, %swap3A_361] {strides = array<i32>} : memref<128x64xf32, #tpu.memory_space<vmem>>, vector<1x16xf32>,
        %swap3A_363 = vector.shape_cast %swap3A_362 : vector<1x16xf32> to vector<16xf32>
        %swap3A_364 = vector.shape_cast %mul3A_359 : vector<16xf32> to vector<1x16xf32>
        tpu.vector_store %arg16[%swap3A_360, %swap3A_361], %swap3A_364 {strides = array<i32>} : memref<128x64xf32, #tpu.memory_space<vmem>>, vector<1x16xf32>,
        %get3A_365 = arith.index_cast %add3A_342 : i32 to index
        %get3A_366 = arith.constant 32 : index
        %get3A_367 = tpu.vector_load %arg16[%get3A_365, %get3A_366] {strides = array<i32>} : memref<128x64xf32, #tpu.memory_space<vmem>>, vector<1x16xf32>,
        %get3A_368 = vector.shape_cast %get3A_367 : vector<1x16xf32> to vector<16xf32>
        %mul3A_369 = vector.broadcast %squeeze3A_338 : f32 to vector<16xf32>
        %mul3A_370 = arith.mulf %get3A_368, %mul3A_369 : vector<16xf32>
        %swap3A_371 = arith.index_cast %add3A_342 : i32 to index
        %swap3A_372 = arith.constant 32 : index
        %swap3A_373 = tpu.vector_load %arg16[%swap3A_371, %swap3A_372] {strides = array<i32>} : memref<128x64xf32, #tpu.memory_space<vmem>>, vector<1x16xf32>,
        %swap3A_374 = vector.shape_cast %swap3A_373 : vector<1x16xf32> to vector<16xf32>
        %swap3A_375 = vector.shape_cast %mul3A_370 : vector<16xf32> to vector<1x16xf32>
        tpu.vector_store %arg16[%swap3A_371, %swap3A_372], %swap3A_375 {strides = array<i32>} : memref<128x64xf32, #tpu.memory_space<vmem>>, vector<1x16xf32>,
        %get3A_376 = arith.index_cast %add3A_342 : i32 to index
        %get3A_377 = arith.constant 48 : index
        %get3A_378 = tpu.vector_load %arg16[%get3A_376, %get3A_377] {strides = array<i32>} : memref<128x64xf32, #tpu.memory_space<vmem>>, vector<1x16xf32>,
        %get3A_379 = vector.shape_cast %get3A_378 : vector<1x16xf32> to vector<16xf32>
        %mul3A_380 = vector.broadcast %squeeze3A_338 : f32 to vector<16xf32>
        %mul3A_381 = arith.mulf %get3A_379, %mul3A_380 : vector<16xf32>
        %swap3A_382 = arith.index_cast %add3A_342 : i32 to index
        %swap3A_383 = arith.constant 48 : index
        %swap3A_384 = tpu.vector_load %arg16[%swap3A_382, %swap3A_383] {strides = array<i32>} : memref<128x64xf32, #tpu.memory_space<vmem>>, vector<1x16xf32>,
        %swap3A_385 = vector.shape_cast %swap3A_384 : vector<1x16xf32> to vector<16xf32>
        %swap3A_386 = vector.shape_cast %mul3A_381 : vector<16xf32> to vector<1x16xf32>
        tpu.vector_store %arg16[%swap3A_382, %swap3A_383], %swap3A_386 {strides = array<i32>} : memref<128x64xf32, #tpu.memory_space<vmem>>, vector<1x16xf32>,
        %slice3A_387 = vector.extract_strided_slice %get3A_189 {offsets = [4], sizes = [1], strides = [1]} : vector<16xf32> to vector<1xf32>
        %squeeze3A_388 = vector.extract %slice3A_387[0] : f32 from vector<1xf32>
        %mul3A_389 = arith.constant 16 : i32
        %mul3A_390 = arith.muli %scan3A_184, %mul3A_389 : i32
        %add3A_391 = arith.constant 4 : i32
        %add3A_392 = arith.addi %mul3A_390, %add3A_391 : i32
        %get3A_393 = arith.index_cast %add3A_392 : i32 to index
        %get3A_394 = arith.constant 0 : index
        %get3A_395 = tpu.vector_load %arg16[%get3A_393, %get3A_394] {strides = array<i32>} : memref<128x64xf32, #tpu.memory_space<vmem>>, vector<1x16xf32>,
        %get3A_396 = vector.shape_cast %get3A_395 : vector<1x16xf32> to vector<16xf32>
        %mul3A_397 = vector.broadcast %squeeze3A_388 : f32 to vector<16xf32>
        %mul3A_398 = arith.mulf %get3A_396, %mul3A_397 : vector<16xf32>
        %swap3A_399 = arith.index_cast %add3A_392 : i32 to index
        %swap3A_400 = arith.constant 0 : index
        %swap3A_401 = tpu.vector_load %arg16[%swap3A_399, %swap3A_400] {strides = array<i32>} : memref<128x64xf32, #tpu.memory_space<vmem>>, vector<1x16xf32>,
        %swap3A_402 = vector.shape_cast %swap3A_401 : vector<1x16xf32> to vector<16xf32>
        %swap3A_403 = vector.shape_cast %mul3A_398 : vector<16xf32> to vector<1x16xf32>
        tpu.vector_store %arg16[%swap3A_399, %swap3A_400], %swap3A_403 {strides = array<i32>} : memref<128x64xf32, #tpu.memory_space<vmem>>, vector<1x16xf32>,
        %get3A_404 = arith.index_cast %add3A_392 : i32 to index
        %get3A_405 = arith.constant 16 : index
        %get3A_406 = tpu.vector_load %arg16[%get3A_404, %get3A_405] {strides = array<i32>} : memref<128x64xf32, #tpu.memory_space<vmem>>, vector<1x16xf32>,
        %get3A_407 = vector.shape_cast %get3A_406 : vector<1x16xf32> to vector<16xf32>
        %mul3A_408 = vector.broadcast %squeeze3A_388 : f32 to vector<16xf32>
        %mul3A_409 = arith.mulf %get3A_407, %mul3A_408 : vector<16xf32>
        %swap3A_410 = arith.index_cast %add3A_392 : i32 to index
        %swap3A_411 = arith.constant 16 : index
        %swap3A_412 = tpu.vector_load %arg16[%swap3A_410, %swap3A_411] {strides = array<i32>} : memref<128x64xf32, #tpu.memory_space<vmem>>, vector<1x16xf32>,
        %swap3A_413 = vector.shape_cast %swap3A_412 : vector<1x16xf32> to vector<16xf32>
        %swap3A_414 = vector.shape_cast %mul3A_409 : vector<16xf32> to vector<1x16xf32>
        tpu.vector_store %arg16[%swap3A_410, %swap3A_411], %swap3A_414 {strides = array<i32>} : memref<128x64xf32, #tpu.memory_space<vmem>>, vector<1x16xf32>,
        %get3A_415 = arith.index_cast %add3A_392 : i32 to index
        %get3A_416 = arith.constant 32 : index
        %get3A_417 = tpu.vector_load %arg16[%get3A_415, %get3A_416] {strides = array<i32>} : memref<128x64xf32, #tpu.memory_space<vmem>>, vector<1x16xf32>,
        %get3A_418 = vector.shape_cast %get3A_417 : vector<1x16xf32> to vector<16xf32>
        %mul3A_419 = vector.broadcast %squeeze3A_388 : f32 to vector<16xf32>
        %mul3A_420 = arith.mulf %get3A_418, %mul3A_419 : vector<16xf32>
        %swap3A_421 = arith.index_cast %add3A_392 : i32 to index
        %swap3A_422 = arith.constant 32 : index
        %swap3A_423 = tpu.vector_load %arg16[%swap3A_421, %swap3A_422] {strides = array<i32>} : memref<128x64xf32, #tpu.memory_space<vmem>>, vector<1x16xf32>,
        %swap3A_424 = vector.shape_cast %swap3A_423 : vector<1x16xf32> to vector<16xf32>
        %swap3A_425 = vector.shape_cast %mul3A_420 : vector<16xf32> to vector<1x16xf32>
        tpu.vector_store %arg16[%swap3A_421, %swap3A_422], %swap3A_425 {strides = array<i32>} : memref<128x64xf32, #tpu.memory_space<vmem>>, vector<1x16xf32>,
        %get3A_426 = arith.index_cast %add3A_392 : i32 to index
        %get3A_427 = arith.constant 48 : index
        %get3A_428 = tpu.vector_load %arg16[%get3A_426, %get3A_427] {strides = array<i32>} : memref<128x64xf32, #tpu.memory_space<vmem>>, vector<1x16xf32>,
        %get3A_429 = vector.shape_cast %get3A_428 : vector<1x16xf32> to vector<16xf32>
        %mul3A_430 = vector.broadcast %squeeze3A_388 : f32 to vector<16xf32>
        %mul3A_431 = arith.mulf %get3A_429, %mul3A_430 : vector<16xf32>
        %swap3A_432 = arith.index_cast %add3A_392 : i32 to index
        %swap3A_433 = arith.constant 48 : index
        %swap3A_434 = tpu.vector_load %arg16[%swap3A_432, %swap3A_433] {strides = array<i32>} : memref<128x64xf32, #tpu.memory_space<vmem>>, vector<1x16xf32>,
        %swap3A_435 = vector.shape_cast %swap3A_434 : vector<1x16xf32> to vector<16xf32>
        %swap3A_436 = vector.shape_cast %mul3A_431 : vector<16xf32> to vector<1x16xf32>
        tpu.vector_store %arg16[%swap3A_432, %swap3A_433], %swap3A_436 {strides = array<i32>} : memref<128x64xf32, #tpu.memory_space<vmem>>, vector<1x16xf32>,
        %slice3A_437 = vector.extract_strided_slice %get3A_189 {offsets = [5], sizes = [1], strides = [1]} : vector<16xf32> to vector<1xf32>
        %squeeze3A_438 = vector.extract %slice3A_437[0] : f32 from vector<1xf32>
        %mul3A_439 = arith.constant 16 : i32
        %mul3A_440 = arith.muli %scan3A_184, %mul3A_439 : i32
        %add3A_441 = arith.constant 5 : i32
        %add3A_442 = arith.addi %mul3A_440, %add3A_441 : i32
        %get3A_443 = arith.index_cast %add3A_442 : i32 to index
        %get3A_444 = arith.constant 0 : index
        %get3A_445 = tpu.vector_load %arg16[%get3A_443, %get3A_444] {strides = array<i32>} : memref<128x64xf32, #tpu.memory_space<vmem>>, vector<1x16xf32>,
        %get3A_446 = vector.shape_cast %get3A_445 : vector<1x16xf32> to vector<16xf32>
        %mul3A_447 = vector.broadcast %squeeze3A_438 : f32 to vector<16xf32>
        %mul3A_448 = arith.mulf %get3A_446, %mul3A_447 : vector<16xf32>
        %swap3A_449 = arith.index_cast %add3A_442 : i32 to index
        %swap3A_450 = arith.constant 0 : index
        %swap3A_451 = tpu.vector_load %arg16[%swap3A_449, %swap3A_450] {strides = array<i32>} : memref<128x64xf32, #tpu.memory_space<vmem>>, vector<1x16xf32>,
        %swap3A_452 = vector.shape_cast %swap3A_451 : vector<1x16xf32> to vector<16xf32>
        %swap3A_453 = vector.shape_cast %mul3A_448 : vector<16xf32> to vector<1x16xf32>
        tpu.vector_store %arg16[%swap3A_449, %swap3A_450], %swap3A_453 {strides = array<i32>} : memref<128x64xf32, #tpu.memory_space<vmem>>, vector<1x16xf32>,
        %get3A_454 = arith.index_cast %add3A_442 : i32 to index
        %get3A_455 = arith.constant 16 : index
        %get3A_456 = tpu.vector_load %arg16[%get3A_454, %get3A_455] {strides = array<i32>} : memref<128x64xf32, #tpu.memory_space<vmem>>, vector<1x16xf32>,
        %get3A_457 = vector.shape_cast %get3A_456 : vector<1x16xf32> to vector<16xf32>
        %mul3A_458 = vector.broadcast %squeeze3A_438 : f32 to vector<16xf32>
        %mul3A_459 = arith.mulf %get3A_457, %mul3A_458 : vector<16xf32>
        %swap3A_460 = arith.index_cast %add3A_442 : i32 to index
        %swap3A_461 = arith.constant 16 : index
        %swap3A_462 = tpu.vector_load %arg16[%swap3A_460, %swap3A_461] {strides = array<i32>} : memref<128x64xf32, #tpu.memory_space<vmem>>, vector<1x16xf32>,
        %swap3A_463 = vector.shape_cast %swap3A_462 : vector<1x16xf32> to vector<16xf32>
        %swap3A_464 = vector.shape_cast %mul3A_459 : vector<16xf32> to vector<1x16xf32>
        tpu.vector_store %arg16[%swap3A_460, %swap3A_461], %swap3A_464 {strides = array<i32>} : memref<128x64xf32, #tpu.memory_space<vmem>>, vector<1x16xf32>,
        %get3A_465 = arith.index_cast %add3A_442 : i32 to index
        %get3A_466 = arith.constant 32 : index
        %get3A_467 = tpu.vector_load %arg16[%get3A_465, %get3A_466] {strides = array<i32>} : memref<128x64xf32, #tpu.memory_space<vmem>>, vector<1x16xf32>,
        %get3A_468 = vector.shape_cast %get3A_467 : vector<1x16xf32> to vector<16xf32>
        %mul3A_469 = vector.broadcast %squeeze3A_438 : f32 to vector<16xf32>
        %mul3A_470 = arith.mulf %get3A_468, %mul3A_469 : vector<16xf32>
        %swap3A_471 = arith.index_cast %add3A_442 : i32 to index
        %swap3A_472 = arith.constant 32 : index
        %swap3A_473 = tpu.vector_load %arg16[%swap3A_471, %swap3A_472] {strides = array<i32>} : memref<128x64xf32, #tpu.memory_space<vmem>>, vector<1x16xf32>,
        %swap3A_474 = vector.shape_cast %swap3A_473 : vector<1x16xf32> to vector<16xf32>
        %swap3A_475 = vector.shape_cast %mul3A_470 : vector<16xf32> to vector<1x16xf32>
        tpu.vector_store %arg16[%swap3A_471, %swap3A_472], %swap3A_475 {strides = array<i32>} : memref<128x64xf32, #tpu.memory_space<vmem>>, vector<1x16xf32>,
        %get3A_476 = arith.index_cast %add3A_442 : i32 to index
        %get3A_477 = arith.constant 48 : index
        %get3A_478 = tpu.vector_load %arg16[%get3A_476, %get3A_477] {strides = array<i32>} : memref<128x64xf32, #tpu.memory_space<vmem>>, vector<1x16xf32>,
        %get3A_479 = vector.shape_cast %get3A_478 : vector<1x16xf32> to vector<16xf32>
        %mul3A_480 = vector.broadcast %squeeze3A_438 : f32 to vector<16xf32>
        %mul3A_481 = arith.mulf %get3A_479, %mul3A_480 : vector<16xf32>
        %swap3A_482 = arith.index_cast %add3A_442 : i32 to index
        %swap3A_483 = arith.constant 48 : index
        %swap3A_484 = tpu.vector_load %arg16[%swap3A_482, %swap3A_483] {strides = array<i32>} : memref<128x64xf32, #tpu.memory_space<vmem>>, vector<1x16xf32>,
        %swap3A_485 = vector.shape_cast %swap3A_484 : vector<1x16xf32> to vector<16xf32>
        %swap3A_486 = vector.shape_cast %mul3A_481 : vector<16xf32> to vector<1x16xf32>
        tpu.vector_store %arg16[%swap3A_482, %swap3A_483], %swap3A_486 {strides = array<i32>} : memref<128x64xf32, #tpu.memory_space<vmem>>, vector<1x16xf32>,
        %slice3A_487 = vector.extract_strided_slice %get3A_189 {offsets = [6], sizes = [1], strides = [1]} : vector<16xf32> to vector<1xf32>
        %squeeze3A_488 = vector.extract %slice3A_487[0] : f32 from vector<1xf32>
        %mul3A_489 = arith.constant 16 : i32
        %mul3A_490 = arith.muli %scan3A_184, %mul3A_489 : i32
        %add3A_491 = arith.constant 6 : i32
        %add3A_492 = arith.addi %mul3A_490, %add3A_491 : i32
        %get3A_493 = arith.index_cast %add3A_492 : i32 to index
        %get3A_494 = arith.constant 0 : index
        %get3A_495 = tpu.vector_load %arg16[%get3A_493, %get3A_494] {strides = array<i32>} : memref<128x64xf32, #tpu.memory_space<vmem>>, vector<1x16xf32>,
        %get3A_496 = vector.shape_cast %get3A_495 : vector<1x16xf32> to vector<16xf32>
        %mul3A_497 = vector.broadcast %squeeze3A_488 : f32 to vector<16xf32>
        %mul3A_498 = arith.mulf %get3A_496, %mul3A_497 : vector<16xf32>
        %swap3A_499 = arith.index_cast %add3A_492 : i32 to index
        %swap3A_500 = arith.constant 0 : index
        %swap3A_501 = tpu.vector_load %arg16[%swap3A_499, %swap3A_500] {strides = array<i32>} : memref<128x64xf32, #tpu.memory_space<vmem>>, vector<1x16xf32>,
        %swap3A_502 = vector.shape_cast %swap3A_501 : vector<1x16xf32> to vector<16xf32>
        %swap3A_503 = vector.shape_cast %mul3A_498 : vector<16xf32> to vector<1x16xf32>
        tpu.vector_store %arg16[%swap3A_499, %swap3A_500], %swap3A_503 {strides = array<i32>} : memref<128x64xf32, #tpu.memory_space<vmem>>, vector<1x16xf32>,
        %get3A_504 = arith.index_cast %add3A_492 : i32 to index
        %get3A_505 = arith.constant 16 : index
        %get3A_506 = tpu.vector_load %arg16[%get3A_504, %get3A_505] {strides = array<i32>} : memref<128x64xf32, #tpu.memory_space<vmem>>, vector<1x16xf32>,
        %get3A_507 = vector.shape_cast %get3A_506 : vector<1x16xf32> to vector<16xf32>
        %mul3A_508 = vector.broadcast %squeeze3A_488 : f32 to vector<16xf32>
        %mul3A_509 = arith.mulf %get3A_507, %mul3A_508 : vector<16xf32>
        %swap3A_510 = arith.index_cast %add3A_492 : i32 to index
        %swap3A_511 = arith.constant 16 : index
        %swap3A_512 = tpu.vector_load %arg16[%swap3A_510, %swap3A_511] {strides = array<i32>} : memref<128x64xf32, #tpu.memory_space<vmem>>, vector<1x16xf32>,
        %swap3A_513 = vector.shape_cast %swap3A_512 : vector<1x16xf32> to vector<16xf32>
        %swap3A_514 = vector.shape_cast %mul3A_509 : vector<16xf32> to vector<1x16xf32>
        tpu.vector_store %arg16[%swap3A_510, %swap3A_511], %swap3A_514 {strides = array<i32>} : memref<128x64xf32, #tpu.memory_space<vmem>>, vector<1x16xf32>,
        %get3A_515 = arith.index_cast %add3A_492 : i32 to index
        %get3A_516 = arith.constant 32 : index
        %get3A_517 = tpu.vector_load %arg16[%get3A_515, %get3A_516] {strides = array<i32>} : memref<128x64xf32, #tpu.memory_space<vmem>>, vector<1x16xf32>,
        %get3A_518 = vector.shape_cast %get3A_517 : vector<1x16xf32> to vector<16xf32>
        %mul3A_519 = vector.broadcast %squeeze3A_488 : f32 to vector<16xf32>
        %mul3A_520 = arith.mulf %get3A_518, %mul3A_519 : vector<16xf32>
        %swap3A_521 = arith.index_cast %add3A_492 : i32 to index
        %swap3A_522 = arith.constant 32 : index
        %swap3A_523 = tpu.vector_load %arg16[%swap3A_521, %swap3A_522] {strides = array<i32>} : memref<128x64xf32, #tpu.memory_space<vmem>>, vector<1x16xf32>,
        %swap3A_524 = vector.shape_cast %swap3A_523 : vector<1x16xf32> to vector<16xf32>
        %swap3A_525 = vector.shape_cast %mul3A_520 : vector<16xf32> to vector<1x16xf32>
        tpu.vector_store %arg16[%swap3A_521, %swap3A_522], %swap3A_525 {strides = array<i32>} : memref<128x64xf32, #tpu.memory_space<vmem>>, vector<1x16xf32>,
        %get3A_526 = arith.index_cast %add3A_492 : i32 to index
        %get3A_527 = arith.constant 48 : index
        %get3A_528 = tpu.vector_load %arg16[%get3A_526, %get3A_527] {strides = array<i32>} : memref<128x64xf32, #tpu.memory_space<vmem>>, vector<1x16xf32>,
        %get3A_529 = vector.shape_cast %get3A_528 : vector<1x16xf32> to vector<16xf32>
        %mul3A_530 = vector.broadcast %squeeze3A_488 : f32 to vector<16xf32>
        %mul3A_531 = arith.mulf %get3A_529, %mul3A_530 : vector<16xf32>
        %swap3A_532 = arith.index_cast %add3A_492 : i32 to index
        %swap3A_533 = arith.constant 48 : index
        %swap3A_534 = tpu.vector_load %arg16[%swap3A_532, %swap3A_533] {strides = array<i32>} : memref<128x64xf32, #tpu.memory_space<vmem>>, vector<1x16xf32>,
        %swap3A_535 = vector.shape_cast %swap3A_534 : vector<1x16xf32> to vector<16xf32>
        %swap3A_536 = vector.shape_cast %mul3A_531 : vector<16xf32> to vector<1x16xf32>
        tpu.vector_store %arg16[%swap3A_532, %swap3A_533], %swap3A_536 {strides = array<i32>} : memref<128x64xf32, #tpu.memory_space<vmem>>, vector<1x16xf32>,
        %slice3A_537 = vector.extract_strided_slice %get3A_189 {offsets = [7], sizes = [1], strides = [1]} : vector<16xf32> to vector<1xf32>
        %squeeze3A_538 = vector.extract %slice3A_537[0] : f32 from vector<1xf32>
        %mul3A_539 = arith.constant 16 : i32
        %mul3A_540 = arith.muli %scan3A_184, %mul3A_539 : i32
        %add3A_541 = arith.constant 7 : i32
        %add3A_542 = arith.addi %mul3A_540, %add3A_541 : i32
        %get3A_543 = arith.index_cast %add3A_542 : i32 to index
        %get3A_544 = arith.constant 0 : index
        %get3A_545 = tpu.vector_load %arg16[%get3A_543, %get3A_544] {strides = array<i32>} : memref<128x64xf32, #tpu.memory_space<vmem>>, vector<1x16xf32>,
        %get3A_546 = vector.shape_cast %get3A_545 : vector<1x16xf32> to vector<16xf32>
        %mul3A_547 = vector.broadcast %squeeze3A_538 : f32 to vector<16xf32>
        %mul3A_548 = arith.mulf %get3A_546, %mul3A_547 : vector<16xf32>
        %swap3A_549 = arith.index_cast %add3A_542 : i32 to index
        %swap3A_550 = arith.constant 0 : index
        %swap3A_551 = tpu.vector_load %arg16[%swap3A_549, %swap3A_550] {strides = array<i32>} : memref<128x64xf32, #tpu.memory_space<vmem>>, vector<1x16xf32>,
        %swap3A_552 = vector.shape_cast %swap3A_551 : vector<1x16xf32> to vector<16xf32>
        %swap3A_553 = vector.shape_cast %mul3A_548 : vector<16xf32> to vector<1x16xf32>
        tpu.vector_store %arg16[%swap3A_549, %swap3A_550], %swap3A_553 {strides = array<i32>} : memref<128x64xf32, #tpu.memory_space<vmem>>, vector<1x16xf32>,
        %get3A_554 = arith.index_cast %add3A_542 : i32 to index
        %get3A_555 = arith.constant 16 : index
        %get3A_556 = tpu.vector_load %arg16[%get3A_554, %get3A_555] {strides = array<i32>} : memref<128x64xf32, #tpu.memory_space<vmem>>, vector<1x16xf32>,
        %get3A_557 = vector.shape_cast %get3A_556 : vector<1x16xf32> to vector<16xf32>
        %mul3A_558 = vector.broadcast %squeeze3A_538 : f32 to vector<16xf32>
        %mul3A_559 = arith.mulf %get3A_557, %mul3A_558 : vector<16xf32>
        %swap3A_560 = arith.index_cast %add3A_542 : i32 to index
        %swap3A_561 = arith.constant 16 : index
        %swap3A_562 = tpu.vector_load %arg16[%swap3A_560, %swap3A_561] {strides = array<i32>} : memref<128x64xf32, #tpu.memory_space<vmem>>, vector<1x16xf32>,
        %swap3A_563 = vector.shape_cast %swap3A_562 : vector<1x16xf32> to vector<16xf32>
        %swap3A_564 = vector.shape_cast %mul3A_559 : vector<16xf32> to vector<1x16xf32>
        tpu.vector_store %arg16[%swap3A_560, %swap3A_561], %swap3A_564 {strides = array<i32>} : memref<128x64xf32, #tpu.memory_space<vmem>>, vector<1x16xf32>,
        %get3A_565 = arith.index_cast %add3A_542 : i32 to index
        %get3A_566 = arith.constant 32 : index
        %get3A_567 = tpu.vector_load %arg16[%get3A_565, %get3A_566] {strides = array<i32>} : memref<128x64xf32, #tpu.memory_space<vmem>>, vector<1x16xf32>,
        %get3A_568 = vector.shape_cast %get3A_567 : vector<1x16xf32> to vector<16xf32>
        %mul3A_569 = vector.broadcast %squeeze3A_538 : f32 to vector<16xf32>
        %mul3A_570 = arith.mulf %get3A_568, %mul3A_569 : vector<16xf32>
        %swap3A_571 = arith.index_cast %add3A_542 : i32 to index
        %swap3A_572 = arith.constant 32 : index
        %swap3A_573 = tpu.vector_load %arg16[%swap3A_571, %swap3A_572] {strides = array<i32>} : memref<128x64xf32, #tpu.memory_space<vmem>>, vector<1x16xf32>,
        %swap3A_574 = vector.shape_cast %swap3A_573 : vector<1x16xf32> to vector<16xf32>
        %swap3A_575 = vector.shape_cast %mul3A_570 : vector<16xf32> to vector<1x16xf32>
        tpu.vector_store %arg16[%swap3A_571, %swap3A_572], %swap3A_575 {strides = array<i32>} : memref<128x64xf32, #tpu.memory_space<vmem>>, vector<1x16xf32>,
        %get3A_576 = arith.index_cast %add3A_542 : i32 to index
        %get3A_577 = arith.constant 48 : index
        %get3A_578 = tpu.vector_load %arg16[%get3A_576, %get3A_577] {strides = array<i32>} : memref<128x64xf32, #tpu.memory_space<vmem>>, vector<1x16xf32>,
        %get3A_579 = vector.shape_cast %get3A_578 : vector<1x16xf32> to vector<16xf32>
        %mul3A_580 = vector.broadcast %squeeze3A_538 : f32 to vector<16xf32>
        %mul3A_581 = arith.mulf %get3A_579, %mul3A_580 : vector<16xf32>
        %swap3A_582 = arith.index_cast %add3A_542 : i32 to index
        %swap3A_583 = arith.constant 48 : index
        %swap3A_584 = tpu.vector_load %arg16[%swap3A_582, %swap3A_583] {strides = array<i32>} : memref<128x64xf32, #tpu.memory_space<vmem>>, vector<1x16xf32>,
        %swap3A_585 = vector.shape_cast %swap3A_584 : vector<1x16xf32> to vector<16xf32>
        %swap3A_586 = vector.shape_cast %mul3A_581 : vector<16xf32> to vector<1x16xf32>
        tpu.vector_store %arg16[%swap3A_582, %swap3A_583], %swap3A_586 {strides = array<i32>} : memref<128x64xf32, #tpu.memory_space<vmem>>, vector<1x16xf32>,
        %slice3A_587 = vector.extract_strided_slice %get3A_189 {offsets = [8], sizes = [1], strides = [1]} : vector<16xf32> to vector<1xf32>
        %squeeze3A_588 = vector.extract %slice3A_587[0] : f32 from vector<1xf32>
        %mul3A_589 = arith.constant 16 : i32
        %mul3A_590 = arith.muli %scan3A_184, %mul3A_589 : i32
        %add3A_591 = arith.constant 8 : i32
        %add3A_592 = arith.addi %mul3A_590, %add3A_591 : i32
        %get3A_593 = arith.index_cast %add3A_592 : i32 to index
        %get3A_594 = arith.constant 0 : index
        %get3A_595 = tpu.vector_load %arg16[%get3A_593, %get3A_594] {strides = array<i32>} : memref<128x64xf32, #tpu.memory_space<vmem>>, vector<1x16xf32>,
        %get3A_596 = vector.shape_cast %get3A_595 : vector<1x16xf32> to vector<16xf32>
        %mul3A_597 = vector.broadcast %squeeze3A_588 : f32 to vector<16xf32>
        %mul3A_598 = arith.mulf %get3A_596, %mul3A_597 : vector<16xf32>
        %swap3A_599 = arith.index_cast %add3A_592 : i32 to index
        %swap3A_600 = arith.constant 0 : index
        %swap3A_601 = tpu.vector_load %arg16[%swap3A_599, %swap3A_600] {strides = array<i32>} : memref<128x64xf32, #tpu.memory_space<vmem>>, vector<1x16xf32>,
        %swap3A_602 = vector.shape_cast %swap3A_601 : vector<1x16xf32> to vector<16xf32>
        %swap3A_603 = vector.shape_cast %mul3A_598 : vector<16xf32> to vector<1x16xf32>
        tpu.vector_store %arg16[%swap3A_599, %swap3A_600], %swap3A_603 {strides = array<i32>} : memref<128x64xf32, #tpu.memory_space<vmem>>, vector<1x16xf32>,
        %get3A_604 = arith.index_cast %add3A_592 : i32 to index
        %get3A_605 = arith.constant 16 : index
        %get3A_606 = tpu.vector_load %arg16[%get3A_604, %get3A_605] {strides = array<i32>} : memref<128x64xf32, #tpu.memory_space<vmem>>, vector<1x16xf32>,
        %get3A_607 = vector.shape_cast %get3A_606 : vector<1x16xf32> to vector<16xf32>
        %mul3A_608 = vector.broadcast %squeeze3A_588 : f32 to vector<16xf32>
        %mul3A_609 = arith.mulf %get3A_607, %mul3A_608 : vector<16xf32>
        %swap3A_610 = arith.index_cast %add3A_592 : i32 to index
        %swap3A_611 = arith.constant 16 : index
        %swap3A_612 = tpu.vector_load %arg16[%swap3A_610, %swap3A_611] {strides = array<i32>} : memref<128x64xf32, #tpu.memory_space<vmem>>, vector<1x16xf32>,
        %swap3A_613 = vector.shape_cast %swap3A_612 : vector<1x16xf32> to vector<16xf32>
        %swap3A_614 = vector.shape_cast %mul3A_609 : vector<16xf32> to vector<1x16xf32>
        tpu.vector_store %arg16[%swap3A_610, %swap3A_611], %swap3A_614 {strides = array<i32>} : memref<128x64xf32, #tpu.memory_space<vmem>>, vector<1x16xf32>,
        %get3A_615 = arith.index_cast %add3A_592 : i32 to index
        %get3A_616 = arith.constant 32 : index
        %get3A_617 = tpu.vector_load %arg16[%get3A_615, %get3A_616] {strides = array<i32>} : memref<128x64xf32, #tpu.memory_space<vmem>>, vector<1x16xf32>,
        %get3A_618 = vector.shape_cast %get3A_617 : vector<1x16xf32> to vector<16xf32>
        %mul3A_619 = vector.broadcast %squeeze3A_588 : f32 to vector<16xf32>
        %mul3A_620 = arith.mulf %get3A_618, %mul3A_619 : vector<16xf32>
        %swap3A_621 = arith.index_cast %add3A_592 : i32 to index
        %swap3A_622 = arith.constant 32 : index
        %swap3A_623 = tpu.vector_load %arg16[%swap3A_621, %swap3A_622] {strides = array<i32>} : memref<128x64xf32, #tpu.memory_space<vmem>>, vector<1x16xf32>,
        %swap3A_624 = vector.shape_cast %swap3A_623 : vector<1x16xf32> to vector<16xf32>
        %swap3A_625 = vector.shape_cast %mul3A_620 : vector<16xf32> to vector<1x16xf32>
        tpu.vector_store %arg16[%swap3A_621, %swap3A_622], %swap3A_625 {strides = array<i32>} : memref<128x64xf32, #tpu.memory_space<vmem>>, vector<1x16xf32>,
        %get3A_626 = arith.index_cast %add3A_592 : i32 to index
        %get3A_627 = arith.constant 48 : index
        %get3A_628 = tpu.vector_load %arg16[%get3A_626, %get3A_627] {strides = array<i32>} : memref<128x64xf32, #tpu.memory_space<vmem>>, vector<1x16xf32>,
        %get3A_629 = vector.shape_cast %get3A_628 : vector<1x16xf32> to vector<16xf32>
        %mul3A_630 = vector.broadcast %squeeze3A_588 : f32 to vector<16xf32>
        %mul3A_631 = arith.mulf %get3A_629, %mul3A_630 : vector<16xf32>
        %swap3A_632 = arith.index_cast %add3A_592 : i32 to index
        %swap3A_633 = arith.constant 48 : index
        %swap3A_634 = tpu.vector_load %arg16[%swap3A_632, %swap3A_633] {strides = array<i32>} : memref<128x64xf32, #tpu.memory_space<vmem>>, vector<1x16xf32>,
        %swap3A_635 = vector.shape_cast %swap3A_634 : vector<1x16xf32> to vector<16xf32>
        %swap3A_636 = vector.shape_cast %mul3A_631 : vector<16xf32> to vector<1x16xf32>
        tpu.vector_store %arg16[%swap3A_632, %swap3A_633], %swap3A_636 {strides = array<i32>} : memref<128x64xf32, #tpu.memory_space<vmem>>, vector<1x16xf32>,
        %slice3A_637 = vector.extract_strided_slice %get3A_189 {offsets = [9], sizes = [1], strides = [1]} : vector<16xf32> to vector<1xf32>
        %squeeze3A_638 = vector.extract %slice3A_637[0] : f32 from vector<1xf32>
        %mul3A_639 = arith.constant 16 : i32
        %mul3A_640 = arith.muli %scan3A_184, %mul3A_639 : i32
        %add3A_641 = arith.constant 9 : i32
        %add3A_642 = arith.addi %mul3A_640, %add3A_641 : i32
        %get3A_643 = arith.index_cast %add3A_642 : i32 to index
        %get3A_644 = arith.constant 0 : index
        %get3A_645 = tpu.vector_load %arg16[%get3A_643, %get3A_644] {strides = array<i32>} : memref<128x64xf32, #tpu.memory_space<vmem>>, vector<1x16xf32>,
        %get3A_646 = vector.shape_cast %get3A_645 : vector<1x16xf32> to vector<16xf32>
        %mul3A_647 = vector.broadcast %squeeze3A_638 : f32 to vector<16xf32>
        %mul3A_648 = arith.mulf %get3A_646, %mul3A_647 : vector<16xf32>
        %swap3A_649 = arith.index_cast %add3A_642 : i32 to index
        %swap3A_650 = arith.constant 0 : index
        %swap3A_651 = tpu.vector_load %arg16[%swap3A_649, %swap3A_650] {strides = array<i32>} : memref<128x64xf32, #tpu.memory_space<vmem>>, vector<1x16xf32>,
        %swap3A_652 = vector.shape_cast %swap3A_651 : vector<1x16xf32> to vector<16xf32>
        %swap3A_653 = vector.shape_cast %mul3A_648 : vector<16xf32> to vector<1x16xf32>
        tpu.vector_store %arg16[%swap3A_649, %swap3A_650], %swap3A_653 {strides = array<i32>} : memref<128x64xf32, #tpu.memory_space<vmem>>, vector<1x16xf32>,
        %get3A_654 = arith.index_cast %add3A_642 : i32 to index
        %get3A_655 = arith.constant 16 : index
        %get3A_656 = tpu.vector_load %arg16[%get3A_654, %get3A_655] {strides = array<i32>} : memref<128x64xf32, #tpu.memory_space<vmem>>, vector<1x16xf32>,
        %get3A_657 = vector.shape_cast %get3A_656 : vector<1x16xf32> to vector<16xf32>
        %mul3A_658 = vector.broadcast %squeeze3A_638 : f32 to vector<16xf32>
        %mul3A_659 = arith.mulf %get3A_657, %mul3A_658 : vector<16xf32>
        %swap3A_660 = arith.index_cast %add3A_642 : i32 to index
        %swap3A_661 = arith.constant 16 : index
        %swap3A_662 = tpu.vector_load %arg16[%swap3A_660, %swap3A_661] {strides = array<i32>} : memref<128x64xf32, #tpu.memory_space<vmem>>, vector<1x16xf32>,
        %swap3A_663 = vector.shape_cast %swap3A_662 : vector<1x16xf32> to vector<16xf32>
        %swap3A_664 = vector.shape_cast %mul3A_659 : vector<16xf32> to vector<1x16xf32>
        tpu.vector_store %arg16[%swap3A_660, %swap3A_661], %swap3A_664 {strides = array<i32>} : memref<128x64xf32, #tpu.memory_space<vmem>>, vector<1x16xf32>,
        %get3A_665 = arith.index_cast %add3A_642 : i32 to index
        %get3A_666 = arith.constant 32 : index
        %get3A_667 = tpu.vector_load %arg16[%get3A_665, %get3A_666] {strides = array<i32>} : memref<128x64xf32, #tpu.memory_space<vmem>>, vector<1x16xf32>,
        %get3A_668 = vector.shape_cast %get3A_667 : vector<1x16xf32> to vector<16xf32>
        %mul3A_669 = vector.broadcast %squeeze3A_638 : f32 to vector<16xf32>
        %mul3A_670 = arith.mulf %get3A_668, %mul3A_669 : vector<16xf32>
        %swap3A_671 = arith.index_cast %add3A_642 : i32 to index
        %swap3A_672 = arith.constant 32 : index
        %swap3A_673 = tpu.vector_load %arg16[%swap3A_671, %swap3A_672] {strides = array<i32>} : memref<128x64xf32, #tpu.memory_space<vmem>>, vector<1x16xf32>,
        %swap3A_674 = vector.shape_cast %swap3A_673 : vector<1x16xf32> to vector<16xf32>
        %swap3A_675 = vector.shape_cast %mul3A_670 : vector<16xf32> to vector<1x16xf32>
        tpu.vector_store %arg16[%swap3A_671, %swap3A_672], %swap3A_675 {strides = array<i32>} : memref<128x64xf32, #tpu.memory_space<vmem>>, vector<1x16xf32>,
        %get3A_676 = arith.index_cast %add3A_642 : i32 to index
        %get3A_677 = arith.constant 48 : index
        %get3A_678 = tpu.vector_load %arg16[%get3A_676, %get3A_677] {strides = array<i32>} : memref<128x64xf32, #tpu.memory_space<vmem>>, vector<1x16xf32>,
        %get3A_679 = vector.shape_cast %get3A_678 : vector<1x16xf32> to vector<16xf32>
        %mul3A_680 = vector.broadcast %squeeze3A_638 : f32 to vector<16xf32>
        %mul3A_681 = arith.mulf %get3A_679, %mul3A_680 : vector<16xf32>
        %swap3A_682 = arith.index_cast %add3A_642 : i32 to index
        %swap3A_683 = arith.constant 48 : index
        %swap3A_684 = tpu.vector_load %arg16[%swap3A_682, %swap3A_683] {strides = array<i32>} : memref<128x64xf32, #tpu.memory_space<vmem>>, vector<1x16xf32>,
        %swap3A_685 = vector.shape_cast %swap3A_684 : vector<1x16xf32> to vector<16xf32>
        %swap3A_686 = vector.shape_cast %mul3A_681 : vector<16xf32> to vector<1x16xf32>
        tpu.vector_store %arg16[%swap3A_682, %swap3A_683], %swap3A_686 {strides = array<i32>} : memref<128x64xf32, #tpu.memory_space<vmem>>, vector<1x16xf32>,
        %slice3A_687 = vector.extract_strided_slice %get3A_189 {offsets = [10], sizes = [1], strides = [1]} : vector<16xf32> to vector<1xf32>
        %squeeze3A_688 = vector.extract %slice3A_687[0] : f32 from vector<1xf32>
        %mul3A_689 = arith.constant 16 : i32
        %mul3A_690 = arith.muli %scan3A_184, %mul3A_689 : i32
        %add3A_691 = arith.constant 10 : i32
        %add3A_692 = arith.addi %mul3A_690, %add3A_691 : i32
        %get3A_693 = arith.index_cast %add3A_692 : i32 to index
        %get3A_694 = arith.constant 0 : index
        %get3A_695 = tpu.vector_load %arg16[%get3A_693, %get3A_694] {strides = array<i32>} : memref<128x64xf32, #tpu.memory_space<vmem>>, vector<1x16xf32>,
        %get3A_696 = vector.shape_cast %get3A_695 : vector<1x16xf32> to vector<16xf32>
        %mul3A_697 = vector.broadcast %squeeze3A_688 : f32 to vector<16xf32>
        %mul3A_698 = arith.mulf %get3A_696, %mul3A_697 : vector<16xf32>
        %swap3A_699 = arith.index_cast %add3A_692 : i32 to index
        %swap3A_700 = arith.constant 0 : index
        %swap3A_701 = tpu.vector_load %arg16[%swap3A_699, %swap3A_700] {strides = array<i32>} : memref<128x64xf32, #tpu.memory_space<vmem>>, vector<1x16xf32>,
        %swap3A_702 = vector.shape_cast %swap3A_701 : vector<1x16xf32> to vector<16xf32>
        %swap3A_703 = vector.shape_cast %mul3A_698 : vector<16xf32> to vector<1x16xf32>
        tpu.vector_store %arg16[%swap3A_699, %swap3A_700], %swap3A_703 {strides = array<i32>} : memref<128x64xf32, #tpu.memory_space<vmem>>, vector<1x16xf32>,
        %get3A_704 = arith.index_cast %add3A_692 : i32 to index
        %get3A_705 = arith.constant 16 : index
        %get3A_706 = tpu.vector_load %arg16[%get3A_704, %get3A_705] {strides = array<i32>} : memref<128x64xf32, #tpu.memory_space<vmem>>, vector<1x16xf32>,
        %get3A_707 = vector.shape_cast %get3A_706 : vector<1x16xf32> to vector<16xf32>
        %mul3A_708 = vector.broadcast %squeeze3A_688 : f32 to vector<16xf32>
        %mul3A_709 = arith.mulf %get3A_707, %mul3A_708 : vector<16xf32>
        %swap3A_710 = arith.index_cast %add3A_692 : i32 to index
        %swap3A_711 = arith.constant 16 : index
        %swap3A_712 = tpu.vector_load %arg16[%swap3A_710, %swap3A_711] {strides = array<i32>} : memref<128x64xf32, #tpu.memory_space<vmem>>, vector<1x16xf32>,
        %swap3A_713 = vector.shape_cast %swap3A_712 : vector<1x16xf32> to vector<16xf32>
        %swap3A_714 = vector.shape_cast %mul3A_709 : vector<16xf32> to vector<1x16xf32>
        tpu.vector_store %arg16[%swap3A_710, %swap3A_711], %swap3A_714 {strides = array<i32>} : memref<128x64xf32, #tpu.memory_space<vmem>>, vector<1x16xf32>,
        %get3A_715 = arith.index_cast %add3A_692 : i32 to index
        %get3A_716 = arith.constant 32 : index
        %get3A_717 = tpu.vector_load %arg16[%get3A_715, %get3A_716] {strides = array<i32>} : memref<128x64xf32, #tpu.memory_space<vmem>>, vector<1x16xf32>,
        %get3A_718 = vector.shape_cast %get3A_717 : vector<1x16xf32> to vector<16xf32>
        %mul3A_719 = vector.broadcast %squeeze3A_688 : f32 to vector<16xf32>
        %mul3A_720 = arith.mulf %get3A_718, %mul3A_719 : vector<16xf32>
        %swap3A_721 = arith.index_cast %add3A_692 : i32 to index
        %swap3A_722 = arith.constant 32 : index
        %swap3A_723 = tpu.vector_load %arg16[%swap3A_721, %swap3A_722] {strides = array<i32>} : memref<128x64xf32, #tpu.memory_space<vmem>>, vector<1x16xf32>,
        %swap3A_724 = vector.shape_cast %swap3A_723 : vector<1x16xf32> to vector<16xf32>
        %swap3A_725 = vector.shape_cast %mul3A_720 : vector<16xf32> to vector<1x16xf32>
        tpu.vector_store %arg16[%swap3A_721, %swap3A_722], %swap3A_725 {strides = array<i32>} : memref<128x64xf32, #tpu.memory_space<vmem>>, vector<1x16xf32>,
        %get3A_726 = arith.index_cast %add3A_692 : i32 to index
        %get3A_727 = arith.constant 48 : index
        %get3A_728 = tpu.vector_load %arg16[%get3A_726, %get3A_727] {strides = array<i32>} : memref<128x64xf32, #tpu.memory_space<vmem>>, vector<1x16xf32>,
        %get3A_729 = vector.shape_cast %get3A_728 : vector<1x16xf32> to vector<16xf32>
        %mul3A_730 = vector.broadcast %squeeze3A_688 : f32 to vector<16xf32>
        %mul3A_731 = arith.mulf %get3A_729, %mul3A_730 : vector<16xf32>
        %swap3A_732 = arith.index_cast %add3A_692 : i32 to index
        %swap3A_733 = arith.constant 48 : index
        %swap3A_734 = tpu.vector_load %arg16[%swap3A_732, %swap3A_733] {strides = array<i32>} : memref<128x64xf32, #tpu.memory_space<vmem>>, vector<1x16xf32>,
        %swap3A_735 = vector.shape_cast %swap3A_734 : vector<1x16xf32> to vector<16xf32>
        %swap3A_736 = vector.shape_cast %mul3A_731 : vector<16xf32> to vector<1x16xf32>
        tpu.vector_store %arg16[%swap3A_732, %swap3A_733], %swap3A_736 {strides = array<i32>} : memref<128x64xf32, #tpu.memory_space<vmem>>, vector<1x16xf32>,
        %slice3A_737 = vector.extract_strided_slice %get3A_189 {offsets = [11], sizes = [1], strides = [1]} : vector<16xf32> to vector<1xf32>
        %squeeze3A_738 = vector.extract %slice3A_737[0] : f32 from vector<1xf32>
        %mul3A_739 = arith.constant 16 : i32
        %mul3A_740 = arith.muli %scan3A_184, %mul3A_739 : i32
        %add3A_741 = arith.constant 11 : i32
        %add3A_742 = arith.addi %mul3A_740, %add3A_741 : i32
        %get3A_743 = arith.index_cast %add3A_742 : i32 to index
        %get3A_744 = arith.constant 0 : index
        %get3A_745 = tpu.vector_load %arg16[%get3A_743, %get3A_744] {strides = array<i32>} : memref<128x64xf32, #tpu.memory_space<vmem>>, vector<1x16xf32>,
        %get3A_746 = vector.shape_cast %get3A_745 : vector<1x16xf32> to vector<16xf32>
        %mul3A_747 = vector.broadcast %squeeze3A_738 : f32 to vector<16xf32>
        %mul3A_748 = arith.mulf %get3A_746, %mul3A_747 : vector<16xf32>
        %swap3A_749 = arith.index_cast %add3A_742 : i32 to index
        %swap3A_750 = arith.constant 0 : index
        %swap3A_751 = tpu.vector_load %arg16[%swap3A_749, %swap3A_750] {strides = array<i32>} : memref<128x64xf32, #tpu.memory_space<vmem>>, vector<1x16xf32>,
        %swap3A_752 = vector.shape_cast %swap3A_751 : vector<1x16xf32> to vector<16xf32>
        %swap3A_753 = vector.shape_cast %mul3A_748 : vector<16xf32> to vector<1x16xf32>
        tpu.vector_store %arg16[%swap3A_749, %swap3A_750], %swap3A_753 {strides = array<i32>} : memref<128x64xf32, #tpu.memory_space<vmem>>, vector<1x16xf32>,
        %get3A_754 = arith.index_cast %add3A_742 : i32 to index
        %get3A_755 = arith.constant 16 : index
        %get3A_756 = tpu.vector_load %arg16[%get3A_754, %get3A_755] {strides = array<i32>} : memref<128x64xf32, #tpu.memory_space<vmem>>, vector<1x16xf32>,
        %get3A_757 = vector.shape_cast %get3A_756 : vector<1x16xf32> to vector<16xf32>
        %mul3A_758 = vector.broadcast %squeeze3A_738 : f32 to vector<16xf32>
        %mul3A_759 = arith.mulf %get3A_757, %mul3A_758 : vector<16xf32>
        %swap3A_760 = arith.index_cast %add3A_742 : i32 to index
        %swap3A_761 = arith.constant 16 : index
        %swap3A_762 = tpu.vector_load %arg16[%swap3A_760, %swap3A_761] {strides = array<i32>} : memref<128x64xf32, #tpu.memory_space<vmem>>, vector<1x16xf32>,
        %swap3A_763 = vector.shape_cast %swap3A_762 : vector<1x16xf32> to vector<16xf32>
        %swap3A_764 = vector.shape_cast %mul3A_759 : vector<16xf32> to vector<1x16xf32>
        tpu.vector_store %arg16[%swap3A_760, %swap3A_761], %swap3A_764 {strides = array<i32>} : memref<128x64xf32, #tpu.memory_space<vmem>>, vector<1x16xf32>,
        %get3A_765 = arith.index_cast %add3A_742 : i32 to index
        %get3A_766 = arith.constant 32 : index
        %get3A_767 = tpu.vector_load %arg16[%get3A_765, %get3A_766] {strides = array<i32>} : memref<128x64xf32, #tpu.memory_space<vmem>>, vector<1x16xf32>,
        %get3A_768 = vector.shape_cast %get3A_767 : vector<1x16xf32> to vector<16xf32>
        %mul3A_769 = vector.broadcast %squeeze3A_738 : f32 to vector<16xf32>
        %mul3A_770 = arith.mulf %get3A_768, %mul3A_769 : vector<16xf32>
        %swap3A_771 = arith.index_cast %add3A_742 : i32 to index
        %swap3A_772 = arith.constant 32 : index
        %swap3A_773 = tpu.vector_load %arg16[%swap3A_771, %swap3A_772] {strides = array<i32>} : memref<128x64xf32, #tpu.memory_space<vmem>>, vector<1x16xf32>,
        %swap3A_774 = vector.shape_cast %swap3A_773 : vector<1x16xf32> to vector<16xf32>
        %swap3A_775 = vector.shape_cast %mul3A_770 : vector<16xf32> to vector<1x16xf32>
        tpu.vector_store %arg16[%swap3A_771, %swap3A_772], %swap3A_775 {strides = array<i32>} : memref<128x64xf32, #tpu.memory_space<vmem>>, vector<1x16xf32>,
        %get3A_776 = arith.index_cast %add3A_742 : i32 to index
        %get3A_777 = arith.constant 48 : index
        %get3A_778 = tpu.vector_load %arg16[%get3A_776, %get3A_777] {strides = array<i32>} : memref<128x64xf32, #tpu.memory_space<vmem>>, vector<1x16xf32>,
        %get3A_779 = vector.shape_cast %get3A_778 : vector<1x16xf32> to vector<16xf32>
        %mul3A_780 = vector.broadcast %squeeze3A_738 : f32 to vector<16xf32>
        %mul3A_781 = arith.mulf %get3A_779, %mul3A_780 : vector<16xf32>
        %swap3A_782 = arith.index_cast %add3A_742 : i32 to index
        %swap3A_783 = arith.constant 48 : index
        %swap3A_784 = tpu.vector_load %arg16[%swap3A_782, %swap3A_783] {strides = array<i32>} : memref<128x64xf32, #tpu.memory_space<vmem>>, vector<1x16xf32>,
        %swap3A_785 = vector.shape_cast %swap3A_784 : vector<1x16xf32> to vector<16xf32>
        %swap3A_786 = vector.shape_cast %mul3A_781 : vector<16xf32> to vector<1x16xf32>
        tpu.vector_store %arg16[%swap3A_782, %swap3A_783], %swap3A_786 {strides = array<i32>} : memref<128x64xf32, #tpu.memory_space<vmem>>, vector<1x16xf32>,
        %slice3A_787 = vector.extract_strided_slice %get3A_189 {offsets = [12], sizes = [1], strides = [1]} : vector<16xf32> to vector<1xf32>
        %squeeze3A_788 = vector.extract %slice3A_787[0] : f32 from vector<1xf32>
        %mul3A_789 = arith.constant 16 : i32
        %mul3A_790 = arith.muli %scan3A_184, %mul3A_789 : i32
        %add3A_791 = arith.constant 12 : i32
        %add3A_792 = arith.addi %mul3A_790, %add3A_791 : i32
        %get3A_793 = arith.index_cast %add3A_792 : i32 to index
        %get3A_794 = arith.constant 0 : index
        %get3A_795 = tpu.vector_load %arg16[%get3A_793, %get3A_794] {strides = array<i32>} : memref<128x64xf32, #tpu.memory_space<vmem>>, vector<1x16xf32>,
        %get3A_796 = vector.shape_cast %get3A_795 : vector<1x16xf32> to vector<16xf32>
        %mul3A_797 = vector.broadcast %squeeze3A_788 : f32 to vector<16xf32>
        %mul3A_798 = arith.mulf %get3A_796, %mul3A_797 : vector<16xf32>
        %swap3A_799 = arith.index_cast %add3A_792 : i32 to index
        %swap3A_800 = arith.constant 0 : index
        %swap3A_801 = tpu.vector_load %arg16[%swap3A_799, %swap3A_800] {strides = array<i32>} : memref<128x64xf32, #tpu.memory_space<vmem>>, vector<1x16xf32>,
        %swap3A_802 = vector.shape_cast %swap3A_801 : vector<1x16xf32> to vector<16xf32>
        %swap3A_803 = vector.shape_cast %mul3A_798 : vector<16xf32> to vector<1x16xf32>
        tpu.vector_store %arg16[%swap3A_799, %swap3A_800], %swap3A_803 {strides = array<i32>} : memref<128x64xf32, #tpu.memory_space<vmem>>, vector<1x16xf32>,
        %get3A_804 = arith.index_cast %add3A_792 : i32 to index
        %get3A_805 = arith.constant 16 : index
        %get3A_806 = tpu.vector_load %arg16[%get3A_804, %get3A_805] {strides = array<i32>} : memref<128x64xf32, #tpu.memory_space<vmem>>, vector<1x16xf32>,
        %get3A_807 = vector.shape_cast %get3A_806 : vector<1x16xf32> to vector<16xf32>
        %mul3A_808 = vector.broadcast %squeeze3A_788 : f32 to vector<16xf32>
        %mul3A_809 = arith.mulf %get3A_807, %mul3A_808 : vector<16xf32>
        %swap3A_810 = arith.index_cast %add3A_792 : i32 to index
        %swap3A_811 = arith.constant 16 : index
        %swap3A_812 = tpu.vector_load %arg16[%swap3A_810, %swap3A_811] {strides = array<i32>} : memref<128x64xf32, #tpu.memory_space<vmem>>, vector<1x16xf32>,
        %swap3A_813 = vector.shape_cast %swap3A_812 : vector<1x16xf32> to vector<16xf32>
        %swap3A_814 = vector.shape_cast %mul3A_809 : vector<16xf32> to vector<1x16xf32>
        tpu.vector_store %arg16[%swap3A_810, %swap3A_811], %swap3A_814 {strides = array<i32>} : memref<128x64xf32, #tpu.memory_space<vmem>>, vector<1x16xf32>,
        %get3A_815 = arith.index_cast %add3A_792 : i32 to index
        %get3A_816 = arith.constant 32 : index
        %get3A_817 = tpu.vector_load %arg16[%get3A_815, %get3A_816] {strides = array<i32>} : memref<128x64xf32, #tpu.memory_space<vmem>>, vector<1x16xf32>,
        %get3A_818 = vector.shape_cast %get3A_817 : vector<1x16xf32> to vector<16xf32>
        %mul3A_819 = vector.broadcast %squeeze3A_788 : f32 to vector<16xf32>
        %mul3A_820 = arith.mulf %get3A_818, %mul3A_819 : vector<16xf32>
        %swap3A_821 = arith.index_cast %add3A_792 : i32 to index
        %swap3A_822 = arith.constant 32 : index
        %swap3A_823 = tpu.vector_load %arg16[%swap3A_821, %swap3A_822] {strides = array<i32>} : memref<128x64xf32, #tpu.memory_space<vmem>>, vector<1x16xf32>,
        %swap3A_824 = vector.shape_cast %swap3A_823 : vector<1x16xf32> to vector<16xf32>
        %swap3A_825 = vector.shape_cast %mul3A_820 : vector<16xf32> to vector<1x16xf32>
        tpu.vector_store %arg16[%swap3A_821, %swap3A_822], %swap3A_825 {strides = array<i32>} : memref<128x64xf32, #tpu.memory_space<vmem>>, vector<1x16xf32>,
        %get3A_826 = arith.index_cast %add3A_792 : i32 to index
        %get3A_827 = arith.constant 48 : index
        %get3A_828 = tpu.vector_load %arg16[%get3A_826, %get3A_827] {strides = array<i32>} : memref<128x64xf32, #tpu.memory_space<vmem>>, vector<1x16xf32>,
        %get3A_829 = vector.shape_cast %get3A_828 : vector<1x16xf32> to vector<16xf32>
        %mul3A_830 = vector.broadcast %squeeze3A_788 : f32 to vector<16xf32>
        %mul3A_831 = arith.mulf %get3A_829, %mul3A_830 : vector<16xf32>
        %swap3A_832 = arith.index_cast %add3A_792 : i32 to index
        %swap3A_833 = arith.constant 48 : index
        %swap3A_834 = tpu.vector_load %arg16[%swap3A_832, %swap3A_833] {strides = array<i32>} : memref<128x64xf32, #tpu.memory_space<vmem>>, vector<1x16xf32>,
        %swap3A_835 = vector.shape_cast %swap3A_834 : vector<1x16xf32> to vector<16xf32>
        %swap3A_836 = vector.shape_cast %mul3A_831 : vector<16xf32> to vector<1x16xf32>
        tpu.vector_store %arg16[%swap3A_832, %swap3A_833], %swap3A_836 {strides = array<i32>} : memref<128x64xf32, #tpu.memory_space<vmem>>, vector<1x16xf32>,
        %slice3A_837 = vector.extract_strided_slice %get3A_189 {offsets = [13], sizes = [1], strides = [1]} : vector<16xf32> to vector<1xf32>
        %squeeze3A_838 = vector.extract %slice3A_837[0] : f32 from vector<1xf32>
        %mul3A_839 = arith.constant 16 : i32
        %mul3A_840 = arith.muli %scan3A_184, %mul3A_839 : i32
        %add3A_841 = arith.constant 13 : i32
        %add3A_842 = arith.addi %mul3A_840, %add3A_841 : i32
        %get3A_843 = arith.index_cast %add3A_842 : i32 to index
        %get3A_844 = arith.constant 0 : index
        %get3A_845 = tpu.vector_load %arg16[%get3A_843, %get3A_844] {strides = array<i32>} : memref<128x64xf32, #tpu.memory_space<vmem>>, vector<1x16xf32>,
        %get3A_846 = vector.shape_cast %get3A_845 : vector<1x16xf32> to vector<16xf32>
        %mul3A_847 = vector.broadcast %squeeze3A_838 : f32 to vector<16xf32>
        %mul3A_848 = arith.mulf %get3A_846, %mul3A_847 : vector<16xf32>
        %swap3A_849 = arith.index_cast %add3A_842 : i32 to index
        %swap3A_850 = arith.constant 0 : index
        %swap3A_851 = tpu.vector_load %arg16[%swap3A_849, %swap3A_850] {strides = array<i32>} : memref<128x64xf32, #tpu.memory_space<vmem>>, vector<1x16xf32>,
        %swap3A_852 = vector.shape_cast %swap3A_851 : vector<1x16xf32> to vector<16xf32>
        %swap3A_853 = vector.shape_cast %mul3A_848 : vector<16xf32> to vector<1x16xf32>
        tpu.vector_store %arg16[%swap3A_849, %swap3A_850], %swap3A_853 {strides = array<i32>} : memref<128x64xf32, #tpu.memory_space<vmem>>, vector<1x16xf32>,
        %get3A_854 = arith.index_cast %add3A_842 : i32 to index
        %get3A_855 = arith.constant 16 : index
        %get3A_856 = tpu.vector_load %arg16[%get3A_854, %get3A_855] {strides = array<i32>} : memref<128x64xf32, #tpu.memory_space<vmem>>, vector<1x16xf32>,
        %get3A_857 = vector.shape_cast %get3A_856 : vector<1x16xf32> to vector<16xf32>
        %mul3A_858 = vector.broadcast %squeeze3A_838 : f32 to vector<16xf32>
        %mul3A_859 = arith.mulf %get3A_857, %mul3A_858 : vector<16xf32>
        %swap3A_860 = arith.index_cast %add3A_842 : i32 to index
        %swap3A_861 = arith.constant 16 : index
        %swap3A_862 = tpu.vector_load %arg16[%swap3A_860, %swap3A_861] {strides = array<i32>} : memref<128x64xf32, #tpu.memory_space<vmem>>, vector<1x16xf32>,
        %swap3A_863 = vector.shape_cast %swap3A_862 : vector<1x16xf32> to vector<16xf32>
        %swap3A_864 = vector.shape_cast %mul3A_859 : vector<16xf32> to vector<1x16xf32>
        tpu.vector_store %arg16[%swap3A_860, %swap3A_861], %swap3A_864 {strides = array<i32>} : memref<128x64xf32, #tpu.memory_space<vmem>>, vector<1x16xf32>,
        %get3A_865 = arith.index_cast %add3A_842 : i32 to index
        %get3A_866 = arith.constant 32 : index
        %get3A_867 = tpu.vector_load %arg16[%get3A_865, %get3A_866] {strides = array<i32>} : memref<128x64xf32, #tpu.memory_space<vmem>>, vector<1x16xf32>,
        %get3A_868 = vector.shape_cast %get3A_867 : vector<1x16xf32> to vector<16xf32>
        %mul3A_869 = vector.broadcast %squeeze3A_838 : f32 to vector<16xf32>
        %mul3A_870 = arith.mulf %get3A_868, %mul3A_869 : vector<16xf32>
        %swap3A_871 = arith.index_cast %add3A_842 : i32 to index
        %swap3A_872 = arith.constant 32 : index
        %swap3A_873 = tpu.vector_load %arg16[%swap3A_871, %swap3A_872] {strides = array<i32>} : memref<128x64xf32, #tpu.memory_space<vmem>>, vector<1x16xf32>,
        %swap3A_874 = vector.shape_cast %swap3A_873 : vector<1x16xf32> to vector<16xf32>
        %swap3A_875 = vector.shape_cast %mul3A_870 : vector<16xf32> to vector<1x16xf32>
        tpu.vector_store %arg16[%swap3A_871, %swap3A_872], %swap3A_875 {strides = array<i32>} : memref<128x64xf32, #tpu.memory_space<vmem>>, vector<1x16xf32>,
        %get3A_876 = arith.index_cast %add3A_842 : i32 to index
        %get3A_877 = arith.constant 48 : index
        %get3A_878 = tpu.vector_load %arg16[%get3A_876, %get3A_877] {strides = array<i32>} : memref<128x64xf32, #tpu.memory_space<vmem>>, vector<1x16xf32>,
        %get3A_879 = vector.shape_cast %get3A_878 : vector<1x16xf32> to vector<16xf32>
        %mul3A_880 = vector.broadcast %squeeze3A_838 : f32 to vector<16xf32>
        %mul3A_881 = arith.mulf %get3A_879, %mul3A_880 : vector<16xf32>
        %swap3A_882 = arith.index_cast %add3A_842 : i32 to index
        %swap3A_883 = arith.constant 48 : index
        %swap3A_884 = tpu.vector_load %arg16[%swap3A_882, %swap3A_883] {strides = array<i32>} : memref<128x64xf32, #tpu.memory_space<vmem>>, vector<1x16xf32>,
        %swap3A_885 = vector.shape_cast %swap3A_884 : vector<1x16xf32> to vector<16xf32>
        %swap3A_886 = vector.shape_cast %mul3A_881 : vector<16xf32> to vector<1x16xf32>
        tpu.vector_store %arg16[%swap3A_882, %swap3A_883], %swap3A_886 {strides = array<i32>} : memref<128x64xf32, #tpu.memory_space<vmem>>, vector<1x16xf32>,
        %slice3A_887 = vector.extract_strided_slice %get3A_189 {offsets = [14], sizes = [1], strides = [1]} : vector<16xf32> to vector<1xf32>
        %squeeze3A_888 = vector.extract %slice3A_887[0] : f32 from vector<1xf32>
        %mul3A_889 = arith.constant 16 : i32
        %mul3A_890 = arith.muli %scan3A_184, %mul3A_889 : i32
        %add3A_891 = arith.constant 14 : i32
        %add3A_892 = arith.addi %mul3A_890, %add3A_891 : i32
        %get3A_893 = arith.index_cast %add3A_892 : i32 to index
        %get3A_894 = arith.constant 0 : index
        %get3A_895 = tpu.vector_load %arg16[%get3A_893, %get3A_894] {strides = array<i32>} : memref<128x64xf32, #tpu.memory_space<vmem>>, vector<1x16xf32>,
        %get3A_896 = vector.shape_cast %get3A_895 : vector<1x16xf32> to vector<16xf32>
        %mul3A_897 = vector.broadcast %squeeze3A_888 : f32 to vector<16xf32>
        %mul3A_898 = arith.mulf %get3A_896, %mul3A_897 : vector<16xf32>
        %swap3A_899 = arith.index_cast %add3A_892 : i32 to index
        %swap3A_900 = arith.constant 0 : index
        %swap3A_901 = tpu.vector_load %arg16[%swap3A_899, %swap3A_900] {strides = array<i32>} : memref<128x64xf32, #tpu.memory_space<vmem>>, vector<1x16xf32>,
        %swap3A_902 = vector.shape_cast %swap3A_901 : vector<1x16xf32> to vector<16xf32>
        %swap3A_903 = vector.shape_cast %mul3A_898 : vector<16xf32> to vector<1x16xf32>
        tpu.vector_store %arg16[%swap3A_899, %swap3A_900], %swap3A_903 {strides = array<i32>} : memref<128x64xf32, #tpu.memory_space<vmem>>, vector<1x16xf32>,
        %get3A_904 = arith.index_cast %add3A_892 : i32 to index
        %get3A_905 = arith.constant 16 : index
        %get3A_906 = tpu.vector_load %arg16[%get3A_904, %get3A_905] {strides = array<i32>} : memref<128x64xf32, #tpu.memory_space<vmem>>, vector<1x16xf32>,
        %get3A_907 = vector.shape_cast %get3A_906 : vector<1x16xf32> to vector<16xf32>
        %mul3A_908 = vector.broadcast %squeeze3A_888 : f32 to vector<16xf32>
        %mul3A_909 = arith.mulf %get3A_907, %mul3A_908 : vector<16xf32>
        %swap3A_910 = arith.index_cast %add3A_892 : i32 to index
        %swap3A_911 = arith.constant 16 : index
        %swap3A_912 = tpu.vector_load %arg16[%swap3A_910, %swap3A_911] {strides = array<i32>} : memref<128x64xf32, #tpu.memory_space<vmem>>, vector<1x16xf32>,
        %swap3A_913 = vector.shape_cast %swap3A_912 : vector<1x16xf32> to vector<16xf32>
        %swap3A_914 = vector.shape_cast %mul3A_909 : vector<16xf32> to vector<1x16xf32>
        tpu.vector_store %arg16[%swap3A_910, %swap3A_911], %swap3A_914 {strides = array<i32>} : memref<128x64xf32, #tpu.memory_space<vmem>>, vector<1x16xf32>,
        %get3A_915 = arith.index_cast %add3A_892 : i32 to index
        %get3A_916 = arith.constant 32 : index
        %get3A_917 = tpu.vector_load %arg16[%get3A_915, %get3A_916] {strides = array<i32>} : memref<128x64xf32, #tpu.memory_space<vmem>>, vector<1x16xf32>,
        %get3A_918 = vector.shape_cast %get3A_917 : vector<1x16xf32> to vector<16xf32>
        %mul3A_919 = vector.broadcast %squeeze3A_888 : f32 to vector<16xf32>
        %mul3A_920 = arith.mulf %get3A_918, %mul3A_919 : vector<16xf32>
        %swap3A_921 = arith.index_cast %add3A_892 : i32 to index
        %swap3A_922 = arith.constant 32 : index
        %swap3A_923 = tpu.vector_load %arg16[%swap3A_921, %swap3A_922] {strides = array<i32>} : memref<128x64xf32, #tpu.memory_space<vmem>>, vector<1x16xf32>,
        %swap3A_924 = vector.shape_cast %swap3A_923 : vector<1x16xf32> to vector<16xf32>
        %swap3A_925 = vector.shape_cast %mul3A_920 : vector<16xf32> to vector<1x16xf32>
        tpu.vector_store %arg16[%swap3A_921, %swap3A_922], %swap3A_925 {strides = array<i32>} : memref<128x64xf32, #tpu.memory_space<vmem>>, vector<1x16xf32>,
        %get3A_926 = arith.index_cast %add3A_892 : i32 to index
        %get3A_927 = arith.constant 48 : index
        %get3A_928 = tpu.vector_load %arg16[%get3A_926, %get3A_927] {strides = array<i32>} : memref<128x64xf32, #tpu.memory_space<vmem>>, vector<1x16xf32>,
        %get3A_929 = vector.shape_cast %get3A_928 : vector<1x16xf32> to vector<16xf32>
        %mul3A_930 = vector.broadcast %squeeze3A_888 : f32 to vector<16xf32>
        %mul3A_931 = arith.mulf %get3A_929, %mul3A_930 : vector<16xf32>
        %swap3A_932 = arith.index_cast %add3A_892 : i32 to index
        %swap3A_933 = arith.constant 48 : index
        %swap3A_934 = tpu.vector_load %arg16[%swap3A_932, %swap3A_933] {strides = array<i32>} : memref<128x64xf32, #tpu.memory_space<vmem>>, vector<1x16xf32>,
        %swap3A_935 = vector.shape_cast %swap3A_934 : vector<1x16xf32> to vector<16xf32>
        %swap3A_936 = vector.shape_cast %mul3A_931 : vector<16xf32> to vector<1x16xf32>
        tpu.vector_store %arg16[%swap3A_932, %swap3A_933], %swap3A_936 {strides = array<i32>} : memref<128x64xf32, #tpu.memory_space<vmem>>, vector<1x16xf32>,
        %slice3A_937 = vector.extract_strided_slice %get3A_189 {offsets = [15], sizes = [1], strides = [1]} : vector<16xf32> to vector<1xf32>
        %squeeze3A_938 = vector.extract %slice3A_937[0] : f32 from vector<1xf32>
        %mul3A_939 = arith.constant 16 : i32
        %mul3A_940 = arith.muli %scan3A_184, %mul3A_939 : i32
        %add3A_941 = arith.constant 15 : i32
        %add3A_942 = arith.addi %mul3A_940, %add3A_941 : i32
        %get3A_943 = arith.index_cast %add3A_942 : i32 to index
        %get3A_944 = arith.constant 0 : index
        %get3A_945 = tpu.vector_load %arg16[%get3A_943, %get3A_944] {strides = array<i32>} : memref<128x64xf32, #tpu.memory_space<vmem>>, vector<1x16xf32>,
        %get3A_946 = vector.shape_cast %get3A_945 : vector<1x16xf32> to vector<16xf32>
        %mul3A_947 = vector.broadcast %squeeze3A_938 : f32 to vector<16xf32>
        %mul3A_948 = arith.mulf %get3A_946, %mul3A_947 : vector<16xf32>
        %swap3A_949 = arith.index_cast %add3A_942 : i32 to index
        %swap3A_950 = arith.constant 0 : index
        %swap3A_951 = tpu.vector_load %arg16[%swap3A_949, %swap3A_950] {strides = array<i32>} : memref<128x64xf32, #tpu.memory_space<vmem>>, vector<1x16xf32>,
        %swap3A_952 = vector.shape_cast %swap3A_951 : vector<1x16xf32> to vector<16xf32>
        %swap3A_953 = vector.shape_cast %mul3A_948 : vector<16xf32> to vector<1x16xf32>
        tpu.vector_store %arg16[%swap3A_949, %swap3A_950], %swap3A_953 {strides = array<i32>} : memref<128x64xf32, #tpu.memory_space<vmem>>, vector<1x16xf32>,
        %get3A_954 = arith.index_cast %add3A_942 : i32 to index
        %get3A_955 = arith.constant 16 : index
        %get3A_956 = tpu.vector_load %arg16[%get3A_954, %get3A_955] {strides = array<i32>} : memref<128x64xf32, #tpu.memory_space<vmem>>, vector<1x16xf32>,
        %get3A_957 = vector.shape_cast %get3A_956 : vector<1x16xf32> to vector<16xf32>
        %mul3A_958 = vector.broadcast %squeeze3A_938 : f32 to vector<16xf32>
        %mul3A_959 = arith.mulf %get3A_957, %mul3A_958 : vector<16xf32>
        %swap3A_960 = arith.index_cast %add3A_942 : i32 to index
        %swap3A_961 = arith.constant 16 : index
        %swap3A_962 = tpu.vector_load %arg16[%swap3A_960, %swap3A_961] {strides = array<i32>} : memref<128x64xf32, #tpu.memory_space<vmem>>, vector<1x16xf32>,
        %swap3A_963 = vector.shape_cast %swap3A_962 : vector<1x16xf32> to vector<16xf32>
        %swap3A_964 = vector.shape_cast %mul3A_959 : vector<16xf32> to vector<1x16xf32>
        tpu.vector_store %arg16[%swap3A_960, %swap3A_961], %swap3A_964 {strides = array<i32>} : memref<128x64xf32, #tpu.memory_space<vmem>>, vector<1x16xf32>,
        %get3A_965 = arith.index_cast %add3A_942 : i32 to index
        %get3A_966 = arith.constant 32 : index
        %get3A_967 = tpu.vector_load %arg16[%get3A_965, %get3A_966] {strides = array<i32>} : memref<128x64xf32, #tpu.memory_space<vmem>>, vector<1x16xf32>,
        %get3A_968 = vector.shape_cast %get3A_967 : vector<1x16xf32> to vector<16xf32>
        %mul3A_969 = vector.broadcast %squeeze3A_938 : f32 to vector<16xf32>
        %mul3A_970 = arith.mulf %get3A_968, %mul3A_969 : vector<16xf32>
        %swap3A_971 = arith.index_cast %add3A_942 : i32 to index
        %swap3A_972 = arith.constant 32 : index
        %swap3A_973 = tpu.vector_load %arg16[%swap3A_971, %swap3A_972] {strides = array<i32>} : memref<128x64xf32, #tpu.memory_space<vmem>>, vector<1x16xf32>,
        %swap3A_974 = vector.shape_cast %swap3A_973 : vector<1x16xf32> to vector<16xf32>
        %swap3A_975 = vector.shape_cast %mul3A_970 : vector<16xf32> to vector<1x16xf32>
        tpu.vector_store %arg16[%swap3A_971, %swap3A_972], %swap3A_975 {strides = array<i32>} : memref<128x64xf32, #tpu.memory_space<vmem>>, vector<1x16xf32>,
        %get3A_976 = arith.index_cast %add3A_942 : i32 to index
        %get3A_977 = arith.constant 48 : index
        %get3A_978 = tpu.vector_load %arg16[%get3A_976, %get3A_977] {strides = array<i32>} : memref<128x64xf32, #tpu.memory_space<vmem>>, vector<1x16xf32>,
        %get3A_979 = vector.shape_cast %get3A_978 : vector<1x16xf32> to vector<16xf32>
        %mul3A_980 = vector.broadcast %squeeze3A_938 : f32 to vector<16xf32>
        %mul3A_981 = arith.mulf %get3A_979, %mul3A_980 : vector<16xf32>
        %swap3A_982 = arith.index_cast %add3A_942 : i32 to index
        %swap3A_983 = arith.constant 48 : index
        %swap3A_984 = tpu.vector_load %arg16[%swap3A_982, %swap3A_983] {strides = array<i32>} : memref<128x64xf32, #tpu.memory_space<vmem>>, vector<1x16xf32>,
        %swap3A_985 = vector.shape_cast %swap3A_984 : vector<1x16xf32> to vector<16xf32>
        %swap3A_986 = vector.shape_cast %mul3A_981 : vector<16xf32> to vector<1x16xf32>
        tpu.vector_store %arg16[%swap3A_982, %swap3A_983], %swap3A_986 {strides = array<i32>} : memref<128x64xf32, #tpu.memory_space<vmem>>, vector<1x16xf32>,
      }
      %scan3A_183 = arith.constant 8 : i32
      "tpu.region"() ({
        %run_scoped3A = tpu.sem_alloc : memref<!tpu.dma_semaphore, #tpu.memory_space<semaphore_mem>>
        %dma_start3A_184 = arith.constant 0 : i32
        %dma_start3A_185 = tpu.memref_slice %arg10[%add3A_162, %dma_start3A_184] : memref<80x128xi32, #tpu.memory_space<vmem>> -> memref<1x128xi32, #tpu.memory_space<vmem>>
        %dma_start3A_186 = tpu.memref_squeeze %dma_start3A_185 : memref<1x128xi32, #tpu.memory_space<vmem>> -> memref<128xi32, #tpu.memory_space<vmem>>
        %dma_start3A_187 = arith.constant 0 : i32
        %dma_start3A_188 = arith.constant 0 : i32
        %dma_start3A_189 = tpu.memref_slice %arg17[%dma_start3A_187, %dma_start3A_188] : memref<10240x64xf32, #tpu.memory_space<vmem_shared>> -> memref<10240x64xf32, #tpu.memory_space<vmem_shared>>
        tpu.enqueue_indirect_dma source(%arg16 : memref<128x64xf32, #tpu.memory_space<vmem>>) target(%dma_start3A_189 : memref<10240x64xf32, #tpu.memory_space<vmem_shared>>) offsets(%dma_start3A_186 : memref<128xi32, #tpu.memory_space<vmem>>) semaphore(%run_scoped3A : memref<!tpu.dma_semaphore, #tpu.memory_space<semaphore_mem>>) {add = true}
        %dma_wait3A_190 = arith.constant 0 : i32
        %dma_wait3A_191 = tpu.memref_slice %arg10[%add3A_162, %dma_wait3A_190] : memref<80x128xi32, #tpu.memory_space<vmem>> -> memref<1x128xi32, #tpu.memory_space<vmem>>
        %dma_wait3A_192 = tpu.memref_squeeze %dma_wait3A_191 : memref<1x128xi32, #tpu.memory_space<vmem>> -> memref<128xi32, #tpu.memory_space<vmem>>
        %dma_wait3A_193 = arith.constant 0 : i32
        %dma_wait3A_194 = arith.constant 0 : i32
        %dma_wait3A_195 = tpu.memref_slice %arg17[%dma_wait3A_193, %dma_wait3A_194] : memref<10240x64xf32, #tpu.memory_space<vmem_shared>> -> memref<10240x64xf32, #tpu.memory_space<vmem_shared>>
        tpu.wait_indirect_dma semaphore(%run_scoped3A : memref<!tpu.dma_semaphore, #tpu.memory_space<semaphore_mem>>) src(%arg16 : memref<128x64xf32, #tpu.memory_space<vmem>>) dst(%dma_wait3A_195 : memref<10240x64xf32, #tpu.memory_space<vmem_shared>>)
        tpu.yield
      }) : () -> ()
    }
    %scan3A_56 = arith.constant 20 : i32
    %barrier3A_57 = arith.constant 0 : index
    tpu.barrier barrier_id(%barrier3A_57)
    %mul3A_58 = arith.constant 640 : i32
    %mul3A_59 = arith.muli %arg1, %mul3A_58 : i32
    %add3A_60 = arith.constant 0 : i32
    %add3A_61 = arith.addi %mul3A_59, %add3A_60 : i32
    "tpu.region"() ({
      %run_scoped3A = tpu.sem_alloc : memref<!tpu.dma_semaphore, #tpu.memory_space<semaphore_mem>>
      %dma_start3A_88 = arith.constant 0 : i32
      %dma_start3A_89 = tpu.memref_slice %arg17[%add3A_61, %dma_start3A_88] : memref<10240x64xf32, #tpu.memory_space<vmem_shared>> -> memref<128x64xf32, #tpu.memory_space<vmem_shared>>
      %dma_start3A_90 = arith.constant 0 : i32
      %dma_start3A_91 = tpu.memref_slice %arg17[%add3A_61, %dma_start3A_90] : memref<10240x64xf32, #tpu.memory_space<vmem_shared>> -> memref<128x64xf32, #tpu.memory_space<vmem_shared>>
      tpu.enqueue_dma source(%dma_start3A_91 : memref<128x64xf32, #tpu.memory_space<vmem_shared>>) target(%arg13 : memref<128x64xf32, #tpu.memory_space<vmem>>) target_semaphore(%run_scoped3A : memref<!tpu.dma_semaphore, #tpu.memory_space<semaphore_mem>>)
      %dma_wait3A = arith.constant 0 : i32
      %dma_wait3A_92 = tpu.memref_slice %arg17[%add3A_61, %dma_wait3A] : memref<10240x64xf32, #tpu.memory_space<vmem_shared>> -> memref<128x64xf32, #tpu.memory_space<vmem_shared>>
      %dma_wait3A_93 = arith.constant 0 : i32
      %dma_wait3A_94 = tpu.memref_slice %arg17[%add3A_61, %dma_wait3A_93] : memref<10240x64xf32, #tpu.memory_space<vmem_shared>> -> memref<128x64xf32, #tpu.memory_space<vmem_shared>>
      tpu.wait_dma2 semaphore(%run_scoped3A : memref<!tpu.dma_semaphore, #tpu.memory_space<semaphore_mem>>) src(%dma_wait3A_94 : memref<128x64xf32, #tpu.memory_space<vmem_shared>>) dst(%arg13 : memref<128x64xf32, #tpu.memory_space<vmem>>)
      tpu.yield
    }) : () -> ()
    %mul3A_62 = arith.constant 64 : i32
    %mul3A_63 = arith.muli %arg0, %mul3A_62 : i32
    "tpu.region"() ({
      %run_scoped3A = tpu.sem_alloc : memref<!tpu.dma_semaphore, #tpu.memory_space<semaphore_mem>>
      %dma_start3A_88 = tpu.memref_slice %arg7[%add3A_61, %mul3A_63] : memref<10240x128xf32, #tpu.memory_space<hbm>> -> memref<128x64xf32, #tpu.memory_space<hbm>>
      %dma_start3A_89 = tpu.memref_slice %arg7[%add3A_61, %mul3A_63] : memref<10240x128xf32, #tpu.memory_space<hbm>> -> memref<128x64xf32, #tpu.memory_space<hbm>>
      tpu.enqueue_dma source(%arg13 : memref<128x64xf32, #tpu.memory_space<vmem>>) target(%dma_start3A_89 : memref<128x64xf32, #tpu.memory_space<hbm>>) target_semaphore(%run_scoped3A : memref<!tpu.dma_semaphore, #tpu.memory_space<semaphore_mem>>)
      %dma_wait3A = tpu.memref_slice %arg7[%add3A_61, %mul3A_63] : memref<10240x128xf32, #tpu.memory_space<hbm>> -> memref<128x64xf32, #tpu.memory_space<hbm>>
      %dma_wait3A_90 = tpu.memref_slice %arg7[%add3A_61, %mul3A_63] : memref<10240x128xf32, #tpu.memory_space<hbm>> -> memref<128x64xf32, #tpu.memory_space<hbm>>
      tpu.wait_dma2 semaphore(%run_scoped3A : memref<!tpu.dma_semaphore, #tpu.memory_space<semaphore_mem>>) src(%arg13 : memref<128x64xf32, #tpu.memory_space<vmem>>) dst(%dma_wait3A_90 : memref<128x64xf32, #tpu.memory_space<hbm>>)
      tpu.yield
    }) : () -> ()
    %mul3A_64 = arith.constant 640 : i32
    %mul3A_65 = arith.muli %arg1, %mul3A_64 : i32
    %add3A_66 = arith.constant 128 : i32
    %add3A_67 = arith.addi %mul3A_65, %add3A_66 : i32
    "tpu.region"() ({
      %run_scoped3A = tpu.sem_alloc : memref<!tpu.dma_semaphore, #tpu.memory_space<semaphore_mem>>
      %dma_start3A_88 = arith.constant 0 : i32
      %dma_start3A_89 = tpu.memref_slice %arg17[%add3A_67, %dma_start3A_88] : memref<10240x64xf32, #tpu.memory_space<vmem_shared>> -> memref<128x64xf32, #tpu.memory_space<vmem_shared>>
      %dma_start3A_90 = arith.constant 0 : i32
      %dma_start3A_91 = tpu.memref_slice %arg17[%add3A_67, %dma_start3A_90] : memref<10240x64xf32, #tpu.memory_space<vmem_shared>> -> memref<128x64xf32, #tpu.memory_space<vmem_shared>>
      tpu.enqueue_dma source(%dma_start3A_91 : memref<128x64xf32, #tpu.memory_space<vmem_shared>>) target(%arg13 : memref<128x64xf32, #tpu.memory_space<vmem>>) target_semaphore(%run_scoped3A : memref<!tpu.dma_semaphore, #tpu.memory_space<semaphore_mem>>)
      %dma_wait3A = arith.constant 0 : i32
      %dma_wait3A_92 = tpu.memref_slice %arg17[%add3A_67, %dma_wait3A] : memref<10240x64xf32, #tpu.memory_space<vmem_shared>> -> memref<128x64xf32, #tpu.memory_space<vmem_shared>>
      %dma_wait3A_93 = arith.constant 0 : i32
      %dma_wait3A_94 = tpu.memref_slice %arg17[%add3A_67, %dma_wait3A_93] : memref<10240x64xf32, #tpu.memory_space<vmem_shared>> -> memref<128x64xf32, #tpu.memory_space<vmem_shared>>
      tpu.wait_dma2 semaphore(%run_scoped3A : memref<!tpu.dma_semaphore, #tpu.memory_space<semaphore_mem>>) src(%dma_wait3A_94 : memref<128x64xf32, #tpu.memory_space<vmem_shared>>) dst(%arg13 : memref<128x64xf32, #tpu.memory_space<vmem>>)
      tpu.yield
    }) : () -> ()
    %mul3A_68 = arith.constant 64 : i32
    %mul3A_69 = arith.muli %arg0, %mul3A_68 : i32
    "tpu.region"() ({
      %run_scoped3A = tpu.sem_alloc : memref<!tpu.dma_semaphore, #tpu.memory_space<semaphore_mem>>
      %dma_start3A_88 = tpu.memref_slice %arg7[%add3A_67, %mul3A_69] : memref<10240x128xf32, #tpu.memory_space<hbm>> -> memref<128x64xf32, #tpu.memory_space<hbm>>
      %dma_start3A_89 = tpu.memref_slice %arg7[%add3A_67, %mul3A_69] : memref<10240x128xf32, #tpu.memory_space<hbm>> -> memref<128x64xf32, #tpu.memory_space<hbm>>
      tpu.enqueue_dma source(%arg13 : memref<128x64xf32, #tpu.memory_space<vmem>>) target(%dma_start3A_89 : memref<128x64xf32, #tpu.memory_space<hbm>>) target_semaphore(%run_scoped3A : memref<!tpu.dma_semaphore, #tpu.memory_space<semaphore_mem>>)
      %dma_wait3A = tpu.memref_slice %arg7[%add3A_67, %mul3A_69] : memref<10240x128xf32, #tpu.memory_space<hbm>> -> memref<128x64xf32, #tpu.memory_space<hbm>>
      %dma_wait3A_90 = tpu.memref_slice %arg7[%add3A_67, %mul3A_69] : memref<10240x128xf32, #tpu.memory_space<hbm>> -> memref<128x64xf32, #tpu.memory_space<hbm>>
      tpu.wait_dma2 semaphore(%run_scoped3A : memref<!tpu.dma_semaphore, #tpu.memory_space<semaphore_mem>>) src(%arg13 : memref<128x64xf32, #tpu.memory_space<vmem>>) dst(%dma_wait3A_90 : memref<128x64xf32, #tpu.memory_space<hbm>>)
      tpu.yield
    }) : () -> ()
    %mul3A_70 = arith.constant 640 : i32
    %mul3A_71 = arith.muli %arg1, %mul3A_70 : i32
    %add3A_72 = arith.constant 256 : i32
    %add3A_73 = arith.addi %mul3A_71, %add3A_72 : i32
    "tpu.region"() ({
      %run_scoped3A = tpu.sem_alloc : memref<!tpu.dma_semaphore, #tpu.memory_space<semaphore_mem>>
      %dma_start3A_88 = arith.constant 0 : i32
      %dma_start3A_89 = tpu.memref_slice %arg17[%add3A_73, %dma_start3A_88] : memref<10240x64xf32, #tpu.memory_space<vmem_shared>> -> memref<128x64xf32, #tpu.memory_space<vmem_shared>>
      %dma_start3A_90 = arith.constant 0 : i32
      %dma_start3A_91 = tpu.memref_slice %arg17[%add3A_73, %dma_start3A_90] : memref<10240x64xf32, #tpu.memory_space<vmem_shared>> -> memref<128x64xf32, #tpu.memory_space<vmem_shared>>
      tpu.enqueue_dma source(%dma_start3A_91 : memref<128x64xf32, #tpu.memory_space<vmem_shared>>) target(%arg13 : memref<128x64xf32, #tpu.memory_space<vmem>>) target_semaphore(%run_scoped3A : memref<!tpu.dma_semaphore, #tpu.memory_space<semaphore_mem>>)
      %dma_wait3A = arith.constant 0 : i32
      %dma_wait3A_92 = tpu.memref_slice %arg17[%add3A_73, %dma_wait3A] : memref<10240x64xf32, #tpu.memory_space<vmem_shared>> -> memref<128x64xf32, #tpu.memory_space<vmem_shared>>
      %dma_wait3A_93 = arith.constant 0 : i32
      %dma_wait3A_94 = tpu.memref_slice %arg17[%add3A_73, %dma_wait3A_93] : memref<10240x64xf32, #tpu.memory_space<vmem_shared>> -> memref<128x64xf32, #tpu.memory_space<vmem_shared>>
      tpu.wait_dma2 semaphore(%run_scoped3A : memref<!tpu.dma_semaphore, #tpu.memory_space<semaphore_mem>>) src(%dma_wait3A_94 : memref<128x64xf32, #tpu.memory_space<vmem_shared>>) dst(%arg13 : memref<128x64xf32, #tpu.memory_space<vmem>>)
      tpu.yield
    }) : () -> ()
    %mul3A_74 = arith.constant 64 : i32
    %mul3A_75 = arith.muli %arg0, %mul3A_74 : i32
    "tpu.region"() ({
      %run_scoped3A = tpu.sem_alloc : memref<!tpu.dma_semaphore, #tpu.memory_space<semaphore_mem>>
      %dma_start3A_88 = tpu.memref_slice %arg7[%add3A_73, %mul3A_75] : memref<10240x128xf32, #tpu.memory_space<hbm>> -> memref<128x64xf32, #tpu.memory_space<hbm>>
      %dma_start3A_89 = tpu.memref_slice %arg7[%add3A_73, %mul3A_75] : memref<10240x128xf32, #tpu.memory_space<hbm>> -> memref<128x64xf32, #tpu.memory_space<hbm>>
      tpu.enqueue_dma source(%arg13 : memref<128x64xf32, #tpu.memory_space<vmem>>) target(%dma_start3A_89 : memref<128x64xf32, #tpu.memory_space<hbm>>) target_semaphore(%run_scoped3A : memref<!tpu.dma_semaphore, #tpu.memory_space<semaphore_mem>>)
      %dma_wait3A = tpu.memref_slice %arg7[%add3A_73, %mul3A_75] : memref<10240x128xf32, #tpu.memory_space<hbm>> -> memref<128x64xf32, #tpu.memory_space<hbm>>
      %dma_wait3A_90 = tpu.memref_slice %arg7[%add3A_73, %mul3A_75] : memref<10240x128xf32, #tpu.memory_space<hbm>> -> memref<128x64xf32, #tpu.memory_space<hbm>>
      tpu.wait_dma2 semaphore(%run_scoped3A : memref<!tpu.dma_semaphore, #tpu.memory_space<semaphore_mem>>) src(%arg13 : memref<128x64xf32, #tpu.memory_space<vmem>>) dst(%dma_wait3A_90 : memref<128x64xf32, #tpu.memory_space<hbm>>)
      tpu.yield
    }) : () -> ()
    %mul3A_76 = arith.constant 640 : i32
    %mul3A_77 = arith.muli %arg1, %mul3A_76 : i32
    %add3A_78 = arith.constant 384 : i32
    %add3A_79 = arith.addi %mul3A_77, %add3A_78 : i32
    "tpu.region"() ({
      %run_scoped3A = tpu.sem_alloc : memref<!tpu.dma_semaphore, #tpu.memory_space<semaphore_mem>>
      %dma_start3A_88 = arith.constant 0 : i32
      %dma_start3A_89 = tpu.memref_slice %arg17[%add3A_79, %dma_start3A_88] : memref<10240x64xf32, #tpu.memory_space<vmem_shared>> -> memref<128x64xf32, #tpu.memory_space<vmem_shared>>
      %dma_start3A_90 = arith.constant 0 : i32
      %dma_start3A_91 = tpu.memref_slice %arg17[%add3A_79, %dma_start3A_90] : memref<10240x64xf32, #tpu.memory_space<vmem_shared>> -> memref<128x64xf32, #tpu.memory_space<vmem_shared>>
      tpu.enqueue_dma source(%dma_start3A_91 : memref<128x64xf32, #tpu.memory_space<vmem_shared>>) target(%arg13 : memref<128x64xf32, #tpu.memory_space<vmem>>) target_semaphore(%run_scoped3A : memref<!tpu.dma_semaphore, #tpu.memory_space<semaphore_mem>>)
      %dma_wait3A = arith.constant 0 : i32
      %dma_wait3A_92 = tpu.memref_slice %arg17[%add3A_79, %dma_wait3A] : memref<10240x64xf32, #tpu.memory_space<vmem_shared>> -> memref<128x64xf32, #tpu.memory_space<vmem_shared>>
      %dma_wait3A_93 = arith.constant 0 : i32
      %dma_wait3A_94 = tpu.memref_slice %arg17[%add3A_79, %dma_wait3A_93] : memref<10240x64xf32, #tpu.memory_space<vmem_shared>> -> memref<128x64xf32, #tpu.memory_space<vmem_shared>>
      tpu.wait_dma2 semaphore(%run_scoped3A : memref<!tpu.dma_semaphore, #tpu.memory_space<semaphore_mem>>) src(%dma_wait3A_94 : memref<128x64xf32, #tpu.memory_space<vmem_shared>>) dst(%arg13 : memref<128x64xf32, #tpu.memory_space<vmem>>)
      tpu.yield
    }) : () -> ()
    %mul3A_80 = arith.constant 64 : i32
    %mul3A_81 = arith.muli %arg0, %mul3A_80 : i32
    "tpu.region"() ({
      %run_scoped3A = tpu.sem_alloc : memref<!tpu.dma_semaphore, #tpu.memory_space<semaphore_mem>>
      %dma_start3A_88 = tpu.memref_slice %arg7[%add3A_79, %mul3A_81] : memref<10240x128xf32, #tpu.memory_space<hbm>> -> memref<128x64xf32, #tpu.memory_space<hbm>>
      %dma_start3A_89 = tpu.memref_slice %arg7[%add3A_79, %mul3A_81] : memref<10240x128xf32, #tpu.memory_space<hbm>> -> memref<128x64xf32, #tpu.memory_space<hbm>>
      tpu.enqueue_dma source(%arg13 : memref<128x64xf32, #tpu.memory_space<vmem>>) target(%dma_start3A_89 : memref<128x64xf32, #tpu.memory_space<hbm>>) target_semaphore(%run_scoped3A : memref<!tpu.dma_semaphore, #tpu.memory_space<semaphore_mem>>)
      %dma_wait3A = tpu.memref_slice %arg7[%add3A_79, %mul3A_81] : memref<10240x128xf32, #tpu.memory_space<hbm>> -> memref<128x64xf32, #tpu.memory_space<hbm>>
      %dma_wait3A_90 = tpu.memref_slice %arg7[%add3A_79, %mul3A_81] : memref<10240x128xf32, #tpu.memory_space<hbm>> -> memref<128x64xf32, #tpu.memory_space<hbm>>
      tpu.wait_dma2 semaphore(%run_scoped3A : memref<!tpu.dma_semaphore, #tpu.memory_space<semaphore_mem>>) src(%arg13 : memref<128x64xf32, #tpu.memory_space<vmem>>) dst(%dma_wait3A_90 : memref<128x64xf32, #tpu.memory_space<hbm>>)
      tpu.yield
    }) : () -> ()
    %mul3A_82 = arith.constant 640 : i32
    %mul3A_83 = arith.muli %arg1, %mul3A_82 : i32
    %add3A_84 = arith.constant 512 : i32
    %add3A_85 = arith.addi %mul3A_83, %add3A_84 : i32
    "tpu.region"() ({
      %run_scoped3A = tpu.sem_alloc : memref<!tpu.dma_semaphore, #tpu.memory_space<semaphore_mem>>
      %dma_start3A_88 = arith.constant 0 : i32
      %dma_start3A_89 = tpu.memref_slice %arg17[%add3A_85, %dma_start3A_88] : memref<10240x64xf32, #tpu.memory_space<vmem_shared>> -> memref<128x64xf32, #tpu.memory_space<vmem_shared>>
      %dma_start3A_90 = arith.constant 0 : i32
      %dma_start3A_91 = tpu.memref_slice %arg17[%add3A_85, %dma_start3A_90] : memref<10240x64xf32, #tpu.memory_space<vmem_shared>> -> memref<128x64xf32, #tpu.memory_space<vmem_shared>>
      tpu.enqueue_dma source(%dma_start3A_91 : memref<128x64xf32, #tpu.memory_space<vmem_shared>>) target(%arg13 : memref<128x64xf32, #tpu.memory_space<vmem>>) target_semaphore(%run_scoped3A : memref<!tpu.dma_semaphore, #tpu.memory_space<semaphore_mem>>)
      %dma_wait3A = arith.constant 0 : i32
      %dma_wait3A_92 = tpu.memref_slice %arg17[%add3A_85, %dma_wait3A] : memref<10240x64xf32, #tpu.memory_space<vmem_shared>> -> memref<128x64xf32, #tpu.memory_space<vmem_shared>>
      %dma_wait3A_93 = arith.constant 0 : i32
      %dma_wait3A_94 = tpu.memref_slice %arg17[%add3A_85, %dma_wait3A_93] : memref<10240x64xf32, #tpu.memory_space<vmem_shared>> -> memref<128x64xf32, #tpu.memory_space<vmem_shared>>
      tpu.wait_dma2 semaphore(%run_scoped3A : memref<!tpu.dma_semaphore, #tpu.memory_space<semaphore_mem>>) src(%dma_wait3A_94 : memref<128x64xf32, #tpu.memory_space<vmem_shared>>) dst(%arg13 : memref<128x64xf32, #tpu.memory_space<vmem>>)
      tpu.yield
    }) : () -> ()
    %mul3A_86 = arith.constant 64 : i32
    %mul3A_87 = arith.muli %arg0, %mul3A_86 : i32
    "tpu.region"() ({
      %run_scoped3A = tpu.sem_alloc : memref<!tpu.dma_semaphore, #tpu.memory_space<semaphore_mem>>
      %dma_start3A_88 = tpu.memref_slice %arg7[%add3A_85, %mul3A_87] : memref<10240x128xf32, #tpu.memory_space<hbm>> -> memref<128x64xf32, #tpu.memory_space<hbm>>
      %dma_start3A_89 = tpu.memref_slice %arg7[%add3A_85, %mul3A_87] : memref<10240x128xf32, #tpu.memory_space<hbm>> -> memref<128x64xf32, #tpu.memory_space<hbm>>
      tpu.enqueue_dma source(%arg13 : memref<128x64xf32, #tpu.memory_space<vmem>>) target(%dma_start3A_89 : memref<128x64xf32, #tpu.memory_space<hbm>>) target_semaphore(%run_scoped3A : memref<!tpu.dma_semaphore, #tpu.memory_space<semaphore_mem>>)
      %dma_wait3A = tpu.memref_slice %arg7[%add3A_85, %mul3A_87] : memref<10240x128xf32, #tpu.memory_space<hbm>> -> memref<128x64xf32, #tpu.memory_space<hbm>>
      %dma_wait3A_90 = tpu.memref_slice %arg7[%add3A_85, %mul3A_87] : memref<10240x128xf32, #tpu.memory_space<hbm>> -> memref<128x64xf32, #tpu.memory_space<hbm>>
      tpu.wait_dma2 semaphore(%run_scoped3A : memref<!tpu.dma_semaphore, #tpu.memory_space<semaphore_mem>>) src(%arg13 : memref<128x64xf32, #tpu.memory_space<vmem>>) dst(%dma_wait3A_90 : memref<128x64xf32, #tpu.memory_space<hbm>>)
      tpu.yield
    }) : () -> ()
    return
  }
}

module attributes {stable_mosaic.version = 14 : i64} {
  func.func @_xw_body(%arg0: i32, %arg1: memref<1000x128xf32, #tpu.memory_space<vmem>>, %arg2: memref<4x128x128xf32, #tpu.memory_space<vmem>>, %arg3: memref<8x4xf32, #tpu.memory_space<smem>>, %arg4: memref<1000x8x128xf32, #tpu.memory_space<vmem>>) attributes {dimension_semantics = [#tpu.dimension_semantics<arbitrary>], iteration_bounds = array<i64: 10>, scalar_prefetch = 0 : i64, scratch_operands = 0 : i64, tpu.core_type = #tpu.core_type<tc>, window_params = [{transform_indices = @transform_0, window_bounds = array<i64: 1000, 128>}, {pipeline_mode = #tpu.pipeline_mode<synchronous>, transform_indices = @transform_1, window_bounds = array<i64: 4, 128, 128>}, {transform_indices = @transform_2, window_bounds = array<i64: 8, 4>}, {transform_indices = @transform_3, window_bounds = array<i64: 1000, 8, 128>}]} {
    %get3A = arith.constant 0 : index
    %get3A_0 = arith.constant 0 : index
    %get3A_1 = vector.load %arg1[%get3A, %get3A_0] : memref<1000x128xf32, #tpu.memory_space<vmem>>, vector<1000x128xf32>
    %get3A_2 = arith.constant 0 : index
    %get3A_3 = arith.constant 0 : index
    %get3A_4 = arith.constant 0 : index
    %get3A_5 = vector.load %arg2[%get3A_2, %get3A_3, %get3A_4] : memref<4x128x128xf32, #tpu.memory_space<vmem>>, vector<1x128x128xf32>
    %get3A_6 = vector.shape_cast %get3A_5 : vector<1x128x128xf32> to vector<128x128xf32>
    %dot_general3A = arith.constant dense<0.000000e+00> : vector<1000x128xf32>
    %dot_general3A_7 = tpu.matmul %get3A_1, %get3A_6, %dot_general3A {dimension_numbers = #tpu.dot_dimension_numbers<[1], [0], [0], [1], [0, 0, 1, 1], [], []>, transpose_lhs_hint = false} : vector<1000x128xf32>, vector<128x128xf32>, vector<1000x128xf32> -> vector<1000x128xf32>
    %get3A_8 = arith.constant 1 : index
    %get3A_9 = arith.constant 0 : index
    %get3A_10 = arith.constant 0 : index
    %get3A_11 = vector.load %arg2[%get3A_8, %get3A_9, %get3A_10] : memref<4x128x128xf32, #tpu.memory_space<vmem>>, vector<1x128x128xf32>
    %get3A_12 = vector.shape_cast %get3A_11 : vector<1x128x128xf32> to vector<128x128xf32>
    %dot_general3A_13 = arith.constant dense<0.000000e+00> : vector<1000x128xf32>
    %dot_general3A_14 = tpu.matmul %get3A_1, %get3A_12, %dot_general3A_13 {dimension_numbers = #tpu.dot_dimension_numbers<[1], [0], [0], [1], [0, 0, 1, 1], [], []>, transpose_lhs_hint = false} : vector<1000x128xf32>, vector<128x128xf32>, vector<1000x128xf32> -> vector<1000x128xf32>
    %get3A_15 = arith.constant 2 : index
    %get3A_16 = arith.constant 0 : index
    %get3A_17 = arith.constant 0 : index
    %get3A_18 = vector.load %arg2[%get3A_15, %get3A_16, %get3A_17] : memref<4x128x128xf32, #tpu.memory_space<vmem>>, vector<1x128x128xf32>
    %get3A_19 = vector.shape_cast %get3A_18 : vector<1x128x128xf32> to vector<128x128xf32>
    %dot_general3A_20 = arith.constant dense<0.000000e+00> : vector<1000x128xf32>
    %dot_general3A_21 = tpu.matmul %get3A_1, %get3A_19, %dot_general3A_20 {dimension_numbers = #tpu.dot_dimension_numbers<[1], [0], [0], [1], [0, 0, 1, 1], [], []>, transpose_lhs_hint = false} : vector<1000x128xf32>, vector<128x128xf32>, vector<1000x128xf32> -> vector<1000x128xf32>
    %get3A_22 = arith.constant 3 : index
    %get3A_23 = arith.constant 0 : index
    %get3A_24 = arith.constant 0 : index
    %get3A_25 = vector.load %arg2[%get3A_22, %get3A_23, %get3A_24] : memref<4x128x128xf32, #tpu.memory_space<vmem>>, vector<1x128x128xf32>
    %get3A_26 = vector.shape_cast %get3A_25 : vector<1x128x128xf32> to vector<128x128xf32>
    %dot_general3A_27 = arith.constant dense<0.000000e+00> : vector<1000x128xf32>
    %dot_general3A_28 = tpu.matmul %get3A_1, %get3A_26, %dot_general3A_27 {dimension_numbers = #tpu.dot_dimension_numbers<[1], [0], [0], [1], [0, 0, 1, 1], [], []>, transpose_lhs_hint = false} : vector<1000x128xf32>, vector<128x128xf32>, vector<1000x128xf32> -> vector<1000x128xf32>
    %get3A_29 = arith.constant 0 : index
    %get3A_30 = arith.constant 0 : index
    %get3A_31 = memref.load %arg3[%get3A_29, %get3A_30] : memref<8x4xf32, #tpu.memory_space<smem>>
    %mul3A = vector.broadcast %get3A_31 : f32 to vector<1000x128xf32>
    %mul3A_32 = arith.mulf %dot_general3A_7, %mul3A : vector<1000x128xf32>
    %get3A_33 = arith.constant 0 : index
    %get3A_34 = arith.constant 1 : index
    %get3A_35 = memref.load %arg3[%get3A_33, %get3A_34] : memref<8x4xf32, #tpu.memory_space<smem>>
    %mul3A_36 = vector.broadcast %get3A_35 : f32 to vector<1000x128xf32>
    %mul3A_37 = arith.mulf %dot_general3A_14, %mul3A_36 : vector<1000x128xf32>
    %add3A = arith.addf %mul3A_32, %mul3A_37 : vector<1000x128xf32>
    %get3A_38 = arith.constant 0 : index
    %get3A_39 = arith.constant 2 : index
    %get3A_40 = memref.load %arg3[%get3A_38, %get3A_39] : memref<8x4xf32, #tpu.memory_space<smem>>
    %mul3A_41 = vector.broadcast %get3A_40 : f32 to vector<1000x128xf32>
    %mul3A_42 = arith.mulf %dot_general3A_21, %mul3A_41 : vector<1000x128xf32>
    %add3A_43 = arith.addf %add3A, %mul3A_42 : vector<1000x128xf32>
    %get3A_44 = arith.constant 0 : index
    %get3A_45 = arith.constant 3 : index
    %get3A_46 = memref.load %arg3[%get3A_44, %get3A_45] : memref<8x4xf32, #tpu.memory_space<smem>>
    %mul3A_47 = vector.broadcast %get3A_46 : f32 to vector<1000x128xf32>
    %mul3A_48 = arith.mulf %dot_general3A_28, %mul3A_47 : vector<1000x128xf32>
    %add3A_49 = arith.addf %add3A_43, %mul3A_48 : vector<1000x128xf32>
    %swap3A = arith.constant 0 : index
    %swap3A_50 = arith.constant 0 : index
    %swap3A_51 = arith.constant 0 : index
    %swap3A_52 = vector.load %arg4[%swap3A, %swap3A_50, %swap3A_51] : memref<1000x8x128xf32, #tpu.memory_space<vmem>>, vector<1000x1x128xf32>
    %swap3A_53 = vector.shape_cast %swap3A_52 : vector<1000x1x128xf32> to vector<1000x128xf32>
    %swap3A_54 = vector.shape_cast %add3A_49 : vector<1000x128xf32> to vector<1000x1x128xf32>
    tpu.vector_store %arg4[%swap3A, %swap3A_50, %swap3A_51], %swap3A_54 {strides = array<i32>} : memref<1000x8x128xf32, #tpu.memory_space<vmem>>, vector<1000x1x128xf32>,
    %get3A_55 = arith.constant 1 : index
    %get3A_56 = arith.constant 0 : index
    %get3A_57 = memref.load %arg3[%get3A_55, %get3A_56] : memref<8x4xf32, #tpu.memory_space<smem>>
    %mul3A_58 = vector.broadcast %get3A_57 : f32 to vector<1000x128xf32>
    %mul3A_59 = arith.mulf %dot_general3A_7, %mul3A_58 : vector<1000x128xf32>
    %get3A_60 = arith.constant 1 : index
    %get3A_61 = arith.constant 1 : index
    %get3A_62 = memref.load %arg3[%get3A_60, %get3A_61] : memref<8x4xf32, #tpu.memory_space<smem>>
    %mul3A_63 = vector.broadcast %get3A_62 : f32 to vector<1000x128xf32>
    %mul3A_64 = arith.mulf %dot_general3A_14, %mul3A_63 : vector<1000x128xf32>
    %add3A_65 = arith.addf %mul3A_59, %mul3A_64 : vector<1000x128xf32>
    %get3A_66 = arith.constant 1 : index
    %get3A_67 = arith.constant 2 : index
    %get3A_68 = memref.load %arg3[%get3A_66, %get3A_67] : memref<8x4xf32, #tpu.memory_space<smem>>
    %mul3A_69 = vector.broadcast %get3A_68 : f32 to vector<1000x128xf32>
    %mul3A_70 = arith.mulf %dot_general3A_21, %mul3A_69 : vector<1000x128xf32>
    %add3A_71 = arith.addf %add3A_65, %mul3A_70 : vector<1000x128xf32>
    %get3A_72 = arith.constant 1 : index
    %get3A_73 = arith.constant 3 : index
    %get3A_74 = memref.load %arg3[%get3A_72, %get3A_73] : memref<8x4xf32, #tpu.memory_space<smem>>
    %mul3A_75 = vector.broadcast %get3A_74 : f32 to vector<1000x128xf32>
    %mul3A_76 = arith.mulf %dot_general3A_28, %mul3A_75 : vector<1000x128xf32>
    %add3A_77 = arith.addf %add3A_71, %mul3A_76 : vector<1000x128xf32>
    %swap3A_78 = arith.constant 0 : index
    %swap3A_79 = arith.constant 1 : index
    %swap3A_80 = arith.constant 0 : index
    %swap3A_81 = vector.load %arg4[%swap3A_78, %swap3A_79, %swap3A_80] : memref<1000x8x128xf32, #tpu.memory_space<vmem>>, vector<1000x1x128xf32>
    %swap3A_82 = vector.shape_cast %swap3A_81 : vector<1000x1x128xf32> to vector<1000x128xf32>
    %swap3A_83 = vector.shape_cast %add3A_77 : vector<1000x128xf32> to vector<1000x1x128xf32>
    tpu.vector_store %arg4[%swap3A_78, %swap3A_79, %swap3A_80], %swap3A_83 {strides = array<i32>} : memref<1000x8x128xf32, #tpu.memory_space<vmem>>, vector<1000x1x128xf32>,
    %get3A_84 = arith.constant 2 : index
    %get3A_85 = arith.constant 0 : index
    %get3A_86 = memref.load %arg3[%get3A_84, %get3A_85] : memref<8x4xf32, #tpu.memory_space<smem>>
    %mul3A_87 = vector.broadcast %get3A_86 : f32 to vector<1000x128xf32>
    %mul3A_88 = arith.mulf %dot_general3A_7, %mul3A_87 : vector<1000x128xf32>
    %get3A_89 = arith.constant 2 : index
    %get3A_90 = arith.constant 1 : index
    %get3A_91 = memref.load %arg3[%get3A_89, %get3A_90] : memref<8x4xf32, #tpu.memory_space<smem>>
    %mul3A_92 = vector.broadcast %get3A_91 : f32 to vector<1000x128xf32>
    %mul3A_93 = arith.mulf %dot_general3A_14, %mul3A_92 : vector<1000x128xf32>
    %add3A_94 = arith.addf %mul3A_88, %mul3A_93 : vector<1000x128xf32>
    %get3A_95 = arith.constant 2 : index
    %get3A_96 = arith.constant 2 : index
    %get3A_97 = memref.load %arg3[%get3A_95, %get3A_96] : memref<8x4xf32, #tpu.memory_space<smem>>
    %mul3A_98 = vector.broadcast %get3A_97 : f32 to vector<1000x128xf32>
    %mul3A_99 = arith.mulf %dot_general3A_21, %mul3A_98 : vector<1000x128xf32>
    %add3A_100 = arith.addf %add3A_94, %mul3A_99 : vector<1000x128xf32>
    %get3A_101 = arith.constant 2 : index
    %get3A_102 = arith.constant 3 : index
    %get3A_103 = memref.load %arg3[%get3A_101, %get3A_102] : memref<8x4xf32, #tpu.memory_space<smem>>
    %mul3A_104 = vector.broadcast %get3A_103 : f32 to vector<1000x128xf32>
    %mul3A_105 = arith.mulf %dot_general3A_28, %mul3A_104 : vector<1000x128xf32>
    %add3A_106 = arith.addf %add3A_100, %mul3A_105 : vector<1000x128xf32>
    %swap3A_107 = arith.constant 0 : index
    %swap3A_108 = arith.constant 2 : index
    %swap3A_109 = arith.constant 0 : index
    %swap3A_110 = vector.load %arg4[%swap3A_107, %swap3A_108, %swap3A_109] : memref<1000x8x128xf32, #tpu.memory_space<vmem>>, vector<1000x1x128xf32>
    %swap3A_111 = vector.shape_cast %swap3A_110 : vector<1000x1x128xf32> to vector<1000x128xf32>
    %swap3A_112 = vector.shape_cast %add3A_106 : vector<1000x128xf32> to vector<1000x1x128xf32>
    tpu.vector_store %arg4[%swap3A_107, %swap3A_108, %swap3A_109], %swap3A_112 {strides = array<i32>} : memref<1000x8x128xf32, #tpu.memory_space<vmem>>, vector<1000x1x128xf32>,
    %get3A_113 = arith.constant 3 : index
    %get3A_114 = arith.constant 0 : index
    %get3A_115 = memref.load %arg3[%get3A_113, %get3A_114] : memref<8x4xf32, #tpu.memory_space<smem>>
    %mul3A_116 = vector.broadcast %get3A_115 : f32 to vector<1000x128xf32>
    %mul3A_117 = arith.mulf %dot_general3A_7, %mul3A_116 : vector<1000x128xf32>
    %get3A_118 = arith.constant 3 : index
    %get3A_119 = arith.constant 1 : index
    %get3A_120 = memref.load %arg3[%get3A_118, %get3A_119] : memref<8x4xf32, #tpu.memory_space<smem>>
    %mul3A_121 = vector.broadcast %get3A_120 : f32 to vector<1000x128xf32>
    %mul3A_122 = arith.mulf %dot_general3A_14, %mul3A_121 : vector<1000x128xf32>
    %add3A_123 = arith.addf %mul3A_117, %mul3A_122 : vector<1000x128xf32>
    %get3A_124 = arith.constant 3 : index
    %get3A_125 = arith.constant 2 : index
    %get3A_126 = memref.load %arg3[%get3A_124, %get3A_125] : memref<8x4xf32, #tpu.memory_space<smem>>
    %mul3A_127 = vector.broadcast %get3A_126 : f32 to vector<1000x128xf32>
    %mul3A_128 = arith.mulf %dot_general3A_21, %mul3A_127 : vector<1000x128xf32>
    %add3A_129 = arith.addf %add3A_123, %mul3A_128 : vector<1000x128xf32>
    %get3A_130 = arith.constant 3 : index
    %get3A_131 = arith.constant 3 : index
    %get3A_132 = memref.load %arg3[%get3A_130, %get3A_131] : memref<8x4xf32, #tpu.memory_space<smem>>
    %mul3A_133 = vector.broadcast %get3A_132 : f32 to vector<1000x128xf32>
    %mul3A_134 = arith.mulf %dot_general3A_28, %mul3A_133 : vector<1000x128xf32>
    %add3A_135 = arith.addf %add3A_129, %mul3A_134 : vector<1000x128xf32>
    %swap3A_136 = arith.constant 0 : index
    %swap3A_137 = arith.constant 3 : index
    %swap3A_138 = arith.constant 0 : index
    %swap3A_139 = vector.load %arg4[%swap3A_136, %swap3A_137, %swap3A_138] : memref<1000x8x128xf32, #tpu.memory_space<vmem>>, vector<1000x1x128xf32>
    %swap3A_140 = vector.shape_cast %swap3A_139 : vector<1000x1x128xf32> to vector<1000x128xf32>
    %swap3A_141 = vector.shape_cast %add3A_135 : vector<1000x128xf32> to vector<1000x1x128xf32>
    tpu.vector_store %arg4[%swap3A_136, %swap3A_137, %swap3A_138], %swap3A_141 {strides = array<i32>} : memref<1000x8x128xf32, #tpu.memory_space<vmem>>, vector<1000x1x128xf32>,
    %get3A_142 = arith.constant 4 : index
    %get3A_143 = arith.constant 0 : index
    %get3A_144 = memref.load %arg3[%get3A_142, %get3A_143] : memref<8x4xf32, #tpu.memory_space<smem>>
    %mul3A_145 = vector.broadcast %get3A_144 : f32 to vector<1000x128xf32>
    %mul3A_146 = arith.mulf %dot_general3A_7, %mul3A_145 : vector<1000x128xf32>
    %get3A_147 = arith.constant 4 : index
    %get3A_148 = arith.constant 1 : index
    %get3A_149 = memref.load %arg3[%get3A_147, %get3A_148] : memref<8x4xf32, #tpu.memory_space<smem>>
    %mul3A_150 = vector.broadcast %get3A_149 : f32 to vector<1000x128xf32>
    %mul3A_151 = arith.mulf %dot_general3A_14, %mul3A_150 : vector<1000x128xf32>
    %add3A_152 = arith.addf %mul3A_146, %mul3A_151 : vector<1000x128xf32>
    %get3A_153 = arith.constant 4 : index
    %get3A_154 = arith.constant 2 : index
    %get3A_155 = memref.load %arg3[%get3A_153, %get3A_154] : memref<8x4xf32, #tpu.memory_space<smem>>
    %mul3A_156 = vector.broadcast %get3A_155 : f32 to vector<1000x128xf32>
    %mul3A_157 = arith.mulf %dot_general3A_21, %mul3A_156 : vector<1000x128xf32>
    %add3A_158 = arith.addf %add3A_152, %mul3A_157 : vector<1000x128xf32>
    %get3A_159 = arith.constant 4 : index
    %get3A_160 = arith.constant 3 : index
    %get3A_161 = memref.load %arg3[%get3A_159, %get3A_160] : memref<8x4xf32, #tpu.memory_space<smem>>
    %mul3A_162 = vector.broadcast %get3A_161 : f32 to vector<1000x128xf32>
    %mul3A_163 = arith.mulf %dot_general3A_28, %mul3A_162 : vector<1000x128xf32>
    %add3A_164 = arith.addf %add3A_158, %mul3A_163 : vector<1000x128xf32>
    %swap3A_165 = arith.constant 0 : index
    %swap3A_166 = arith.constant 4 : index
    %swap3A_167 = arith.constant 0 : index
    %swap3A_168 = vector.load %arg4[%swap3A_165, %swap3A_166, %swap3A_167] : memref<1000x8x128xf32, #tpu.memory_space<vmem>>, vector<1000x1x128xf32>
    %swap3A_169 = vector.shape_cast %swap3A_168 : vector<1000x1x128xf32> to vector<1000x128xf32>
    %swap3A_170 = vector.shape_cast %add3A_164 : vector<1000x128xf32> to vector<1000x1x128xf32>
    tpu.vector_store %arg4[%swap3A_165, %swap3A_166, %swap3A_167], %swap3A_170 {strides = array<i32>} : memref<1000x8x128xf32, #tpu.memory_space<vmem>>, vector<1000x1x128xf32>,
    %get3A_171 = arith.constant 5 : index
    %get3A_172 = arith.constant 0 : index
    %get3A_173 = memref.load %arg3[%get3A_171, %get3A_172] : memref<8x4xf32, #tpu.memory_space<smem>>
    %mul3A_174 = vector.broadcast %get3A_173 : f32 to vector<1000x128xf32>
    %mul3A_175 = arith.mulf %dot_general3A_7, %mul3A_174 : vector<1000x128xf32>
    %get3A_176 = arith.constant 5 : index
    %get3A_177 = arith.constant 1 : index
    %get3A_178 = memref.load %arg3[%get3A_176, %get3A_177] : memref<8x4xf32, #tpu.memory_space<smem>>
    %mul3A_179 = vector.broadcast %get3A_178 : f32 to vector<1000x128xf32>
    %mul3A_180 = arith.mulf %dot_general3A_14, %mul3A_179 : vector<1000x128xf32>
    %add3A_181 = arith.addf %mul3A_175, %mul3A_180 : vector<1000x128xf32>
    %get3A_182 = arith.constant 5 : index
    %get3A_183 = arith.constant 2 : index
    %get3A_184 = memref.load %arg3[%get3A_182, %get3A_183] : memref<8x4xf32, #tpu.memory_space<smem>>
    %mul3A_185 = vector.broadcast %get3A_184 : f32 to vector<1000x128xf32>
    %mul3A_186 = arith.mulf %dot_general3A_21, %mul3A_185 : vector<1000x128xf32>
    %add3A_187 = arith.addf %add3A_181, %mul3A_186 : vector<1000x128xf32>
    %get3A_188 = arith.constant 5 : index
    %get3A_189 = arith.constant 3 : index
    %get3A_190 = memref.load %arg3[%get3A_188, %get3A_189] : memref<8x4xf32, #tpu.memory_space<smem>>
    %mul3A_191 = vector.broadcast %get3A_190 : f32 to vector<1000x128xf32>
    %mul3A_192 = arith.mulf %dot_general3A_28, %mul3A_191 : vector<1000x128xf32>
    %add3A_193 = arith.addf %add3A_187, %mul3A_192 : vector<1000x128xf32>
    %swap3A_194 = arith.constant 0 : index
    %swap3A_195 = arith.constant 5 : index
    %swap3A_196 = arith.constant 0 : index
    %swap3A_197 = vector.load %arg4[%swap3A_194, %swap3A_195, %swap3A_196] : memref<1000x8x128xf32, #tpu.memory_space<vmem>>, vector<1000x1x128xf32>
    %swap3A_198 = vector.shape_cast %swap3A_197 : vector<1000x1x128xf32> to vector<1000x128xf32>
    %swap3A_199 = vector.shape_cast %add3A_193 : vector<1000x128xf32> to vector<1000x1x128xf32>
    tpu.vector_store %arg4[%swap3A_194, %swap3A_195, %swap3A_196], %swap3A_199 {strides = array<i32>} : memref<1000x8x128xf32, #tpu.memory_space<vmem>>, vector<1000x1x128xf32>,
    %get3A_200 = arith.constant 6 : index
    %get3A_201 = arith.constant 0 : index
    %get3A_202 = memref.load %arg3[%get3A_200, %get3A_201] : memref<8x4xf32, #tpu.memory_space<smem>>
    %mul3A_203 = vector.broadcast %get3A_202 : f32 to vector<1000x128xf32>
    %mul3A_204 = arith.mulf %dot_general3A_7, %mul3A_203 : vector<1000x128xf32>
    %get3A_205 = arith.constant 6 : index
    %get3A_206 = arith.constant 1 : index
    %get3A_207 = memref.load %arg3[%get3A_205, %get3A_206] : memref<8x4xf32, #tpu.memory_space<smem>>
    %mul3A_208 = vector.broadcast %get3A_207 : f32 to vector<1000x128xf32>
    %mul3A_209 = arith.mulf %dot_general3A_14, %mul3A_208 : vector<1000x128xf32>
    %add3A_210 = arith.addf %mul3A_204, %mul3A_209 : vector<1000x128xf32>
    %get3A_211 = arith.constant 6 : index
    %get3A_212 = arith.constant 2 : index
    %get3A_213 = memref.load %arg3[%get3A_211, %get3A_212] : memref<8x4xf32, #tpu.memory_space<smem>>
    %mul3A_214 = vector.broadcast %get3A_213 : f32 to vector<1000x128xf32>
    %mul3A_215 = arith.mulf %dot_general3A_21, %mul3A_214 : vector<1000x128xf32>
    %add3A_216 = arith.addf %add3A_210, %mul3A_215 : vector<1000x128xf32>
    %get3A_217 = arith.constant 6 : index
    %get3A_218 = arith.constant 3 : index
    %get3A_219 = memref.load %arg3[%get3A_217, %get3A_218] : memref<8x4xf32, #tpu.memory_space<smem>>
    %mul3A_220 = vector.broadcast %get3A_219 : f32 to vector<1000x128xf32>
    %mul3A_221 = arith.mulf %dot_general3A_28, %mul3A_220 : vector<1000x128xf32>
    %add3A_222 = arith.addf %add3A_216, %mul3A_221 : vector<1000x128xf32>
    %swap3A_223 = arith.constant 0 : index
    %swap3A_224 = arith.constant 6 : index
    %swap3A_225 = arith.constant 0 : index
    %swap3A_226 = vector.load %arg4[%swap3A_223, %swap3A_224, %swap3A_225] : memref<1000x8x128xf32, #tpu.memory_space<vmem>>, vector<1000x1x128xf32>
    %swap3A_227 = vector.shape_cast %swap3A_226 : vector<1000x1x128xf32> to vector<1000x128xf32>
    %swap3A_228 = vector.shape_cast %add3A_222 : vector<1000x128xf32> to vector<1000x1x128xf32>
    tpu.vector_store %arg4[%swap3A_223, %swap3A_224, %swap3A_225], %swap3A_228 {strides = array<i32>} : memref<1000x8x128xf32, #tpu.memory_space<vmem>>, vector<1000x1x128xf32>,
    %get3A_229 = arith.constant 7 : index
    %get3A_230 = arith.constant 0 : index
    %get3A_231 = memref.load %arg3[%get3A_229, %get3A_230] : memref<8x4xf32, #tpu.memory_space<smem>>
    %mul3A_232 = vector.broadcast %get3A_231 : f32 to vector<1000x128xf32>
    %mul3A_233 = arith.mulf %dot_general3A_7, %mul3A_232 : vector<1000x128xf32>
    %get3A_234 = arith.constant 7 : index
    %get3A_235 = arith.constant 1 : index
    %get3A_236 = memref.load %arg3[%get3A_234, %get3A_235] : memref<8x4xf32, #tpu.memory_space<smem>>
    %mul3A_237 = vector.broadcast %get3A_236 : f32 to vector<1000x128xf32>
    %mul3A_238 = arith.mulf %dot_general3A_14, %mul3A_237 : vector<1000x128xf32>
    %add3A_239 = arith.addf %mul3A_233, %mul3A_238 : vector<1000x128xf32>
    %get3A_240 = arith.constant 7 : index
    %get3A_241 = arith.constant 2 : index
    %get3A_242 = memref.load %arg3[%get3A_240, %get3A_241] : memref<8x4xf32, #tpu.memory_space<smem>>
    %mul3A_243 = vector.broadcast %get3A_242 : f32 to vector<1000x128xf32>
    %mul3A_244 = arith.mulf %dot_general3A_21, %mul3A_243 : vector<1000x128xf32>
    %add3A_245 = arith.addf %add3A_239, %mul3A_244 : vector<1000x128xf32>
    %get3A_246 = arith.constant 7 : index
    %get3A_247 = arith.constant 3 : index
    %get3A_248 = memref.load %arg3[%get3A_246, %get3A_247] : memref<8x4xf32, #tpu.memory_space<smem>>
    %mul3A_249 = vector.broadcast %get3A_248 : f32 to vector<1000x128xf32>
    %mul3A_250 = arith.mulf %dot_general3A_28, %mul3A_249 : vector<1000x128xf32>
    %add3A_251 = arith.addf %add3A_245, %mul3A_250 : vector<1000x128xf32>
    %swap3A_252 = arith.constant 0 : index
    %swap3A_253 = arith.constant 7 : index
    %swap3A_254 = arith.constant 0 : index
    %swap3A_255 = vector.load %arg4[%swap3A_252, %swap3A_253, %swap3A_254] : memref<1000x8x128xf32, #tpu.memory_space<vmem>>, vector<1000x1x128xf32>
    %swap3A_256 = vector.shape_cast %swap3A_255 : vector<1000x1x128xf32> to vector<1000x128xf32>
    %swap3A_257 = vector.shape_cast %add3A_251 : vector<1000x128xf32> to vector<1000x1x128xf32>
    tpu.vector_store %arg4[%swap3A_252, %swap3A_253, %swap3A_254], %swap3A_257 {strides = array<i32>} : memref<1000x8x128xf32, #tpu.memory_space<vmem>>, vector<1000x1x128xf32>,
    return
  }
  func.func @transform_0(%arg0: i32) -> (i32, i32) {
    %c0_i32 = arith.constant 0 : i32
    %c0_i32_0 = arith.constant 0 : i32
    return %arg0, %c0_i32 : i32, i32
  }
  func.func @transform_1(%arg0: i32) -> (i32, i32, i32) {
    %c0_i32 = arith.constant 0 : i32
    %c0_i32_0 = arith.constant 0 : i32
    %c0_i32_1 = arith.constant 0 : i32
    %c0_i32_2 = arith.constant 0 : i32
    return %c0_i32, %c0_i32_0, %c0_i32_1 : i32, i32, i32
  }
  func.func @transform_2(%arg0: i32) -> (i32, i32) {
    %c0_i32 = arith.constant 0 : i32
    %c0_i32_0 = arith.constant 0 : i32
    %c0_i32_1 = arith.constant 0 : i32
    return %c0_i32, %c0_i32_0 : i32, i32
  }
  func.func @transform_3(%arg0: i32) -> (i32, i32, i32) {
    %c0_i32 = arith.constant 0 : i32
    %c0_i32_0 = arith.constant 0 : i32
    %c0_i32_1 = arith.constant 0 : i32
    return %arg0, %c0_i32, %c0_i32_0 : i32, i32, i32
  }
}

module attributes {stable_mosaic.version = 14 : i64} {
  func.func @_self_body(%arg0: i32, %arg1: memref<1000x128xf32, #tpu.memory_space<vmem>>, %arg2: memref<128x128xf32, #tpu.memory_space<vmem>>, %arg3: memref<1x128xf32, #tpu.memory_space<vmem>>, %arg4: memref<1000x128xf32, #tpu.memory_space<vmem>>) attributes {dimension_semantics = [#tpu.dimension_semantics<arbitrary>], iteration_bounds = array<i64: 10>, scalar_prefetch = 0 : i64, scratch_operands = 0 : i64, tpu.core_type = #tpu.core_type<tc>, window_params = [{transform_indices = @transform_0, window_bounds = array<i64: 1000, 128>}, {pipeline_mode = #tpu.pipeline_mode<synchronous>, transform_indices = @transform_1, window_bounds = array<i64: 128, 128>}, {pipeline_mode = #tpu.pipeline_mode<synchronous>, transform_indices = @transform_2, window_bounds = array<i64: 1, 128>}, {transform_indices = @transform_3, window_bounds = array<i64: 1000, 128>}]} {
    %get3A = arith.constant 0 : index
    %get3A_0 = arith.constant 0 : index
    %get3A_1 = vector.load %arg1[%get3A, %get3A_0] : memref<1000x128xf32, #tpu.memory_space<vmem>>, vector<1000x128xf32>
    %get3A_2 = arith.constant 0 : index
    %get3A_3 = arith.constant 0 : index
    %get3A_4 = vector.load %arg2[%get3A_2, %get3A_3] : memref<128x128xf32, #tpu.memory_space<vmem>>, vector<128x128xf32>
    %dot_general3A = arith.constant dense<0.000000e+00> : vector<1000x128xf32>
    %dot_general3A_5 = tpu.matmul %get3A_1, %get3A_4, %dot_general3A {dimension_numbers = #tpu.dot_dimension_numbers<[1], [0], [0], [1], [0, 0, 1, 1], [], []>, transpose_lhs_hint = false} : vector<1000x128xf32>, vector<128x128xf32>, vector<1000x128xf32> -> vector<1000x128xf32>
    %get3A_6 = arith.constant 0 : index
    %get3A_7 = arith.constant 0 : index
    %get3A_8 = vector.load %arg3[%get3A_6, %get3A_7] : memref<1x128xf32, #tpu.memory_space<vmem>>, vector<1x128xf32>
    %add3A = vector.broadcast %get3A_8 : vector<1x128xf32> to vector<1000x128xf32>
    %add3A_9 = arith.addf %dot_general3A_5, %add3A : vector<1000x128xf32>
    %swap3A = arith.constant 0 : index
    %swap3A_10 = arith.constant 0 : index
    %swap3A_11 = vector.load %arg4[%swap3A, %swap3A_10] : memref<1000x128xf32, #tpu.memory_space<vmem>>, vector<1000x128xf32>
    tpu.vector_store %arg4[%swap3A, %swap3A_10], %add3A_9 {strides = array<i32>} : memref<1000x128xf32, #tpu.memory_space<vmem>>, vector<1000x128xf32>,
    return
  }
  func.func @transform_0(%arg0: i32) -> (i32, i32) {
    %c0_i32 = arith.constant 0 : i32
    %c0_i32_0 = arith.constant 0 : i32
    return %arg0, %c0_i32 : i32, i32
  }
  func.func @transform_1(%arg0: i32) -> (i32, i32) {
    %c0_i32 = arith.constant 0 : i32
    %c0_i32_0 = arith.constant 0 : i32
    %c0_i32_1 = arith.constant 0 : i32
    return %c0_i32, %c0_i32_0 : i32, i32
  }
  func.func @transform_2(%arg0: i32) -> (i32, i32) {
    %c0_i32 = arith.constant 0 : i32
    %c0_i32_0 = arith.constant 0 : i32
    %c0_i32_1 = arith.constant 0 : i32
    return %c0_i32, %c0_i32_0 : i32, i32
  }
  func.func @transform_3(%arg0: i32) -> (i32, i32) {
    %c0_i32 = arith.constant 0 : i32
    %c0_i32_0 = arith.constant 0 : i32
    return %arg0, %c0_i32 : i32, i32
  }
}

module attributes {stable_mosaic.version = 14 : i64} {
  func.func @_add_body(%arg0: i32, %arg1: memref<1000x128xf32, #tpu.memory_space<vmem>>, %arg2: memref<1000x128xf32, #tpu.memory_space<vmem>>, %arg3: memref<1000x128xf32, #tpu.memory_space<vmem>>) attributes {dimension_semantics = [#tpu.dimension_semantics<arbitrary>], iteration_bounds = array<i64: 10>, scalar_prefetch = 0 : i64, scratch_operands = 0 : i64, tpu.core_type = #tpu.core_type<tc>, window_params = [{transform_indices = @transform_0, window_bounds = array<i64: 1000, 128>}, {transform_indices = @transform_1, window_bounds = array<i64: 1000, 128>}, {transform_indices = @transform_2, window_bounds = array<i64: 1000, 128>}]} {
    %get3A = arith.constant 0 : index
    %get3A_0 = arith.constant 0 : index
    %get3A_1 = vector.load %arg1[%get3A, %get3A_0] : memref<1000x128xf32, #tpu.memory_space<vmem>>, vector<1000x128xf32>
    %get3A_2 = arith.constant 0 : index
    %get3A_3 = arith.constant 0 : index
    %get3A_4 = vector.load %arg2[%get3A_2, %get3A_3] : memref<1000x128xf32, #tpu.memory_space<vmem>>, vector<1000x128xf32>
    %add3A = arith.addf %get3A_1, %get3A_4 : vector<1000x128xf32>
    %swap3A = arith.constant 0 : index
    %swap3A_5 = arith.constant 0 : index
    %swap3A_6 = vector.load %arg3[%swap3A, %swap3A_5] : memref<1000x128xf32, #tpu.memory_space<vmem>>, vector<1000x128xf32>
    tpu.vector_store %arg3[%swap3A, %swap3A_5], %add3A {strides = array<i32>} : memref<1000x128xf32, #tpu.memory_space<vmem>>, vector<1000x128xf32>,
    return
  }
  func.func @transform_0(%arg0: i32) -> (i32, i32) {
    %c0_i32 = arith.constant 0 : i32
    %c0_i32_0 = arith.constant 0 : i32
    return %arg0, %c0_i32 : i32, i32
  }
  func.func @transform_1(%arg0: i32) -> (i32, i32) {
    %c0_i32 = arith.constant 0 : i32
    %c0_i32_0 = arith.constant 0 : i32
    return %arg0, %c0_i32 : i32, i32
  }
  func.func @transform_2(%arg0: i32) -> (i32, i32) {
    %c0_i32 = arith.constant 0 : i32
    %c0_i32_0 = arith.constant 0 : i32
    return %arg0, %c0_i32 : i32, i32
  }
}

</mosaic_0001>

<sc_bundles>
// kernel: kernel.6.cloned.1.call-start
scs
__scs_entry_jumppad:
0x0: {  	(pc) =	sbr.rel $0x88, $3  }
0x1: {  	(tag) =	ssettag $0x0;
	lr =	simm.s32 $0x1  }
0x2: {  	[smem:$0x3F99] =	sst lr;
	_ =	strace $0xD0000000  }
0x3: {  	_ = 	snop  }
0x4: {  	_ = 	snop  }
0x5: {  	_ = 	snop  }
0x6: {  	_ = 	snop  }
0x7: {  	_ = 	snop  }
__scs_overlays_trampoline_lowered:
0x8: {  	[smem:$0x3FA8] =	sst s0  }
0x9: {  	[smem:$0x3FA9] =	sst s1  }
0xa: {  	[smem:$0x3FAA] =	sst s2  }
0xb: {  	[smem:$0x3FAB] =	sst s3  }
0xc: {  	[smem:$0x3FAC] =	sst s4  }
0xd: {  	[smem:$0x3FAD] =	sst s5  }
0xe: {  	[smem:$0x3FAE] =	sst s6  }
0xf: {  	[smem:$0x3FAF] =	sst s7  }
0x10: {  	[smem:$0x3FB0] =	sst s8  }
0x11: {  	[smem:$0x3FB1] =	sst s9;
	s0 =	simm.s32 @!p0 $0x0  }
0x12: {  	s1 =	sld [smem:$0x3F97];
	s0 =	simm.s32 @p0 $0x1  }
0x13: {  	[smem:$0x3FB2] =	sst s0;
	s0 =	simm.s32 @!p1 $0x0  }
0x14: {  	s2 =	sld [smem:$0x3F96];
	s0 =	simm.s32 @p1 $0x1  }
0x15: {  	[smem:$0x3FB3] =	sst s0;
	s0 =	simm.s32 @!p2 $0x0  }
0x16: {  	s3 =	sld [smem:$0x3FDB];
	s0 =	simm.s32 @p2 $0x1  }
0x17: {  	s4 =	simm.s32 $0x1BF5;
	[smem:$0x3FB5] =	sst s0  }
0x18: {  	s0 =	sld [smem:$0x3F98];
	_ =	swait.ge [sflag:s4], $0x0  }
0x19: {  	s7 =	sld [smem:$0x3F99]  }
0x1a: {  	s8 =	sadd.s32 $0xFFFFE003, lr  }
0x1b: {  	s9 =	sadd.s32 $0xFFFFFEF7, lr;
	s5 =	simm.s32 $0xFFFFFFFF;
	p2 =	slt.u32 s8, $0xFFFFF086  }
0x1c: {  	p1 =	slt.u32 s9, $0xF7A;
	s5 =	simm.s32 @!p2 $0x0  }
0x1d: {  	s5 =	simm.s32 @p1 $0x1;
	p0 =	seq.s32 s7, s2  }
0x1e: {  	s7 =	smul.u32 @!p0 $0xF7A, s2;
	p2 =	seq.s32 @!p0 s5, $0x0  }
0x1f: {  	s9 =	smul.u32 $0xF7A, s1;
	s8 =	simm.s32 @!p0 $0x1BF5;
	p2 =	por !p2, p0  }
0x20: {  	[sflag:s8] =	ssyncset.s32 @!p0 $0xFFFFF086;
	s6 =	sadd.s32 @!p0 s3, s7;
	s7 =	simm.s32 @!p0 $0x108  }
0x21: {  	s3 =	sadd.s32 s3, s9;
	s6 =	sadd.s32 @!p0 $0x88, s6;
	s7 =	simm.s32 @p2 $0x1082  }
0x22: {  	[simem:s7], [sflag:s8] =	dma.local @!p0 [hbm:s6], $0xF7A  }
0x23: {  	s9 =	sor.u32 $0xD0000000, s2;
	s6 =	simm.s32 $0x108;
	_ =	swait.ge @!p0 [sflag:s8], $0x0  }
0x24: {  	s3 =	sadd.s32 $0x88, s3;
	s6 =	simm.s32 @!p1 $0x1082;
	[sflag:s4] =	ssyncset.s32 $0xFFFFF086  }
0x25: {  	[simem:s6], [sflag:s4] =	dma.local [hbm:s3], $0xF7A  }
0x26: {  	[smem:$0x3F99] =	sst s1;
	(tag) =	ssettag s2;
	_ =	strace s9  }
0x27: {  	s1 =	sld [smem:$0x3FA9]  }
0x28: {  	s2 =	sld [smem:$0x3FAA]  }
0x29: {  	s4 =	sld [smem:$0x3FAC]  }
0x2a: {  	p0 =	seq.s32 s5, $0x0;
	s5 =	sld [smem:$0x3FAD]  }
0x2b: {  	s6 =	sld [smem:$0x3FAE]  }
0x2c: {  	s7 =	sld [smem:$0x3FAF]  }
0x2d: {  	s3 =	simm.s32 $0x108;
	s8 =	sld [smem:$0x3FB0]  }
0x2e: {  	s3 =	simm.s32 @!p0 $0x1082;
	s9 =	sld [smem:$0x3FB1]  }
0x2f: {  	lr =	sadd.s32 s0, s3;
	s0 =	sld [smem:$0x3FA8]  }
0x30: {  	s3 =	sld [smem:$0x3FAB]  }
0x31: {  	[smem:$0x3FB4] =	sst s10  }
0x32: {  	s10 =	sld [smem:$0x3FB2];
	_ =	sdelay $0x3  }
0x33: {  	p0 =	seq.s32 s10, $0x1;
	s10 =	sld [smem:$0x3FB4];
	_ =	sdelay $0x3  }
0x34: {  	[smem:$0x3FB4] =	sst s10  }
0x35: {  	s10 =	sld [smem:$0x3FB3];
	_ =	sdelay $0x3  }
0x36: {  	p1 =	seq.s32 s10, $0x1;
	s10 =	sld [smem:$0x3FB4];
	_ =	sdelay $0x3  }
0x37: {  	[smem:$0x3FB4] =	sst s10  }
0x38: {  	s10 =	sld [smem:$0x3FB5]  }
0x39: {  	_ = 	snop;
	(pc) =	sbr.ind lr, $3  }
0x3a: {  	_ = 	snop  }
0x3b: {  	_ = 	snop  }
0x3c: {  	p2 =	seq.s32 s10, $0x1;
	s10 =	sld [smem:$0x3FB4]  }
0x3d: {  	_ =	shalt  }
0x3e: {  	_ =	shalt  }
0x3f: {  	_ =	shalt  }
0x40: {  	_ =	shalt  }
0x41: {  	_ =	shalt  }
0x42: {  	_ =	shalt  }
0x43: {  	_ =	shalt  }
0x44: {  	_ =	shalt  }
0x45: {  	_ =	shalt  }
0x46: {  	_ =	shalt  }
0x47: {  	_ =	shalt  }
0x48: {  	_ =	shalt  }
0x49: {  	_ =	shalt  }
0x4a: {  	_ =	shalt  }
0x4b: {  	_ =	shalt  }
0x4c: {  	_ =	shalt  }
0x4d: {  	_ =	shalt  }
0x4e: {  	_ =	shalt  }
0x4f: {  	_ =	shalt  }
0x50: {  	_ =	shalt  }
0x51: {  	_ =	shalt  }
0x52: {  	_ =	shalt  }
0x53: {  	_ =	shalt  }
0x54: {  	_ =	shalt  }
0x55: {  	_ =	shalt  }
0x56: {  	_ =	shalt  }
0x57: {  	_ =	shalt  }
0x58: {  	_ =	shalt  }
0x59: {  	_ =	shalt  }
0x5a: {  	_ =	shalt  }
0x5b: {  	_ =	shalt  }
0x5c: {  	_ =	shalt  }
0x5d: {  	_ =	shalt  }
0x5e: {  	_ =	shalt  }
0x5f: {  	_ =	shalt  }
0x60: {  	_ =	shalt  }
0x61: {  	_ =	shalt  }
0x62: {  	_ =	shalt  }
0x63: {  	_ =	shalt  }
0x64: {  	_ =	shalt  }
0x65: {  	_ =	shalt  }
0x66: {  	_ =	shalt  }
0x67: {  	_ =	shalt  }
0x68: {  	_ =	shalt  }
0x69: {  	_ =	shalt  }
0x6a: {  	_ =	shalt  }
0x6b: {  	_ =	shalt  }
0x6c: {  	_ =	shalt  }
0x6d: {  	_ =	shalt  }
0x6e: {  	_ =	shalt  }
0x6f: {  	_ =	shalt  }
0x70: {  	_ =	shalt  }
0x71: {  	_ =	shalt  }
0x72: {  	_ =	shalt  }
0x73: {  	_ =	shalt  }
0x74: {  	_ =	shalt  }
0x75: {  	_ =	shalt  }
0x76: {  	_ =	shalt  }
0x77: {  	_ =	shalt  }
0x78: {  	_ =	shalt  }
0x79: {  	_ =	shalt  }
0x7a: {  	_ =	shalt  }
0x7b: {  	_ =	shalt  }
0x7c: {  	_ =	shalt  }
0x7d: {  	_ =	shalt  }
0x7e: {  	_ =	shalt  }
0x7f: {  	_ =	shalt  }
0x80: {  	_ =	shalt  }
0x81: {  	_ =	shalt  }
0x82: {  	_ =	shalt  }
0x83: {  	_ =	shalt  }
0x84: {  	_ =	shalt  }
0x85: {  	_ =	shalt  }
0x86: {  	_ =	shalt  }
0x87: {  	_ =	shalt  }
.Lfunc_end0:
.L_simem_size_0:
called_computation_lowered:
.L_overlay_start_0:
0x88: {  	s2 =	sld [smem:$0x3FD9]  }
0x89: {  	s3 =	sld [smem:$0x3FFE];
	_ =	sdelay $0x1  }
0x8a: {  	s1 =	srdreg.scid  }
0x8b: {  	s0 =	sand.u32 $0x1, s1  }
0x8c: {  	s17 =	sshll.u32 s0, $0xA;
	s2 =	sadd.s32 s3, s2  }
0x8d: {  	s2 =	sadd.s32 s2, s17  }
0x8e: {  	[smem:$0x3FC0] =	sst s2  }
0x8f: {  	_ = 	snop  }
0x90: {  	s2 =	sld [smem:$0x3FD0];
	(tm) =	ssettm $0x1  }
0x91: {  	s18 =	sld [smem:$0x3FFB];
	_ =	sdelay $0x3  }
0x92: {  	_ =	strace s18  }
0x93: {  	s3 =	sld [smem:$0x3FFC];
	_ =	sdelay $0x3  }
0x94: {  	_ =	strace s3  }
0x95: {  	s3 =	sld [smem:$0x3FFD];
	_ =	sdelay $0x3  }
0x96: {  	_ =	strace s3  }
0x97: {  	_ =	strace $0x8FFFFFFF  }
0x98: {  	s19 =	sld [smem:$0x3FDB];
	_ =	sdelay $0x1  }
0x99: {  	s4 =	simm.s32 $_scs_section_size  }
0x9a: {  	s5 =	simm.s32 $_size__tile_overlayer_lowered;
	s6 =	simm.s32 $_tile_overlayer_lowered  }
0x9b: {  	s22 =	simm.s32 $0x1BFF;
	s21 =	sshll.u32 s6, $0x1;
	s3 =	sadd.s32 s4, s19  }
0x9c: {  	s7 =	simm.s32 $0x0;
	s20 =	sshll.u32 s5, $0x1;
	s5 =	sadd.s32 s21, s3  }
0x9d: {  	[timem:s7], [sflag:s22] =	dma.local [hbm:s5], s20  }
0x9e: {  	_ =	swait.ge [sflag:s22], s20  }
0x9f: {  	s4 =	ssub.s32 $0x0, s20;
	[sflag:s22] =	ssyncset.done $0x0  }
0xa0: {  	[sflag:s22] =	ssyncadd.s32 s4;
	_ =	sdelay $0x1  }
0xa1: {  	s23 =	simm.s32 $0x1B8B  }
0xa2: {  	_ =	swait.ge [sflag:s23], $0x1  }
0xa3: {  	[sflag:s23] =	ssyncset.done $0x0  }
0xa4: {  	s25 =	simm.s32 $0x1B8E;
	s24 =	sld [smem:$0x3FFE];
	[sflag:s23] =	ssyncadd.s32 $0xFFFFFFFF  }
0xa5: {  	s26 =	simm.s32 $execute0_lowered;
	[smem:$0x3FD2] =	sst s25  }
0xa6: {  	s5 =	sshll.u32 s26, $0x1;
	_ =	strace $0x80000046;
	[dreg:$0x1] =	wrdreg $0xFFFFFFFF  }
0xa7: {  	s28 =	simm.s32 $_size_execute0_lowered;
	s3 =	sadd.s32 s3, s5;
	[dreg:$0x0] =	wrdreg $0x0  }
0xa8: {  	s5 =	sshll.u32 s28, $0x1;
	[dreg:$0x2] =	wrdreg s3  }
0xa9: {  	[dreg:$0x3] =	wrdreg s5  }
0xaa: {  	[dreg:$0x4] =	wrdreg $0xC0  }
0xab: {  	_ =	task [dreg:s7], $0x5FFFF  }
0xac: {  	[dreg:$0x1] =	wrdreg $0xFFFFFFFF  }
0xad: {  	[dreg:$0x0] =	wrdreg $0x60  }
0xae: {  	[dreg:$0x2] =	wrdreg s24  }
0xaf: {  	[dreg:$0x3] =	wrdreg s2  }
0xb0: {  	[dreg:$0x4] =	wrdreg $0x148000  }
0xb1: {  	[dreg:$0x5] =	wrdreg $0x9  }
0xb2: {  	_ =	task.clear_ibuf [dreg:s7], $0x6FFFF;
	_ =	strace $0x90000046  }
0xb3: {  	s29 =	simm.s32 $0x9;
	_ =	strace $0x80000048  }
0xb4: {  	_ =	swait.ge [sflag:s29], $0x1  }
0xb5: {  	[sflag:s29] =	ssyncadd.s32 $0xFFFFFFFF  }
0xb6: {  	_ =	strace $0x90000048  }
0xb7: {  	_ =	sfence  }
0xb8: {  	s30 =	sld [smem:$0x0];
	_ =	sdelay $0x2  }
0xb9: {  	s31 =	sshll.u32 s1, $0xD;
	s1 =	sshrl.u32 s1, $0x2  }
0xba: {  	s3 =	sand.u32 $0x4000, s31;
	s1 =	sadd.s32 s1, s30  }
0xbb: {  	s0 =	sor.u32 s3, s0;
	s1 =	sshll.u32 s1, $0x11  }
0xbc: {  	s0 =	sor.u32 s1, s0  }
0xbd: {  	s0 =	sadd.s32 $0x8F2B, s0  }
0xbe: {  	[sflag:s0] =	ssyncadd.remote.s32 $0x1  }
0xbf: {  	_ =	sfence.sel $0xFFFF  }
0xc0: {  	[dreg:$0x0] =	wrdreg $0xFFFFFFFF;
	(pc) =	sbr.abs _section_cstart, $3  }
0xc1: {  	[dreg:$0x1] =	wrdreg $0xFFFFFFFF  }
0xc2: {  	_ =	task.clear_ibuf [dreg:s7], $0x2FFFF;
	_ =	strace $0x9FFFFFFF  }
0xc3: {  	(tm) =	ssettm $0x7FFFFFFF  }
tec
execute0_lowered:
.L_overlay_start_1:
0x0: {  	(tag) =	ssettag $0x1  }
0x1: {  	s0 =	rddreg [dreg:$0x0]  }
0x2: {  	s1 =	rddreg [dreg:$0x1]  }
0x3: {  	s2 =	rddreg [dreg:$0x2];
	s18 =	stileid.u32  }
0x4: {  	s3 =	simm.s32 $0x0;
	s5 =	srdreg.scid;
	s10 =	smul.u32 $0x500, s18  }
0x5: {  	s29 =	simm.s32 $0xE800;
	s31 =	simm.s32 $0x10800;
	s7 =	smul.u32 $0x280, s18  }
0x6: {  	[smem:$0x7FF] =	sst s3;
	s4 =	sadd.s32 $0xF600, s0;
	s6 =	smul.u32 $0x28000, s18  }
0x7: {  	s11 =	sand.u32 $0x1, s5;
	s18 =	smul.u32 $0x14000, s18;
	_ =	strace $0x80000047  }
0x8: {  	s5 =	ssub.s32 $0x2, s11;
	s30 =	sshll.u32 s11, $0x6;
	s12 =	sadd.s32 s10, s0  }
0x9: {  	s0 =	sadd.s32 $0x147E00, s0;
	s8 =	sshrl.u32 s5, $0x1;
	s13 =	sadd.s32 $0x80, s7  }
0xa: {  	s24 =	sshrl.u32 s6, $0x2;
	s15 =	sadd.s32 $0x100, s7;
	s16 =	sadd.s32 $0x180, s7  }
0xb: {  	s17 =	sadd.s32 $0x200, s7;
	s1 =	sadd.s32 s1, s10;
	s21 =	sor.u32 s30, s18  }
0xc: {  	s14 =	ssub.s32 s5, s8;
	s25 =	sshll.u32 s13, $0x6;
	s5 =	sadd.s32 s24, s2  }
0xd: {  	s26 =	sshll.u32 s15, $0x6;
	s28 =	sshll.u32 s16, $0x6;
	s9 =	sshll.u32 s17, $0x6  }
0xe: {  	[dreg:$0x4] =	wrdreg s1;
	s19 =	sshll.u32 s13, $0x7;
	s20 =	sadd.s32 $0x5600, s12  }
0xf: {  	s22 =	sadd.s32 $0x600, s12;
	s13 =	sshrl.u32 s21, $0x3;
	s12 =	sadd.s32 $0xA600, s12  }
0x10: {  	s24 =	sshll.u32 s15, $0x7;
	s21 =	simm.s32 $0x5;
	s6 =	sadd.s32 s25, s2  }
0x11: {  	s7 =	sadd.s32 s26, s2;
	s8 =	sadd.s32 s28, s2;
	[dreg:$0x5] =	wrdreg s20  }
0x12: {  	s9 =	sadd.s32 s9, s2;
	s10 =	sor.u32 s30, s19;
	[dreg:$0x6] =	wrdreg s22  }
0x13: {  	[dreg:$0x7] =	wrdreg s12;
	s23 =	sadd.s32 s0, s13;
	s25 =	sshll.u32 s16, $0x7  }
0x14: {  	s26 =	sshll.u32 s17, $0x7;
	s20 =	simm.s32 $0xC800;
	s22 =	simm.s32 $0x2  }
0x15: {  	s10 =	sshrl.u32 s10, $0x3;
	[dreg:$0x8] =	wrdreg s23;
	s12 =	sor.u32 s30, s25  }
0x16: {  	s1 =	sor.u32 s30, s26;
	s25 =	simm.s32 $0x80;
	s23 =	simm.s32 $0x3  }
0x17: {  	s26 =	simm.s32 $0x40;
	s10 =	sadd.s32 s0, s10;
	s12 =	sshrl.u32 s12, $0x3  }
0x18: {  	[dreg:$0x9] =	wrdreg s10;
	s10 =	sor.u32 s30, s24;
	s28 =	sadd.s32 s0, s12  }
0x19: {  	s30 =	smax.u32 s14, $0x1;
	s10 =	sshrl.u32 s10, $0x3;
	[dreg:$0xb] =	wrdreg s28  }
0x1a: {  	s1 =	sshrl.u32 s1, $0x3;
	[dreg:$0xd] =	wrdreg s30;
	s10 =	sadd.s32 s0, s10  }
0x1b: {  	s24 =	simm.s32 $0x4;
	s0 =	sadd.s32 s0, s1;
	[dreg:$0xa] =	wrdreg s10  }
0x1c: {  	v1 =	vimm.f32 $0.0e+00;
	v0 =	vmov s11;
	s1 =	simm.s32 $0x1;
	[dreg:$0xc] =	wrdreg s0;
	s0 =	simm.s32 $0x12800  }
.LBB2_1:
0x1d: {  	s11 =	simm.s32 $0x100;
	s10 =	simm.s32 $0x0  }
.LBB2_2:
0x1e: {  	p0 =	sne.s32 s11, $0x7F00;
	[tilespmem:s10+$0xC830] =	vst v1;
	s12 =	smov.u32 s11;
	s11 =	sadd.s32 $0x100, s11  }
.Ltmp0:
0x1f: {  	[tilespmem:s10+$0xC820] =	vst v1;
	(pc) =	sbr.rel @p0 .LBB2_2-.Ltmp0, $3  }
0x20: {  	[tilespmem:s10+$0xC800] =	vst v1  }
0x21: {  	[tilespmem:s10+$0xC810] =	vst v1;
	_ =	sdelay $0x1  }
0x22: {  	s10 =	sshra.s32 s12, $0x2  }
0x23: {  	[tilespmem:s10+$0xC830] =	vst v1  }
0x24: {  	[tilespmem:s10+$0xC820] =	vst v1  }
0x25: {  	[tilespmem:s10+$0xC800] =	vst v1  }
0x26: {  	[tilespmem:s10+$0xC810] =	vst v1  }
0x27: {  	[spmem:s5] =	stream.linear.scatter [tilespmem:s20], [sflag:$0x5], $0x2000, $0x38;
	[tilespmem:$0x1E800] =	vst v63  }
0x28: {  	_ =	swait.ge [sflag:s21], $0x2000  }
0x29: {  	[sflag:s21] =	ssyncset.done $0x0  }
0x2a: {  	[sflag:s21] =	ssyncadd.s32 $0xFFFFE000  }
0x2b: {  	[spmem:s6] =	stream.linear.scatter [tilespmem:s20], [sflag:$0x5], $0x2000, $0x38;
	[tilespmem:$0x1E800] =	vst v63  }
0x2c: {  	_ =	swait.ge [sflag:s21], $0x2000  }
0x2d: {  	[sflag:s21] =	ssyncset.done $0x0  }
0x2e: {  	[sflag:s21] =	ssyncadd.s32 $0xFFFFE000  }
0x2f: {  	[spmem:s7] =	stream.linear.scatter [tilespmem:s20], [sflag:$0x5], $0x2000, $0x38;
	[tilespmem:$0x1E800] =	vst v63  }
0x30: {  	_ =	swait.ge [sflag:s21], $0x2000  }
0x31: {  	[sflag:s21] =	ssyncset.done $0x0  }
0x32: {  	[sflag:s21] =	ssyncadd.s32 $0xFFFFE000  }
0x33: {  	[spmem:s8] =	stream.linear.scatter [tilespmem:s20], [sflag:$0x5], $0x2000, $0x38;
	[tilespmem:$0x1E800] =	vst v63  }
0x34: {  	_ =	swait.ge [sflag:s21], $0x2000  }
0x35: {  	[sflag:s21] =	ssyncset.done $0x0  }
0x36: {  	[sflag:s21] =	ssyncadd.s32 $0xFFFFE000  }
0x37: {  	[spmem:s9] =	stream.linear.scatter [tilespmem:s20], [sflag:$0x5], $0x2000, $0x38;
	[tilespmem:$0x1E800] =	vst v63  }
0x38: {  	_ =	swait.ge [sflag:s21], $0x2000  }
0x39: {  	[sflag:s21] =	ssyncset.done $0x0  }
0x3a: {  	s16 =	simm.s32 $0x0;
	s11 =	rddreg [dreg:$0x4];
	[sflag:s21] =	ssyncadd.s32 $0xFFFFE000  }
0x3b: {  	[tilespmem:s16], [sflag:$0x5] =	stream.linear.gather [hbm4b:s11+s16], $0x2800, $0x38;
	[tilespmem:$0x1E800] =	vst v63  }
0x3c: {  	_ =	swait.ge [sflag:s21], $0x2800  }
0x3d: {  	[sflag:s21] =	ssyncset.done $0x0  }
0x3e: {  	s12 =	simm.s32 $0x2800;
	s17 =	rddreg [dreg:$0x5];
	[sflag:s21] =	ssyncadd.s32 $0xFFFFD800  }
0x3f: {  	[tilespmem:s12], [sflag:$0x5] =	stream.linear.gather [hbm4b:s17+s16], $0x2800, $0x38;
	[tilespmem:$0x1E800] =	vst v63  }
0x40: {  	_ =	swait.ge [sflag:s21], $0x2800  }
0x41: {  	[sflag:s21] =	ssyncset.done $0x0  }
0x42: {  	s19 =	simm.s32 $0x5000;
	s18 =	rddreg [dreg:$0x6];
	[sflag:s21] =	ssyncadd.s32 $0xFFFFD800  }
0x43: {  	[tilespmem:s19], [sflag:$0x5] =	stream.linear.gather [hbm4b:s18+s16], $0x2800, $0x38;
	[tilespmem:$0x1E800] =	vst v63  }
0x44: {  	_ =	swait.ge [sflag:s21], $0x2800  }
0x45: {  	[sflag:s21] =	ssyncset.done $0x0  }
0x46: {  	s30 =	simm.s32 $0x7800;
	s28 =	rddreg [dreg:$0x7];
	[sflag:s21] =	ssyncadd.s32 $0xFFFFD800  }
0x47: {  	[tilespmem:s30], [sflag:$0x5] =	stream.linear.gather [hbm4b:s28+s16], $0x2800, $0x38;
	[tilespmem:$0x1E800] =	vst v63  }
0x48: {  	_ =	swait.ge [sflag:s21], $0x2800  }
0x49: {  	[sflag:s21] =	ssyncset.done $0x0  }
0x4a: {  	s10 =	simm.s32 $0x0;
	[sflag:s21] =	ssyncadd.s32 $0xFFFFD800  }
0x4b: {  	v2 =	vld [tilespmem:s10+$0x70]  }
0x4c: {  	v3 =	vld [tilespmem:s10+$0x2870]  }
0x4d: {  	v4 =	vld [tilespmem:s10+$0x0]  }
0x4e: {  	v5 =	vld [tilespmem:s10+$0x2800]  }
0x4f: {  	v6 =	vld [tilespmem:s10+$0x10]  }
0x50: {  	v7 =	vld [tilespmem:s10+$0x2810]  }
0x51: {  	v8 =	vld [tilespmem:s10+$0x20]  }
0x52: {  	v9 =	vld [tilespmem:s10+$0x2820];
	v2 =	vshll.u32 v2, $0x4;
	v3 =	vshll.u32 v3, $0x1  }
0x53: {  	v10 =	vld [tilespmem:s10+$0x30];
	v2 =	vadd.s32 v2, v3;
	v3 =	vshll.u32 v4, $0x4;
	v4 =	vshll.u32 v5, $0x1  }
0x54: {  	v11 =	vld [tilespmem:s10+$0x2830];
	v2 =	vor.u32 v0, v2;
	v3 =	vadd.s32 v3, v4  }
0x55: {  	v12 =	vld [tilespmem:s10+$0x40];
	v4 =	vshll.u32 v7, $0x1;
	[tilespmem:s10+$0xA070] =	vst v2;
	v2 =	vor.u32 v0, v3;
	v3 =	vshll.u32 v6, $0x4  }
0x56: {  	v13 =	vld [tilespmem:s10+$0x2840];
	[tilespmem:s10+$0xA000] =	vst v2;
	v2 =	vadd.s32 v3, v4  }
0x57: {  	v5 =	vshll.u32 v9, $0x1;
	v3 =	vld [tilespmem:s10+$0x50];
	v4 =	vshll.u32 v8, $0x4;
	v2 =	vor.u32 v0, v2  }
0x58: {  	[tilespmem:s10+$0xA010] =	vst v2;
	v2 =	vadd.s32 v4, v5;
	v5 =	vld [tilespmem:s10+$0x2850]  }
0x59: {  	v7 =	vshll.u32 v11, $0x1;
	v6 =	vshll.u32 v10, $0x4;
	v4 =	vld [tilespmem:s10+$0x60];
	v2 =	vor.u32 v0, v2  }
0x5a: {  	s11 =	simm.s32 $0x80;
	v8 =	vadd.s32 v6, v7;
	v6 =	vld [tilespmem:s10+$0x2860];
	[tilespmem:s10+$0xA020] =	vst v2  }
0x5b: {  	s12 =	simm.s32 $0x400;
	v9 =	vshll.u32 v13, $0x1;
	v7 =	vshll.u32 v12, $0x4;
	v8 =	vor.u32 v0, v8;
	v2 =	vld [tilespmem:s11+$0x70]  }
.LBB2_4:
0x5c: {  	p0 =	sne.s32 s12, $0x9E00;
	v10 =	vld [tilespmem:s11+$0x2870];
	[tilespmem:s10+$0xA030] =	vst v8;
	v7 =	vadd.s32 v7, v9;
	v3 =	vshll.u32 v3, $0x4  }
0x5d: {  	v8 =	vld [tilespmem:s11+$0x0];
	v7 =	vor.u32 v0, v7;
	v5 =	vshll.u32 v5, $0x1  }
0x5e: {  	v9 =	vld [tilespmem:s11+$0x2800];
	[tilespmem:s10+$0xA040] =	vst v7;
	v3 =	vadd.s32 v3, v5;
	v4 =	vshll.u32 v4, $0x4  }
0x5f: {  	v5 =	vld [tilespmem:s11+$0x10];
	v3 =	vor.u32 v0, v3;
	v6 =	vshll.u32 v6, $0x1  }
0x60: {  	v7 =	vld [tilespmem:s11+$0x2810];
	[tilespmem:s10+$0xA050] =	vst v3;
	v3 =	vadd.s32 v4, v6  }
0x61: {  	v2 =	vshll.u32 v2, $0x4;
	v4 =	vld [tilespmem:s11+$0x20];
	v6 =	vshll.u32 v10, $0x1;
	v3 =	vor.u32 v0, v3  }
0x62: {  	v8 =	vshll.u32 v8, $0x4;
	v10 =	vld [tilespmem:s11+$0x2820];
	v2 =	vadd.s32 v2, v6;
	[tilespmem:s10+$0xA060] =	vst v3;
	s10 =	smov.u32 s11  }
0x63: {  	v3 =	vshll.u32 v9, $0x1;
	v6 =	vld [tilespmem:s10+$0x30];
	v2 =	vor.u32 v0, v2  }
0x64: {  	v3 =	vadd.s32 v8, v3;
	v5 =	vshll.u32 v5, $0x4;
	v8 =	vld [tilespmem:s10+$0x2830];
	[tilespmem:s10+$0xA070] =	vst v2  }
0x65: {  	v2 =	vor.u32 v0, v3;
	v3 =	vshll.u32 v7, $0x1;
	v7 =	vld [tilespmem:s10+$0x40]  }
0x66: {  	[tilespmem:s10+$0xA000] =	vst v2;
	v2 =	vadd.s32 v5, v3;
	v4 =	vshll.u32 v4, $0x4;
	v9 =	vld [tilespmem:s10+$0x2840]  }
.Ltmp1:
0x67: {  	v2 =	vor.u32 v0, v2;
	v5 =	vshll.u32 v10, $0x1;
	v3 =	vld [tilespmem:s10+$0x50];
	(pc) =	sbr.rel @p0 .LBB2_4-.Ltmp1, $4  }
0x68: {  	[tilespmem:s10+$0xA010] =	vst v2;
	v2 =	vadd.s32 v4, v5;
	v6 =	vshll.u32 v6, $0x4;
	v5 =	vld [tilespmem:s10+$0x2850]  }
0x69: {  	v2 =	vor.u32 v0, v2;
	v8 =	vshll.u32 v8, $0x1;
	v4 =	vld [tilespmem:s10+$0x60]  }
0x6a: {  	s11 =	sshra.s32 s12, $0x2;
	[tilespmem:s10+$0xA020] =	vst v2;
	v8 =	vadd.s32 v6, v8;
	v7 =	vshll.u32 v7, $0x4;
	v6 =	vld [tilespmem:s10+$0x2860]  }
0x6b: {  	s12 =	sadd.s32 $0x200, s12;
	v2 =	vld [tilespmem:s11+$0x70];
	v8 =	vor.u32 v0, v8;
	v9 =	vshll.u32 v9, $0x1  }
0x6c: {  	v10 =	vld [tilespmem:s11+$0x2870];
	[tilespmem:s10+$0xA030] =	vst v8;
	v7 =	vadd.s32 v7, v9  }
0x6d: {  	v3 =	vshll.u32 v3, $0x4;
	v8 =	vld [tilespmem:s11+$0x0];
	v7 =	vor.u32 v0, v7;
	v5 =	vshll.u32 v5, $0x1  }
0x6e: {  	v52 =	vld [tilespmem:s11+$0x2800];
	[tilespmem:s10+$0xA040] =	vst v7;
	v3 =	vadd.s32 v3, v5  }
0x6f: {  	v4 =	vshll.u32 v4, $0x4;
	v53 =	vld [tilespmem:s11+$0x10];
	v3 =	vor.u32 v0, v3;
	v6 =	vshll.u32 v6, $0x1  }
0x70: {  	v7 =	vld [tilespmem:s11+$0x2810];
	[tilespmem:s10+$0xA050] =	vst v3;
	v3 =	vadd.s32 v4, v6  }
0x71: {  	v54 =	vld [tilespmem:s11+$0x20];
	v3 =	vor.u32 v0, v3  }
0x72: {  	v2 =	vshll.u32 v2, $0x4;
	v55 =	vld [tilespmem:s11+$0x2820];
	v10 =	vshll.u32 v10, $0x1;
	[tilespmem:s10+$0xA060] =	vst v3  }
0x73: {  	v2 =	vadd.s32 v2, v10;
	v8 =	vshll.u32 v8, $0x4;
	v9 =	vshll.u32 v52, $0x1;
	v3 =	vld [tilespmem:s11+$0x30]  }
0x74: {  	v2 =	vor.u32 v0, v2;
	v56 =	vld [tilespmem:s11+$0x2830];
	v8 =	vadd.s32 v8, v9  }
0x75: {  	v57 =	vld [tilespmem:s11+$0x40];
	[tilespmem:s11+$0xA070] =	vst v2;
	v2 =	vor.u32 v0, v8;
	v5 =	vshll.u32 v53, $0x4;
	v7 =	vshll.u32 v7, $0x1  }
0x76: {  	v58 =	vld [tilespmem:s11+$0x2840];
	[tilespmem:s11+$0xA000] =	vst v2;
	v2 =	vadd.s32 v5, v7  }
0x77: {  	v59 =	vld [tilespmem:s11+$0x50];
	v2 =	vor.u32 v0, v2;
	v4 =	vshll.u32 v54, $0x4;
	v6 =	vshll.u32 v55, $0x1  }
0x78: {  	v60 =	vld [tilespmem:s11+$0x2850];
	[tilespmem:s11+$0xA010] =	vst v2;
	v2 =	vadd.s32 v4, v6  }
0x79: {  	v61 =	vld [tilespmem:s11+$0x60];
	v2 =	vor.u32 v0, v2  }
0x7a: {  	[tilespmem:s11+$0xA020] =	vst v2;
	v2 =	vld [tilespmem:s11+$0x2860]  }
0x7b: {  	v3 =	vshll.u32 v3, $0x4  }
0x7c: {  	v62 =	vshll.u32 v56, $0x1;
	v8 =	vshll.u32 v57, $0x4;
	v5 =	vshll.u32 v58, $0x1  }
0x7d: {  	v7 =	vshll.u32 v59, $0x4;
	v4 =	vshll.u32 v60, $0x1;
	v3 =	vadd.s32 v3, v62  }
0x7e: {  	v63 =	vshll.u32 v61, $0x4;
	v5 =	vadd.s32 v8, v5;
	v3 =	vor.u32 v0, v3  }
0x7f: {  	v5 =	vor.u32 v0, v5;
	[tilespmem:s11+$0xA030] =	vst v3;
	v3 =	vadd.s32 v7, v4;
	v2 =	vshll.u32 v2, $0x1  }
0x80: {  	[tilespmem:s11+$0xA040] =	vst v5;
	v3 =	vor.u32 v0, v3;
	v2 =	vadd.s32 v63, v2  }
0x81: {  	[tilespmem:s11+$0xA050] =	vst v3;
	v2 =	vor.u32 v0, v2  }
0x82: {  	[tilespmem:s11+$0xA060] =	vst v2  }
0x83: {  	s17 =	simm.s32 $0xA000;
	s18 =	simm.s32 $0xA080;
	[bflag:$0x0] =	sbarrier.arrive $0xFFFF  }
0x84: {  	[tilespmem:s20], [sflag:$0x1] =	stream.indirect.gather [hbm4b:s4+s25], $0x40, s17, s25, $0xb8;
	[tilespmem:$0x1E800] =	vst v63  }
0x85: {  	s19 =	simm.s32 $0xA100;
	s28 =	simm.s32 $0x0;
	s30 =	simm.s32 $0x7800  }
0x86: {  	[tilespmem:s29], [sflag:$0x2] =	stream.indirect.gather [hbm4b:s4+s25], $0x40, s18, s25, $0xb8;
	[tilespmem:$0x1E800] =	vst v63  }
0x87: {  	s12 =	simm.s32 $0x7980;
	s10 =	simm.s32 $0x7880;
	s11 =	simm.s32 $0x7900  }
0x88: {  	[tilespmem:s31], [sflag:$0x3] =	stream.indirect.gather [hbm4b:s4+s25], $0x40, s19, s25, $0xb8;
	[tilespmem:$0x1E800] =	vst v63  }
.LBB2_6:
0x89: {  	s14 =	sshll.u32 s28, $0xB  }
0x8a: {  	s13 =	sor.u32 $0x600, s14  }
0x8b: {  	s13 =	sshra.s32 s13, $0x2  }
0x8c: {  	s15 =	sadd.s32 $0xA000, s13  }
0x8d: {  	v2 =	vmov s30;
	[tilespmem:s0], [sflag:$0x4] =	stream.indirect.gather [hbm4b:s4+s25], $0x40, s15, s25, $0xb8;
	[tilespmem:$0x1E800] =	vst v63  }
0x8e: {  	_ =	swait.ge [sflag:s1], $0x2000  }
0x8f: {  	[sflag:s1] =	ssyncset.done $0x0  }
0x90: {  	s16 =	simm.s32 $0x0;
	s15 =	simm.s32 $0xCA00;
	[sflag:s1] =	ssyncadd.s32 $0xFFFFE000  }
.LBB2_7:
0x91: {  	s17 =	sshra.s32 s16, $0x2  }
0x92: {  	v3 =	vld.idx.msk [tilespmem:v2+s17+$0x0 ss:$0x1], $0xffff;
	_ =	sdelay $0x1  }
0x93: {  	v4 =	vld [tilespmem:s15+$0xFFFFFE00];
	_ =	sdelay $0x1  }
0x94: {  	v43 =	vld [tilespmem:s15+$0xFFFFFE10]  }
0x95: {  	v5 =	vbroadcast v3, $0x0  }
0x96: {  	v44 =	vld [tilespmem:s15+$0xFFFFFE20]  }
0x97: {  	v4 =	vmul.f32 v5, v4  }
0x98: {  	v45 =	vld [tilespmem:s15+$0xFFFFFE30]  }
0x99: {  	[tilespmem:s15+$0xFFFFFE00] =	vst v4;
	v4 =	vmul.f32 v43, v5  }
0x9a: {  	v46 =	vld [tilespmem:s15+$0xFFFFFE40]  }
0x9b: {  	[tilespmem:s15+$0xFFFFFE10] =	vst v4;
	v4 =	vmul.f32 v44, v5  }
0x9c: {  	v48 =	vld [tilespmem:s15+$0xFFFFFE50]  }
0x9d: {  	v47 =	vbroadcast v3, $0x1;
	[tilespmem:s15+$0xFFFFFE20] =	vst v4;
	v4 =	vmul.f32 v45, v5  }
0x9e: {  	v49 =	vld [tilespmem:s15+$0xFFFFFE60]  }
0x9f: {  	[tilespmem:s15+$0xFFFFFE30] =	vst v4;
	v4 =	vmul.f32 v46, v47  }
0xa0: {  	v50 =	vld [tilespmem:s15+$0xFFFFFE70]  }
0xa1: {  	[tilespmem:s15+$0xFFFFFE40] =	vst v4;
	v4 =	vmul.f32 v48, v47  }
0xa2: {  	v51 =	vld [tilespmem:s15+$0xFFFFFE80]  }
0xa3: {  	[tilespmem:s15+$0xFFFFFE50] =	vst v4;
	v4 =	vmul.f32 v49, v47  }
0xa4: {  	v53 =	vld [tilespmem:s15+$0xFFFFFE90]  }
0xa5: {  	v52 =	vbroadcast v3, $0x2;
	[tilespmem:s15+$0xFFFFFE60] =	vst v4;
	v4 =	vmul.f32 v50, v47  }
0xa6: {  	v54 =	vld [tilespmem:s15+$0xFFFFFEA0]  }
0xa7: {  	[tilespmem:s15+$0xFFFFFE70] =	vst v4;
	v4 =	vmul.f32 v51, v52  }
0xa8: {  	v55 =	vld [tilespmem:s15+$0xFFFFFEB0]  }
0xa9: {  	[tilespmem:s15+$0xFFFFFE80] =	vst v4;
	v4 =	vmul.f32 v53, v52  }
0xaa: {  	v56 =	vld [tilespmem:s15+$0xFFFFFEC0]  }
0xab: {  	[tilespmem:s15+$0xFFFFFE90] =	vst v4;
	v4 =	vmul.f32 v54, v52  }
0xac: {  	v58 =	vld [tilespmem:s15+$0xFFFFFED0]  }
0xad: {  	v57 =	vbroadcast v3, $0x3;
	[tilespmem:s15+$0xFFFFFEA0] =	vst v4;
	v4 =	vmul.f32 v55, v52  }
0xae: {  	v59 =	vld [tilespmem:s15+$0xFFFFFEE0]  }
0xaf: {  	[tilespmem:s15+$0xFFFFFEB0] =	vst v4;
	v4 =	vmul.f32 v56, v57  }
0xb0: {  	v60 =	vld [tilespmem:s15+$0xFFFFFEF0]  }
0xb1: {  	[tilespmem:s15+$0xFFFFFEC0] =	vst v4;
	v4 =	vmul.f32 v58, v57  }
0xb2: {  	v61 =	vld [tilespmem:s15+$0xFFFFFF00]  }
0xb3: {  	[tilespmem:s15+$0xFFFFFED0] =	vst v4;
	v4 =	vmul.f32 v59, v57  }
0xb4: {  	v63 =	vld [tilespmem:s15+$0xFFFFFF10]  }
0xb5: {  	v62 =	vbroadcast v3, $0x4;
	[tilespmem:s15+$0xFFFFFEE0] =	vst v4;
	v4 =	vmul.f32 v60, v57  }
0xb6: {  	v8 =	vld [tilespmem:s15+$0xFFFFFF20]  }
0xb7: {  	[tilespmem:s15+$0xFFFFFEF0] =	vst v4;
	v4 =	vmul.f32 v61, v62  }
0xb8: {  	v9 =	vld [tilespmem:s15+$0xFFFFFF30]  }
0xb9: {  	[tilespmem:s15+$0xFFFFFF00] =	vst v4;
	v4 =	vmul.f32 v63, v62  }
0xba: {  	v10 =	vld [tilespmem:s15+$0xFFFFFF40]  }
0xbb: {  	[tilespmem:s15+$0xFFFFFF10] =	vst v4;
	v4 =	vmul.f32 v8, v62  }
0xbc: {  	v12 =	vld [tilespmem:s15+$0xFFFFFF50]  }
0xbd: {  	v11 =	vbroadcast v3, $0x5;
	[tilespmem:s15+$0xFFFFFF20] =	vst v4;
	v4 =	vmul.f32 v9, v62  }
0xbe: {  	v13 =	vld [tilespmem:s15+$0xFFFFFF60]  }
0xbf: {  	[tilespmem:s15+$0xFFFFFF30] =	vst v4;
	v4 =	vmul.f32 v10, v11  }
0xc0: {  	v14 =	vld [tilespmem:s15+$0xFFFFFF70]  }
0xc1: {  	[tilespmem:s15+$0xFFFFFF40] =	vst v4;
	v4 =	vmul.f32 v12, v11  }
0xc2: {  	v15 =	vld [tilespmem:s15+$0xFFFFFF80]  }
0xc3: {  	[tilespmem:s15+$0xFFFFFF50] =	vst v4;
	v4 =	vmul.f32 v13, v11  }
0xc4: {  	v17 =	vld [tilespmem:s15+$0xFFFFFF90]  }
0xc5: {  	v16 =	vbroadcast v3, $0x6;
	[tilespmem:s15+$0xFFFFFF60] =	vst v4;
	v4 =	vmul.f32 v14, v11  }
0xc6: {  	v18 =	vld [tilespmem:s15+$0xFFFFFFA0]  }
0xc7: {  	[tilespmem:s15+$0xFFFFFF70] =	vst v4;
	v4 =	vmul.f32 v15, v16  }
0xc8: {  	v19 =	vld [tilespmem:s15+$0xFFFFFFB0]  }
0xc9: {  	[tilespmem:s15+$0xFFFFFF80] =	vst v4;
	v4 =	vmul.f32 v17, v16  }
0xca: {  	v20 =	vld [tilespmem:s15+$0xFFFFFFC0]  }
0xcb: {  	[tilespmem:s15+$0xFFFFFF90] =	vst v4;
	v4 =	vmul.f32 v18, v16  }
0xcc: {  	v22 =	vld [tilespmem:s15+$0xFFFFFFD0]  }
0xcd: {  	v21 =	vbroadcast v3, $0x7;
	[tilespmem:s15+$0xFFFFFFA0] =	vst v4;
	v4 =	vmul.f32 v19, v16  }
0xce: {  	v23 =	vld [tilespmem:s15+$0xFFFFFFE0]  }
0xcf: {  	[tilespmem:s15+$0xFFFFFFB0] =	vst v4;
	v4 =	vmul.f32 v20, v21  }
0xd0: {  	v24 =	vld [tilespmem:s15+$0xFFFFFFF0]  }
0xd1: {  	[tilespmem:s15+$0xFFFFFFC0] =	vst v4;
	v4 =	vmul.f32 v22, v21  }
0xd2: {  	v25 =	vld [tilespmem:s15+$0x0]  }
0xd3: {  	[tilespmem:s15+$0xFFFFFFD0] =	vst v4;
	v4 =	vmul.f32 v23, v21  }
0xd4: {  	v27 =	vld [tilespmem:s15+$0x10]  }
0xd5: {  	v26 =	vbroadcast v3, $0x8;
	[tilespmem:s15+$0xFFFFFFE0] =	vst v4;
	v4 =	vmul.f32 v24, v21  }
0xd6: {  	v28 =	vld [tilespmem:s15+$0x20]  }
0xd7: {  	[tilespmem:s15+$0xFFFFFFF0] =	vst v4;
	v4 =	vmul.f32 v25, v26  }
0xd8: {  	v29 =	vld [tilespmem:s15+$0x30]  }
0xd9: {  	[tilespmem:s15+$0x0] =	vst v4;
	v4 =	vmul.f32 v27, v26  }
0xda: {  	v30 =	vld [tilespmem:s15+$0x40]  }
0xdb: {  	[tilespmem:s15+$0x10] =	vst v4;
	v4 =	vmul.f32 v28, v26  }
0xdc: {  	v32 =	vld [tilespmem:s15+$0x50]  }
0xdd: {  	v31 =	vbroadcast v3, $0x9;
	[tilespmem:s15+$0x20] =	vst v4;
	v4 =	vmul.f32 v29, v26  }
0xde: {  	v33 =	vld [tilespmem:s15+$0x60]  }
0xdf: {  	[tilespmem:s15+$0x30] =	vst v4;
	v4 =	vmul.f32 v30, v31  }
0xe0: {  	v34 =	vld [tilespmem:s15+$0x70]  }
0xe1: {  	[tilespmem:s15+$0x40] =	vst v4;
	v4 =	vmul.f32 v32, v31  }
0xe2: {  	v35 =	vld [tilespmem:s15+$0x80]  }
0xe3: {  	[tilespmem:s15+$0x50] =	vst v4;
	v4 =	vmul.f32 v33, v31  }
0xe4: {  	v37 =	vld [tilespmem:s15+$0x90]  }
0xe5: {  	v36 =	vbroadcast v3, $0xA;
	[tilespmem:s15+$0x60] =	vst v4;
	v4 =	vmul.f32 v34, v31  }
0xe6: {  	v38 =	vld [tilespmem:s15+$0xA0]  }
0xe7: {  	[tilespmem:s15+$0x70] =	vst v4;
	v4 =	vmul.f32 v35, v36  }
0xe8: {  	v39 =	vld [tilespmem:s15+$0xB0]  }
0xe9: {  	[tilespmem:s15+$0x80] =	vst v4;
	v4 =	vmul.f32 v37, v36  }
0xea: {  	v40 =	vld [tilespmem:s15+$0xC0]  }
0xeb: {  	[tilespmem:s15+$0x90] =	vst v4;
	v4 =	vmul.f32 v38, v36  }
0xec: {  	v42 =	vld [tilespmem:s15+$0xD0]  }
0xed: {  	v41 =	vbroadcast v3, $0xB;
	[tilespmem:s15+$0xA0] =	vst v4;
	v4 =	vmul.f32 v39, v36  }
0xee: {  	v43 =	vld [tilespmem:s15+$0xE0]  }
0xef: {  	[tilespmem:s15+$0xB0] =	vst v4;
	v4 =	vmul.f32 v40, v41  }
0xf0: {  	v44 =	vld [tilespmem:s15+$0xF0]  }
0xf1: {  	[tilespmem:s15+$0xC0] =	vst v4;
	v4 =	vmul.f32 v42, v41  }
0xf2: {  	v45 =	vld [tilespmem:s15+$0x100]  }
0xf3: {  	[tilespmem:s15+$0xD0] =	vst v4;
	v4 =	vmul.f32 v43, v41  }
0xf4: {  	v47 =	vld [tilespmem:s15+$0x110]  }
0xf5: {  	v46 =	vbroadcast v3, $0xC;
	[tilespmem:s15+$0xE0] =	vst v4;
	v4 =	vmul.f32 v44, v41  }
0xf6: {  	v48 =	vld [tilespmem:s15+$0x120]  }
0xf7: {  	[tilespmem:s15+$0xF0] =	vst v4;
	v4 =	vmul.f32 v45, v46  }
0xf8: {  	v49 =	vld [tilespmem:s15+$0x130]  }
0xf9: {  	[tilespmem:s15+$0x100] =	vst v4;
	v4 =	vmul.f32 v47, v46  }
0xfa: {  	v50 =	vld [tilespmem:s15+$0x140]  }
0xfb: {  	[tilespmem:s15+$0x110] =	vst v4;
	v4 =	vmul.f32 v48, v46  }
0xfc: {  	v52 =	vld [tilespmem:s15+$0x150]  }
0xfd: {  	v51 =	vbroadcast v3, $0xD;
	[tilespmem:s15+$0x120] =	vst v4;
	v4 =	vmul.f32 v49, v46  }
0xfe: {  	v53 =	vld [tilespmem:s15+$0x160]  }
0xff: {  	[tilespmem:s15+$0x130] =	vst v4;
	v4 =	vmul.f32 v50, v51  }
0x100: {  	v54 =	vld [tilespmem:s15+$0x170]  }
0x101: {  	[tilespmem:s15+$0x140] =	vst v4;
	v4 =	vmul.f32 v52, v51  }
0x102: {  	v55 =	vld [tilespmem:s15+$0x180]  }
0x103: {  	[tilespmem:s15+$0x150] =	vst v4;
	v4 =	vmul.f32 v53, v51  }
0x104: {  	v57 =	vld [tilespmem:s15+$0x190]  }
0x105: {  	v56 =	vbroadcast v3, $0xE;
	[tilespmem:s15+$0x160] =	vst v4;
	v4 =	vmul.f32 v54, v51  }
0x106: {  	v58 =	vld [tilespmem:s15+$0x1A0]  }
0x107: {  	[tilespmem:s15+$0x170] =	vst v4;
	v4 =	vmul.f32 v55, v56  }
0x108: {  	v59 =	vld [tilespmem:s15+$0x1B0]  }
0x109: {  	[tilespmem:s15+$0x180] =	vst v4;
	v4 =	vmul.f32 v57, v56  }
0x10a: {  	v60 =	vld [tilespmem:s15+$0x1C0]  }
0x10b: {  	[tilespmem:s15+$0x190] =	vst v4;
	v4 =	vmul.f32 v58, v56  }
0x10c: {  	v61 =	vld [tilespmem:s15+$0x1D0]  }
0x10d: {  	v3 =	vbroadcast v3, $0xF;
	[tilespmem:s15+$0x1A0] =	vst v4;
	v4 =	vmul.f32 v59, v56  }
0x10e: {  	v62 =	vld [tilespmem:s15+$0x1E0]  }
0x10f: {  	v63 =	vld [tilespmem:s15+$0x1F0];
	[tilespmem:s15+$0x1B0] =	vst v4;
	v4 =	vmul.f32 v60, v3;
	_ =	sdelay $0x1  }
0x110: {  	p0 =	sne.s32 s16, $0x1C0;
	[tilespmem:s15+$0x1C0] =	vst v4;
	v4 =	vmul.f32 v61, v3  }
.Ltmp2:
0x111: {  	_ = 	snop;
	(pc) =	sbr.rel @p0 .LBB2_7-.Ltmp2, $4  }
0x112: {  	[tilespmem:s15+$0x1D0] =	vst v4;
	v4 =	vmul.f32 v62, v3  }
0x113: {  	v3 =	vmul.f32 v63, v3  }
0x114: {  	[tilespmem:s15+$0x1E0] =	vst v4  }
0x115: {  	s16 =	sadd.s32 $0x40, s16;
	[tilespmem:s15+$0x1F0] =	vst v3;
	s15 =	sadd.s32 $0x400, s15  }
0x116: {  	s15 =	sshra.s32 s14, $0x2  }
0x117: {  	s15 =	sadd.s32 $0x5000, s15  }
0x118: {  	[spmem:s2] =	stream.indirect.scatter.add.f32 [tilespmem:s20], [sflag:$0x5], $0x40, s15, s25, $0xb8;
	[tilespmem:$0x1E800] =	vst v63  }
0x119: {  	p0 =	seq.s32 s28, $0x13;
	_ =	swait.ge [sflag:s21], $0x2000  }
0x11a: {  	s17 =	simm.s32 @!p0 $0x80;
	s15 =	sshra.s32 @!p0 s14, $0x2;
	[sflag:s21] =	ssyncset.done $0x0  }
0x11b: {  	s18 =	simm.s32 @!p0 $0xC800;
	s16 =	sadd.s32 @!p0 $0xA200, s15;
	[sflag:s21] =	ssyncadd.s32 $0xFFFFE000  }
0x11c: {  	v2 =	vmov s10;
	[tilespmem:s18], [sflag:$0x1] =	stream.indirect.gather @!p0 [hbm4b:s4+s17], $0x40, s16, s17, $0xb8;
	[tilespmem:$0x1E800] =	vst v63  }
0x11d: {  	_ =	swait.ge [sflag:s22], $0x2000  }
0x11e: {  	s16 =	sor.u32 $0x200, s14;
	[sflag:s22] =	ssyncset.done $0x0  }
0x11f: {  	s17 =	simm.s32 $0x0;
	s18 =	simm.s32 $0xEA00;
	[sflag:s22] =	ssyncadd.s32 $0xFFFFE000  }
.LBB2_9:
0x120: {  	s19 =	sshra.s32 s17, $0x2  }
0x121: {  	v3 =	vld.idx.msk [tilespmem:v2+s19+$0x0 ss:$0x1], $0xffff;
	_ =	sdelay $0x1  }
0x122: {  	v4 =	vld [tilespmem:s18+$0xFFFFFE00];
	_ =	sdelay $0x1  }
0x123: {  	v43 =	vld [tilespmem:s18+$0xFFFFFE10]  }
0x124: {  	v5 =	vbroadcast v3, $0x0  }
0x125: {  	v44 =	vld [tilespmem:s18+$0xFFFFFE20]  }
0x126: {  	v4 =	vmul.f32 v5, v4  }
0x127: {  	v45 =	vld [tilespmem:s18+$0xFFFFFE30]  }
0x128: {  	[tilespmem:s18+$0xFFFFFE00] =	vst v4;
	v4 =	vmul.f32 v43, v5  }
0x129: {  	v46 =	vld [tilespmem:s18+$0xFFFFFE40]  }
0x12a: {  	[tilespmem:s18+$0xFFFFFE10] =	vst v4;
	v4 =	vmul.f32 v44, v5  }
0x12b: {  	v48 =	vld [tilespmem:s18+$0xFFFFFE50]  }
0x12c: {  	v47 =	vbroadcast v3, $0x1;
	[tilespmem:s18+$0xFFFFFE20] =	vst v4;
	v4 =	vmul.f32 v45, v5  }
0x12d: {  	v49 =	vld [tilespmem:s18+$0xFFFFFE60]  }
0x12e: {  	[tilespmem:s18+$0xFFFFFE30] =	vst v4;
	v4 =	vmul.f32 v46, v47  }
0x12f: {  	v50 =	vld [tilespmem:s18+$0xFFFFFE70]  }
0x130: {  	[tilespmem:s18+$0xFFFFFE40] =	vst v4;
	v4 =	vmul.f32 v48, v47  }
0x131: {  	v51 =	vld [tilespmem:s18+$0xFFFFFE80]  }
0x132: {  	[tilespmem:s18+$0xFFFFFE50] =	vst v4;
	v4 =	vmul.f32 v49, v47  }
0x133: {  	v53 =	vld [tilespmem:s18+$0xFFFFFE90]  }
0x134: {  	v52 =	vbroadcast v3, $0x2;
	[tilespmem:s18+$0xFFFFFE60] =	vst v4;
	v4 =	vmul.f32 v50, v47  }
0x135: {  	v54 =	vld [tilespmem:s18+$0xFFFFFEA0]  }
0x136: {  	[tilespmem:s18+$0xFFFFFE70] =	vst v4;
	v4 =	vmul.f32 v51, v52  }
0x137: {  	v55 =	vld [tilespmem:s18+$0xFFFFFEB0]  }
0x138: {  	[tilespmem:s18+$0xFFFFFE80] =	vst v4;
	v4 =	vmul.f32 v53, v52  }
0x139: {  	v56 =	vld [tilespmem:s18+$0xFFFFFEC0]  }
0x13a: {  	[tilespmem:s18+$0xFFFFFE90] =	vst v4;
	v4 =	vmul.f32 v54, v52  }
0x13b: {  	v58 =	vld [tilespmem:s18+$0xFFFFFED0]  }
0x13c: {  	v57 =	vbroadcast v3, $0x3;
	[tilespmem:s18+$0xFFFFFEA0] =	vst v4;
	v4 =	vmul.f32 v55, v52  }
0x13d: {  	v59 =	vld [tilespmem:s18+$0xFFFFFEE0]  }
0x13e: {  	[tilespmem:s18+$0xFFFFFEB0] =	vst v4;
	v4 =	vmul.f32 v56, v57  }
0x13f: {  	v60 =	vld [tilespmem:s18+$0xFFFFFEF0]  }
0x140: {  	[tilespmem:s18+$0xFFFFFEC0] =	vst v4;
	v4 =	vmul.f32 v58, v57  }
0x141: {  	v61 =	vld [tilespmem:s18+$0xFFFFFF00]  }
0x142: {  	[tilespmem:s18+$0xFFFFFED0] =	vst v4;
	v4 =	vmul.f32 v59, v57  }
0x143: {  	v63 =	vld [tilespmem:s18+$0xFFFFFF10]  }
0x144: {  	v62 =	vbroadcast v3, $0x4;
	[tilespmem:s18+$0xFFFFFEE0] =	vst v4;
	v4 =	vmul.f32 v60, v57  }
0x145: {  	v8 =	vld [tilespmem:s18+$0xFFFFFF20]  }
0x146: {  	[tilespmem:s18+$0xFFFFFEF0] =	vst v4;
	v4 =	vmul.f32 v61, v62  }
0x147: {  	v9 =	vld [tilespmem:s18+$0xFFFFFF30]  }
0x148: {  	[tilespmem:s18+$0xFFFFFF00] =	vst v4;
	v4 =	vmul.f32 v63, v62  }
0x149: {  	v10 =	vld [tilespmem:s18+$0xFFFFFF40]  }
0x14a: {  	[tilespmem:s18+$0xFFFFFF10] =	vst v4;
	v4 =	vmul.f32 v8, v62  }
0x14b: {  	v12 =	vld [tilespmem:s18+$0xFFFFFF50]  }
0x14c: {  	v11 =	vbroadcast v3, $0x5;
	[tilespmem:s18+$0xFFFFFF20] =	vst v4;
	v4 =	vmul.f32 v9, v62  }
0x14d: {  	v13 =	vld [tilespmem:s18+$0xFFFFFF60]  }
0x14e: {  	[tilespmem:s18+$0xFFFFFF30] =	vst v4;
	v4 =	vmul.f32 v10, v11  }
0x14f: {  	v14 =	vld [tilespmem:s18+$0xFFFFFF70]  }
0x150: {  	[tilespmem:s18+$0xFFFFFF40] =	vst v4;
	v4 =	vmul.f32 v12, v11  }
0x151: {  	v15 =	vld [tilespmem:s18+$0xFFFFFF80]  }
0x152: {  	[tilespmem:s18+$0xFFFFFF50] =	vst v4;
	v4 =	vmul.f32 v13, v11  }
0x153: {  	v17 =	vld [tilespmem:s18+$0xFFFFFF90]  }
0x154: {  	v16 =	vbroadcast v3, $0x6;
	[tilespmem:s18+$0xFFFFFF60] =	vst v4;
	v4 =	vmul.f32 v14, v11  }
0x155: {  	v18 =	vld [tilespmem:s18+$0xFFFFFFA0]  }
0x156: {  	[tilespmem:s18+$0xFFFFFF70] =	vst v4;
	v4 =	vmul.f32 v15, v16  }
0x157: {  	v19 =	vld [tilespmem:s18+$0xFFFFFFB0]  }
0x158: {  	[tilespmem:s18+$0xFFFFFF80] =	vst v4;
	v4 =	vmul.f32 v17, v16  }
0x159: {  	v20 =	vld [tilespmem:s18+$0xFFFFFFC0]  }
0x15a: {  	[tilespmem:s18+$0xFFFFFF90] =	vst v4;
	v4 =	vmul.f32 v18, v16  }
0x15b: {  	v22 =	vld [tilespmem:s18+$0xFFFFFFD0]  }
0x15c: {  	v21 =	vbroadcast v3, $0x7;
	[tilespmem:s18+$0xFFFFFFA0] =	vst v4;
	v4 =	vmul.f32 v19, v16  }
0x15d: {  	v23 =	vld [tilespmem:s18+$0xFFFFFFE0]  }
0x15e: {  	[tilespmem:s18+$0xFFFFFFB0] =	vst v4;
	v4 =	vmul.f32 v20, v21  }
0x15f: {  	v24 =	vld [tilespmem:s18+$0xFFFFFFF0]  }
0x160: {  	[tilespmem:s18+$0xFFFFFFC0] =	vst v4;
	v4 =	vmul.f32 v22, v21  }
0x161: {  	v25 =	vld [tilespmem:s18+$0x0]  }
0x162: {  	[tilespmem:s18+$0xFFFFFFD0] =	vst v4;
	v4 =	vmul.f32 v23, v21  }
0x163: {  	v27 =	vld [tilespmem:s18+$0x10]  }
0x164: {  	v26 =	vbroadcast v3, $0x8;
	[tilespmem:s18+$0xFFFFFFE0] =	vst v4;
	v4 =	vmul.f32 v24, v21  }
0x165: {  	v28 =	vld [tilespmem:s18+$0x20]  }
0x166: {  	[tilespmem:s18+$0xFFFFFFF0] =	vst v4;
	v4 =	vmul.f32 v25, v26  }
0x167: {  	v29 =	vld [tilespmem:s18+$0x30]  }
0x168: {  	[tilespmem:s18+$0x0] =	vst v4;
	v4 =	vmul.f32 v27, v26  }
0x169: {  	v30 =	vld [tilespmem:s18+$0x40]  }
0x16a: {  	[tilespmem:s18+$0x10] =	vst v4;
	v4 =	vmul.f32 v28, v26  }
0x16b: {  	v32 =	vld [tilespmem:s18+$0x50]  }
0x16c: {  	v31 =	vbroadcast v3, $0x9;
	[tilespmem:s18+$0x20] =	vst v4;
	v4 =	vmul.f32 v29, v26  }
0x16d: {  	v33 =	vld [tilespmem:s18+$0x60]  }
0x16e: {  	[tilespmem:s18+$0x30] =	vst v4;
	v4 =	vmul.f32 v30, v31  }
0x16f: {  	v34 =	vld [tilespmem:s18+$0x70]  }
0x170: {  	[tilespmem:s18+$0x40] =	vst v4;
	v4 =	vmul.f32 v32, v31  }
0x171: {  	v35 =	vld [tilespmem:s18+$0x80]  }
0x172: {  	[tilespmem:s18+$0x50] =	vst v4;
	v4 =	vmul.f32 v33, v31  }
0x173: {  	v37 =	vld [tilespmem:s18+$0x90]  }
0x174: {  	v36 =	vbroadcast v3, $0xA;
	[tilespmem:s18+$0x60] =	vst v4;
	v4 =	vmul.f32 v34, v31  }
0x175: {  	v38 =	vld [tilespmem:s18+$0xA0]  }
0x176: {  	[tilespmem:s18+$0x70] =	vst v4;
	v4 =	vmul.f32 v35, v36  }
0x177: {  	v39 =	vld [tilespmem:s18+$0xB0]  }
0x178: {  	[tilespmem:s18+$0x80] =	vst v4;
	v4 =	vmul.f32 v37, v36  }
0x179: {  	v40 =	vld [tilespmem:s18+$0xC0]  }
0x17a: {  	[tilespmem:s18+$0x90] =	vst v4;
	v4 =	vmul.f32 v38, v36  }
0x17b: {  	v42 =	vld [tilespmem:s18+$0xD0]  }
0x17c: {  	v41 =	vbroadcast v3, $0xB;
	[tilespmem:s18+$0xA0] =	vst v4;
	v4 =	vmul.f32 v39, v36  }
0x17d: {  	v43 =	vld [tilespmem:s18+$0xE0]  }
0x17e: {  	[tilespmem:s18+$0xB0] =	vst v4;
	v4 =	vmul.f32 v40, v41  }
0x17f: {  	v44 =	vld [tilespmem:s18+$0xF0]  }
0x180: {  	[tilespmem:s18+$0xC0] =	vst v4;
	v4 =	vmul.f32 v42, v41  }
0x181: {  	v45 =	vld [tilespmem:s18+$0x100]  }
0x182: {  	[tilespmem:s18+$0xD0] =	vst v4;
	v4 =	vmul.f32 v43, v41  }
0x183: {  	v47 =	vld [tilespmem:s18+$0x110]  }
0x184: {  	v46 =	vbroadcast v3, $0xC;
	[tilespmem:s18+$0xE0] =	vst v4;
	v4 =	vmul.f32 v44, v41  }
0x185: {  	v48 =	vld [tilespmem:s18+$0x120]  }
0x186: {  	[tilespmem:s18+$0xF0] =	vst v4;
	v4 =	vmul.f32 v45, v46  }
0x187: {  	v49 =	vld [tilespmem:s18+$0x130]  }
0x188: {  	[tilespmem:s18+$0x100] =	vst v4;
	v4 =	vmul.f32 v47, v46  }
0x189: {  	v50 =	vld [tilespmem:s18+$0x140]  }
0x18a: {  	[tilespmem:s18+$0x110] =	vst v4;
	v4 =	vmul.f32 v48, v46  }
0x18b: {  	v52 =	vld [tilespmem:s18+$0x150]  }
0x18c: {  	v51 =	vbroadcast v3, $0xD;
	[tilespmem:s18+$0x120] =	vst v4;
	v4 =	vmul.f32 v49, v46  }
0x18d: {  	v53 =	vld [tilespmem:s18+$0x160]  }
0x18e: {  	[tilespmem:s18+$0x130] =	vst v4;
	v4 =	vmul.f32 v50, v51  }
0x18f: {  	v54 =	vld [tilespmem:s18+$0x170]  }
0x190: {  	[tilespmem:s18+$0x140] =	vst v4;
	v4 =	vmul.f32 v52, v51  }
0x191: {  	v55 =	vld [tilespmem:s18+$0x180]  }
0x192: {  	[tilespmem:s18+$0x150] =	vst v4;
	v4 =	vmul.f32 v53, v51  }
0x193: {  	v57 =	vld [tilespmem:s18+$0x190]  }
0x194: {  	v56 =	vbroadcast v3, $0xE;
	[tilespmem:s18+$0x160] =	vst v4;
	v4 =	vmul.f32 v54, v51  }
0x195: {  	v58 =	vld [tilespmem:s18+$0x1A0]  }
0x196: {  	[tilespmem:s18+$0x170] =	vst v4;
	v4 =	vmul.f32 v55, v56  }
0x197: {  	v59 =	vld [tilespmem:s18+$0x1B0]  }
0x198: {  	[tilespmem:s18+$0x180] =	vst v4;
	v4 =	vmul.f32 v57, v56  }
0x199: {  	v60 =	vld [tilespmem:s18+$0x1C0]  }
0x19a: {  	[tilespmem:s18+$0x190] =	vst v4;
	v4 =	vmul.f32 v58, v56  }
0x19b: {  	v61 =	vld [tilespmem:s18+$0x1D0]  }
0x19c: {  	v3 =	vbroadcast v3, $0xF;
	[tilespmem:s18+$0x1A0] =	vst v4;
	v4 =	vmul.f32 v59, v56  }
0x19d: {  	v62 =	vld [tilespmem:s18+$0x1E0]  }
0x19e: {  	v63 =	vld [tilespmem:s18+$0x1F0];
	[tilespmem:s18+$0x1B0] =	vst v4;
	v4 =	vmul.f32 v60, v3;
	_ =	sdelay $0x1  }
0x19f: {  	p1 =	sne.s32 s17, $0x1C0;
	[tilespmem:s18+$0x1C0] =	vst v4;
	v4 =	vmul.f32 v61, v3  }
.Ltmp3:
0x1a0: {  	_ = 	snop;
	(pc) =	sbr.rel @p1 .LBB2_9-.Ltmp3, $4  }
0x1a1: {  	[tilespmem:s18+$0x1D0] =	vst v4;
	v4 =	vmul.f32 v62, v3  }
0x1a2: {  	v3 =	vmul.f32 v63, v3  }
0x1a3: {  	[tilespmem:s18+$0x1E0] =	vst v4  }
0x1a4: {  	s17 =	sadd.s32 $0x40, s17;
	[tilespmem:s18+$0x1F0] =	vst v3;
	s18 =	sadd.s32 $0x400, s18  }
0x1a5: {  	s16 =	sshra.s32 s16, $0x2  }
0x1a6: {  	s16 =	sadd.s32 $0x5000, s16  }
0x1a7: {  	[spmem:s2] =	stream.indirect.scatter.add.f32 [tilespmem:s29], [sflag:$0x5], $0x40, s16, s25, $0xb8;
	[tilespmem:$0x1E800] =	vst v63  }
0x1a8: {  	_ =	swait.ge [sflag:s21], $0x2000  }
0x1a9: {  	s17 =	simm.s32 @!p0 $0x80;
	[sflag:s21] =	ssyncset.done $0x0  }
0x1aa: {  	s18 =	simm.s32 @!p0 $0xE800;
	s16 =	sadd.s32 @!p0 $0xA280, s15;
	[sflag:s21] =	ssyncadd.s32 $0xFFFFE000  }
0x1ab: {  	v2 =	vmov s11;
	[tilespmem:s18], [sflag:$0x2] =	stream.indirect.gather @!p0 [hbm4b:s4+s17], $0x40, s16, s17, $0xb8;
	[tilespmem:$0x1E800] =	vst v63  }
0x1ac: {  	_ =	swait.ge [sflag:s23], $0x2000  }
0x1ad: {  	s14 =	sor.u32 $0x400, s14;
	[sflag:s23] =	ssyncset.done $0x0  }
0x1ae: {  	s16 =	simm.s32 $0x0;
	s17 =	simm.s32 $0x10A00;
	[sflag:s23] =	ssyncadd.s32 $0xFFFFE000  }
.LBB2_11:
0x1af: {  	s18 =	sshra.s32 s16, $0x2  }
0x1b0: {  	v3 =	vld.idx.msk [tilespmem:v2+s18+$0x0 ss:$0x1], $0xffff;
	_ =	sdelay $0x1  }
0x1b1: {  	v4 =	vld [tilespmem:s17+$0xFFFFFE00];
	_ =	sdelay $0x1  }
0x1b2: {  	v43 =	vld [tilespmem:s17+$0xFFFFFE10]  }
0x1b3: {  	v5 =	vbroadcast v3, $0x0  }
0x1b4: {  	v44 =	vld [tilespmem:s17+$0xFFFFFE20]  }
0x1b5: {  	v4 =	vmul.f32 v5, v4  }
0x1b6: {  	v45 =	vld [tilespmem:s17+$0xFFFFFE30]  }
0x1b7: {  	[tilespmem:s17+$0xFFFFFE00] =	vst v4;
	v4 =	vmul.f32 v43, v5  }
0x1b8: {  	v46 =	vld [tilespmem:s17+$0xFFFFFE40]  }
0x1b9: {  	[tilespmem:s17+$0xFFFFFE10] =	vst v4;
	v4 =	vmul.f32 v44, v5  }
0x1ba: {  	v48 =	vld [tilespmem:s17+$0xFFFFFE50]  }
0x1bb: {  	v47 =	vbroadcast v3, $0x1;
	[tilespmem:s17+$0xFFFFFE20] =	vst v4;
	v4 =	vmul.f32 v45, v5  }
0x1bc: {  	v49 =	vld [tilespmem:s17+$0xFFFFFE60]  }
0x1bd: {  	[tilespmem:s17+$0xFFFFFE30] =	vst v4;
	v4 =	vmul.f32 v46, v47  }
0x1be: {  	v50 =	vld [tilespmem:s17+$0xFFFFFE70]  }
0x1bf: {  	[tilespmem:s17+$0xFFFFFE40] =	vst v4;
	v4 =	vmul.f32 v48, v47  }
0x1c0: {  	v51 =	vld [tilespmem:s17+$0xFFFFFE80]  }
0x1c1: {  	[tilespmem:s17+$0xFFFFFE50] =	vst v4;
	v4 =	vmul.f32 v49, v47  }
0x1c2: {  	v53 =	vld [tilespmem:s17+$0xFFFFFE90]  }
0x1c3: {  	v52 =	vbroadcast v3, $0x2;
	[tilespmem:s17+$0xFFFFFE60] =	vst v4;
	v4 =	vmul.f32 v50, v47  }
0x1c4: {  	v54 =	vld [tilespmem:s17+$0xFFFFFEA0]  }
0x1c5: {  	[tilespmem:s17+$0xFFFFFE70] =	vst v4;
	v4 =	vmul.f32 v51, v52  }
0x1c6: {  	v55 =	vld [tilespmem:s17+$0xFFFFFEB0]  }
0x1c7: {  	[tilespmem:s17+$0xFFFFFE80] =	vst v4;
	v4 =	vmul.f32 v53, v52  }
0x1c8: {  	v56 =	vld [tilespmem:s17+$0xFFFFFEC0]  }
0x1c9: {  	[tilespmem:s17+$0xFFFFFE90] =	vst v4;
	v4 =	vmul.f32 v54, v52  }
0x1ca: {  	v58 =	vld [tilespmem:s17+$0xFFFFFED0]  }
0x1cb: {  	v57 =	vbroadcast v3, $0x3;
	[tilespmem:s17+$0xFFFFFEA0] =	vst v4;
	v4 =	vmul.f32 v55, v52  }
0x1cc: {  	v59 =	vld [tilespmem:s17+$0xFFFFFEE0]  }
0x1cd: {  	[tilespmem:s17+$0xFFFFFEB0] =	vst v4;
	v4 =	vmul.f32 v56, v57  }
0x1ce: {  	v60 =	vld [tilespmem:s17+$0xFFFFFEF0]  }
0x1cf: {  	[tilespmem:s17+$0xFFFFFEC0] =	vst v4;
	v4 =	vmul.f32 v58, v57  }
0x1d0: {  	v61 =	vld [tilespmem:s17+$0xFFFFFF00]  }
0x1d1: {  	[tilespmem:s17+$0xFFFFFED0] =	vst v4;
	v4 =	vmul.f32 v59, v57  }
0x1d2: {  	v63 =	vld [tilespmem:s17+$0xFFFFFF10]  }
0x1d3: {  	v62 =	vbroadcast v3, $0x4;
	[tilespmem:s17+$0xFFFFFEE0] =	vst v4;
	v4 =	vmul.f32 v60, v57  }
0x1d4: {  	v8 =	vld [tilespmem:s17+$0xFFFFFF20]  }
0x1d5: {  	[tilespmem:s17+$0xFFFFFEF0] =	vst v4;
	v4 =	vmul.f32 v61, v62  }
0x1d6: {  	v9 =	vld [tilespmem:s17+$0xFFFFFF30]  }
0x1d7: {  	[tilespmem:s17+$0xFFFFFF00] =	vst v4;
	v4 =	vmul.f32 v63, v62  }
0x1d8: {  	v10 =	vld [tilespmem:s17+$0xFFFFFF40]  }
0x1d9: {  	[tilespmem:s17+$0xFFFFFF10] =	vst v4;
	v4 =	vmul.f32 v8, v62  }
0x1da: {  	v12 =	vld [tilespmem:s17+$0xFFFFFF50]  }
0x1db: {  	v11 =	vbroadcast v3, $0x5;
	[tilespmem:s17+$0xFFFFFF20] =	vst v4;
	v4 =	vmul.f32 v9, v62  }
0x1dc: {  	v13 =	vld [tilespmem:s17+$0xFFFFFF60]  }
0x1dd: {  	[tilespmem:s17+$0xFFFFFF30] =	vst v4;
	v4 =	vmul.f32 v10, v11  }
0x1de: {  	v14 =	vld [tilespmem:s17+$0xFFFFFF70]  }
0x1df: {  	[tilespmem:s17+$0xFFFFFF40] =	vst v4;
	v4 =	vmul.f32 v12, v11  }
0x1e0: {  	v15 =	vld [tilespmem:s17+$0xFFFFFF80]  }
0x1e1: {  	[tilespmem:s17+$0xFFFFFF50] =	vst v4;
	v4 =	vmul.f32 v13, v11  }
0x1e2: {  	v17 =	vld [tilespmem:s17+$0xFFFFFF90]  }
0x1e3: {  	v16 =	vbroadcast v3, $0x6;
	[tilespmem:s17+$0xFFFFFF60] =	vst v4;
	v4 =	vmul.f32 v14, v11  }
0x1e4: {  	v18 =	vld [tilespmem:s17+$0xFFFFFFA0]  }
0x1e5: {  	[tilespmem:s17+$0xFFFFFF70] =	vst v4;
	v4 =	vmul.f32 v15, v16  }
0x1e6: {  	v19 =	vld [tilespmem:s17+$0xFFFFFFB0]  }
0x1e7: {  	[tilespmem:s17+$0xFFFFFF80] =	vst v4;
	v4 =	vmul.f32 v17, v16  }
0x1e8: {  	v20 =	vld [tilespmem:s17+$0xFFFFFFC0]  }
0x1e9: {  	[tilespmem:s17+$0xFFFFFF90] =	vst v4;
	v4 =	vmul.f32 v18, v16  }
0x1ea: {  	v22 =	vld [tilespmem:s17+$0xFFFFFFD0]  }
0x1eb: {  	v21 =	vbroadcast v3, $0x7;
	[tilespmem:s17+$0xFFFFFFA0] =	vst v4;
	v4 =	vmul.f32 v19, v16  }
0x1ec: {  	v23 =	vld [tilespmem:s17+$0xFFFFFFE0]  }
0x1ed: {  	[tilespmem:s17+$0xFFFFFFB0] =	vst v4;
	v4 =	vmul.f32 v20, v21  }
0x1ee: {  	v24 =	vld [tilespmem:s17+$0xFFFFFFF0]  }
0x1ef: {  	[tilespmem:s17+$0xFFFFFFC0] =	vst v4;
	v4 =	vmul.f32 v22, v21  }
0x1f0: {  	v25 =	vld [tilespmem:s17+$0x0]  }
0x1f1: {  	[tilespmem:s17+$0xFFFFFFD0] =	vst v4;
	v4 =	vmul.f32 v23, v21  }
0x1f2: {  	v27 =	vld [tilespmem:s17+$0x10]  }
0x1f3: {  	v26 =	vbroadcast v3, $0x8;
	[tilespmem:s17+$0xFFFFFFE0] =	vst v4;
	v4 =	vmul.f32 v24, v21  }
0x1f4: {  	v28 =	vld [tilespmem:s17+$0x20]  }
0x1f5: {  	[tilespmem:s17+$0xFFFFFFF0] =	vst v4;
	v4 =	vmul.f32 v25, v26  }
0x1f6: {  	v29 =	vld [tilespmem:s17+$0x30]  }
0x1f7: {  	[tilespmem:s17+$0x0] =	vst v4;
	v4 =	vmul.f32 v27, v26  }
0x1f8: {  	v30 =	vld [tilespmem:s17+$0x40]  }
0x1f9: {  	[tilespmem:s17+$0x10] =	vst v4;
	v4 =	vmul.f32 v28, v26  }
0x1fa: {  	v32 =	vld [tilespmem:s17+$0x50]  }
0x1fb: {  	v31 =	vbroadcast v3, $0x9;
	[tilespmem:s17+$0x20] =	vst v4;
	v4 =	vmul.f32 v29, v26  }
0x1fc: {  	v33 =	vld [tilespmem:s17+$0x60]  }
0x1fd: {  	[tilespmem:s17+$0x30] =	vst v4;
	v4 =	vmul.f32 v30, v31  }
0x1fe: {  	v34 =	vld [tilespmem:s17+$0x70]  }
0x1ff: {  	[tilespmem:s17+$0x40] =	vst v4;
	v4 =	vmul.f32 v32, v31  }
0x200: {  	v35 =	vld [tilespmem:s17+$0x80]  }
0x201: {  	[tilespmem:s17+$0x50] =	vst v4;
	v4 =	vmul.f32 v33, v31  }
0x202: {  	v37 =	vld [tilespmem:s17+$0x90]  }
0x203: {  	v36 =	vbroadcast v3, $0xA;
	[tilespmem:s17+$0x60] =	vst v4;
	v4 =	vmul.f32 v34, v31  }
0x204: {  	v38 =	vld [tilespmem:s17+$0xA0]  }
0x205: {  	[tilespmem:s17+$0x70] =	vst v4;
	v4 =	vmul.f32 v35, v36  }
0x206: {  	v39 =	vld [tilespmem:s17+$0xB0]  }
0x207: {  	[tilespmem:s17+$0x80] =	vst v4;
	v4 =	vmul.f32 v37, v36  }
0x208: {  	v40 =	vld [tilespmem:s17+$0xC0]  }
0x209: {  	[tilespmem:s17+$0x90] =	vst v4;
	v4 =	vmul.f32 v38, v36  }
0x20a: {  	v42 =	vld [tilespmem:s17+$0xD0]  }
0x20b: {  	v41 =	vbroadcast v3, $0xB;
	[tilespmem:s17+$0xA0] =	vst v4;
	v4 =	vmul.f32 v39, v36  }
0x20c: {  	v43 =	vld [tilespmem:s17+$0xE0]  }
0x20d: {  	[tilespmem:s17+$0xB0] =	vst v4;
	v4 =	vmul.f32 v40, v41  }
0x20e: {  	v44 =	vld [tilespmem:s17+$0xF0]  }
0x20f: {  	[tilespmem:s17+$0xC0] =	vst v4;
	v4 =	vmul.f32 v42, v41  }
0x210: {  	v45 =	vld [tilespmem:s17+$0x100]  }
0x211: {  	[tilespmem:s17+$0xD0] =	vst v4;
	v4 =	vmul.f32 v43, v41  }
0x212: {  	v47 =	vld [tilespmem:s17+$0x110]  }
0x213: {  	v46 =	vbroadcast v3, $0xC;
	[tilespmem:s17+$0xE0] =	vst v4;
	v4 =	vmul.f32 v44, v41  }
0x214: {  	v48 =	vld [tilespmem:s17+$0x120]  }
0x215: {  	[tilespmem:s17+$0xF0] =	vst v4;
	v4 =	vmul.f32 v45, v46  }
0x216: {  	v49 =	vld [tilespmem:s17+$0x130]  }
0x217: {  	[tilespmem:s17+$0x100] =	vst v4;
	v4 =	vmul.f32 v47, v46  }
0x218: {  	v50 =	vld [tilespmem:s17+$0x140]  }
0x219: {  	[tilespmem:s17+$0x110] =	vst v4;
	v4 =	vmul.f32 v48, v46  }
0x21a: {  	v52 =	vld [tilespmem:s17+$0x150]  }
0x21b: {  	v51 =	vbroadcast v3, $0xD;
	[tilespmem:s17+$0x120] =	vst v4;
	v4 =	vmul.f32 v49, v46  }
0x21c: {  	v53 =	vld [tilespmem:s17+$0x160]  }
0x21d: {  	[tilespmem:s17+$0x130] =	vst v4;
	v4 =	vmul.f32 v50, v51  }
0x21e: {  	v54 =	vld [tilespmem:s17+$0x170]  }
0x21f: {  	[tilespmem:s17+$0x140] =	vst v4;
	v4 =	vmul.f32 v52, v51  }
0x220: {  	v55 =	vld [tilespmem:s17+$0x180]  }
0x221: {  	[tilespmem:s17+$0x150] =	vst v4;
	v4 =	vmul.f32 v53, v51  }
0x222: {  	v57 =	vld [tilespmem:s17+$0x190]  }
0x223: {  	v56 =	vbroadcast v3, $0xE;
	[tilespmem:s17+$0x160] =	vst v4;
	v4 =	vmul.f32 v54, v51  }
0x224: {  	v58 =	vld [tilespmem:s17+$0x1A0]  }
0x225: {  	[tilespmem:s17+$0x170] =	vst v4;
	v4 =	vmul.f32 v55, v56  }
0x226: {  	v59 =	vld [tilespmem:s17+$0x1B0]  }
0x227: {  	[tilespmem:s17+$0x180] =	vst v4;
	v4 =	vmul.f32 v57, v56  }
0x228: {  	v60 =	vld [tilespmem:s17+$0x1C0]  }
0x229: {  	[tilespmem:s17+$0x190] =	vst v4;
	v4 =	vmul.f32 v58, v56  }
0x22a: {  	v61 =	vld [tilespmem:s17+$0x1D0]  }
0x22b: {  	v3 =	vbroadcast v3, $0xF;
	[tilespmem:s17+$0x1A0] =	vst v4;
	v4 =	vmul.f32 v59, v56  }
0x22c: {  	v62 =	vld [tilespmem:s17+$0x1E0]  }
0x22d: {  	v63 =	vld [tilespmem:s17+$0x1F0];
	[tilespmem:s17+$0x1B0] =	vst v4;
	v4 =	vmul.f32 v60, v3;
	_ =	sdelay $0x1  }
0x22e: {  	p1 =	sne.s32 s16, $0x1C0;
	[tilespmem:s17+$0x1C0] =	vst v4;
	v4 =	vmul.f32 v61, v3  }
.Ltmp4:
0x22f: {  	_ = 	snop;
	(pc) =	sbr.rel @p1 .LBB2_11-.Ltmp4, $4  }
0x230: {  	[tilespmem:s17+$0x1D0] =	vst v4;
	v4 =	vmul.f32 v62, v3  }
0x231: {  	v3 =	vmul.f32 v63, v3  }
0x232: {  	[tilespmem:s17+$0x1E0] =	vst v4  }
0x233: {  	s16 =	sadd.s32 $0x40, s16;
	[tilespmem:s17+$0x1F0] =	vst v3;
	s17 =	sadd.s32 $0x400, s17  }
0x234: {  	s14 =	sshra.s32 s14, $0x2  }
0x235: {  	s14 =	sadd.s32 $0x5000, s14  }
0x236: {  	[spmem:s2] =	stream.indirect.scatter.add.f32 [tilespmem:s31], [sflag:$0x5], $0x40, s14, s25, $0xb8;
	[tilespmem:$0x1E800] =	vst v63  }
0x237: {  	_ =	swait.ge [sflag:s21], $0x2000  }
0x238: {  	s16 =	simm.s32 @!p0 $0x10800;
	[sflag:s21] =	ssyncset.done $0x0  }
0x239: {  	s14 =	sadd.s32 @!p0 $0xA300, s15;
	s15 =	simm.s32 @!p0 $0x80;
	[sflag:s21] =	ssyncadd.s32 $0xFFFFE000  }
0x23a: {  	v2 =	vmov s12;
	[tilespmem:s16], [sflag:$0x3] =	stream.indirect.gather @!p0 [hbm4b:s4+s15], $0x40, s14, s15, $0xb8;
	[tilespmem:$0x1E800] =	vst v63  }
0x23b: {  	_ =	swait.ge [sflag:s24], $0x2000  }
0x23c: {  	[sflag:s24] =	ssyncset.done $0x0  }
0x23d: {  	s14 =	simm.s32 $0x0;
	s15 =	simm.s32 $0x12A00;
	[sflag:s24] =	ssyncadd.s32 $0xFFFFE000  }
.LBB2_13:
0x23e: {  	s16 =	sshra.s32 s14, $0x2  }
0x23f: {  	v3 =	vld.idx.msk [tilespmem:v2+s16+$0x0 ss:$0x1], $0xffff;
	_ =	sdelay $0x1  }
0x240: {  	v4 =	vld [tilespmem:s15+$0xFFFFFE00];
	_ =	sdelay $0x1  }
0x241: {  	v43 =	vld [tilespmem:s15+$0xFFFFFE10]  }
0x242: {  	v5 =	vbroadcast v3, $0x0  }
0x243: {  	v44 =	vld [tilespmem:s15+$0xFFFFFE20]  }
0x244: {  	v4 =	vmul.f32 v5, v4  }
0x245: {  	v45 =	vld [tilespmem:s15+$0xFFFFFE30]  }
0x246: {  	[tilespmem:s15+$0xFFFFFE00] =	vst v4;
	v4 =	vmul.f32 v43, v5  }
0x247: {  	v46 =	vld [tilespmem:s15+$0xFFFFFE40]  }
0x248: {  	[tilespmem:s15+$0xFFFFFE10] =	vst v4;
	v4 =	vmul.f32 v44, v5  }
0x249: {  	v48 =	vld [tilespmem:s15+$0xFFFFFE50]  }
0x24a: {  	v47 =	vbroadcast v3, $0x1;
	[tilespmem:s15+$0xFFFFFE20] =	vst v4;
	v4 =	vmul.f32 v45, v5  }
0x24b: {  	v49 =	vld [tilespmem:s15+$0xFFFFFE60]  }
0x24c: {  	[tilespmem:s15+$0xFFFFFE30] =	vst v4;
	v4 =	vmul.f32 v46, v47  }
0x24d: {  	v50 =	vld [tilespmem:s15+$0xFFFFFE70]  }
0x24e: {  	[tilespmem:s15+$0xFFFFFE40] =	vst v4;
	v4 =	vmul.f32 v48, v47  }
0x24f: {  	v51 =	vld [tilespmem:s15+$0xFFFFFE80]  }
0x250: {  	[tilespmem:s15+$0xFFFFFE50] =	vst v4;
	v4 =	vmul.f32 v49, v47  }
0x251: {  	v53 =	vld [tilespmem:s15+$0xFFFFFE90]  }
0x252: {  	v52 =	vbroadcast v3, $0x2;
	[tilespmem:s15+$0xFFFFFE60] =	vst v4;
	v4 =	vmul.f32 v50, v47  }
0x253: {  	v54 =	vld [tilespmem:s15+$0xFFFFFEA0]  }
0x254: {  	[tilespmem:s15+$0xFFFFFE70] =	vst v4;
	v4 =	vmul.f32 v51, v52  }
0x255: {  	v55 =	vld [tilespmem:s15+$0xFFFFFEB0]  }
0x256: {  	[tilespmem:s15+$0xFFFFFE80] =	vst v4;
	v4 =	vmul.f32 v53, v52  }
0x257: {  	v56 =	vld [tilespmem:s15+$0xFFFFFEC0]  }
0x258: {  	[tilespmem:s15+$0xFFFFFE90] =	vst v4;
	v4 =	vmul.f32 v54, v52  }
0x259: {  	v58 =	vld [tilespmem:s15+$0xFFFFFED0]  }
0x25a: {  	v57 =	vbroadcast v3, $0x3;
	[tilespmem:s15+$0xFFFFFEA0] =	vst v4;
	v4 =	vmul.f32 v55, v52  }
0x25b: {  	v59 =	vld [tilespmem:s15+$0xFFFFFEE0]  }
0x25c: {  	[tilespmem:s15+$0xFFFFFEB0] =	vst v4;
	v4 =	vmul.f32 v56, v57  }
0x25d: {  	v60 =	vld [tilespmem:s15+$0xFFFFFEF0]  }
0x25e: {  	[tilespmem:s15+$0xFFFFFEC0] =	vst v4;
	v4 =	vmul.f32 v58, v57  }
0x25f: {  	v61 =	vld [tilespmem:s15+$0xFFFFFF00]  }
0x260: {  	[tilespmem:s15+$0xFFFFFED0] =	vst v4;
	v4 =	vmul.f32 v59, v57  }
0x261: {  	v63 =	vld [tilespmem:s15+$0xFFFFFF10]  }
0x262: {  	v62 =	vbroadcast v3, $0x4;
	[tilespmem:s15+$0xFFFFFEE0] =	vst v4;
	v4 =	vmul.f32 v60, v57  }
0x263: {  	v8 =	vld [tilespmem:s15+$0xFFFFFF20]  }
0x264: {  	[tilespmem:s15+$0xFFFFFEF0] =	vst v4;
	v4 =	vmul.f32 v61, v62  }
0x265: {  	v9 =	vld [tilespmem:s15+$0xFFFFFF30]  }
0x266: {  	[tilespmem:s15+$0xFFFFFF00] =	vst v4;
	v4 =	vmul.f32 v63, v62  }
0x267: {  	v10 =	vld [tilespmem:s15+$0xFFFFFF40]  }
0x268: {  	[tilespmem:s15+$0xFFFFFF10] =	vst v4;
	v4 =	vmul.f32 v8, v62  }
0x269: {  	v12 =	vld [tilespmem:s15+$0xFFFFFF50]  }
0x26a: {  	v11 =	vbroadcast v3, $0x5;
	[tilespmem:s15+$0xFFFFFF20] =	vst v4;
	v4 =	vmul.f32 v9, v62  }
0x26b: {  	v13 =	vld [tilespmem:s15+$0xFFFFFF60]  }
0x26c: {  	[tilespmem:s15+$0xFFFFFF30] =	vst v4;
	v4 =	vmul.f32 v10, v11  }
0x26d: {  	v14 =	vld [tilespmem:s15+$0xFFFFFF70]  }
0x26e: {  	[tilespmem:s15+$0xFFFFFF40] =	vst v4;
	v4 =	vmul.f32 v12, v11  }
0x26f: {  	v15 =	vld [tilespmem:s15+$0xFFFFFF80]  }
0x270: {  	[tilespmem:s15+$0xFFFFFF50] =	vst v4;
	v4 =	vmul.f32 v13, v11  }
0x271: {  	v17 =	vld [tilespmem:s15+$0xFFFFFF90]  }
0x272: {  	v16 =	vbroadcast v3, $0x6;
	[tilespmem:s15+$0xFFFFFF60] =	vst v4;
	v4 =	vmul.f32 v14, v11  }
0x273: {  	v18 =	vld [tilespmem:s15+$0xFFFFFFA0]  }
0x274: {  	[tilespmem:s15+$0xFFFFFF70] =	vst v4;
	v4 =	vmul.f32 v15, v16  }
0x275: {  	v19 =	vld [tilespmem:s15+$0xFFFFFFB0]  }
0x276: {  	[tilespmem:s15+$0xFFFFFF80] =	vst v4;
	v4 =	vmul.f32 v17, v16  }
0x277: {  	v20 =	vld [tilespmem:s15+$0xFFFFFFC0]  }
0x278: {  	[tilespmem:s15+$0xFFFFFF90] =	vst v4;
	v4 =	vmul.f32 v18, v16  }
0x279: {  	v22 =	vld [tilespmem:s15+$0xFFFFFFD0]  }
0x27a: {  	v21 =	vbroadcast v3, $0x7;
	[tilespmem:s15+$0xFFFFFFA0] =	vst v4;
	v4 =	vmul.f32 v19, v16  }
0x27b: {  	v23 =	vld [tilespmem:s15+$0xFFFFFFE0]  }
0x27c: {  	[tilespmem:s15+$0xFFFFFFB0] =	vst v4;
	v4 =	vmul.f32 v20, v21  }
0x27d: {  	v24 =	vld [tilespmem:s15+$0xFFFFFFF0]  }
0x27e: {  	[tilespmem:s15+$0xFFFFFFC0] =	vst v4;
	v4 =	vmul.f32 v22, v21  }
0x27f: {  	v25 =	vld [tilespmem:s15+$0x0]  }
0x280: {  	[tilespmem:s15+$0xFFFFFFD0] =	vst v4;
	v4 =	vmul.f32 v23, v21  }
0x281: {  	v27 =	vld [tilespmem:s15+$0x10]  }
0x282: {  	v26 =	vbroadcast v3, $0x8;
	[tilespmem:s15+$0xFFFFFFE0] =	vst v4;
	v4 =	vmul.f32 v24, v21  }
0x283: {  	v28 =	vld [tilespmem:s15+$0x20]  }
0x284: {  	[tilespmem:s15+$0xFFFFFFF0] =	vst v4;
	v4 =	vmul.f32 v25, v26  }
0x285: {  	v29 =	vld [tilespmem:s15+$0x30]  }
0x286: {  	[tilespmem:s15+$0x0] =	vst v4;
	v4 =	vmul.f32 v27, v26  }
0x287: {  	v30 =	vld [tilespmem:s15+$0x40]  }
0x288: {  	[tilespmem:s15+$0x10] =	vst v4;
	v4 =	vmul.f32 v28, v26  }
0x289: {  	v32 =	vld [tilespmem:s15+$0x50]  }
0x28a: {  	v31 =	vbroadcast v3, $0x9;
	[tilespmem:s15+$0x20] =	vst v4;
	v4 =	vmul.f32 v29, v26  }
0x28b: {  	v33 =	vld [tilespmem:s15+$0x60]  }
0x28c: {  	[tilespmem:s15+$0x30] =	vst v4;
	v4 =	vmul.f32 v30, v31  }
0x28d: {  	v34 =	vld [tilespmem:s15+$0x70]  }
0x28e: {  	[tilespmem:s15+$0x40] =	vst v4;
	v4 =	vmul.f32 v32, v31  }
0x28f: {  	v35 =	vld [tilespmem:s15+$0x80]  }
0x290: {  	[tilespmem:s15+$0x50] =	vst v4;
	v4 =	vmul.f32 v33, v31  }
0x291: {  	v37 =	vld [tilespmem:s15+$0x90]  }
0x292: {  	v36 =	vbroadcast v3, $0xA;
	[tilespmem:s15+$0x60] =	vst v4;
	v4 =	vmul.f32 v34, v31  }
0x293: {  	v38 =	vld [tilespmem:s15+$0xA0]  }
0x294: {  	[tilespmem:s15+$0x70] =	vst v4;
	v4 =	vmul.f32 v35, v36  }
0x295: {  	v39 =	vld [tilespmem:s15+$0xB0]  }
0x296: {  	[tilespmem:s15+$0x80] =	vst v4;
	v4 =	vmul.f32 v37, v36  }
0x297: {  	v40 =	vld [tilespmem:s15+$0xC0]  }
0x298: {  	[tilespmem:s15+$0x90] =	vst v4;
	v4 =	vmul.f32 v38, v36  }
0x299: {  	v42 =	vld [tilespmem:s15+$0xD0]  }
0x29a: {  	v41 =	vbroadcast v3, $0xB;
	[tilespmem:s15+$0xA0] =	vst v4;
	v4 =	vmul.f32 v39, v36  }
0x29b: {  	v43 =	vld [tilespmem:s15+$0xE0]  }
0x29c: {  	[tilespmem:s15+$0xB0] =	vst v4;
	v4 =	vmul.f32 v40, v41  }
0x29d: {  	v44 =	vld [tilespmem:s15+$0xF0]  }
0x29e: {  	[tilespmem:s15+$0xC0] =	vst v4;
	v4 =	vmul.f32 v42, v41  }
0x29f: {  	v45 =	vld [tilespmem:s15+$0x100]  }
0x2a0: {  	[tilespmem:s15+$0xD0] =	vst v4;
	v4 =	vmul.f32 v43, v41  }
0x2a1: {  	v47 =	vld [tilespmem:s15+$0x110]  }
0x2a2: {  	v46 =	vbroadcast v3, $0xC;
	[tilespmem:s15+$0xE0] =	vst v4;
	v4 =	vmul.f32 v44, v41  }
0x2a3: {  	v48 =	vld [tilespmem:s15+$0x120]  }
0x2a4: {  	[tilespmem:s15+$0xF0] =	vst v4;
	v4 =	vmul.f32 v45, v46  }
0x2a5: {  	v49 =	vld [tilespmem:s15+$0x130]  }
0x2a6: {  	[tilespmem:s15+$0x100] =	vst v4;
	v4 =	vmul.f32 v47, v46  }
0x2a7: {  	v50 =	vld [tilespmem:s15+$0x140]  }
0x2a8: {  	[tilespmem:s15+$0x110] =	vst v4;
	v4 =	vmul.f32 v48, v46  }
0x2a9: {  	v52 =	vld [tilespmem:s15+$0x150]  }
0x2aa: {  	v51 =	vbroadcast v3, $0xD;
	[tilespmem:s15+$0x120] =	vst v4;
	v4 =	vmul.f32 v49, v46  }
0x2ab: {  	v53 =	vld [tilespmem:s15+$0x160]  }
0x2ac: {  	[tilespmem:s15+$0x130] =	vst v4;
	v4 =	vmul.f32 v50, v51  }
0x2ad: {  	v54 =	vld [tilespmem:s15+$0x170]  }
0x2ae: {  	[tilespmem:s15+$0x140] =	vst v4;
	v4 =	vmul.f32 v52, v51  }
0x2af: {  	v55 =	vld [tilespmem:s15+$0x180]  }
0x2b0: {  	[tilespmem:s15+$0x150] =	vst v4;
	v4 =	vmul.f32 v53, v51  }
0x2b1: {  	v57 =	vld [tilespmem:s15+$0x190]  }
0x2b2: {  	v56 =	vbroadcast v3, $0xE;
	[tilespmem:s15+$0x160] =	vst v4;
	v4 =	vmul.f32 v54, v51  }
0x2b3: {  	v58 =	vld [tilespmem:s15+$0x1A0]  }
0x2b4: {  	[tilespmem:s15+$0x170] =	vst v4;
	v4 =	vmul.f32 v55, v56  }
0x2b5: {  	v59 =	vld [tilespmem:s15+$0x1B0]  }
0x2b6: {  	[tilespmem:s15+$0x180] =	vst v4;
	v4 =	vmul.f32 v57, v56  }
0x2b7: {  	v60 =	vld [tilespmem:s15+$0x1C0]  }
0x2b8: {  	[tilespmem:s15+$0x190] =	vst v4;
	v4 =	vmul.f32 v58, v56  }
0x2b9: {  	v61 =	vld [tilespmem:s15+$0x1D0]  }
0x2ba: {  	v3 =	vbroadcast v3, $0xF;
	[tilespmem:s15+$0x1A0] =	vst v4;
	v4 =	vmul.f32 v59, v56  }
0x2bb: {  	v62 =	vld [tilespmem:s15+$0x1E0]  }
0x2bc: {  	v63 =	vld [tilespmem:s15+$0x1F0];
	[tilespmem:s15+$0x1B0] =	vst v4;
	v4 =	vmul.f32 v60, v3;
	_ =	sdelay $0x1  }
0x2bd: {  	p0 =	sne.s32 s14, $0x1C0;
	[tilespmem:s15+$0x1C0] =	vst v4;
	v4 =	vmul.f32 v61, v3  }
.Ltmp5:
0x2be: {  	_ = 	snop;
	(pc) =	sbr.rel @p0 .LBB2_13-.Ltmp5, $4  }
0x2bf: {  	[tilespmem:s15+$0x1D0] =	vst v4;
	v4 =	vmul.f32 v62, v3  }
0x2c0: {  	v3 =	vmul.f32 v63, v3  }
0x2c1: {  	[tilespmem:s15+$0x1E0] =	vst v4  }
0x2c2: {  	s14 =	sadd.s32 $0x40, s14;
	[tilespmem:s15+$0x1F0] =	vst v3;
	s15 =	sadd.s32 $0x400, s15  }
0x2c3: {  	s28 =	sadd.s32 $0x1, s28  }
0x2c4: {  	p0 =	sne.s32 s28, $0x14  }
.Ltmp6:
0x2c5: {  	s13 =	sadd.s32 $0x5000, s13;
	(pc) =	sbr.rel @p0 .LBB2_6-.Ltmp6, $4  }
0x2c6: {  	[spmem:s2] =	stream.indirect.scatter.add.f32 [tilespmem:s0], [sflag:$0x5], $0x40, s13, s25, $0xb8;
	[tilespmem:$0x1E800] =	vst v63  }
0x2c7: {  	_ =	swait.ge [sflag:s21], $0x2000  }
0x2c8: {  	s30 =	sadd.s32 $0x200, s30;
	s10 =	sadd.s32 $0x200, s10;
	[sflag:s21] =	ssyncset.done $0x0  }
0x2c9: {  	s11 =	sadd.s32 $0x200, s11;
	s12 =	sadd.s32 $0x200, s12;
	[sflag:s21] =	ssyncadd.s32 $0xFFFFE000  }
0x2ca: {  	[bflag:$0x0] =	sbarrier.arrive $0xFFFF  }
0x2cb: {  	[tilespmem:s20], [sflag:$0x5] =	stream.linear.gather [spmem:s5], $0x2000, $0x38;
	[tilespmem:$0x1E800] =	vst v63  }
0x2cc: {  	_ =	swait.ge [sflag:s21], $0x2000  }
0x2cd: {  	[sflag:s21] =	ssyncset.done $0x0  }
0x2ce: {  	s10 =	rddreg [dreg:$0x8];
	[sflag:s21] =	ssyncadd.s32 $0xFFFFE000  }
0x2cf: {  	[hbm4b:s10+s26] =	stream.strided.scatter [tilespmem:s20], [sflag:$0x5], $0x2000, s25, s26, $0x38;
	[tilespmem:$0x1E800] =	vst v63  }
0x2d0: {  	_ =	swait.ge [sflag:s21], $0x2000  }
0x2d1: {  	[sflag:s21] =	ssyncset.done $0x0  }
0x2d2: {  	[sflag:s21] =	ssyncadd.s32 $0xFFFFE000  }
0x2d3: {  	[tilespmem:s20], [sflag:$0x5] =	stream.linear.gather [spmem:s6], $0x2000, $0x38;
	[tilespmem:$0x1E800] =	vst v63  }
0x2d4: {  	_ =	swait.ge [sflag:s21], $0x2000  }
0x2d5: {  	[sflag:s21] =	ssyncset.done $0x0  }
0x2d6: {  	s17 =	rddreg [dreg:$0x9];
	[sflag:s21] =	ssyncadd.s32 $0xFFFFE000  }
0x2d7: {  	[hbm4b:s17+s26] =	stream.strided.scatter [tilespmem:s20], [sflag:$0x5], $0x2000, s25, s26, $0x38;
	[tilespmem:$0x1E800] =	vst v63  }
0x2d8: {  	_ =	swait.ge [sflag:s21], $0x2000  }
0x2d9: {  	[sflag:s21] =	ssyncset.done $0x0  }
0x2da: {  	[sflag:s21] =	ssyncadd.s32 $0xFFFFE000  }
0x2db: {  	[tilespmem:s20], [sflag:$0x5] =	stream.linear.gather [spmem:s7], $0x2000, $0x38;
	[tilespmem:$0x1E800] =	vst v63  }
0x2dc: {  	_ =	swait.ge [sflag:s21], $0x2000  }
0x2dd: {  	[sflag:s21] =	ssyncset.done $0x0  }
0x2de: {  	s18 =	rddreg [dreg:$0xa];
	[sflag:s21] =	ssyncadd.s32 $0xFFFFE000  }
0x2df: {  	[hbm4b:s18+s26] =	stream.strided.scatter [tilespmem:s20], [sflag:$0x5], $0x2000, s25, s26, $0x38;
	[tilespmem:$0x1E800] =	vst v63  }
0x2e0: {  	_ =	swait.ge [sflag:s21], $0x2000  }
0x2e1: {  	[sflag:s21] =	ssyncset.done $0x0  }
0x2e2: {  	[sflag:s21] =	ssyncadd.s32 $0xFFFFE000  }
0x2e3: {  	[tilespmem:s20], [sflag:$0x5] =	stream.linear.gather [spmem:s8], $0x2000, $0x38;
	[tilespmem:$0x1E800] =	vst v63  }
0x2e4: {  	_ =	swait.ge [sflag:s21], $0x2000  }
0x2e5: {  	[sflag:s21] =	ssyncset.done $0x0  }
0x2e6: {  	s19 =	rddreg [dreg:$0xb];
	[sflag:s21] =	ssyncadd.s32 $0xFFFFE000  }
0x2e7: {  	[hbm4b:s19+s26] =	stream.strided.scatter [tilespmem:s20], [sflag:$0x5], $0x2000, s25, s26, $0x38;
	[tilespmem:$0x1E800] =	vst v63  }
0x2e8: {  	_ =	swait.ge [sflag:s21], $0x2000  }
0x2e9: {  	[sflag:s21] =	ssyncset.done $0x0  }
0x2ea: {  	[sflag:s21] =	ssyncadd.s32 $0xFFFFE000  }
0x2eb: {  	[tilespmem:s20], [sflag:$0x5] =	stream.linear.gather [spmem:s9], $0x2000, $0x38;
	[tilespmem:$0x1E800] =	vst v63  }
0x2ec: {  	_ =	swait.ge [sflag:s21], $0x2000  }
0x2ed: {  	[sflag:s21] =	ssyncset.done $0x0  }
0x2ee: {  	s28 =	rddreg [dreg:$0xc];
	[sflag:s21] =	ssyncadd.s32 $0xFFFFE000  }
0x2ef: {  	[hbm4b:s28+s26] =	stream.strided.scatter [tilespmem:s20], [sflag:$0x5], $0x2000, s25, s26, $0x38;
	[tilespmem:$0x1E800] =	vst v63  }
0x2f0: {  	_ =	swait.ge [sflag:s21], $0x2000  }
0x2f1: {  	s3 =	sadd.s32 $0x1, s3;
	s30 =	rddreg [dreg:$0xd]  }
0x2f2: {  	p0 =	sne.s32 s3, s30  }
.Ltmp7:
0x2f3: {  	_ = 	snop;
	(pc) =	sbr.rel @p0 .LBB2_1-.Ltmp7, $3  }
0x2f4: {  	_ =	sdelay $0x1  }
0x2f5: {  	[sflag:s21] =	ssyncset.done $0x0  }
0x2f6: {  	[sflag:s21] =	ssyncadd.s32 $0xFFFFE000  }
0x2f7: {  	_ =	sfence.sel $0x180000  }
0x2f8: {  	[bflag:$0x0] =	sbarrier.arrive $0xFFFF  }
0x2f9: {  	_ =	strace $0x90000047  }
0x2fa: {  	s0 =	stileid.u32;
	[bflag:$0x2] =	sbarrier.arrive $0xFFFF  }
0x2fb: {  	p0 =	sne.s32 s0, $0x0;
	s0 =	rddreg [dreg:$0x3]  }
0x2fc: {  	s0 =	sadd.s32 @!p0 $0x100000, s0  }
0x2fd: {  	[sflag:s0] =	ssyncadd.tile.s32 @!p0 $0x1;
	_ =	shalt  }
.Lfunc_end2:
_tile_overlayer_lowered:
.L_overlay_start_2:
0x2fe: {  	(tag) =	ssettag $0x2  }
0x2ff: {  	s0 =	rddreg [dreg:$0x0];
	s2 =	stileid.u32  }
0x300: {  	s1 =	rddreg [dreg:$0x1];
	p0 =	sne.s32 s2, $0x0  }
0x301: {  	s3 =	rddreg [dreg:$0x2];
	[bflag:$0x3] =	sbarrier.arrive $0xFFFF;
	s2 =	simm.s32 @!p0 $0x1C05  }
0x302: {  	[timem:s3], [sflag:s2] =	dma.local @!p0 [hbm:s0], s1  }
0x303: {  	s0 =	simm.s32 @!p0 $0x5  }
0x304: {  	_ =	swait.ge @!p0 [sflag:s0], s1  }
0x305: {  	s1 =	ssub.s32 @!p0 $0x0, s1;
	[sflag:s0] =	ssyncset.done @!p0 $0x0  }
0x306: {  	[sflag:s0] =	ssyncadd.s32 @!p0 s1  }
0x307: {  	[bflag:$0x3] =	sbarrier.arrive $0xFFFF  }
0x308: {  	_ =	shalt  }

</sc_bundles>
